<compile_context>
chip_gen: v7x
topology: tpu7x:2x2x1
jax: 0.10.2.dev20260603
libtpu: 0.0.44.dev20260713+nightly
codegen_flags: <defaults>
</compile_context>

<pallas_src>
import dataclasses
import functools

import jax
import jax.numpy as jnp
from jax import lax
from jax.experimental import pallas as pl
from jax.experimental.pallas import tpu as pltpu
from jax.experimental.pallas import tpu_sc as plsc

N_NODES = 10000
N_PAD = 10112
NNZ = 320000
F = 128

NC = 2
NS = 16
NW = NC * NS
PER_TILE = NNZ // NW
CH = 104
NB = 3
NFULL = (PER_TILE // CH) // NB * NB
TAIL = PER_TILE - NFULL * CH
STRIPE = 624
STRIPE_REM = N_NODES - NS * STRIPE

_mesh = plsc.VectorSubcoreMesh(core_axis_name="c", subcore_axis_name="s")


def _make_seg_sum():
    @functools.partial(
        pl.kernel,
        mesh=_mesh,
        out_type=jax.ShapeDtypeStruct((NC, N_NODES, F), jnp.float32),
        scratch_types=[
            pltpu.VMEM_SHARED((N_NODES, F), jnp.float32),
            pltpu.VMEM((PER_TILE,), jnp.int32),
            pltpu.VMEM((CH,), jnp.int32),
            pltpu.VMEM((CH,), jnp.int32),
            pltpu.VMEM((CH,), jnp.int32),
            pltpu.VMEM((CH, F), jnp.float32),
            pltpu.VMEM((CH, F), jnp.float32),
            pltpu.VMEM((CH, F), jnp.float32),
            pltpu.VMEM((TAIL,), jnp.int32),
            pltpu.SemaphoreType.DMA,
            pltpu.SemaphoreType.DMA,
            pltpu.SemaphoreType.DMA,
            pltpu.SemaphoreType.DMA,
            pltpu.SemaphoreType.DMA,
            pltpu.SemaphoreType.DMA,
            pltpu.SemaphoreType.DMA,
            pltpu.SemaphoreType.DMA,
            pltpu.SemaphoreType.DMA,
        ],
    )
    def seg(table_hbm, sidx_hbm, didx_hbm, zeros_hbm, out_hbm,
            acc_sh, si_all, di0, di1, di2, r0, r1, r2, di_t,
            semi0, semi1, semi2, semg0, semg1, semg2,
            sems0, sems1, sems2):
        c = lax.axis_index("c")
        s = lax.axis_index("s")
        wid = c * NS + s
        base = wid * PER_TILE
        row0 = s * STRIPE

        dis = (di0, di1, di2)
        rs = (r0, r1, r2)
        semis = (semi0, semi1, semi2)
        semgs = (semg0, semg1, semg2)
        sems = (sems0, sems1, sems2)

        def start(i, b):
            pltpu.async_copy(didx_hbm.at[pl.ds(base + i * CH, CH)],
                             dis[b], semis[b])
            pltpu.async_copy(table_hbm.at[si_all.at[pl.ds(i * CH, CH)]],
                             rs[b], semgs[b])

        def wait(b):
            pltpu.make_async_copy(didx_hbm.at[pl.ds(base, CH)],
                                  dis[b], semis[b]).wait()
            pltpu.make_async_copy(zeros_hbm.at[pl.ds(0, CH)],
                                  rs[b], semgs[b]).wait()

        pltpu.async_copy(sidx_hbm.at[pl.ds(base, PER_TILE)], si_all, semi0)
        pltpu.async_copy(zeros_hbm.at[pl.ds(row0, STRIPE)],
                         acc_sh.at[pl.ds(row0, STRIPE)], semg0)

        @pl.when(s == 0)
        def _():
            pltpu.async_copy(zeros_hbm.at[pl.ds(NS * STRIPE, STRIPE_REM)],
                             acc_sh.at[pl.ds(NS * STRIPE, STRIPE_REM)],
                             semg1).wait()

        pltpu.make_async_copy(sidx_hbm.at[pl.ds(base, PER_TILE)],
                              si_all, semi0).wait()
        pltpu.make_async_copy(zeros_hbm.at[pl.ds(row0, STRIPE)],
                              acc_sh.at[pl.ds(row0, STRIPE)], semg0).wait()

        plsc.subcore_barrier()

        for _b in range(NB):
            start(_b, _b)

        @pl.loop(0, NFULL, step=NB)
        def _(i):
            for _b in range(NB):
                wait(_b)
                pltpu.async_copy(rs[_b], acc_sh.at[dis[_b]], sems[_b], add=True)
            for _b in range(NB):
                pltpu.make_async_copy(zeros_hbm.at[pl.ds(0, CH)],
                                      rs[_b], sems[_b]).wait()

                @pl.when(i + _b + NB < NFULL)
                def _(b=_b):
                    start(i + b + NB, b)

        pltpu.sync_copy(didx_hbm.at[pl.ds(base + NFULL * CH, TAIL)], di_t)
        pltpu.async_copy(table_hbm.at[si_all.at[pl.ds(NFULL * CH, TAIL)]],
                         r0.at[pl.ds(0, TAIL)], semg0).wait()
        pltpu.sync_copy(r0.at[pl.ds(0, TAIL)], acc_sh.at[di_t], add=True)

        plsc.subcore_barrier()
        pltpu.sync_copy(acc_sh.at[pl.ds(row0, STRIPE)],
                        out_hbm.at[c, pl.ds(row0, STRIPE)])

        @pl.when(s == 0)
        def _():
            pltpu.sync_copy(acc_sh.at[pl.ds(NS * STRIPE, STRIPE_REM)],
                            out_hbm.at[c, pl.ds(NS * STRIPE, STRIPE_REM)])

    return seg


_seg_sum_sc = _make_seg_sum()


_cp = pltpu.CompilerParams()
if "needs_layout_passes" in pltpu.CompilerParams.__dataclass_fields__:
    _cp = dataclasses.replace(_cp, needs_layout_passes=False)

_HGRID = (80, 128)
_HG_USED = N_PAD // 128


@functools.partial(
    pl.kernel,
    mesh=_mesh,
    compiler_params=_cp,
    out_type=jax.ShapeDtypeStruct((NC, NS, 2) + _HGRID, jnp.float32),
    scratch_types=[
        pltpu.VMEM((PER_TILE,), jnp.int32),
        pltpu.VMEM((PER_TILE,), jnp.int32),
        pltpu.VMEM(_HGRID, jnp.float32),
        pltpu.VMEM(_HGRID, jnp.float32),
    ],
)
def _count_sc(nidx_hbm, eidx_hbm, zeros_hbm, out_hbm, ni_v, ei_v, dgrid, bgrid):
    c = lax.axis_index("c")
    s = lax.axis_index("s")
    wid = c * NS + s
    base = wid * PER_TILE

    pltpu.sync_copy(nidx_hbm.at[pl.ds(base, PER_TILE)], ni_v)
    pltpu.sync_copy(eidx_hbm.at[pl.ds(base, PER_TILE)], ei_v)
    pltpu.sync_copy(zeros_hbm.at[pl.ds(0, _HGRID[0])], dgrid)
    pltpu.sync_copy(zeros_hbm.at[pl.ds(0, _HGRID[0])], bgrid)
    ones = jnp.ones((16,), jnp.float32)

    @pl.loop(0, PER_TILE // 16)
    def _(i):
        for iv, grid in ((ni_v, dgrid), (ei_v, bgrid)):
            v = iv[pl.ds(i * 16, 16)]
            plsc.addupdate_scatter(grid, [v >> 7, v & 127], ones)

    pltpu.sync_copy(dgrid, out_hbm.at[c, s, 0])
    pltpu.sync_copy(bgrid, out_hbm.at[c, s, 1])


def _scale_tc_body(g_ref, dscale_ref, bscale_ref):
    tot = jnp.sum(g_ref[...], axis=0)
    for t, out_ref in ((0, dscale_ref), (1, bscale_ref)):
        cnt = tot[t]
        inv = jnp.where(cnt > 0, 1.0 / cnt, 0.0)
        for hi in range(_HG_USED):
            blk = jnp.broadcast_to(inv[hi:hi + 1, :], (128, 128))
            out_ref[hi * 128:(hi + 1) * 128, :] = jnp.transpose(blk)


def _scale_tc(grids):
    return pl.pallas_call(
        _scale_tc_body,
        grid=(1,),
        in_specs=[pl.BlockSpec((NW, 2) + _HGRID, lambda i: (0, 0, 0, 0))],
        out_specs=[
            pl.BlockSpec((N_PAD, F), lambda i: (0, 0)),
            pl.BlockSpec((N_PAD, F), lambda i: (0, 0)),
        ],
        out_shape=[
            jax.ShapeDtypeStruct((N_PAD, F), jnp.float32),
            jax.ShapeDtypeStruct((N_PAD, F), jnp.float32),
        ],
    )(grids)


_DI_COLS = 32000


def _deint_body(h_ref, n_ref, e_ref):
    n_ref[...] = h_ref[0]
    e_ref[...] = h_ref[1]


def _deinterleave(hidx):
    return pl.pallas_call(
        _deint_body,
        grid=(1,),
        in_specs=[pl.BlockSpec((2, NNZ), lambda i: (0, 0))],
        out_specs=[
            pl.BlockSpec((NNZ,), lambda i: (0,)),
            pl.BlockSpec((NNZ,), lambda i: (0,)),
        ],
        out_shape=[
            jax.ShapeDtypeStruct((NNZ,), jnp.int32),
            jax.ShapeDtypeStruct((NNZ,), jnp.int32),
        ],
    )(hidx)


_MM_ROWS = 2000


def _mm_body(x_ref, w_ref, o_ref):
    o_ref[...] = jnp.dot(x_ref[...], w_ref[...],
                         preferred_element_type=jnp.float32)


def _matmul(x, w):
    return pl.pallas_call(
        _mm_body,
        grid=(N_NODES // _MM_ROWS,),
        in_specs=[
            pl.BlockSpec((_MM_ROWS, F), lambda i: (i, 0)),
            pl.BlockSpec((F, F), lambda i: (0, 0)),
        ],
        out_specs=pl.BlockSpec((_MM_ROWS, F), lambda i: (i, 0)),
        out_shape=jax.ShapeDtypeStruct((N_NODES, F), jnp.float32),
    )(x, w)


_CB_ROWS = 2000


def _combine_body(relu, p_ref, scale_ref, bias_ref, o_ref):
    o = (p_ref[0] + p_ref[1]) * scale_ref[...] + bias_ref[...]
    if relu:
        o = jnp.maximum(o, 0.0)
    o_ref[...] = o


def _combine_mm_body(p_ref, scale_ref, bias_ref, w_ref, o_ref):
    h = (p_ref[0] + p_ref[1]) * scale_ref[...] + bias_ref[...]
    h = jnp.maximum(h, 0.0)
    o_ref[...] = jnp.dot(h, w_ref[...], preferred_element_type=jnp.float32)


def _combine_mm(partials, scale, bias_row, w):
    return pl.pallas_call(
        _combine_mm_body,
        grid=(N_NODES // _CB_ROWS,),
        in_specs=[
            pl.BlockSpec((NC, _CB_ROWS, F), lambda i: (0, i, 0)),
            pl.BlockSpec((_CB_ROWS, F), lambda i: (i, 0)),
            pl.BlockSpec((1, F), lambda i: (0, 0)),
            pl.BlockSpec((F, F), lambda i: (0, 0)),
        ],
        out_specs=pl.BlockSpec((_CB_ROWS, F), lambda i: (i, 0)),
        out_shape=jax.ShapeDtypeStruct((N_NODES, F), jnp.float32),
    )(partials, scale, bias_row, w)


def _combine(partials, scale, bias_row, relu):
    return pl.pallas_call(
        functools.partial(_combine_body, relu),
        grid=(N_NODES // _CB_ROWS,),
        in_specs=[
            pl.BlockSpec((NC, _CB_ROWS, F), lambda i: (0, i, 0)),
            pl.BlockSpec((_CB_ROWS, F), lambda i: (i, 0)),
            pl.BlockSpec((1, F), lambda i: (0, 0)),
        ],
        out_specs=pl.BlockSpec((_CB_ROWS, F), lambda i: (i, 0)),
        out_shape=jax.ShapeDtypeStruct((N_NODES, F), jnp.float32),
    )(partials, scale, bias_row)


def kernel(x, hyperedge_index, W1, b1, W2, b2):
    zeros128 = jnp.zeros((N_NODES, F), jnp.float32)
    b1r = b1.reshape(1, F)
    b2r = b2.reshape(1, F)
    zb = jnp.zeros((1, F), jnp.float32)

    node_idx, edge_idx = _deinterleave(hyperedge_index)
    grids = _count_sc(node_idx, edge_idx, zeros128)
    xw1 = _matmul(x, W1)
    ep = _seg_sum_sc(xw1, node_idx, edge_idx, zeros128)
    dcnt, bcnt = _scale_tc(grids.reshape((NW, 2) + _HGRID))
    e = _combine(ep, bcnt, zb, relu=False)
    op = _seg_sum_sc(e, edge_idx, node_idx, zeros128)
    xw2 = _combine_mm(op, dcnt, b1r, W2)

    ep2 = _seg_sum_sc(xw2, node_idx, edge_idx, zeros128)
    e2 = _combine(ep2, bcnt, zb, relu=False)
    op2 = _seg_sum_sc(e2, edge_idx, node_idx, zeros128)
    y = _combine(op2, dcnt, b2r, relu=False)
    return y

# --- scband reference (transcript-rebuilt; emitter-appended) ---
"""Pipeline reference for scband-hypergraph-emission-model-56547539419452 (READ-ONLY COPY).

The authoritative reference and input builder live on the scoring server;
editing this copy changes nothing except your own understanding.
"""

import jax, jax.numpy as jnp
import numpy as np

N = 10000
NNZ = 320000
NUM_HE = 10000
IN_DIM = 128
HID = 128
OUT = 128


def setup_inputs(seed: int = 0) -> dict:
    key = jax.random.key(seed)
    k1, k2, k3, k4, k5, k6 = jax.random.split(key, 6)
    x = jax.random.normal(k1, (N, IN_DIM), dtype=jnp.float32)
    hyperedge_index = jax.random.randint(k2, (2, NNZ), 0, NUM_HE, dtype=jnp.int32)
    W1 = jax.random.normal(k3, (IN_DIM, HID), dtype=jnp.float32) * (1.0 / np.sqrt(IN_DIM))
    b1 = jnp.zeros((HID,), dtype=jnp.float32)
    W2 = jax.random.normal(k4, (HID, OUT), dtype=jnp.float32) * (1.0 / np.sqrt(HID))
    b2 = jnp.zeros((OUT,), dtype=jnp.float32)
    return {"x": x, "hyperedge_index": hyperedge_index, "W1": W1, "b1": b1, "W2": W2, "b2": b2}


def hypergraph_conv(x, hidx, W, b, num_nodes, num_edges):
    # x' = D^{-1} H B^{-1} H^T (x @ W) + b  (PyG HypergraphConv, heads=1, no attention)
    x = x @ W
    node_idx = hidx[0]
    edge_idx = hidx[1]
    ones = jnp.ones((hidx.shape[1],), dtype=x.dtype)
    # node degree D (with unit hyperedge weights) and hyperedge degree B
    D = jax.ops.segment_sum(ones, node_idx, num_segments=num_nodes)
    D = jnp.where(D > 0, 1.0 / D, 0.0)
    B = jax.ops.segment_sum(ones, edge_idx, num_segments=num_edges)
    B = jnp.where(B > 0, 1.0 / B, 0.0)
    # node -> hyperedge: message = B_i * x_j, aggregate at hyperedge i
    m = B[edge_idx][:, None] * jnp.take(x, node_idx, axis=0)
    e = jax.ops.segment_sum(m, edge_idx, num_segments=num_edges)
    # hyperedge -> node: message = D_i * e_j, aggregate at node i
    m2 = D[node_idx][:, None] * jnp.take(e, edge_idx, axis=0)
    out = jax.ops.segment_sum(m2, node_idx, num_segments=num_nodes)
    return out + b


def reference(x, hyperedge_index, W1, b1, W2, b2):
    h = hypergraph_conv(x, hyperedge_index, W1, b1, N, NUM_HE)
    h = jax.nn.relu(h)
    y = hypergraph_conv(h, hyperedge_index, W2, b2, N, NUM_HE)
    return y

if __name__ == "__main__":
    import jax
    _d = setup_inputs()
    print(jax.jit(kernel)(*tuple(_d.values())))

</pallas_src>

<mosaic_0001>
#map = affine_map<(d0, d1) -> (0, 0)>
#map1 = affine_map<(d0, d1) -> (0)>
#map2 = affine_map<(d0, d1) -> (0, 0, 0)>
module attributes {stable_mosaic.version = 14 : i64} {
  func.func @seg(%arg0: i32, %arg1: i32, %arg2: memref<10000x128xf32, #tpu.memory_space<hbm>>, %arg3: memref<320000xi32, #tpu.memory_space<hbm>>, %arg4: memref<320000xi32, #tpu.memory_space<hbm>>, %arg5: memref<10000x128xf32, #tpu.memory_space<hbm>>, %arg6: memref<2x10000x128xf32, #tpu.memory_space<hbm>>, %arg7: memref<10000x128xf32, #tpu.memory_space<vmem_shared>>, %arg8: memref<10000xi32, #tpu.memory_space<vmem>>, %arg9: memref<104xi32, #tpu.memory_space<vmem>>, %arg10: memref<104xi32, #tpu.memory_space<vmem>>, %arg11: memref<104xi32, #tpu.memory_space<vmem>>, %arg12: memref<104x128xf32, #tpu.memory_space<vmem>>, %arg13: memref<104x128xf32, #tpu.memory_space<vmem>>, %arg14: memref<104x128xf32, #tpu.memory_space<vmem>>, %arg15: memref<16xi32, #tpu.memory_space<vmem>>, %arg16: memref<!tpu.dma_semaphore, #tpu.memory_space<semaphore_mem>>, %arg17: memref<!tpu.dma_semaphore, #tpu.memory_space<semaphore_mem>>, %arg18: memref<!tpu.dma_semaphore, #tpu.memory_space<semaphore_mem>>, %arg19: memref<!tpu.dma_semaphore, #tpu.memory_space<semaphore_mem>>, %arg20: memref<!tpu.dma_semaphore, #tpu.memory_space<semaphore_mem>>, %arg21: memref<!tpu.dma_semaphore, #tpu.memory_space<semaphore_mem>>, %arg22: memref<!tpu.dma_semaphore, #tpu.memory_space<semaphore_mem>>, %arg23: memref<!tpu.dma_semaphore, #tpu.memory_space<semaphore_mem>>, %arg24: memref<!tpu.dma_semaphore, #tpu.memory_space<semaphore_mem>>) attributes {dimension_semantics = [#tpu.dimension_semantics<core_parallel>, #tpu.dimension_semantics<subcore_parallel>], iteration_bounds = array<i64: 2, 16>, scalar_prefetch = 0 : i64, scratch_operands = 18 : i64, tpu.core_type = #tpu.core_type<sc_vector_subcore>, window_params = [{transform_indices = #map}, {transform_indices = #map1}, {transform_indices = #map1}, {transform_indices = #map}, {transform_indices = #map2}]} {
    %mul3A = arith.constant 16 : i32
    %mul3A_0 = arith.muli %arg0, %mul3A : i32
    %add3A = arith.addi %mul3A_0, %arg1 : i32
    %mul3A_1 = arith.constant 10000 : i32
    %mul3A_2 = arith.muli %add3A, %mul3A_1 : i32
    %mul3A_3 = arith.constant 624 : i32
    %mul3A_4 = arith.muli %arg1, %mul3A_3 : i32
    %dma_start3A = tpu.memref_slice %arg3[%mul3A_2] : memref<320000xi32, #tpu.memory_space<hbm>> -> memref<10000xi32, #tpu.memory_space<hbm>>
    %dma_start3A_5 = tpu.memref_slice %arg3[%mul3A_2] : memref<320000xi32, #tpu.memory_space<hbm>> -> memref<10000xi32, #tpu.memory_space<hbm>>
    tpu.enqueue_dma source(%dma_start3A_5 : memref<10000xi32, #tpu.memory_space<hbm>>) target(%arg8 : memref<10000xi32, #tpu.memory_space<vmem>>) target_semaphore(%arg16 : memref<!tpu.dma_semaphore, #tpu.memory_space<semaphore_mem>>)
    %dma_start3A_6 = arith.constant 0 : i32
    %dma_start3A_7 = tpu.memref_slice %arg7[%mul3A_4, %dma_start3A_6] : memref<10000x128xf32, #tpu.memory_space<vmem_shared>> -> memref<624x128xf32, #tpu.memory_space<vmem_shared>>
    %dma_start3A_8 = arith.constant 0 : i32
    %dma_start3A_9 = tpu.memref_slice %arg5[%mul3A_4, %dma_start3A_8] : memref<10000x128xf32, #tpu.memory_space<hbm>> -> memref<624x128xf32, #tpu.memory_space<hbm>>
    tpu.enqueue_dma source(%dma_start3A_9 : memref<624x128xf32, #tpu.memory_space<hbm>>) target(%dma_start3A_7 : memref<624x128xf32, #tpu.memory_space<vmem_shared>>) target_semaphore(%arg19 : memref<!tpu.dma_semaphore, #tpu.memory_space<semaphore_mem>>)
    %eq3A = arith.constant 0 : i32
    %eq3A_10 = arith.cmpi eq, %arg1, %eq3A : i32
    %convert_element_type3A = arith.extui %eq3A_10 : i1 to i32
    %cond3A = arith.constant 0 : i32
    %cond3A_11 = arith.cmpi ne, %convert_element_type3A, %cond3A : i32
    scf.if %cond3A_11 {
      %dma_start3A_72 = arith.constant 9984 : i32
      %dma_start3A_73 = arith.constant 0 : i32
      %dma_start3A_74 = tpu.memref_slice %arg7[%dma_start3A_72, %dma_start3A_73] : memref<10000x128xf32, #tpu.memory_space<vmem_shared>> -> memref<16x128xf32, #tpu.memory_space<vmem_shared>>
      %dma_start3A_75 = arith.constant 9984 : i32
      %dma_start3A_76 = arith.constant 0 : i32
      %dma_start3A_77 = tpu.memref_slice %arg5[%dma_start3A_75, %dma_start3A_76] : memref<10000x128xf32, #tpu.memory_space<hbm>> -> memref<16x128xf32, #tpu.memory_space<hbm>>
      tpu.enqueue_dma source(%dma_start3A_77 : memref<16x128xf32, #tpu.memory_space<hbm>>) target(%dma_start3A_74 : memref<16x128xf32, #tpu.memory_space<vmem_shared>>) target_semaphore(%arg20 : memref<!tpu.dma_semaphore, #tpu.memory_space<semaphore_mem>>)
      %dma_wait3A_78 = arith.constant 9984 : i32
      %dma_wait3A_79 = arith.constant 0 : i32
      %dma_wait3A_80 = tpu.memref_slice %arg7[%dma_wait3A_78, %dma_wait3A_79] : memref<10000x128xf32, #tpu.memory_space<vmem_shared>> -> memref<16x128xf32, #tpu.memory_space<vmem_shared>>
      %dma_wait3A_81 = arith.constant 9984 : i32
      %dma_wait3A_82 = arith.constant 0 : i32
      %dma_wait3A_83 = tpu.memref_slice %arg5[%dma_wait3A_81, %dma_wait3A_82] : memref<10000x128xf32, #tpu.memory_space<hbm>> -> memref<16x128xf32, #tpu.memory_space<hbm>>
      tpu.wait_dma2 semaphore(%arg20 : memref<!tpu.dma_semaphore, #tpu.memory_space<semaphore_mem>>) src(%dma_wait3A_83 : memref<16x128xf32, #tpu.memory_space<hbm>>) dst(%dma_wait3A_80 : memref<16x128xf32, #tpu.memory_space<vmem_shared>>)
    } else {
    }
    %dma_wait3A = tpu.memref_slice %arg3[%mul3A_2] : memref<320000xi32, #tpu.memory_space<hbm>> -> memref<10000xi32, #tpu.memory_space<hbm>>
    %dma_wait3A_12 = tpu.memref_slice %arg3[%mul3A_2] : memref<320000xi32, #tpu.memory_space<hbm>> -> memref<10000xi32, #tpu.memory_space<hbm>>
    tpu.wait_dma2 semaphore(%arg16 : memref<!tpu.dma_semaphore, #tpu.memory_space<semaphore_mem>>) src(%dma_wait3A_12 : memref<10000xi32, #tpu.memory_space<hbm>>) dst(%arg8 : memref<10000xi32, #tpu.memory_space<vmem>>)
    %dma_wait3A_13 = arith.constant 0 : i32
    %dma_wait3A_14 = tpu.memref_slice %arg7[%mul3A_4, %dma_wait3A_13] : memref<10000x128xf32, #tpu.memory_space<vmem_shared>> -> memref<624x128xf32, #tpu.memory_space<vmem_shared>>
    %dma_wait3A_15 = arith.constant 0 : i32
    %dma_wait3A_16 = tpu.memref_slice %arg5[%mul3A_4, %dma_wait3A_15] : memref<10000x128xf32, #tpu.memory_space<hbm>> -> memref<624x128xf32, #tpu.memory_space<hbm>>
    tpu.wait_dma2 semaphore(%arg19 : memref<!tpu.dma_semaphore, #tpu.memory_space<semaphore_mem>>) src(%dma_wait3A_16 : memref<624x128xf32, #tpu.memory_space<hbm>>) dst(%dma_wait3A_14 : memref<624x128xf32, #tpu.memory_space<vmem_shared>>)
    %barrier3A = arith.constant 0 : index
    tpu.barrier barrier_id(%barrier3A)
    %add3A_17 = arith.constant 0 : i32
    %add3A_18 = arith.addi %mul3A_2, %add3A_17 : i32
    %dma_start3A_19 = tpu.memref_slice %arg4[%add3A_18] : memref<320000xi32, #tpu.memory_space<hbm>> -> memref<104xi32, #tpu.memory_space<hbm>>
    %dma_start3A_20 = tpu.memref_slice %arg4[%add3A_18] : memref<320000xi32, #tpu.memory_space<hbm>> -> memref<104xi32, #tpu.memory_space<hbm>>
    tpu.enqueue_dma source(%dma_start3A_20 : memref<104xi32, #tpu.memory_space<hbm>>) target(%arg9 : memref<104xi32, #tpu.memory_space<vmem>>) target_semaphore(%arg16 : memref<!tpu.dma_semaphore, #tpu.memory_space<semaphore_mem>>)
    %dma_start3A_21 = arith.constant 0 : i32
    %dma_start3A_22 = tpu.memref_slice %arg8[%dma_start3A_21] : memref<10000xi32, #tpu.memory_space<vmem>> -> memref<104xi32, #tpu.memory_space<vmem>>
    %dma_start3A_23 = arith.constant 0 : i32
    %dma_start3A_24 = arith.constant 0 : i32
    %dma_start3A_25 = tpu.memref_slice %arg2[%dma_start3A_23, %dma_start3A_24] : memref<10000x128xf32, #tpu.memory_space<hbm>> -> memref<10000x128xf32, #tpu.memory_space<hbm>>
    tpu.enqueue_indirect_dma source(%dma_start3A_25 : memref<10000x128xf32, #tpu.memory_space<hbm>>) target(%arg12 : memref<104x128xf32, #tpu.memory_space<vmem>>) offsets(%dma_start3A_22 : memref<104xi32, #tpu.memory_space<vmem>>) semaphore(%arg19 : memref<!tpu.dma_semaphore, #tpu.memory_space<semaphore_mem>>)
    %add3A_26 = arith.constant 104 : i32
    %add3A_27 = arith.addi %mul3A_2, %add3A_26 : i32
    %dma_start3A_28 = tpu.memref_slice %arg4[%add3A_27] : memref<320000xi32, #tpu.memory_space<hbm>> -> memref<104xi32, #tpu.memory_space<hbm>>
    %dma_start3A_29 = tpu.memref_slice %arg4[%add3A_27] : memref<320000xi32, #tpu.memory_space<hbm>> -> memref<104xi32, #tpu.memory_space<hbm>>
    tpu.enqueue_dma source(%dma_start3A_29 : memref<104xi32, #tpu.memory_space<hbm>>) target(%arg10 : memref<104xi32, #tpu.memory_space<vmem>>) target_semaphore(%arg17 : memref<!tpu.dma_semaphore, #tpu.memory_space<semaphore_mem>>)
    %dma_start3A_30 = arith.constant 104 : i32
    %dma_start3A_31 = tpu.memref_slice %arg8[%dma_start3A_30] : memref<10000xi32, #tpu.memory_space<vmem>> -> memref<104xi32, #tpu.memory_space<vmem>>
    %dma_start3A_32 = arith.constant 0 : i32
    %dma_start3A_33 = arith.constant 0 : i32
    %dma_start3A_34 = tpu.memref_slice %arg2[%dma_start3A_32, %dma_start3A_33] : memref<10000x128xf32, #tpu.memory_space<hbm>> -> memref<10000x128xf32, #tpu.memory_space<hbm>>
    tpu.enqueue_indirect_dma source(%dma_start3A_34 : memref<10000x128xf32, #tpu.memory_space<hbm>>) target(%arg13 : memref<104x128xf32, #tpu.memory_space<vmem>>) offsets(%dma_start3A_31 : memref<104xi32, #tpu.memory_space<vmem>>) semaphore(%arg20 : memref<!tpu.dma_semaphore, #tpu.memory_space<semaphore_mem>>)
    %add3A_35 = arith.constant 208 : i32
    %add3A_36 = arith.addi %mul3A_2, %add3A_35 : i32
    %dma_start3A_37 = tpu.memref_slice %arg4[%add3A_36] : memref<320000xi32, #tpu.memory_space<hbm>> -> memref<104xi32, #tpu.memory_space<hbm>>
    %dma_start3A_38 = tpu.memref_slice %arg4[%add3A_36] : memref<320000xi32, #tpu.memory_space<hbm>> -> memref<104xi32, #tpu.memory_space<hbm>>
    tpu.enqueue_dma source(%dma_start3A_38 : memref<104xi32, #tpu.memory_space<hbm>>) target(%arg11 : memref<104xi32, #tpu.memory_space<vmem>>) target_semaphore(%arg18 : memref<!tpu.dma_semaphore, #tpu.memory_space<semaphore_mem>>)
    %dma_start3A_39 = arith.constant 208 : i32
    %dma_start3A_40 = tpu.memref_slice %arg8[%dma_start3A_39] : memref<10000xi32, #tpu.memory_space<vmem>> -> memref<104xi32, #tpu.memory_space<vmem>>
    %dma_start3A_41 = arith.constant 0 : i32
    %dma_start3A_42 = arith.constant 0 : i32
    %dma_start3A_43 = tpu.memref_slice %arg2[%dma_start3A_41, %dma_start3A_42] : memref<10000x128xf32, #tpu.memory_space<hbm>> -> memref<10000x128xf32, #tpu.memory_space<hbm>>
    tpu.enqueue_indirect_dma source(%dma_start3A_43 : memref<10000x128xf32, #tpu.memory_space<hbm>>) target(%arg14 : memref<104x128xf32, #tpu.memory_space<vmem>>) offsets(%dma_start3A_40 : memref<104xi32, #tpu.memory_space<vmem>>) semaphore(%arg21 : memref<!tpu.dma_semaphore, #tpu.memory_space<semaphore_mem>>)
    %scan3A = arith.constant 0 : i32
    %scan3A_44 = arith.constant 32 : i32
    %scan3A_45 = arith.addi %scan3A, %scan3A_44 : i32
    %scan3A_46 = arith.constant 1 : i32
    scf.for %scan3A_72 = %scan3A to %scan3A_45 step %scan3A_46  : i32 {
      %mul3A_73 = arith.constant 3 : i32
      %mul3A_74 = arith.muli %scan3A_72, %mul3A_73 : i32
      %add3A_75 = arith.constant 0 : i32
      %add3A_76 = arith.addi %add3A_75, %mul3A_74 : i32
      %dma_wait3A_77 = tpu.memref_slice %arg4[%mul3A_2] : memref<320000xi32, #tpu.memory_space<hbm>> -> memref<104xi32, #tpu.memory_space<hbm>>
      %dma_wait3A_78 = tpu.memref_slice %arg4[%mul3A_2] : memref<320000xi32, #tpu.memory_space<hbm>> -> memref<104xi32, #tpu.memory_space<hbm>>
      tpu.wait_dma2 semaphore(%arg16 : memref<!tpu.dma_semaphore, #tpu.memory_space<semaphore_mem>>) src(%dma_wait3A_78 : memref<104xi32, #tpu.memory_space<hbm>>) dst(%arg9 : memref<104xi32, #tpu.memory_space<vmem>>)
      %dma_wait3A_79 = arith.constant 0 : i32
      %dma_wait3A_80 = arith.constant 0 : i32
      %dma_wait3A_81 = tpu.memref_slice %arg5[%dma_wait3A_79, %dma_wait3A_80] : memref<10000x128xf32, #tpu.memory_space<hbm>> -> memref<104x128xf32, #tpu.memory_space<hbm>>
      %dma_wait3A_82 = arith.constant 0 : i32
      %dma_wait3A_83 = arith.constant 0 : i32
      %dma_wait3A_84 = tpu.memref_slice %arg5[%dma_wait3A_82, %dma_wait3A_83] : memref<10000x128xf32, #tpu.memory_space<hbm>> -> memref<104x128xf32, #tpu.memory_space<hbm>>
      tpu.wait_dma2 semaphore(%arg19 : memref<!tpu.dma_semaphore, #tpu.memory_space<semaphore_mem>>) src(%dma_wait3A_84 : memref<104x128xf32, #tpu.memory_space<hbm>>) dst(%arg12 : memref<104x128xf32, #tpu.memory_space<vmem>>)
      %dma_start3A_85 = arith.constant 0 : i32
      %dma_start3A_86 = arith.constant 0 : i32
      %dma_start3A_87 = tpu.memref_slice %arg7[%dma_start3A_85, %dma_start3A_86] : memref<10000x128xf32, #tpu.memory_space<vmem_shared>> -> memref<10000x128xf32, #tpu.memory_space<vmem_shared>>
      tpu.enqueue_indirect_dma source(%arg12 : memref<104x128xf32, #tpu.memory_space<vmem>>) target(%dma_start3A_87 : memref<10000x128xf32, #tpu.memory_space<vmem_shared>>) offsets(%arg9 : memref<104xi32, #tpu.memory_space<vmem>>) semaphore(%arg22 : memref<!tpu.dma_semaphore, #tpu.memory_space<semaphore_mem>>) {add = true}
      %dma_wait3A_88 = tpu.memref_slice %arg4[%mul3A_2] : memref<320000xi32, #tpu.memory_space<hbm>> -> memref<104xi32, #tpu.memory_space<hbm>>
      %dma_wait3A_89 = tpu.memref_slice %arg4[%mul3A_2] : memref<320000xi32, #tpu.memory_space<hbm>> -> memref<104xi32, #tpu.memory_space<hbm>>
      tpu.wait_dma2 semaphore(%arg17 : memref<!tpu.dma_semaphore, #tpu.memory_space<semaphore_mem>>) src(%dma_wait3A_89 : memref<104xi32, #tpu.memory_space<hbm>>) dst(%arg10 : memref<104xi32, #tpu.memory_space<vmem>>)
      %dma_wait3A_90 = arith.constant 0 : i32
      %dma_wait3A_91 = arith.constant 0 : i32
      %dma_wait3A_92 = tpu.memref_slice %arg5[%dma_wait3A_90, %dma_wait3A_91] : memref<10000x128xf32, #tpu.memory_space<hbm>> -> memref<104x128xf32, #tpu.memory_space<hbm>>
      %dma_wait3A_93 = arith.constant 0 : i32
      %dma_wait3A_94 = arith.constant 0 : i32
      %dma_wait3A_95 = tpu.memref_slice %arg5[%dma_wait3A_93, %dma_wait3A_94] : memref<10000x128xf32, #tpu.memory_space<hbm>> -> memref<104x128xf32, #tpu.memory_space<hbm>>
      tpu.wait_dma2 semaphore(%arg20 : memref<!tpu.dma_semaphore, #tpu.memory_space<semaphore_mem>>) src(%dma_wait3A_95 : memref<104x128xf32, #tpu.memory_space<hbm>>) dst(%arg13 : memref<104x128xf32, #tpu.memory_space<vmem>>)
      %dma_start3A_96 = arith.constant 0 : i32
      %dma_start3A_97 = arith.constant 0 : i32
      %dma_start3A_98 = tpu.memref_slice %arg7[%dma_start3A_96, %dma_start3A_97] : memref<10000x128xf32, #tpu.memory_space<vmem_shared>> -> memref<10000x128xf32, #tpu.memory_space<vmem_shared>>
      tpu.enqueue_indirect_dma source(%arg13 : memref<104x128xf32, #tpu.memory_space<vmem>>) target(%dma_start3A_98 : memref<10000x128xf32, #tpu.memory_space<vmem_shared>>) offsets(%arg10 : memref<104xi32, #tpu.memory_space<vmem>>) semaphore(%arg23 : memref<!tpu.dma_semaphore, #tpu.memory_space<semaphore_mem>>) {add = true}
      %dma_wait3A_99 = tpu.memref_slice %arg4[%mul3A_2] : memref<320000xi32, #tpu.memory_space<hbm>> -> memref<104xi32, #tpu.memory_space<hbm>>
      %dma_wait3A_100 = tpu.memref_slice %arg4[%mul3A_2] : memref<320000xi32, #tpu.memory_space<hbm>> -> memref<104xi32, #tpu.memory_space<hbm>>
      tpu.wait_dma2 semaphore(%arg18 : memref<!tpu.dma_semaphore, #tpu.memory_space<semaphore_mem>>) src(%dma_wait3A_100 : memref<104xi32, #tpu.memory_space<hbm>>) dst(%arg11 : memref<104xi32, #tpu.memory_space<vmem>>)
      %dma_wait3A_101 = arith.constant 0 : i32
      %dma_wait3A_102 = arith.constant 0 : i32
      %dma_wait3A_103 = tpu.memref_slice %arg5[%dma_wait3A_101, %dma_wait3A_102] : memref<10000x128xf32, #tpu.memory_space<hbm>> -> memref<104x128xf32, #tpu.memory_space<hbm>>
      %dma_wait3A_104 = arith.constant 0 : i32
      %dma_wait3A_105 = arith.constant 0 : i32
      %dma_wait3A_106 = tpu.memref_slice %arg5[%dma_wait3A_104, %dma_wait3A_105] : memref<10000x128xf32, #tpu.memory_space<hbm>> -> memref<104x128xf32, #tpu.memory_space<hbm>>
      tpu.wait_dma2 semaphore(%arg21 : memref<!tpu.dma_semaphore, #tpu.memory_space<semaphore_mem>>) src(%dma_wait3A_106 : memref<104x128xf32, #tpu.memory_space<hbm>>) dst(%arg14 : memref<104x128xf32, #tpu.memory_space<vmem>>)
      %dma_start3A_107 = arith.constant 0 : i32
      %dma_start3A_108 = arith.constant 0 : i32
      %dma_start3A_109 = tpu.memref_slice %arg7[%dma_start3A_107, %dma_start3A_108] : memref<10000x128xf32, #tpu.memory_space<vmem_shared>> -> memref<10000x128xf32, #tpu.memory_space<vmem_shared>>
      tpu.enqueue_indirect_dma source(%arg14 : memref<104x128xf32, #tpu.memory_space<vmem>>) target(%dma_start3A_109 : memref<10000x128xf32, #tpu.memory_space<vmem_shared>>) offsets(%arg11 : memref<104xi32, #tpu.memory_space<vmem>>) semaphore(%arg24 : memref<!tpu.dma_semaphore, #tpu.memory_space<semaphore_mem>>) {add = true}
      %dma_wait3A_110 = arith.constant 0 : i32
      %dma_wait3A_111 = arith.constant 0 : i32
      %dma_wait3A_112 = tpu.memref_slice %arg5[%dma_wait3A_110, %dma_wait3A_111] : memref<10000x128xf32, #tpu.memory_space<hbm>> -> memref<104x128xf32, #tpu.memory_space<hbm>>
      %dma_wait3A_113 = arith.constant 0 : i32
      %dma_wait3A_114 = arith.constant 0 : i32
      %dma_wait3A_115 = tpu.memref_slice %arg5[%dma_wait3A_113, %dma_wait3A_114] : memref<10000x128xf32, #tpu.memory_space<hbm>> -> memref<104x128xf32, #tpu.memory_space<hbm>>
      tpu.wait_dma2 semaphore(%arg22 : memref<!tpu.dma_semaphore, #tpu.memory_space<semaphore_mem>>) src(%dma_wait3A_115 : memref<104x128xf32, #tpu.memory_space<hbm>>) dst(%arg12 : memref<104x128xf32, #tpu.memory_space<vmem>>)
      %add3A_116 = arith.constant 0 : i32
      %add3A_117 = arith.addi %add3A_76, %add3A_116 : i32
      %add3A_118 = arith.constant 3 : i32
      %add3A_119 = arith.addi %add3A_117, %add3A_118 : i32
      %lt3A = arith.constant 96 : i32
      %lt3A_120 = arith.cmpi slt, %add3A_119, %lt3A : i32
      %convert_element_type3A_121 = arith.extui %lt3A_120 : i1 to i32
      %cond3A_122 = arith.constant 0 : i32
      %cond3A_123 = arith.cmpi ne, %convert_element_type3A_121, %cond3A_122 : i32
      scf.if %cond3A_123 {
        %add3A_154 = arith.constant 0 : i32
        %add3A_155 = arith.addi %add3A_76, %add3A_154 : i32
        %add3A_156 = arith.constant 3 : i32
        %add3A_157 = arith.addi %add3A_155, %add3A_156 : i32
        %mul3A_158 = arith.constant 104 : i32
        %mul3A_159 = arith.muli %add3A_157, %mul3A_158 : i32
        %add3A_160 = arith.addi %mul3A_2, %mul3A_159 : i32
        %dma_start3A_161 = tpu.memref_slice %arg4[%add3A_160] : memref<320000xi32, #tpu.memory_space<hbm>> -> memref<104xi32, #tpu.memory_space<hbm>>
        %dma_start3A_162 = tpu.memref_slice %arg4[%add3A_160] : memref<320000xi32, #tpu.memory_space<hbm>> -> memref<104xi32, #tpu.memory_space<hbm>>
        tpu.enqueue_dma source(%dma_start3A_162 : memref<104xi32, #tpu.memory_space<hbm>>) target(%arg9 : memref<104xi32, #tpu.memory_space<vmem>>) target_semaphore(%arg16 : memref<!tpu.dma_semaphore, #tpu.memory_space<semaphore_mem>>)
        %mul3A_163 = arith.constant 104 : i32
        %mul3A_164 = arith.muli %add3A_157, %mul3A_163 : i32
        %dma_start3A_165 = tpu.memref_slice %arg8[%mul3A_164] : memref<10000xi32, #tpu.memory_space<vmem>> -> memref<104xi32, #tpu.memory_space<vmem>>
        %dma_start3A_166 = arith.constant 0 : i32
        %dma_start3A_167 = arith.constant 0 : i32
        %dma_start3A_168 = tpu.memref_slice %arg2[%dma_start3A_166, %dma_start3A_167] : memref<10000x128xf32, #tpu.memory_space<hbm>> -> memref<10000x128xf32, #tpu.memory_space<hbm>>
        tpu.enqueue_indirect_dma source(%dma_start3A_168 : memref<10000x128xf32, #tpu.memory_space<hbm>>) target(%arg12 : memref<104x128xf32, #tpu.memory_space<vmem>>) offsets(%dma_start3A_165 : memref<104xi32, #tpu.memory_space<vmem>>) semaphore(%arg19 : memref<!tpu.dma_semaphore, #tpu.memory_space<semaphore_mem>>)
      } else {
      }
      %dma_wait3A_124 = arith.constant 0 : i32
      %dma_wait3A_125 = arith.constant 0 : i32
      %dma_wait3A_126 = tpu.memref_slice %arg5[%dma_wait3A_124, %dma_wait3A_125] : memref<10000x128xf32, #tpu.memory_space<hbm>> -> memref<104x128xf32, #tpu.memory_space<hbm>>
      %dma_wait3A_127 = arith.constant 0 : i32
      %dma_wait3A_128 = arith.constant 0 : i32
      %dma_wait3A_129 = tpu.memref_slice %arg5[%dma_wait3A_127, %dma_wait3A_128] : memref<10000x128xf32, #tpu.memory_space<hbm>> -> memref<104x128xf32, #tpu.memory_space<hbm>>
      tpu.wait_dma2 semaphore(%arg23 : memref<!tpu.dma_semaphore, #tpu.memory_space<semaphore_mem>>) src(%dma_wait3A_129 : memref<104x128xf32, #tpu.memory_space<hbm>>) dst(%arg13 : memref<104x128xf32, #tpu.memory_space<vmem>>)
      %add3A_130 = arith.constant 1 : i32
      %add3A_131 = arith.addi %add3A_76, %add3A_130 : i32
      %add3A_132 = arith.constant 3 : i32
      %add3A_133 = arith.addi %add3A_131, %add3A_132 : i32
      %lt3A_134 = arith.constant 96 : i32
      %lt3A_135 = arith.cmpi slt, %add3A_133, %lt3A_134 : i32
      %convert_element_type3A_136 = arith.extui %lt3A_135 : i1 to i32
      %cond3A_137 = arith.constant 0 : i32
      %cond3A_138 = arith.cmpi ne, %convert_element_type3A_136, %cond3A_137 : i32
      scf.if %cond3A_138 {
        %add3A_154 = arith.constant 1 : i32
        %add3A_155 = arith.addi %add3A_76, %add3A_154 : i32
        %add3A_156 = arith.constant 3 : i32
        %add3A_157 = arith.addi %add3A_155, %add3A_156 : i32
        %mul3A_158 = arith.constant 104 : i32
        %mul3A_159 = arith.muli %add3A_157, %mul3A_158 : i32
        %add3A_160 = arith.addi %mul3A_2, %mul3A_159 : i32
        %dma_start3A_161 = tpu.memref_slice %arg4[%add3A_160] : memref<320000xi32, #tpu.memory_space<hbm>> -> memref<104xi32, #tpu.memory_space<hbm>>
        %dma_start3A_162 = tpu.memref_slice %arg4[%add3A_160] : memref<320000xi32, #tpu.memory_space<hbm>> -> memref<104xi32, #tpu.memory_space<hbm>>
        tpu.enqueue_dma source(%dma_start3A_162 : memref<104xi32, #tpu.memory_space<hbm>>) target(%arg10 : memref<104xi32, #tpu.memory_space<vmem>>) target_semaphore(%arg17 : memref<!tpu.dma_semaphore, #tpu.memory_space<semaphore_mem>>)
        %mul3A_163 = arith.constant 104 : i32
        %mul3A_164 = arith.muli %add3A_157, %mul3A_163 : i32
        %dma_start3A_165 = tpu.memref_slice %arg8[%mul3A_164] : memref<10000xi32, #tpu.memory_space<vmem>> -> memref<104xi32, #tpu.memory_space<vmem>>
        %dma_start3A_166 = arith.constant 0 : i32
        %dma_start3A_167 = arith.constant 0 : i32
        %dma_start3A_168 = tpu.memref_slice %arg2[%dma_start3A_166, %dma_start3A_167] : memref<10000x128xf32, #tpu.memory_space<hbm>> -> memref<10000x128xf32, #tpu.memory_space<hbm>>
        tpu.enqueue_indirect_dma source(%dma_start3A_168 : memref<10000x128xf32, #tpu.memory_space<hbm>>) target(%arg13 : memref<104x128xf32, #tpu.memory_space<vmem>>) offsets(%dma_start3A_165 : memref<104xi32, #tpu.memory_space<vmem>>) semaphore(%arg20 : memref<!tpu.dma_semaphore, #tpu.memory_space<semaphore_mem>>)
      } else {
      }
      %dma_wait3A_139 = arith.constant 0 : i32
      %dma_wait3A_140 = arith.constant 0 : i32
      %dma_wait3A_141 = tpu.memref_slice %arg5[%dma_wait3A_139, %dma_wait3A_140] : memref<10000x128xf32, #tpu.memory_space<hbm>> -> memref<104x128xf32, #tpu.memory_space<hbm>>
      %dma_wait3A_142 = arith.constant 0 : i32
      %dma_wait3A_143 = arith.constant 0 : i32
      %dma_wait3A_144 = tpu.memref_slice %arg5[%dma_wait3A_142, %dma_wait3A_143] : memref<10000x128xf32, #tpu.memory_space<hbm>> -> memref<104x128xf32, #tpu.memory_space<hbm>>
      tpu.wait_dma2 semaphore(%arg24 : memref<!tpu.dma_semaphore, #tpu.memory_space<semaphore_mem>>) src(%dma_wait3A_144 : memref<104x128xf32, #tpu.memory_space<hbm>>) dst(%arg14 : memref<104x128xf32, #tpu.memory_space<vmem>>)
      %add3A_145 = arith.constant 2 : i32
      %add3A_146 = arith.addi %add3A_76, %add3A_145 : i32
      %add3A_147 = arith.constant 3 : i32
      %add3A_148 = arith.addi %add3A_146, %add3A_147 : i32
      %lt3A_149 = arith.constant 96 : i32
      %lt3A_150 = arith.cmpi slt, %add3A_148, %lt3A_149 : i32
      %convert_element_type3A_151 = arith.extui %lt3A_150 : i1 to i32
      %cond3A_152 = arith.constant 0 : i32
      %cond3A_153 = arith.cmpi ne, %convert_element_type3A_151, %cond3A_152 : i32
      scf.if %cond3A_153 {
        %add3A_154 = arith.constant 2 : i32
        %add3A_155 = arith.addi %add3A_76, %add3A_154 : i32
        %add3A_156 = arith.constant 3 : i32
        %add3A_157 = arith.addi %add3A_155, %add3A_156 : i32
        %mul3A_158 = arith.constant 104 : i32
        %mul3A_159 = arith.muli %add3A_157, %mul3A_158 : i32
        %add3A_160 = arith.addi %mul3A_2, %mul3A_159 : i32
        %dma_start3A_161 = tpu.memref_slice %arg4[%add3A_160] : memref<320000xi32, #tpu.memory_space<hbm>> -> memref<104xi32, #tpu.memory_space<hbm>>
        %dma_start3A_162 = tpu.memref_slice %arg4[%add3A_160] : memref<320000xi32, #tpu.memory_space<hbm>> -> memref<104xi32, #tpu.memory_space<hbm>>
        tpu.enqueue_dma source(%dma_start3A_162 : memref<104xi32, #tpu.memory_space<hbm>>) target(%arg11 : memref<104xi32, #tpu.memory_space<vmem>>) target_semaphore(%arg18 : memref<!tpu.dma_semaphore, #tpu.memory_space<semaphore_mem>>)
        %mul3A_163 = arith.constant 104 : i32
        %mul3A_164 = arith.muli %add3A_157, %mul3A_163 : i32
        %dma_start3A_165 = tpu.memref_slice %arg8[%mul3A_164] : memref<10000xi32, #tpu.memory_space<vmem>> -> memref<104xi32, #tpu.memory_space<vmem>>
        %dma_start3A_166 = arith.constant 0 : i32
        %dma_start3A_167 = arith.constant 0 : i32
        %dma_start3A_168 = tpu.memref_slice %arg2[%dma_start3A_166, %dma_start3A_167] : memref<10000x128xf32, #tpu.memory_space<hbm>> -> memref<10000x128xf32, #tpu.memory_space<hbm>>
        tpu.enqueue_indirect_dma source(%dma_start3A_168 : memref<10000x128xf32, #tpu.memory_space<hbm>>) target(%arg14 : memref<104x128xf32, #tpu.memory_space<vmem>>) offsets(%dma_start3A_165 : memref<104xi32, #tpu.memory_space<vmem>>) semaphore(%arg21 : memref<!tpu.dma_semaphore, #tpu.memory_space<semaphore_mem>>)
      } else {
      }
    }
    %scan3A_47 = arith.constant 32 : i32
    %add3A_48 = arith.constant 9984 : i32
    %add3A_49 = arith.addi %mul3A_2, %add3A_48 : i32
    "tpu.region"() ({
      %run_scoped3A = tpu.sem_alloc : memref<!tpu.dma_semaphore, #tpu.memory_space<semaphore_mem>>
      %dma_start3A_72 = tpu.memref_slice %arg4[%add3A_49] : memref<320000xi32, #tpu.memory_space<hbm>> -> memref<16xi32, #tpu.memory_space<hbm>>
      %dma_start3A_73 = tpu.memref_slice %arg4[%add3A_49] : memref<320000xi32, #tpu.memory_space<hbm>> -> memref<16xi32, #tpu.memory_space<hbm>>
      tpu.enqueue_dma source(%dma_start3A_73 : memref<16xi32, #tpu.memory_space<hbm>>) target(%arg15 : memref<16xi32, #tpu.memory_space<vmem>>) target_semaphore(%run_scoped3A : memref<!tpu.dma_semaphore, #tpu.memory_space<semaphore_mem>>)
      %dma_wait3A_74 = tpu.memref_slice %arg4[%add3A_49] : memref<320000xi32, #tpu.memory_space<hbm>> -> memref<16xi32, #tpu.memory_space<hbm>>
      %dma_wait3A_75 = tpu.memref_slice %arg4[%add3A_49] : memref<320000xi32, #tpu.memory_space<hbm>> -> memref<16xi32, #tpu.memory_space<hbm>>
      tpu.wait_dma2 semaphore(%run_scoped3A : memref<!tpu.dma_semaphore, #tpu.memory_space<semaphore_mem>>) src(%dma_wait3A_75 : memref<16xi32, #tpu.memory_space<hbm>>) dst(%arg15 : memref<16xi32, #tpu.memory_space<vmem>>)
      tpu.yield
    }) : () -> ()
    %dma_start3A_50 = arith.constant 0 : i32
    %dma_start3A_51 = arith.constant 0 : i32
    %dma_start3A_52 = tpu.memref_slice %arg12[%dma_start3A_50, %dma_start3A_51] : memref<104x128xf32, #tpu.memory_space<vmem>> -> memref<16x128xf32, #tpu.memory_space<vmem>>
    %dma_start3A_53 = arith.constant 9984 : i32
    %dma_start3A_54 = tpu.memref_slice %arg8[%dma_start3A_53] : memref<10000xi32, #tpu.memory_space<vmem>> -> memref<16xi32, #tpu.memory_space<vmem>>
    %dma_start3A_55 = arith.constant 0 : i32
    %dma_start3A_56 = arith.constant 0 : i32
    %dma_start3A_57 = tpu.memref_slice %arg2[%dma_start3A_55, %dma_start3A_56] : memref<10000x128xf32, #tpu.memory_space<hbm>> -> memref<10000x128xf32, #tpu.memory_space<hbm>>
    tpu.enqueue_indirect_dma source(%dma_start3A_57 : memref<10000x128xf32, #tpu.memory_space<hbm>>) target(%dma_start3A_52 : memref<16x128xf32, #tpu.memory_space<vmem>>) offsets(%dma_start3A_54 : memref<16xi32, #tpu.memory_space<vmem>>) semaphore(%arg19 : memref<!tpu.dma_semaphore, #tpu.memory_space<semaphore_mem>>)
    %dma_wait3A_58 = arith.constant 0 : i32
    %dma_wait3A_59 = arith.constant 0 : i32
    %dma_wait3A_60 = tpu.memref_slice %arg12[%dma_wait3A_58, %dma_wait3A_59] : memref<104x128xf32, #tpu.memory_space<vmem>> -> memref<16x128xf32, #tpu.memory_space<vmem>>
    %dma_wait3A_61 = arith.constant 9984 : i32
    %dma_wait3A_62 = tpu.memref_slice %arg8[%dma_wait3A_61] : memref<10000xi32, #tpu.memory_space<vmem>> -> memref<16xi32, #tpu.memory_space<vmem>>
    %dma_wait3A_63 = arith.constant 0 : i32
    %dma_wait3A_64 = arith.constant 0 : i32
    %dma_wait3A_65 = tpu.memref_slice %arg2[%dma_wait3A_63, %dma_wait3A_64] : memref<10000x128xf32, #tpu.memory_space<hbm>> -> memref<10000x128xf32, #tpu.memory_space<hbm>>
    tpu.wait_indirect_dma semaphore(%arg19 : memref<!tpu.dma_semaphore, #tpu.memory_space<semaphore_mem>>) src(%dma_wait3A_65 : memref<10000x128xf32, #tpu.memory_space<hbm>>) dst(%dma_wait3A_60 : memref<16x128xf32, #tpu.memory_space<vmem>>)
    "tpu.region"() ({
      %run_scoped3A = tpu.sem_alloc : memref<!tpu.dma_semaphore, #tpu.memory_space<semaphore_mem>>
      %dma_start3A_72 = arith.constant 0 : i32
      %dma_start3A_73 = arith.constant 0 : i32
      %dma_start3A_74 = tpu.memref_slice %arg12[%dma_start3A_72, %dma_start3A_73] : memref<104x128xf32, #tpu.memory_space<vmem>> -> memref<16x128xf32, #tpu.memory_space<vmem>>
      %dma_start3A_75 = arith.constant 0 : i32
      %dma_start3A_76 = arith.constant 0 : i32
      %dma_start3A_77 = tpu.memref_slice %arg7[%dma_start3A_75, %dma_start3A_76] : memref<10000x128xf32, #tpu.memory_space<vmem_shared>> -> memref<10000x128xf32, #tpu.memory_space<vmem_shared>>
      tpu.enqueue_indirect_dma source(%dma_start3A_74 : memref<16x128xf32, #tpu.memory_space<vmem>>) target(%dma_start3A_77 : memref<10000x128xf32, #tpu.memory_space<vmem_shared>>) offsets(%arg15 : memref<16xi32, #tpu.memory_space<vmem>>) semaphore(%run_scoped3A : memref<!tpu.dma_semaphore, #tpu.memory_space<semaphore_mem>>) {add = true}
      %dma_wait3A_78 = arith.constant 0 : i32
      %dma_wait3A_79 = arith.constant 0 : i32
      %dma_wait3A_80 = tpu.memref_slice %arg12[%dma_wait3A_78, %dma_wait3A_79] : memref<104x128xf32, #tpu.memory_space<vmem>> -> memref<16x128xf32, #tpu.memory_space<vmem>>
      %dma_wait3A_81 = arith.constant 0 : i32
      %dma_wait3A_82 = arith.constant 0 : i32
      %dma_wait3A_83 = tpu.memref_slice %arg7[%dma_wait3A_81, %dma_wait3A_82] : memref<10000x128xf32, #tpu.memory_space<vmem_shared>> -> memref<10000x128xf32, #tpu.memory_space<vmem_shared>>
      tpu.wait_indirect_dma semaphore(%run_scoped3A : memref<!tpu.dma_semaphore, #tpu.memory_space<semaphore_mem>>) src(%dma_wait3A_80 : memref<16x128xf32, #tpu.memory_space<vmem>>) dst(%dma_wait3A_83 : memref<10000x128xf32, #tpu.memory_space<vmem_shared>>)
      tpu.yield
    }) : () -> ()
    %barrier3A_66 = arith.constant 0 : index
    tpu.barrier barrier_id(%barrier3A_66)
    "tpu.region"() ({
      %run_scoped3A = tpu.sem_alloc : memref<!tpu.dma_semaphore, #tpu.memory_space<semaphore_mem>>
      %dma_start3A_72 = arith.constant 0 : i32
      %dma_start3A_73 = tpu.memref_slice %arg6[%arg0, %mul3A_4, %dma_start3A_72] : memref<2x10000x128xf32, #tpu.memory_space<hbm>> -> memref<1x624x128xf32, #tpu.memory_space<hbm>>
      %dma_start3A_74 = tpu.memref_squeeze %dma_start3A_73 : memref<1x624x128xf32, #tpu.memory_space<hbm>> -> memref<624x128xf32, #tpu.memory_space<hbm>>
      %dma_start3A_75 = arith.constant 0 : i32
      %dma_start3A_76 = tpu.memref_slice %arg7[%mul3A_4, %dma_start3A_75] : memref<10000x128xf32, #tpu.memory_space<vmem_shared>> -> memref<624x128xf32, #tpu.memory_space<vmem_shared>>
      tpu.enqueue_dma source(%dma_start3A_76 : memref<624x128xf32, #tpu.memory_space<vmem_shared>>) target(%dma_start3A_74 : memref<624x128xf32, #tpu.memory_space<hbm>>) target_semaphore(%run_scoped3A : memref<!tpu.dma_semaphore, #tpu.memory_space<semaphore_mem>>)
      %dma_wait3A_77 = arith.constant 0 : i32
      %dma_wait3A_78 = tpu.memref_slice %arg6[%arg0, %mul3A_4, %dma_wait3A_77] : memref<2x10000x128xf32, #tpu.memory_space<hbm>> -> memref<1x624x128xf32, #tpu.memory_space<hbm>>
      %dma_wait3A_79 = tpu.memref_squeeze %dma_wait3A_78 : memref<1x624x128xf32, #tpu.memory_space<hbm>> -> memref<624x128xf32, #tpu.memory_space<hbm>>
      %dma_wait3A_80 = arith.constant 0 : i32
      %dma_wait3A_81 = tpu.memref_slice %arg7[%mul3A_4, %dma_wait3A_80] : memref<10000x128xf32, #tpu.memory_space<vmem_shared>> -> memref<624x128xf32, #tpu.memory_space<vmem_shared>>
      tpu.wait_dma2 semaphore(%run_scoped3A : memref<!tpu.dma_semaphore, #tpu.memory_space<semaphore_mem>>) src(%dma_wait3A_81 : memref<624x128xf32, #tpu.memory_space<vmem_shared>>) dst(%dma_wait3A_79 : memref<624x128xf32, #tpu.memory_space<hbm>>)
      tpu.yield
    }) : () -> ()
    %eq3A_67 = arith.constant 0 : i32
    %eq3A_68 = arith.cmpi eq, %arg1, %eq3A_67 : i32
    %convert_element_type3A_69 = arith.extui %eq3A_68 : i1 to i32
    %cond3A_70 = arith.constant 0 : i32
    %cond3A_71 = arith.cmpi ne, %convert_element_type3A_69, %cond3A_70 : i32
    scf.if %cond3A_71 {
      "tpu.region"() ({
        %run_scoped3A = tpu.sem_alloc : memref<!tpu.dma_semaphore, #tpu.memory_space<semaphore_mem>>
        %dma_start3A_72 = arith.constant 9984 : i32
        %dma_start3A_73 = arith.constant 0 : i32
        %dma_start3A_74 = tpu.memref_slice %arg6[%arg0, %dma_start3A_72, %dma_start3A_73] : memref<2x10000x128xf32, #tpu.memory_space<hbm>> -> memref<1x16x128xf32, #tpu.memory_space<hbm>>
        %dma_start3A_75 = tpu.memref_squeeze %dma_start3A_74 : memref<1x16x128xf32, #tpu.memory_space<hbm>> -> memref<16x128xf32, #tpu.memory_space<hbm>>
        %dma_start3A_76 = arith.constant 9984 : i32
        %dma_start3A_77 = arith.constant 0 : i32
        %dma_start3A_78 = tpu.memref_slice %arg7[%dma_start3A_76, %dma_start3A_77] : memref<10000x128xf32, #tpu.memory_space<vmem_shared>> -> memref<16x128xf32, #tpu.memory_space<vmem_shared>>
        tpu.enqueue_dma source(%dma_start3A_78 : memref<16x128xf32, #tpu.memory_space<vmem_shared>>) target(%dma_start3A_75 : memref<16x128xf32, #tpu.memory_space<hbm>>) target_semaphore(%run_scoped3A : memref<!tpu.dma_semaphore, #tpu.memory_space<semaphore_mem>>)
        %dma_wait3A_79 = arith.constant 9984 : i32
        %dma_wait3A_80 = arith.constant 0 : i32
        %dma_wait3A_81 = tpu.memref_slice %arg6[%arg0, %dma_wait3A_79, %dma_wait3A_80] : memref<2x10000x128xf32, #tpu.memory_space<hbm>> -> memref<1x16x128xf32, #tpu.memory_space<hbm>>
        %dma_wait3A_82 = tpu.memref_squeeze %dma_wait3A_81 : memref<1x16x128xf32, #tpu.memory_space<hbm>> -> memref<16x128xf32, #tpu.memory_space<hbm>>
        %dma_wait3A_83 = arith.constant 9984 : i32
        %dma_wait3A_84 = arith.constant 0 : i32
        %dma_wait3A_85 = tpu.memref_slice %arg7[%dma_wait3A_83, %dma_wait3A_84] : memref<10000x128xf32, #tpu.memory_space<vmem_shared>> -> memref<16x128xf32, #tpu.memory_space<vmem_shared>>
        tpu.wait_dma2 semaphore(%run_scoped3A : memref<!tpu.dma_semaphore, #tpu.memory_space<semaphore_mem>>) src(%dma_wait3A_85 : memref<16x128xf32, #tpu.memory_space<vmem_shared>>) dst(%dma_wait3A_82 : memref<16x128xf32, #tpu.memory_space<hbm>>)
        tpu.yield
      }) : () -> ()
    } else {
    }
    return
  }
}

#map = affine_map<(d0, d1) -> (0)>
#map1 = affine_map<(d0, d1) -> (0, 0)>
#map2 = affine_map<(d0, d1) -> (0, 0, 0, 0, 0)>
module attributes {stable_mosaic.version = 14 : i64} {
  func.func @_count_sc(%arg0: i32, %arg1: i32, %arg2: memref<320000xi32, #tpu.memory_space<hbm>>, %arg3: memref<320000xi32, #tpu.memory_space<hbm>>, %arg4: memref<10000x128xf32, #tpu.memory_space<hbm>>, %arg5: memref<2x16x2x80x128xf32, #tpu.memory_space<hbm>>, %arg6: memref<10000xi32, #tpu.memory_space<vmem>>, %arg7: memref<10000xi32, #tpu.memory_space<vmem>>, %arg8: memref<80x128xf32, #tpu.memory_space<vmem>>, %arg9: memref<80x128xf32, #tpu.memory_space<vmem>>) attributes {dimension_semantics = [#tpu.dimension_semantics<core_parallel>, #tpu.dimension_semantics<subcore_parallel>], iteration_bounds = array<i64: 2, 16>, scalar_prefetch = 0 : i64, scratch_operands = 4 : i64, tpu.core_type = #tpu.core_type<sc_vector_subcore>, window_params = [{transform_indices = #map}, {transform_indices = #map}, {transform_indices = #map1}, {transform_indices = #map2}]} {
    %mul3A = arith.constant 16 : i32
    %mul3A_0 = arith.muli %arg0, %mul3A : i32
    %add3A = arith.addi %mul3A_0, %arg1 : i32
    %mul3A_1 = arith.constant 10000 : i32
    %mul3A_2 = arith.muli %add3A, %mul3A_1 : i32
    "tpu.region"() ({
      %run_scoped3A_9 = tpu.sem_alloc : memref<!tpu.dma_semaphore, #tpu.memory_space<semaphore_mem>>
      %dma_start3A = tpu.memref_slice %arg2[%mul3A_2] : memref<320000xi32, #tpu.memory_space<hbm>> -> memref<10000xi32, #tpu.memory_space<hbm>>
      %dma_start3A_10 = tpu.memref_slice %arg2[%mul3A_2] : memref<320000xi32, #tpu.memory_space<hbm>> -> memref<10000xi32, #tpu.memory_space<hbm>>
      tpu.enqueue_dma source(%dma_start3A_10 : memref<10000xi32, #tpu.memory_space<hbm>>) target(%arg6 : memref<10000xi32, #tpu.memory_space<vmem>>) target_semaphore(%run_scoped3A_9 : memref<!tpu.dma_semaphore, #tpu.memory_space<semaphore_mem>>)
      %dma_wait3A = tpu.memref_slice %arg2[%mul3A_2] : memref<320000xi32, #tpu.memory_space<hbm>> -> memref<10000xi32, #tpu.memory_space<hbm>>
      %dma_wait3A_11 = tpu.memref_slice %arg2[%mul3A_2] : memref<320000xi32, #tpu.memory_space<hbm>> -> memref<10000xi32, #tpu.memory_space<hbm>>
      tpu.wait_dma2 semaphore(%run_scoped3A_9 : memref<!tpu.dma_semaphore, #tpu.memory_space<semaphore_mem>>) src(%dma_wait3A_11 : memref<10000xi32, #tpu.memory_space<hbm>>) dst(%arg6 : memref<10000xi32, #tpu.memory_space<vmem>>)
      tpu.yield
    }) : () -> ()
    "tpu.region"() ({
      %run_scoped3A_9 = tpu.sem_alloc : memref<!tpu.dma_semaphore, #tpu.memory_space<semaphore_mem>>
      %dma_start3A = tpu.memref_slice %arg3[%mul3A_2] : memref<320000xi32, #tpu.memory_space<hbm>> -> memref<10000xi32, #tpu.memory_space<hbm>>
      %dma_start3A_10 = tpu.memref_slice %arg3[%mul3A_2] : memref<320000xi32, #tpu.memory_space<hbm>> -> memref<10000xi32, #tpu.memory_space<hbm>>
      tpu.enqueue_dma source(%dma_start3A_10 : memref<10000xi32, #tpu.memory_space<hbm>>) target(%arg7 : memref<10000xi32, #tpu.memory_space<vmem>>) target_semaphore(%run_scoped3A_9 : memref<!tpu.dma_semaphore, #tpu.memory_space<semaphore_mem>>)
      %dma_wait3A = tpu.memref_slice %arg3[%mul3A_2] : memref<320000xi32, #tpu.memory_space<hbm>> -> memref<10000xi32, #tpu.memory_space<hbm>>
      %dma_wait3A_11 = tpu.memref_slice %arg3[%mul3A_2] : memref<320000xi32, #tpu.memory_space<hbm>> -> memref<10000xi32, #tpu.memory_space<hbm>>
      tpu.wait_dma2 semaphore(%run_scoped3A_9 : memref<!tpu.dma_semaphore, #tpu.memory_space<semaphore_mem>>) src(%dma_wait3A_11 : memref<10000xi32, #tpu.memory_space<hbm>>) dst(%arg7 : memref<10000xi32, #tpu.memory_space<vmem>>)
      tpu.yield
    }) : () -> ()
    "tpu.region"() ({
      %run_scoped3A_9 = tpu.sem_alloc : memref<!tpu.dma_semaphore, #tpu.memory_space<semaphore_mem>>
      %dma_start3A = arith.constant 0 : i32
      %dma_start3A_10 = arith.constant 0 : i32
      %dma_start3A_11 = tpu.memref_slice %arg4[%dma_start3A, %dma_start3A_10] : memref<10000x128xf32, #tpu.memory_space<hbm>> -> memref<80x128xf32, #tpu.memory_space<hbm>>
      %dma_start3A_12 = arith.constant 0 : i32
      %dma_start3A_13 = arith.constant 0 : i32
      %dma_start3A_14 = tpu.memref_slice %arg4[%dma_start3A_12, %dma_start3A_13] : memref<10000x128xf32, #tpu.memory_space<hbm>> -> memref<80x128xf32, #tpu.memory_space<hbm>>
      tpu.enqueue_dma source(%dma_start3A_14 : memref<80x128xf32, #tpu.memory_space<hbm>>) target(%arg8 : memref<80x128xf32, #tpu.memory_space<vmem>>) target_semaphore(%run_scoped3A_9 : memref<!tpu.dma_semaphore, #tpu.memory_space<semaphore_mem>>)
      %dma_wait3A = arith.constant 0 : i32
      %dma_wait3A_15 = arith.constant 0 : i32
      %dma_wait3A_16 = tpu.memref_slice %arg4[%dma_wait3A, %dma_wait3A_15] : memref<10000x128xf32, #tpu.memory_space<hbm>> -> memref<80x128xf32, #tpu.memory_space<hbm>>
      %dma_wait3A_17 = arith.constant 0 : i32
      %dma_wait3A_18 = arith.constant 0 : i32
      %dma_wait3A_19 = tpu.memref_slice %arg4[%dma_wait3A_17, %dma_wait3A_18] : memref<10000x128xf32, #tpu.memory_space<hbm>> -> memref<80x128xf32, #tpu.memory_space<hbm>>
      tpu.wait_dma2 semaphore(%run_scoped3A_9 : memref<!tpu.dma_semaphore, #tpu.memory_space<semaphore_mem>>) src(%dma_wait3A_19 : memref<80x128xf32, #tpu.memory_space<hbm>>) dst(%arg8 : memref<80x128xf32, #tpu.memory_space<vmem>>)
      tpu.yield
    }) : () -> ()
    "tpu.region"() ({
      %run_scoped3A_9 = tpu.sem_alloc : memref<!tpu.dma_semaphore, #tpu.memory_space<semaphore_mem>>
      %dma_start3A = arith.constant 0 : i32
      %dma_start3A_10 = arith.constant 0 : i32
      %dma_start3A_11 = tpu.memref_slice %arg4[%dma_start3A, %dma_start3A_10] : memref<10000x128xf32, #tpu.memory_space<hbm>> -> memref<80x128xf32, #tpu.memory_space<hbm>>
      %dma_start3A_12 = arith.constant 0 : i32
      %dma_start3A_13 = arith.constant 0 : i32
      %dma_start3A_14 = tpu.memref_slice %arg4[%dma_start3A_12, %dma_start3A_13] : memref<10000x128xf32, #tpu.memory_space<hbm>> -> memref<80x128xf32, #tpu.memory_space<hbm>>
      tpu.enqueue_dma source(%dma_start3A_14 : memref<80x128xf32, #tpu.memory_space<hbm>>) target(%arg9 : memref<80x128xf32, #tpu.memory_space<vmem>>) target_semaphore(%run_scoped3A_9 : memref<!tpu.dma_semaphore, #tpu.memory_space<semaphore_mem>>)
      %dma_wait3A = arith.constant 0 : i32
      %dma_wait3A_15 = arith.constant 0 : i32
      %dma_wait3A_16 = tpu.memref_slice %arg4[%dma_wait3A, %dma_wait3A_15] : memref<10000x128xf32, #tpu.memory_space<hbm>> -> memref<80x128xf32, #tpu.memory_space<hbm>>
      %dma_wait3A_17 = arith.constant 0 : i32
      %dma_wait3A_18 = arith.constant 0 : i32
      %dma_wait3A_19 = tpu.memref_slice %arg4[%dma_wait3A_17, %dma_wait3A_18] : memref<10000x128xf32, #tpu.memory_space<hbm>> -> memref<80x128xf32, #tpu.memory_space<hbm>>
      tpu.wait_dma2 semaphore(%run_scoped3A_9 : memref<!tpu.dma_semaphore, #tpu.memory_space<semaphore_mem>>) src(%dma_wait3A_19 : memref<80x128xf32, #tpu.memory_space<hbm>>) dst(%arg9 : memref<80x128xf32, #tpu.memory_space<vmem>>)
      tpu.yield
    }) : () -> ()
    %broadcast_in_dim3A = arith.constant 1.000000e+00 : f32
    %broadcast_in_dim3A_3 = vector.broadcast %broadcast_in_dim3A : f32 to vector<16xf32>
    %scan3A = arith.constant 0 : i32
    %scan3A_4 = arith.constant 625 : i32
    %scan3A_5 = arith.addi %scan3A, %scan3A_4 : i32
    %scan3A_6 = arith.constant 1 : i32
    scf.for %scan3A_9 = %scan3A to %scan3A_5 step %scan3A_6  : i32 {
      %mul3A_10 = arith.constant 1 : i32
      %mul3A_11 = arith.muli %scan3A_9, %mul3A_10 : i32
      %add3A_12 = arith.constant 0 : i32
      %add3A_13 = arith.addi %add3A_12, %mul3A_11 : i32
      %mul3A_14 = arith.constant 16 : i32
      %mul3A_15 = arith.muli %add3A_13, %mul3A_14 : i32
      %get3A = arith.index_cast %mul3A_15 : i32 to index
      %get3A_16 = tpu.vector_load %arg6[%get3A] {strides = array<i32>} : memref<10000xi32, #tpu.memory_space<vmem>>, vector<16xi32>,
      %shift_right_arithmetic3A = arith.constant 7 : i32
      %shift_right_arithmetic3A_17 = vector.broadcast %shift_right_arithmetic3A : i32 to vector<16xi32>
      %shift_right_arithmetic3A_18 = arith.shrsi %get3A_16, %shift_right_arithmetic3A_17 : vector<16xi32>
      %and3A = arith.constant 127 : i32
      %and3A_19 = vector.broadcast %and3A : i32 to vector<16xi32>
      %and3A_20 = arith.andi %get3A_16, %and3A_19 : vector<16xi32>
      tpu.vector_store_idx %arg8[%shift_right_arithmetic3A_18, %and3A_20], %broadcast_in_dim3A_3 {add = true} : memref<80x128xf32, #tpu.memory_space<vmem>>[vector<16xi32>, vector<16xi32>], vector<16xf32>,
      %mul3A_21 = arith.constant 16 : i32
      %mul3A_22 = arith.muli %add3A_13, %mul3A_21 : i32
      %get3A_23 = arith.index_cast %mul3A_22 : i32 to index
      %get3A_24 = tpu.vector_load %arg7[%get3A_23] {strides = array<i32>} : memref<10000xi32, #tpu.memory_space<vmem>>, vector<16xi32>,
      %shift_right_arithmetic3A_25 = arith.constant 7 : i32
      %shift_right_arithmetic3A_26 = vector.broadcast %shift_right_arithmetic3A_25 : i32 to vector<16xi32>
      %shift_right_arithmetic3A_27 = arith.shrsi %get3A_24, %shift_right_arithmetic3A_26 : vector<16xi32>
      %and3A_28 = arith.constant 127 : i32
      %and3A_29 = vector.broadcast %and3A_28 : i32 to vector<16xi32>
      %and3A_30 = arith.andi %get3A_24, %and3A_29 : vector<16xi32>
      tpu.vector_store_idx %arg9[%shift_right_arithmetic3A_27, %and3A_30], %broadcast_in_dim3A_3 {add = true} : memref<80x128xf32, #tpu.memory_space<vmem>>[vector<16xi32>, vector<16xi32>], vector<16xf32>,
    }
    %scan3A_7 = arith.constant 625 : i32
    %run_scoped3A = arith.constant 0 : i32
    "tpu.region"() ({
      %run_scoped3A_9 = tpu.sem_alloc : memref<!tpu.dma_semaphore, #tpu.memory_space<semaphore_mem>>
      %dma_start3A = arith.constant 0 : i32
      %dma_start3A_10 = arith.constant 0 : i32
      %dma_start3A_11 = tpu.memref_slice %arg5[%arg0, %arg1, %run_scoped3A, %dma_start3A, %dma_start3A_10] : memref<2x16x2x80x128xf32, #tpu.memory_space<hbm>> -> memref<1x1x1x80x128xf32, #tpu.memory_space<hbm>>
      %dma_start3A_12 = tpu.memref_squeeze %dma_start3A_11 : memref<1x1x1x80x128xf32, #tpu.memory_space<hbm>> -> memref<80x128xf32, #tpu.memory_space<hbm>>
      %dma_start3A_13 = arith.constant 0 : i32
      %dma_start3A_14 = arith.constant 0 : i32
      %dma_start3A_15 = tpu.memref_slice %arg5[%arg0, %arg1, %run_scoped3A, %dma_start3A_13, %dma_start3A_14] : memref<2x16x2x80x128xf32, #tpu.memory_space<hbm>> -> memref<1x1x1x80x128xf32, #tpu.memory_space<hbm>>
      %dma_start3A_16 = tpu.memref_squeeze %dma_start3A_15 : memref<1x1x1x80x128xf32, #tpu.memory_space<hbm>> -> memref<80x128xf32, #tpu.memory_space<hbm>>
      tpu.enqueue_dma source(%arg8 : memref<80x128xf32, #tpu.memory_space<vmem>>) target(%dma_start3A_16 : memref<80x128xf32, #tpu.memory_space<hbm>>) target_semaphore(%run_scoped3A_9 : memref<!tpu.dma_semaphore, #tpu.memory_space<semaphore_mem>>)
      %dma_wait3A = arith.constant 0 : i32
      %dma_wait3A_17 = arith.constant 0 : i32
      %dma_wait3A_18 = tpu.memref_slice %arg5[%arg0, %arg1, %run_scoped3A, %dma_wait3A, %dma_wait3A_17] : memref<2x16x2x80x128xf32, #tpu.memory_space<hbm>> -> memref<1x1x1x80x128xf32, #tpu.memory_space<hbm>>
      %dma_wait3A_19 = tpu.memref_squeeze %dma_wait3A_18 : memref<1x1x1x80x128xf32, #tpu.memory_space<hbm>> -> memref<80x128xf32, #tpu.memory_space<hbm>>
      %dma_wait3A_20 = arith.constant 0 : i32
      %dma_wait3A_21 = arith.constant 0 : i32
      %dma_wait3A_22 = tpu.memref_slice %arg5[%arg0, %arg1, %run_scoped3A, %dma_wait3A_20, %dma_wait3A_21] : memref<2x16x2x80x128xf32, #tpu.memory_space<hbm>> -> memref<1x1x1x80x128xf32, #tpu.memory_space<hbm>>
      %dma_wait3A_23 = tpu.memref_squeeze %dma_wait3A_22 : memref<1x1x1x80x128xf32, #tpu.memory_space<hbm>> -> memref<80x128xf32, #tpu.memory_space<hbm>>
      tpu.wait_dma2 semaphore(%run_scoped3A_9 : memref<!tpu.dma_semaphore, #tpu.memory_space<semaphore_mem>>) src(%arg8 : memref<80x128xf32, #tpu.memory_space<vmem>>) dst(%dma_wait3A_23 : memref<80x128xf32, #tpu.memory_space<hbm>>)
      tpu.yield
    }) : () -> ()
    %run_scoped3A_8 = arith.constant 1 : i32
    "tpu.region"() ({
      %run_scoped3A_9 = tpu.sem_alloc : memref<!tpu.dma_semaphore, #tpu.memory_space<semaphore_mem>>
      %dma_start3A = arith.constant 0 : i32
      %dma_start3A_10 = arith.constant 0 : i32
      %dma_start3A_11 = tpu.memref_slice %arg5[%arg0, %arg1, %run_scoped3A_8, %dma_start3A, %dma_start3A_10] : memref<2x16x2x80x128xf32, #tpu.memory_space<hbm>> -> memref<1x1x1x80x128xf32, #tpu.memory_space<hbm>>
      %dma_start3A_12 = tpu.memref_squeeze %dma_start3A_11 : memref<1x1x1x80x128xf32, #tpu.memory_space<hbm>> -> memref<80x128xf32, #tpu.memory_space<hbm>>
      %dma_start3A_13 = arith.constant 0 : i32
      %dma_start3A_14 = arith.constant 0 : i32
      %dma_start3A_15 = tpu.memref_slice %arg5[%arg0, %arg1, %run_scoped3A_8, %dma_start3A_13, %dma_start3A_14] : memref<2x16x2x80x128xf32, #tpu.memory_space<hbm>> -> memref<1x1x1x80x128xf32, #tpu.memory_space<hbm>>
      %dma_start3A_16 = tpu.memref_squeeze %dma_start3A_15 : memref<1x1x1x80x128xf32, #tpu.memory_space<hbm>> -> memref<80x128xf32, #tpu.memory_space<hbm>>
      tpu.enqueue_dma source(%arg9 : memref<80x128xf32, #tpu.memory_space<vmem>>) target(%dma_start3A_16 : memref<80x128xf32, #tpu.memory_space<hbm>>) target_semaphore(%run_scoped3A_9 : memref<!tpu.dma_semaphore, #tpu.memory_space<semaphore_mem>>)
      %dma_wait3A = arith.constant 0 : i32
      %dma_wait3A_17 = arith.constant 0 : i32
      %dma_wait3A_18 = tpu.memref_slice %arg5[%arg0, %arg1, %run_scoped3A_8, %dma_wait3A, %dma_wait3A_17] : memref<2x16x2x80x128xf32, #tpu.memory_space<hbm>> -> memref<1x1x1x80x128xf32, #tpu.memory_space<hbm>>
      %dma_wait3A_19 = tpu.memref_squeeze %dma_wait3A_18 : memref<1x1x1x80x128xf32, #tpu.memory_space<hbm>> -> memref<80x128xf32, #tpu.memory_space<hbm>>
      %dma_wait3A_20 = arith.constant 0 : i32
      %dma_wait3A_21 = arith.constant 0 : i32
      %dma_wait3A_22 = tpu.memref_slice %arg5[%arg0, %arg1, %run_scoped3A_8, %dma_wait3A_20, %dma_wait3A_21] : memref<2x16x2x80x128xf32, #tpu.memory_space<hbm>> -> memref<1x1x1x80x128xf32, #tpu.memory_space<hbm>>
      %dma_wait3A_23 = tpu.memref_squeeze %dma_wait3A_22 : memref<1x1x1x80x128xf32, #tpu.memory_space<hbm>> -> memref<80x128xf32, #tpu.memory_space<hbm>>
      tpu.wait_dma2 semaphore(%run_scoped3A_9 : memref<!tpu.dma_semaphore, #tpu.memory_space<semaphore_mem>>) src(%arg9 : memref<80x128xf32, #tpu.memory_space<vmem>>) dst(%dma_wait3A_23 : memref<80x128xf32, #tpu.memory_space<hbm>>)
      tpu.yield
    }) : () -> ()
    return
  }
}

#map = affine_map<(d0, d1) -> (0, 0)>
#map1 = affine_map<(d0, d1) -> (0)>
#map2 = affine_map<(d0, d1) -> (0, 0, 0)>
module attributes {stable_mosaic.version = 14 : i64} {
  func.func @seg(%arg0: i32, %arg1: i32, %arg2: memref<10000x128xf32, #tpu.memory_space<hbm>>, %arg3: memref<320000xi32, #tpu.memory_space<hbm>>, %arg4: memref<320000xi32, #tpu.memory_space<hbm>>, %arg5: memref<10000x128xf32, #tpu.memory_space<hbm>>, %arg6: memref<2x10000x128xf32, #tpu.memory_space<hbm>>, %arg7: memref<10000x128xf32, #tpu.memory_space<vmem_shared>>, %arg8: memref<10000xi32, #tpu.memory_space<vmem>>, %arg9: memref<104xi32, #tpu.memory_space<vmem>>, %arg10: memref<104xi32, #tpu.memory_space<vmem>>, %arg11: memref<104xi32, #tpu.memory_space<vmem>>, %arg12: memref<104x128xf32, #tpu.memory_space<vmem>>, %arg13: memref<104x128xf32, #tpu.memory_space<vmem>>, %arg14: memref<104x128xf32, #tpu.memory_space<vmem>>, %arg15: memref<16xi32, #tpu.memory_space<vmem>>, %arg16: memref<!tpu.dma_semaphore, #tpu.memory_space<semaphore_mem>>, %arg17: memref<!tpu.dma_semaphore, #tpu.memory_space<semaphore_mem>>, %arg18: memref<!tpu.dma_semaphore, #tpu.memory_space<semaphore_mem>>, %arg19: memref<!tpu.dma_semaphore, #tpu.memory_space<semaphore_mem>>, %arg20: memref<!tpu.dma_semaphore, #tpu.memory_space<semaphore_mem>>, %arg21: memref<!tpu.dma_semaphore, #tpu.memory_space<semaphore_mem>>, %arg22: memref<!tpu.dma_semaphore, #tpu.memory_space<semaphore_mem>>, %arg23: memref<!tpu.dma_semaphore, #tpu.memory_space<semaphore_mem>>, %arg24: memref<!tpu.dma_semaphore, #tpu.memory_space<semaphore_mem>>) attributes {dimension_semantics = [#tpu.dimension_semantics<core_parallel>, #tpu.dimension_semantics<subcore_parallel>], iteration_bounds = array<i64: 2, 16>, scalar_prefetch = 0 : i64, scratch_operands = 18 : i64, tpu.core_type = #tpu.core_type<sc_vector_subcore>, window_params = [{transform_indices = #map}, {transform_indices = #map1}, {transform_indices = #map1}, {transform_indices = #map}, {transform_indices = #map2}]} {
    %mul3A = arith.constant 16 : i32
    %mul3A_0 = arith.muli %arg0, %mul3A : i32
    %add3A = arith.addi %mul3A_0, %arg1 : i32
    %mul3A_1 = arith.constant 10000 : i32
    %mul3A_2 = arith.muli %add3A, %mul3A_1 : i32
    %mul3A_3 = arith.constant 624 : i32
    %mul3A_4 = arith.muli %arg1, %mul3A_3 : i32
    %dma_start3A = tpu.memref_slice %arg3[%mul3A_2] : memref<320000xi32, #tpu.memory_space<hbm>> -> memref<10000xi32, #tpu.memory_space<hbm>>
    %dma_start3A_5 = tpu.memref_slice %arg3[%mul3A_2] : memref<320000xi32, #tpu.memory_space<hbm>> -> memref<10000xi32, #tpu.memory_space<hbm>>
    tpu.enqueue_dma source(%dma_start3A_5 : memref<10000xi32, #tpu.memory_space<hbm>>) target(%arg8 : memref<10000xi32, #tpu.memory_space<vmem>>) target_semaphore(%arg16 : memref<!tpu.dma_semaphore, #tpu.memory_space<semaphore_mem>>)
    %dma_start3A_6 = arith.constant 0 : i32
    %dma_start3A_7 = tpu.memref_slice %arg7[%mul3A_4, %dma_start3A_6] : memref<10000x128xf32, #tpu.memory_space<vmem_shared>> -> memref<624x128xf32, #tpu.memory_space<vmem_shared>>
    %dma_start3A_8 = arith.constant 0 : i32
    %dma_start3A_9 = tpu.memref_slice %arg5[%mul3A_4, %dma_start3A_8] : memref<10000x128xf32, #tpu.memory_space<hbm>> -> memref<624x128xf32, #tpu.memory_space<hbm>>
    tpu.enqueue_dma source(%dma_start3A_9 : memref<624x128xf32, #tpu.memory_space<hbm>>) target(%dma_start3A_7 : memref<624x128xf32, #tpu.memory_space<vmem_shared>>) target_semaphore(%arg19 : memref<!tpu.dma_semaphore, #tpu.memory_space<semaphore_mem>>)
    %eq3A = arith.constant 0 : i32
    %eq3A_10 = arith.cmpi eq, %arg1, %eq3A : i32
    %convert_element_type3A = arith.extui %eq3A_10 : i1 to i32
    %cond3A = arith.constant 0 : i32
    %cond3A_11 = arith.cmpi ne, %convert_element_type3A, %cond3A : i32
    scf.if %cond3A_11 {
      %dma_start3A_72 = arith.constant 9984 : i32
      %dma_start3A_73 = arith.constant 0 : i32
      %dma_start3A_74 = tpu.memref_slice %arg7[%dma_start3A_72, %dma_start3A_73] : memref<10000x128xf32, #tpu.memory_space<vmem_shared>> -> memref<16x128xf32, #tpu.memory_space<vmem_shared>>
      %dma_start3A_75 = arith.constant 9984 : i32
      %dma_start3A_76 = arith.constant 0 : i32
      %dma_start3A_77 = tpu.memref_slice %arg5[%dma_start3A_75, %dma_start3A_76] : memref<10000x128xf32, #tpu.memory_space<hbm>> -> memref<16x128xf32, #tpu.memory_space<hbm>>
      tpu.enqueue_dma source(%dma_start3A_77 : memref<16x128xf32, #tpu.memory_space<hbm>>) target(%dma_start3A_74 : memref<16x128xf32, #tpu.memory_space<vmem_shared>>) target_semaphore(%arg20 : memref<!tpu.dma_semaphore, #tpu.memory_space<semaphore_mem>>)
      %dma_wait3A_78 = arith.constant 9984 : i32
      %dma_wait3A_79 = arith.constant 0 : i32
      %dma_wait3A_80 = tpu.memref_slice %arg7[%dma_wait3A_78, %dma_wait3A_79] : memref<10000x128xf32, #tpu.memory_space<vmem_shared>> -> memref<16x128xf32, #tpu.memory_space<vmem_shared>>
      %dma_wait3A_81 = arith.constant 9984 : i32
      %dma_wait3A_82 = arith.constant 0 : i32
      %dma_wait3A_83 = tpu.memref_slice %arg5[%dma_wait3A_81, %dma_wait3A_82] : memref<10000x128xf32, #tpu.memory_space<hbm>> -> memref<16x128xf32, #tpu.memory_space<hbm>>
      tpu.wait_dma2 semaphore(%arg20 : memref<!tpu.dma_semaphore, #tpu.memory_space<semaphore_mem>>) src(%dma_wait3A_83 : memref<16x128xf32, #tpu.memory_space<hbm>>) dst(%dma_wait3A_80 : memref<16x128xf32, #tpu.memory_space<vmem_shared>>)
    } else {
    }
    %dma_wait3A = tpu.memref_slice %arg3[%mul3A_2] : memref<320000xi32, #tpu.memory_space<hbm>> -> memref<10000xi32, #tpu.memory_space<hbm>>
    %dma_wait3A_12 = tpu.memref_slice %arg3[%mul3A_2] : memref<320000xi32, #tpu.memory_space<hbm>> -> memref<10000xi32, #tpu.memory_space<hbm>>
    tpu.wait_dma2 semaphore(%arg16 : memref<!tpu.dma_semaphore, #tpu.memory_space<semaphore_mem>>) src(%dma_wait3A_12 : memref<10000xi32, #tpu.memory_space<hbm>>) dst(%arg8 : memref<10000xi32, #tpu.memory_space<vmem>>)
    %dma_wait3A_13 = arith.constant 0 : i32
    %dma_wait3A_14 = tpu.memref_slice %arg7[%mul3A_4, %dma_wait3A_13] : memref<10000x128xf32, #tpu.memory_space<vmem_shared>> -> memref<624x128xf32, #tpu.memory_space<vmem_shared>>
    %dma_wait3A_15 = arith.constant 0 : i32
    %dma_wait3A_16 = tpu.memref_slice %arg5[%mul3A_4, %dma_wait3A_15] : memref<10000x128xf32, #tpu.memory_space<hbm>> -> memref<624x128xf32, #tpu.memory_space<hbm>>
    tpu.wait_dma2 semaphore(%arg19 : memref<!tpu.dma_semaphore, #tpu.memory_space<semaphore_mem>>) src(%dma_wait3A_16 : memref<624x128xf32, #tpu.memory_space<hbm>>) dst(%dma_wait3A_14 : memref<624x128xf32, #tpu.memory_space<vmem_shared>>)
    %barrier3A = arith.constant 0 : index
    tpu.barrier barrier_id(%barrier3A)
    %add3A_17 = arith.constant 0 : i32
    %add3A_18 = arith.addi %mul3A_2, %add3A_17 : i32
    %dma_start3A_19 = tpu.memref_slice %arg4[%add3A_18] : memref<320000xi32, #tpu.memory_space<hbm>> -> memref<104xi32, #tpu.memory_space<hbm>>
    %dma_start3A_20 = tpu.memref_slice %arg4[%add3A_18] : memref<320000xi32, #tpu.memory_space<hbm>> -> memref<104xi32, #tpu.memory_space<hbm>>
    tpu.enqueue_dma source(%dma_start3A_20 : memref<104xi32, #tpu.memory_space<hbm>>) target(%arg9 : memref<104xi32, #tpu.memory_space<vmem>>) target_semaphore(%arg16 : memref<!tpu.dma_semaphore, #tpu.memory_space<semaphore_mem>>)
    %dma_start3A_21 = arith.constant 0 : i32
    %dma_start3A_22 = tpu.memref_slice %arg8[%dma_start3A_21] : memref<10000xi32, #tpu.memory_space<vmem>> -> memref<104xi32, #tpu.memory_space<vmem>>
    %dma_start3A_23 = arith.constant 0 : i32
    %dma_start3A_24 = arith.constant 0 : i32
    %dma_start3A_25 = tpu.memref_slice %arg2[%dma_start3A_23, %dma_start3A_24] : memref<10000x128xf32, #tpu.memory_space<hbm>> -> memref<10000x128xf32, #tpu.memory_space<hbm>>
    tpu.enqueue_indirect_dma source(%dma_start3A_25 : memref<10000x128xf32, #tpu.memory_space<hbm>>) target(%arg12 : memref<104x128xf32, #tpu.memory_space<vmem>>) offsets(%dma_start3A_22 : memref<104xi32, #tpu.memory_space<vmem>>) semaphore(%arg19 : memref<!tpu.dma_semaphore, #tpu.memory_space<semaphore_mem>>)
    %add3A_26 = arith.constant 104 : i32
    %add3A_27 = arith.addi %mul3A_2, %add3A_26 : i32
    %dma_start3A_28 = tpu.memref_slice %arg4[%add3A_27] : memref<320000xi32, #tpu.memory_space<hbm>> -> memref<104xi32, #tpu.memory_space<hbm>>
    %dma_start3A_29 = tpu.memref_slice %arg4[%add3A_27] : memref<320000xi32, #tpu.memory_space<hbm>> -> memref<104xi32, #tpu.memory_space<hbm>>
    tpu.enqueue_dma source(%dma_start3A_29 : memref<104xi32, #tpu.memory_space<hbm>>) target(%arg10 : memref<104xi32, #tpu.memory_space<vmem>>) target_semaphore(%arg17 : memref<!tpu.dma_semaphore, #tpu.memory_space<semaphore_mem>>)
    %dma_start3A_30 = arith.constant 104 : i32
    %dma_start3A_31 = tpu.memref_slice %arg8[%dma_start3A_30] : memref<10000xi32, #tpu.memory_space<vmem>> -> memref<104xi32, #tpu.memory_space<vmem>>
    %dma_start3A_32 = arith.constant 0 : i32
    %dma_start3A_33 = arith.constant 0 : i32
    %dma_start3A_34 = tpu.memref_slice %arg2[%dma_start3A_32, %dma_start3A_33] : memref<10000x128xf32, #tpu.memory_space<hbm>> -> memref<10000x128xf32, #tpu.memory_space<hbm>>
    tpu.enqueue_indirect_dma source(%dma_start3A_34 : memref<10000x128xf32, #tpu.memory_space<hbm>>) target(%arg13 : memref<104x128xf32, #tpu.memory_space<vmem>>) offsets(%dma_start3A_31 : memref<104xi32, #tpu.memory_space<vmem>>) semaphore(%arg20 : memref<!tpu.dma_semaphore, #tpu.memory_space<semaphore_mem>>)
    %add3A_35 = arith.constant 208 : i32
    %add3A_36 = arith.addi %mul3A_2, %add3A_35 : i32
    %dma_start3A_37 = tpu.memref_slice %arg4[%add3A_36] : memref<320000xi32, #tpu.memory_space<hbm>> -> memref<104xi32, #tpu.memory_space<hbm>>
    %dma_start3A_38 = tpu.memref_slice %arg4[%add3A_36] : memref<320000xi32, #tpu.memory_space<hbm>> -> memref<104xi32, #tpu.memory_space<hbm>>
    tpu.enqueue_dma source(%dma_start3A_38 : memref<104xi32, #tpu.memory_space<hbm>>) target(%arg11 : memref<104xi32, #tpu.memory_space<vmem>>) target_semaphore(%arg18 : memref<!tpu.dma_semaphore, #tpu.memory_space<semaphore_mem>>)
    %dma_start3A_39 = arith.constant 208 : i32
    %dma_start3A_40 = tpu.memref_slice %arg8[%dma_start3A_39] : memref<10000xi32, #tpu.memory_space<vmem>> -> memref<104xi32, #tpu.memory_space<vmem>>
    %dma_start3A_41 = arith.constant 0 : i32
    %dma_start3A_42 = arith.constant 0 : i32
    %dma_start3A_43 = tpu.memref_slice %arg2[%dma_start3A_41, %dma_start3A_42] : memref<10000x128xf32, #tpu.memory_space<hbm>> -> memref<10000x128xf32, #tpu.memory_space<hbm>>
    tpu.enqueue_indirect_dma source(%dma_start3A_43 : memref<10000x128xf32, #tpu.memory_space<hbm>>) target(%arg14 : memref<104x128xf32, #tpu.memory_space<vmem>>) offsets(%dma_start3A_40 : memref<104xi32, #tpu.memory_space<vmem>>) semaphore(%arg21 : memref<!tpu.dma_semaphore, #tpu.memory_space<semaphore_mem>>)
    %scan3A = arith.constant 0 : i32
    %scan3A_44 = arith.constant 32 : i32
    %scan3A_45 = arith.addi %scan3A, %scan3A_44 : i32
    %scan3A_46 = arith.constant 1 : i32
    scf.for %scan3A_72 = %scan3A to %scan3A_45 step %scan3A_46  : i32 {
      %mul3A_73 = arith.constant 3 : i32
      %mul3A_74 = arith.muli %scan3A_72, %mul3A_73 : i32
      %add3A_75 = arith.constant 0 : i32
      %add3A_76 = arith.addi %add3A_75, %mul3A_74 : i32
      %dma_wait3A_77 = tpu.memref_slice %arg4[%mul3A_2] : memref<320000xi32, #tpu.memory_space<hbm>> -> memref<104xi32, #tpu.memory_space<hbm>>
      %dma_wait3A_78 = tpu.memref_slice %arg4[%mul3A_2] : memref<320000xi32, #tpu.memory_space<hbm>> -> memref<104xi32, #tpu.memory_space<hbm>>
      tpu.wait_dma2 semaphore(%arg16 : memref<!tpu.dma_semaphore, #tpu.memory_space<semaphore_mem>>) src(%dma_wait3A_78 : memref<104xi32, #tpu.memory_space<hbm>>) dst(%arg9 : memref<104xi32, #tpu.memory_space<vmem>>)
      %dma_wait3A_79 = arith.constant 0 : i32
      %dma_wait3A_80 = arith.constant 0 : i32
      %dma_wait3A_81 = tpu.memref_slice %arg5[%dma_wait3A_79, %dma_wait3A_80] : memref<10000x128xf32, #tpu.memory_space<hbm>> -> memref<104x128xf32, #tpu.memory_space<hbm>>
      %dma_wait3A_82 = arith.constant 0 : i32
      %dma_wait3A_83 = arith.constant 0 : i32
      %dma_wait3A_84 = tpu.memref_slice %arg5[%dma_wait3A_82, %dma_wait3A_83] : memref<10000x128xf32, #tpu.memory_space<hbm>> -> memref<104x128xf32, #tpu.memory_space<hbm>>
      tpu.wait_dma2 semaphore(%arg19 : memref<!tpu.dma_semaphore, #tpu.memory_space<semaphore_mem>>) src(%dma_wait3A_84 : memref<104x128xf32, #tpu.memory_space<hbm>>) dst(%arg12 : memref<104x128xf32, #tpu.memory_space<vmem>>)
      %dma_start3A_85 = arith.constant 0 : i32
      %dma_start3A_86 = arith.constant 0 : i32
      %dma_start3A_87 = tpu.memref_slice %arg7[%dma_start3A_85, %dma_start3A_86] : memref<10000x128xf32, #tpu.memory_space<vmem_shared>> -> memref<10000x128xf32, #tpu.memory_space<vmem_shared>>
      tpu.enqueue_indirect_dma source(%arg12 : memref<104x128xf32, #tpu.memory_space<vmem>>) target(%dma_start3A_87 : memref<10000x128xf32, #tpu.memory_space<vmem_shared>>) offsets(%arg9 : memref<104xi32, #tpu.memory_space<vmem>>) semaphore(%arg22 : memref<!tpu.dma_semaphore, #tpu.memory_space<semaphore_mem>>) {add = true}
      %dma_wait3A_88 = tpu.memref_slice %arg4[%mul3A_2] : memref<320000xi32, #tpu.memory_space<hbm>> -> memref<104xi32, #tpu.memory_space<hbm>>
      %dma_wait3A_89 = tpu.memref_slice %arg4[%mul3A_2] : memref<320000xi32, #tpu.memory_space<hbm>> -> memref<104xi32, #tpu.memory_space<hbm>>
      tpu.wait_dma2 semaphore(%arg17 : memref<!tpu.dma_semaphore, #tpu.memory_space<semaphore_mem>>) src(%dma_wait3A_89 : memref<104xi32, #tpu.memory_space<hbm>>) dst(%arg10 : memref<104xi32, #tpu.memory_space<vmem>>)
      %dma_wait3A_90 = arith.constant 0 : i32
      %dma_wait3A_91 = arith.constant 0 : i32
      %dma_wait3A_92 = tpu.memref_slice %arg5[%dma_wait3A_90, %dma_wait3A_91] : memref<10000x128xf32, #tpu.memory_space<hbm>> -> memref<104x128xf32, #tpu.memory_space<hbm>>
      %dma_wait3A_93 = arith.constant 0 : i32
      %dma_wait3A_94 = arith.constant 0 : i32
      %dma_wait3A_95 = tpu.memref_slice %arg5[%dma_wait3A_93, %dma_wait3A_94] : memref<10000x128xf32, #tpu.memory_space<hbm>> -> memref<104x128xf32, #tpu.memory_space<hbm>>
      tpu.wait_dma2 semaphore(%arg20 : memref<!tpu.dma_semaphore, #tpu.memory_space<semaphore_mem>>) src(%dma_wait3A_95 : memref<104x128xf32, #tpu.memory_space<hbm>>) dst(%arg13 : memref<104x128xf32, #tpu.memory_space<vmem>>)
      %dma_start3A_96 = arith.constant 0 : i32
      %dma_start3A_97 = arith.constant 0 : i32
      %dma_start3A_98 = tpu.memref_slice %arg7[%dma_start3A_96, %dma_start3A_97] : memref<10000x128xf32, #tpu.memory_space<vmem_shared>> -> memref<10000x128xf32, #tpu.memory_space<vmem_shared>>
      tpu.enqueue_indirect_dma source(%arg13 : memref<104x128xf32, #tpu.memory_space<vmem>>) target(%dma_start3A_98 : memref<10000x128xf32, #tpu.memory_space<vmem_shared>>) offsets(%arg10 : memref<104xi32, #tpu.memory_space<vmem>>) semaphore(%arg23 : memref<!tpu.dma_semaphore, #tpu.memory_space<semaphore_mem>>) {add = true}
      %dma_wait3A_99 = tpu.memref_slice %arg4[%mul3A_2] : memref<320000xi32, #tpu.memory_space<hbm>> -> memref<104xi32, #tpu.memory_space<hbm>>
      %dma_wait3A_100 = tpu.memref_slice %arg4[%mul3A_2] : memref<320000xi32, #tpu.memory_space<hbm>> -> memref<104xi32, #tpu.memory_space<hbm>>
      tpu.wait_dma2 semaphore(%arg18 : memref<!tpu.dma_semaphore, #tpu.memory_space<semaphore_mem>>) src(%dma_wait3A_100 : memref<104xi32, #tpu.memory_space<hbm>>) dst(%arg11 : memref<104xi32, #tpu.memory_space<vmem>>)
      %dma_wait3A_101 = arith.constant 0 : i32
      %dma_wait3A_102 = arith.constant 0 : i32
      %dma_wait3A_103 = tpu.memref_slice %arg5[%dma_wait3A_101, %dma_wait3A_102] : memref<10000x128xf32, #tpu.memory_space<hbm>> -> memref<104x128xf32, #tpu.memory_space<hbm>>
      %dma_wait3A_104 = arith.constant 0 : i32
      %dma_wait3A_105 = arith.constant 0 : i32
      %dma_wait3A_106 = tpu.memref_slice %arg5[%dma_wait3A_104, %dma_wait3A_105] : memref<10000x128xf32, #tpu.memory_space<hbm>> -> memref<104x128xf32, #tpu.memory_space<hbm>>
      tpu.wait_dma2 semaphore(%arg21 : memref<!tpu.dma_semaphore, #tpu.memory_space<semaphore_mem>>) src(%dma_wait3A_106 : memref<104x128xf32, #tpu.memory_space<hbm>>) dst(%arg14 : memref<104x128xf32, #tpu.memory_space<vmem>>)
      %dma_start3A_107 = arith.constant 0 : i32
      %dma_start3A_108 = arith.constant 0 : i32
      %dma_start3A_109 = tpu.memref_slice %arg7[%dma_start3A_107, %dma_start3A_108] : memref<10000x128xf32, #tpu.memory_space<vmem_shared>> -> memref<10000x128xf32, #tpu.memory_space<vmem_shared>>
      tpu.enqueue_indirect_dma source(%arg14 : memref<104x128xf32, #tpu.memory_space<vmem>>) target(%dma_start3A_109 : memref<10000x128xf32, #tpu.memory_space<vmem_shared>>) offsets(%arg11 : memref<104xi32, #tpu.memory_space<vmem>>) semaphore(%arg24 : memref<!tpu.dma_semaphore, #tpu.memory_space<semaphore_mem>>) {add = true}
      %dma_wait3A_110 = arith.constant 0 : i32
      %dma_wait3A_111 = arith.constant 0 : i32
      %dma_wait3A_112 = tpu.memref_slice %arg5[%dma_wait3A_110, %dma_wait3A_111] : memref<10000x128xf32, #tpu.memory_space<hbm>> -> memref<104x128xf32, #tpu.memory_space<hbm>>
      %dma_wait3A_113 = arith.constant 0 : i32
      %dma_wait3A_114 = arith.constant 0 : i32
      %dma_wait3A_115 = tpu.memref_slice %arg5[%dma_wait3A_113, %dma_wait3A_114] : memref<10000x128xf32, #tpu.memory_space<hbm>> -> memref<104x128xf32, #tpu.memory_space<hbm>>
      tpu.wait_dma2 semaphore(%arg22 : memref<!tpu.dma_semaphore, #tpu.memory_space<semaphore_mem>>) src(%dma_wait3A_115 : memref<104x128xf32, #tpu.memory_space<hbm>>) dst(%arg12 : memref<104x128xf32, #tpu.memory_space<vmem>>)
      %add3A_116 = arith.constant 0 : i32
      %add3A_117 = arith.addi %add3A_76, %add3A_116 : i32
      %add3A_118 = arith.constant 3 : i32
      %add3A_119 = arith.addi %add3A_117, %add3A_118 : i32
      %lt3A = arith.constant 96 : i32
      %lt3A_120 = arith.cmpi slt, %add3A_119, %lt3A : i32
      %convert_element_type3A_121 = arith.extui %lt3A_120 : i1 to i32
      %cond3A_122 = arith.constant 0 : i32
      %cond3A_123 = arith.cmpi ne, %convert_element_type3A_121, %cond3A_122 : i32
      scf.if %cond3A_123 {
        %add3A_154 = arith.constant 0 : i32
        %add3A_155 = arith.addi %add3A_76, %add3A_154 : i32
        %add3A_156 = arith.constant 3 : i32
        %add3A_157 = arith.addi %add3A_155, %add3A_156 : i32
        %mul3A_158 = arith.constant 104 : i32
        %mul3A_159 = arith.muli %add3A_157, %mul3A_158 : i32
        %add3A_160 = arith.addi %mul3A_2, %mul3A_159 : i32
        %dma_start3A_161 = tpu.memref_slice %arg4[%add3A_160] : memref<320000xi32, #tpu.memory_space<hbm>> -> memref<104xi32, #tpu.memory_space<hbm>>
        %dma_start3A_162 = tpu.memref_slice %arg4[%add3A_160] : memref<320000xi32, #tpu.memory_space<hbm>> -> memref<104xi32, #tpu.memory_space<hbm>>
        tpu.enqueue_dma source(%dma_start3A_162 : memref<104xi32, #tpu.memory_space<hbm>>) target(%arg9 : memref<104xi32, #tpu.memory_space<vmem>>) target_semaphore(%arg16 : memref<!tpu.dma_semaphore, #tpu.memory_space<semaphore_mem>>)
        %mul3A_163 = arith.constant 104 : i32
        %mul3A_164 = arith.muli %add3A_157, %mul3A_163 : i32
        %dma_start3A_165 = tpu.memref_slice %arg8[%mul3A_164] : memref<10000xi32, #tpu.memory_space<vmem>> -> memref<104xi32, #tpu.memory_space<vmem>>
        %dma_start3A_166 = arith.constant 0 : i32
        %dma_start3A_167 = arith.constant 0 : i32
        %dma_start3A_168 = tpu.memref_slice %arg2[%dma_start3A_166, %dma_start3A_167] : memref<10000x128xf32, #tpu.memory_space<hbm>> -> memref<10000x128xf32, #tpu.memory_space<hbm>>
        tpu.enqueue_indirect_dma source(%dma_start3A_168 : memref<10000x128xf32, #tpu.memory_space<hbm>>) target(%arg12 : memref<104x128xf32, #tpu.memory_space<vmem>>) offsets(%dma_start3A_165 : memref<104xi32, #tpu.memory_space<vmem>>) semaphore(%arg19 : memref<!tpu.dma_semaphore, #tpu.memory_space<semaphore_mem>>)
      } else {
      }
      %dma_wait3A_124 = arith.constant 0 : i32
      %dma_wait3A_125 = arith.constant 0 : i32
      %dma_wait3A_126 = tpu.memref_slice %arg5[%dma_wait3A_124, %dma_wait3A_125] : memref<10000x128xf32, #tpu.memory_space<hbm>> -> memref<104x128xf32, #tpu.memory_space<hbm>>
      %dma_wait3A_127 = arith.constant 0 : i32
      %dma_wait3A_128 = arith.constant 0 : i32
      %dma_wait3A_129 = tpu.memref_slice %arg5[%dma_wait3A_127, %dma_wait3A_128] : memref<10000x128xf32, #tpu.memory_space<hbm>> -> memref<104x128xf32, #tpu.memory_space<hbm>>
      tpu.wait_dma2 semaphore(%arg23 : memref<!tpu.dma_semaphore, #tpu.memory_space<semaphore_mem>>) src(%dma_wait3A_129 : memref<104x128xf32, #tpu.memory_space<hbm>>) dst(%arg13 : memref<104x128xf32, #tpu.memory_space<vmem>>)
      %add3A_130 = arith.constant 1 : i32
      %add3A_131 = arith.addi %add3A_76, %add3A_130 : i32
      %add3A_132 = arith.constant 3 : i32
      %add3A_133 = arith.addi %add3A_131, %add3A_132 : i32
      %lt3A_134 = arith.constant 96 : i32
      %lt3A_135 = arith.cmpi slt, %add3A_133, %lt3A_134 : i32
      %convert_element_type3A_136 = arith.extui %lt3A_135 : i1 to i32
      %cond3A_137 = arith.constant 0 : i32
      %cond3A_138 = arith.cmpi ne, %convert_element_type3A_136, %cond3A_137 : i32
      scf.if %cond3A_138 {
        %add3A_154 = arith.constant 1 : i32
        %add3A_155 = arith.addi %add3A_76, %add3A_154 : i32
        %add3A_156 = arith.constant 3 : i32
        %add3A_157 = arith.addi %add3A_155, %add3A_156 : i32
        %mul3A_158 = arith.constant 104 : i32
        %mul3A_159 = arith.muli %add3A_157, %mul3A_158 : i32
        %add3A_160 = arith.addi %mul3A_2, %mul3A_159 : i32
        %dma_start3A_161 = tpu.memref_slice %arg4[%add3A_160] : memref<320000xi32, #tpu.memory_space<hbm>> -> memref<104xi32, #tpu.memory_space<hbm>>
        %dma_start3A_162 = tpu.memref_slice %arg4[%add3A_160] : memref<320000xi32, #tpu.memory_space<hbm>> -> memref<104xi32, #tpu.memory_space<hbm>>
        tpu.enqueue_dma source(%dma_start3A_162 : memref<104xi32, #tpu.memory_space<hbm>>) target(%arg10 : memref<104xi32, #tpu.memory_space<vmem>>) target_semaphore(%arg17 : memref<!tpu.dma_semaphore, #tpu.memory_space<semaphore_mem>>)
        %mul3A_163 = arith.constant 104 : i32
        %mul3A_164 = arith.muli %add3A_157, %mul3A_163 : i32
        %dma_start3A_165 = tpu.memref_slice %arg8[%mul3A_164] : memref<10000xi32, #tpu.memory_space<vmem>> -> memref<104xi32, #tpu.memory_space<vmem>>
        %dma_start3A_166 = arith.constant 0 : i32
        %dma_start3A_167 = arith.constant 0 : i32
        %dma_start3A_168 = tpu.memref_slice %arg2[%dma_start3A_166, %dma_start3A_167] : memref<10000x128xf32, #tpu.memory_space<hbm>> -> memref<10000x128xf32, #tpu.memory_space<hbm>>
        tpu.enqueue_indirect_dma source(%dma_start3A_168 : memref<10000x128xf32, #tpu.memory_space<hbm>>) target(%arg13 : memref<104x128xf32, #tpu.memory_space<vmem>>) offsets(%dma_start3A_165 : memref<104xi32, #tpu.memory_space<vmem>>) semaphore(%arg20 : memref<!tpu.dma_semaphore, #tpu.memory_space<semaphore_mem>>)
      } else {
      }
      %dma_wait3A_139 = arith.constant 0 : i32
      %dma_wait3A_140 = arith.constant 0 : i32
      %dma_wait3A_141 = tpu.memref_slice %arg5[%dma_wait3A_139, %dma_wait3A_140] : memref<10000x128xf32, #tpu.memory_space<hbm>> -> memref<104x128xf32, #tpu.memory_space<hbm>>
      %dma_wait3A_142 = arith.constant 0 : i32
      %dma_wait3A_143 = arith.constant 0 : i32
      %dma_wait3A_144 = tpu.memref_slice %arg5[%dma_wait3A_142, %dma_wait3A_143] : memref<10000x128xf32, #tpu.memory_space<hbm>> -> memref<104x128xf32, #tpu.memory_space<hbm>>
      tpu.wait_dma2 semaphore(%arg24 : memref<!tpu.dma_semaphore, #tpu.memory_space<semaphore_mem>>) src(%dma_wait3A_144 : memref<104x128xf32, #tpu.memory_space<hbm>>) dst(%arg14 : memref<104x128xf32, #tpu.memory_space<vmem>>)
      %add3A_145 = arith.constant 2 : i32
      %add3A_146 = arith.addi %add3A_76, %add3A_145 : i32
      %add3A_147 = arith.constant 3 : i32
      %add3A_148 = arith.addi %add3A_146, %add3A_147 : i32
      %lt3A_149 = arith.constant 96 : i32
      %lt3A_150 = arith.cmpi slt, %add3A_148, %lt3A_149 : i32
      %convert_element_type3A_151 = arith.extui %lt3A_150 : i1 to i32
      %cond3A_152 = arith.constant 0 : i32
      %cond3A_153 = arith.cmpi ne, %convert_element_type3A_151, %cond3A_152 : i32
      scf.if %cond3A_153 {
        %add3A_154 = arith.constant 2 : i32
        %add3A_155 = arith.addi %add3A_76, %add3A_154 : i32
        %add3A_156 = arith.constant 3 : i32
        %add3A_157 = arith.addi %add3A_155, %add3A_156 : i32
        %mul3A_158 = arith.constant 104 : i32
        %mul3A_159 = arith.muli %add3A_157, %mul3A_158 : i32
        %add3A_160 = arith.addi %mul3A_2, %mul3A_159 : i32
        %dma_start3A_161 = tpu.memref_slice %arg4[%add3A_160] : memref<320000xi32, #tpu.memory_space<hbm>> -> memref<104xi32, #tpu.memory_space<hbm>>
        %dma_start3A_162 = tpu.memref_slice %arg4[%add3A_160] : memref<320000xi32, #tpu.memory_space<hbm>> -> memref<104xi32, #tpu.memory_space<hbm>>
        tpu.enqueue_dma source(%dma_start3A_162 : memref<104xi32, #tpu.memory_space<hbm>>) target(%arg11 : memref<104xi32, #tpu.memory_space<vmem>>) target_semaphore(%arg18 : memref<!tpu.dma_semaphore, #tpu.memory_space<semaphore_mem>>)
        %mul3A_163 = arith.constant 104 : i32
        %mul3A_164 = arith.muli %add3A_157, %mul3A_163 : i32
        %dma_start3A_165 = tpu.memref_slice %arg8[%mul3A_164] : memref<10000xi32, #tpu.memory_space<vmem>> -> memref<104xi32, #tpu.memory_space<vmem>>
        %dma_start3A_166 = arith.constant 0 : i32
        %dma_start3A_167 = arith.constant 0 : i32
        %dma_start3A_168 = tpu.memref_slice %arg2[%dma_start3A_166, %dma_start3A_167] : memref<10000x128xf32, #tpu.memory_space<hbm>> -> memref<10000x128xf32, #tpu.memory_space<hbm>>
        tpu.enqueue_indirect_dma source(%dma_start3A_168 : memref<10000x128xf32, #tpu.memory_space<hbm>>) target(%arg14 : memref<104x128xf32, #tpu.memory_space<vmem>>) offsets(%dma_start3A_165 : memref<104xi32, #tpu.memory_space<vmem>>) semaphore(%arg21 : memref<!tpu.dma_semaphore, #tpu.memory_space<semaphore_mem>>)
      } else {
      }
    }
    %scan3A_47 = arith.constant 32 : i32
    %add3A_48 = arith.constant 9984 : i32
    %add3A_49 = arith.addi %mul3A_2, %add3A_48 : i32
    "tpu.region"() ({
      %run_scoped3A = tpu.sem_alloc : memref<!tpu.dma_semaphore, #tpu.memory_space<semaphore_mem>>
      %dma_start3A_72 = tpu.memref_slice %arg4[%add3A_49] : memref<320000xi32, #tpu.memory_space<hbm>> -> memref<16xi32, #tpu.memory_space<hbm>>
      %dma_start3A_73 = tpu.memref_slice %arg4[%add3A_49] : memref<320000xi32, #tpu.memory_space<hbm>> -> memref<16xi32, #tpu.memory_space<hbm>>
      tpu.enqueue_dma source(%dma_start3A_73 : memref<16xi32, #tpu.memory_space<hbm>>) target(%arg15 : memref<16xi32, #tpu.memory_space<vmem>>) target_semaphore(%run_scoped3A : memref<!tpu.dma_semaphore, #tpu.memory_space<semaphore_mem>>)
      %dma_wait3A_74 = tpu.memref_slice %arg4[%add3A_49] : memref<320000xi32, #tpu.memory_space<hbm>> -> memref<16xi32, #tpu.memory_space<hbm>>
      %dma_wait3A_75 = tpu.memref_slice %arg4[%add3A_49] : memref<320000xi32, #tpu.memory_space<hbm>> -> memref<16xi32, #tpu.memory_space<hbm>>
      tpu.wait_dma2 semaphore(%run_scoped3A : memref<!tpu.dma_semaphore, #tpu.memory_space<semaphore_mem>>) src(%dma_wait3A_75 : memref<16xi32, #tpu.memory_space<hbm>>) dst(%arg15 : memref<16xi32, #tpu.memory_space<vmem>>)
      tpu.yield
    }) : () -> ()
    %dma_start3A_50 = arith.constant 0 : i32
    %dma_start3A_51 = arith.constant 0 : i32
    %dma_start3A_52 = tpu.memref_slice %arg12[%dma_start3A_50, %dma_start3A_51] : memref<104x128xf32, #tpu.memory_space<vmem>> -> memref<16x128xf32, #tpu.memory_space<vmem>>
    %dma_start3A_53 = arith.constant 9984 : i32
    %dma_start3A_54 = tpu.memref_slice %arg8[%dma_start3A_53] : memref<10000xi32, #tpu.memory_space<vmem>> -> memref<16xi32, #tpu.memory_space<vmem>>
    %dma_start3A_55 = arith.constant 0 : i32
    %dma_start3A_56 = arith.constant 0 : i32
    %dma_start3A_57 = tpu.memref_slice %arg2[%dma_start3A_55, %dma_start3A_56] : memref<10000x128xf32, #tpu.memory_space<hbm>> -> memref<10000x128xf32, #tpu.memory_space<hbm>>
    tpu.enqueue_indirect_dma source(%dma_start3A_57 : memref<10000x128xf32, #tpu.memory_space<hbm>>) target(%dma_start3A_52 : memref<16x128xf32, #tpu.memory_space<vmem>>) offsets(%dma_start3A_54 : memref<16xi32, #tpu.memory_space<vmem>>) semaphore(%arg19 : memref<!tpu.dma_semaphore, #tpu.memory_space<semaphore_mem>>)
    %dma_wait3A_58 = arith.constant 0 : i32
    %dma_wait3A_59 = arith.constant 0 : i32
    %dma_wait3A_60 = tpu.memref_slice %arg12[%dma_wait3A_58, %dma_wait3A_59] : memref<104x128xf32, #tpu.memory_space<vmem>> -> memref<16x128xf32, #tpu.memory_space<vmem>>
    %dma_wait3A_61 = arith.constant 9984 : i32
    %dma_wait3A_62 = tpu.memref_slice %arg8[%dma_wait3A_61] : memref<10000xi32, #tpu.memory_space<vmem>> -> memref<16xi32, #tpu.memory_space<vmem>>
    %dma_wait3A_63 = arith.constant 0 : i32
    %dma_wait3A_64 = arith.constant 0 : i32
    %dma_wait3A_65 = tpu.memref_slice %arg2[%dma_wait3A_63, %dma_wait3A_64] : memref<10000x128xf32, #tpu.memory_space<hbm>> -> memref<10000x128xf32, #tpu.memory_space<hbm>>
    tpu.wait_indirect_dma semaphore(%arg19 : memref<!tpu.dma_semaphore, #tpu.memory_space<semaphore_mem>>) src(%dma_wait3A_65 : memref<10000x128xf32, #tpu.memory_space<hbm>>) dst(%dma_wait3A_60 : memref<16x128xf32, #tpu.memory_space<vmem>>)
    "tpu.region"() ({
      %run_scoped3A = tpu.sem_alloc : memref<!tpu.dma_semaphore, #tpu.memory_space<semaphore_mem>>
      %dma_start3A_72 = arith.constant 0 : i32
      %dma_start3A_73 = arith.constant 0 : i32
      %dma_start3A_74 = tpu.memref_slice %arg12[%dma_start3A_72, %dma_start3A_73] : memref<104x128xf32, #tpu.memory_space<vmem>> -> memref<16x128xf32, #tpu.memory_space<vmem>>
      %dma_start3A_75 = arith.constant 0 : i32
      %dma_start3A_76 = arith.constant 0 : i32
      %dma_start3A_77 = tpu.memref_slice %arg7[%dma_start3A_75, %dma_start3A_76] : memref<10000x128xf32, #tpu.memory_space<vmem_shared>> -> memref<10000x128xf32, #tpu.memory_space<vmem_shared>>
      tpu.enqueue_indirect_dma source(%dma_start3A_74 : memref<16x128xf32, #tpu.memory_space<vmem>>) target(%dma_start3A_77 : memref<10000x128xf32, #tpu.memory_space<vmem_shared>>) offsets(%arg15 : memref<16xi32, #tpu.memory_space<vmem>>) semaphore(%run_scoped3A : memref<!tpu.dma_semaphore, #tpu.memory_space<semaphore_mem>>) {add = true}
      %dma_wait3A_78 = arith.constant 0 : i32
      %dma_wait3A_79 = arith.constant 0 : i32
      %dma_wait3A_80 = tpu.memref_slice %arg12[%dma_wait3A_78, %dma_wait3A_79] : memref<104x128xf32, #tpu.memory_space<vmem>> -> memref<16x128xf32, #tpu.memory_space<vmem>>
      %dma_wait3A_81 = arith.constant 0 : i32
      %dma_wait3A_82 = arith.constant 0 : i32
      %dma_wait3A_83 = tpu.memref_slice %arg7[%dma_wait3A_81, %dma_wait3A_82] : memref<10000x128xf32, #tpu.memory_space<vmem_shared>> -> memref<10000x128xf32, #tpu.memory_space<vmem_shared>>
      tpu.wait_indirect_dma semaphore(%run_scoped3A : memref<!tpu.dma_semaphore, #tpu.memory_space<semaphore_mem>>) src(%dma_wait3A_80 : memref<16x128xf32, #tpu.memory_space<vmem>>) dst(%dma_wait3A_83 : memref<10000x128xf32, #tpu.memory_space<vmem_shared>>)
      tpu.yield
    }) : () -> ()
    %barrier3A_66 = arith.constant 0 : index
    tpu.barrier barrier_id(%barrier3A_66)
    "tpu.region"() ({
      %run_scoped3A = tpu.sem_alloc : memref<!tpu.dma_semaphore, #tpu.memory_space<semaphore_mem>>
      %dma_start3A_72 = arith.constant 0 : i32
      %dma_start3A_73 = tpu.memref_slice %arg6[%arg0, %mul3A_4, %dma_start3A_72] : memref<2x10000x128xf32, #tpu.memory_space<hbm>> -> memref<1x624x128xf32, #tpu.memory_space<hbm>>
      %dma_start3A_74 = tpu.memref_squeeze %dma_start3A_73 : memref<1x624x128xf32, #tpu.memory_space<hbm>> -> memref<624x128xf32, #tpu.memory_space<hbm>>
      %dma_start3A_75 = arith.constant 0 : i32
      %dma_start3A_76 = tpu.memref_slice %arg7[%mul3A_4, %dma_start3A_75] : memref<10000x128xf32, #tpu.memory_space<vmem_shared>> -> memref<624x128xf32, #tpu.memory_space<vmem_shared>>
      tpu.enqueue_dma source(%dma_start3A_76 : memref<624x128xf32, #tpu.memory_space<vmem_shared>>) target(%dma_start3A_74 : memref<624x128xf32, #tpu.memory_space<hbm>>) target_semaphore(%run_scoped3A : memref<!tpu.dma_semaphore, #tpu.memory_space<semaphore_mem>>)
      %dma_wait3A_77 = arith.constant 0 : i32
      %dma_wait3A_78 = tpu.memref_slice %arg6[%arg0, %mul3A_4, %dma_wait3A_77] : memref<2x10000x128xf32, #tpu.memory_space<hbm>> -> memref<1x624x128xf32, #tpu.memory_space<hbm>>
      %dma_wait3A_79 = tpu.memref_squeeze %dma_wait3A_78 : memref<1x624x128xf32, #tpu.memory_space<hbm>> -> memref<624x128xf32, #tpu.memory_space<hbm>>
      %dma_wait3A_80 = arith.constant 0 : i32
      %dma_wait3A_81 = tpu.memref_slice %arg7[%mul3A_4, %dma_wait3A_80] : memref<10000x128xf32, #tpu.memory_space<vmem_shared>> -> memref<624x128xf32, #tpu.memory_space<vmem_shared>>
      tpu.wait_dma2 semaphore(%run_scoped3A : memref<!tpu.dma_semaphore, #tpu.memory_space<semaphore_mem>>) src(%dma_wait3A_81 : memref<624x128xf32, #tpu.memory_space<vmem_shared>>) dst(%dma_wait3A_79 : memref<624x128xf32, #tpu.memory_space<hbm>>)
      tpu.yield
    }) : () -> ()
    %eq3A_67 = arith.constant 0 : i32
    %eq3A_68 = arith.cmpi eq, %arg1, %eq3A_67 : i32
    %convert_element_type3A_69 = arith.extui %eq3A_68 : i1 to i32
    %cond3A_70 = arith.constant 0 : i32
    %cond3A_71 = arith.cmpi ne, %convert_element_type3A_69, %cond3A_70 : i32
    scf.if %cond3A_71 {
      "tpu.region"() ({
        %run_scoped3A = tpu.sem_alloc : memref<!tpu.dma_semaphore, #tpu.memory_space<semaphore_mem>>
        %dma_start3A_72 = arith.constant 9984 : i32
        %dma_start3A_73 = arith.constant 0 : i32
        %dma_start3A_74 = tpu.memref_slice %arg6[%arg0, %dma_start3A_72, %dma_start3A_73] : memref<2x10000x128xf32, #tpu.memory_space<hbm>> -> memref<1x16x128xf32, #tpu.memory_space<hbm>>
        %dma_start3A_75 = tpu.memref_squeeze %dma_start3A_74 : memref<1x16x128xf32, #tpu.memory_space<hbm>> -> memref<16x128xf32, #tpu.memory_space<hbm>>
        %dma_start3A_76 = arith.constant 9984 : i32
        %dma_start3A_77 = arith.constant 0 : i32
        %dma_start3A_78 = tpu.memref_slice %arg7[%dma_start3A_76, %dma_start3A_77] : memref<10000x128xf32, #tpu.memory_space<vmem_shared>> -> memref<16x128xf32, #tpu.memory_space<vmem_shared>>
        tpu.enqueue_dma source(%dma_start3A_78 : memref<16x128xf32, #tpu.memory_space<vmem_shared>>) target(%dma_start3A_75 : memref<16x128xf32, #tpu.memory_space<hbm>>) target_semaphore(%run_scoped3A : memref<!tpu.dma_semaphore, #tpu.memory_space<semaphore_mem>>)
        %dma_wait3A_79 = arith.constant 9984 : i32
        %dma_wait3A_80 = arith.constant 0 : i32
        %dma_wait3A_81 = tpu.memref_slice %arg6[%arg0, %dma_wait3A_79, %dma_wait3A_80] : memref<2x10000x128xf32, #tpu.memory_space<hbm>> -> memref<1x16x128xf32, #tpu.memory_space<hbm>>
        %dma_wait3A_82 = tpu.memref_squeeze %dma_wait3A_81 : memref<1x16x128xf32, #tpu.memory_space<hbm>> -> memref<16x128xf32, #tpu.memory_space<hbm>>
        %dma_wait3A_83 = arith.constant 9984 : i32
        %dma_wait3A_84 = arith.constant 0 : i32
        %dma_wait3A_85 = tpu.memref_slice %arg7[%dma_wait3A_83, %dma_wait3A_84] : memref<10000x128xf32, #tpu.memory_space<vmem_shared>> -> memref<16x128xf32, #tpu.memory_space<vmem_shared>>
        tpu.wait_dma2 semaphore(%run_scoped3A : memref<!tpu.dma_semaphore, #tpu.memory_space<semaphore_mem>>) src(%dma_wait3A_85 : memref<16x128xf32, #tpu.memory_space<vmem_shared>>) dst(%dma_wait3A_82 : memref<16x128xf32, #tpu.memory_space<hbm>>)
        tpu.yield
      }) : () -> ()
    } else {
    }
    return
  }
}

#map = affine_map<(d0, d1) -> (0, 0)>
#map1 = affine_map<(d0, d1) -> (0)>
#map2 = affine_map<(d0, d1) -> (0, 0, 0)>
module attributes {stable_mosaic.version = 14 : i64} {
  func.func @seg(%arg0: i32, %arg1: i32, %arg2: memref<10000x128xf32, #tpu.memory_space<hbm>>, %arg3: memref<320000xi32, #tpu.memory_space<hbm>>, %arg4: memref<320000xi32, #tpu.memory_space<hbm>>, %arg5: memref<10000x128xf32, #tpu.memory_space<hbm>>, %arg6: memref<2x10000x128xf32, #tpu.memory_space<hbm>>, %arg7: memref<10000x128xf32, #tpu.memory_space<vmem_shared>>, %arg8: memref<10000xi32, #tpu.memory_space<vmem>>, %arg9: memref<104xi32, #tpu.memory_space<vmem>>, %arg10: memref<104xi32, #tpu.memory_space<vmem>>, %arg11: memref<104xi32, #tpu.memory_space<vmem>>, %arg12: memref<104x128xf32, #tpu.memory_space<vmem>>, %arg13: memref<104x128xf32, #tpu.memory_space<vmem>>, %arg14: memref<104x128xf32, #tpu.memory_space<vmem>>, %arg15: memref<16xi32, #tpu.memory_space<vmem>>, %arg16: memref<!tpu.dma_semaphore, #tpu.memory_space<semaphore_mem>>, %arg17: memref<!tpu.dma_semaphore, #tpu.memory_space<semaphore_mem>>, %arg18: memref<!tpu.dma_semaphore, #tpu.memory_space<semaphore_mem>>, %arg19: memref<!tpu.dma_semaphore, #tpu.memory_space<semaphore_mem>>, %arg20: memref<!tpu.dma_semaphore, #tpu.memory_space<semaphore_mem>>, %arg21: memref<!tpu.dma_semaphore, #tpu.memory_space<semaphore_mem>>, %arg22: memref<!tpu.dma_semaphore, #tpu.memory_space<semaphore_mem>>, %arg23: memref<!tpu.dma_semaphore, #tpu.memory_space<semaphore_mem>>, %arg24: memref<!tpu.dma_semaphore, #tpu.memory_space<semaphore_mem>>) attributes {dimension_semantics = [#tpu.dimension_semantics<core_parallel>, #tpu.dimension_semantics<subcore_parallel>], iteration_bounds = array<i64: 2, 16>, scalar_prefetch = 0 : i64, scratch_operands = 18 : i64, tpu.core_type = #tpu.core_type<sc_vector_subcore>, window_params = [{transform_indices = #map}, {transform_indices = #map1}, {transform_indices = #map1}, {transform_indices = #map}, {transform_indices = #map2}]} {
    %mul3A = arith.constant 16 : i32
    %mul3A_0 = arith.muli %arg0, %mul3A : i32
    %add3A = arith.addi %mul3A_0, %arg1 : i32
    %mul3A_1 = arith.constant 10000 : i32
    %mul3A_2 = arith.muli %add3A, %mul3A_1 : i32
    %mul3A_3 = arith.constant 624 : i32
    %mul3A_4 = arith.muli %arg1, %mul3A_3 : i32
    %dma_start3A = tpu.memref_slice %arg3[%mul3A_2] : memref<320000xi32, #tpu.memory_space<hbm>> -> memref<10000xi32, #tpu.memory_space<hbm>>
    %dma_start3A_5 = tpu.memref_slice %arg3[%mul3A_2] : memref<320000xi32, #tpu.memory_space<hbm>> -> memref<10000xi32, #tpu.memory_space<hbm>>
    tpu.enqueue_dma source(%dma_start3A_5 : memref<10000xi32, #tpu.memory_space<hbm>>) target(%arg8 : memref<10000xi32, #tpu.memory_space<vmem>>) target_semaphore(%arg16 : memref<!tpu.dma_semaphore, #tpu.memory_space<semaphore_mem>>)
    %dma_start3A_6 = arith.constant 0 : i32
    %dma_start3A_7 = tpu.memref_slice %arg7[%mul3A_4, %dma_start3A_6] : memref<10000x128xf32, #tpu.memory_space<vmem_shared>> -> memref<624x128xf32, #tpu.memory_space<vmem_shared>>
    %dma_start3A_8 = arith.constant 0 : i32
    %dma_start3A_9 = tpu.memref_slice %arg5[%mul3A_4, %dma_start3A_8] : memref<10000x128xf32, #tpu.memory_space<hbm>> -> memref<624x128xf32, #tpu.memory_space<hbm>>
    tpu.enqueue_dma source(%dma_start3A_9 : memref<624x128xf32, #tpu.memory_space<hbm>>) target(%dma_start3A_7 : memref<624x128xf32, #tpu.memory_space<vmem_shared>>) target_semaphore(%arg19 : memref<!tpu.dma_semaphore, #tpu.memory_space<semaphore_mem>>)
    %eq3A = arith.constant 0 : i32
    %eq3A_10 = arith.cmpi eq, %arg1, %eq3A : i32
    %convert_element_type3A = arith.extui %eq3A_10 : i1 to i32
    %cond3A = arith.constant 0 : i32
    %cond3A_11 = arith.cmpi ne, %convert_element_type3A, %cond3A : i32
    scf.if %cond3A_11 {
      %dma_start3A_72 = arith.constant 9984 : i32
      %dma_start3A_73 = arith.constant 0 : i32
      %dma_start3A_74 = tpu.memref_slice %arg7[%dma_start3A_72, %dma_start3A_73] : memref<10000x128xf32, #tpu.memory_space<vmem_shared>> -> memref<16x128xf32, #tpu.memory_space<vmem_shared>>
      %dma_start3A_75 = arith.constant 9984 : i32
      %dma_start3A_76 = arith.constant 0 : i32
      %dma_start3A_77 = tpu.memref_slice %arg5[%dma_start3A_75, %dma_start3A_76] : memref<10000x128xf32, #tpu.memory_space<hbm>> -> memref<16x128xf32, #tpu.memory_space<hbm>>
      tpu.enqueue_dma source(%dma_start3A_77 : memref<16x128xf32, #tpu.memory_space<hbm>>) target(%dma_start3A_74 : memref<16x128xf32, #tpu.memory_space<vmem_shared>>) target_semaphore(%arg20 : memref<!tpu.dma_semaphore, #tpu.memory_space<semaphore_mem>>)
      %dma_wait3A_78 = arith.constant 9984 : i32
      %dma_wait3A_79 = arith.constant 0 : i32
      %dma_wait3A_80 = tpu.memref_slice %arg7[%dma_wait3A_78, %dma_wait3A_79] : memref<10000x128xf32, #tpu.memory_space<vmem_shared>> -> memref<16x128xf32, #tpu.memory_space<vmem_shared>>
      %dma_wait3A_81 = arith.constant 9984 : i32
      %dma_wait3A_82 = arith.constant 0 : i32
      %dma_wait3A_83 = tpu.memref_slice %arg5[%dma_wait3A_81, %dma_wait3A_82] : memref<10000x128xf32, #tpu.memory_space<hbm>> -> memref<16x128xf32, #tpu.memory_space<hbm>>
      tpu.wait_dma2 semaphore(%arg20 : memref<!tpu.dma_semaphore, #tpu.memory_space<semaphore_mem>>) src(%dma_wait3A_83 : memref<16x128xf32, #tpu.memory_space<hbm>>) dst(%dma_wait3A_80 : memref<16x128xf32, #tpu.memory_space<vmem_shared>>)
    } else {
    }
    %dma_wait3A = tpu.memref_slice %arg3[%mul3A_2] : memref<320000xi32, #tpu.memory_space<hbm>> -> memref<10000xi32, #tpu.memory_space<hbm>>
    %dma_wait3A_12 = tpu.memref_slice %arg3[%mul3A_2] : memref<320000xi32, #tpu.memory_space<hbm>> -> memref<10000xi32, #tpu.memory_space<hbm>>
    tpu.wait_dma2 semaphore(%arg16 : memref<!tpu.dma_semaphore, #tpu.memory_space<semaphore_mem>>) src(%dma_wait3A_12 : memref<10000xi32, #tpu.memory_space<hbm>>) dst(%arg8 : memref<10000xi32, #tpu.memory_space<vmem>>)
    %dma_wait3A_13 = arith.constant 0 : i32
    %dma_wait3A_14 = tpu.memref_slice %arg7[%mul3A_4, %dma_wait3A_13] : memref<10000x128xf32, #tpu.memory_space<vmem_shared>> -> memref<624x128xf32, #tpu.memory_space<vmem_shared>>
    %dma_wait3A_15 = arith.constant 0 : i32
    %dma_wait3A_16 = tpu.memref_slice %arg5[%mul3A_4, %dma_wait3A_15] : memref<10000x128xf32, #tpu.memory_space<hbm>> -> memref<624x128xf32, #tpu.memory_space<hbm>>
    tpu.wait_dma2 semaphore(%arg19 : memref<!tpu.dma_semaphore, #tpu.memory_space<semaphore_mem>>) src(%dma_wait3A_16 : memref<624x128xf32, #tpu.memory_space<hbm>>) dst(%dma_wait3A_14 : memref<624x128xf32, #tpu.memory_space<vmem_shared>>)
    %barrier3A = arith.constant 0 : index
    tpu.barrier barrier_id(%barrier3A)
    %add3A_17 = arith.constant 0 : i32
    %add3A_18 = arith.addi %mul3A_2, %add3A_17 : i32
    %dma_start3A_19 = tpu.memref_slice %arg4[%add3A_18] : memref<320000xi32, #tpu.memory_space<hbm>> -> memref<104xi32, #tpu.memory_space<hbm>>
    %dma_start3A_20 = tpu.memref_slice %arg4[%add3A_18] : memref<320000xi32, #tpu.memory_space<hbm>> -> memref<104xi32, #tpu.memory_space<hbm>>
    tpu.enqueue_dma source(%dma_start3A_20 : memref<104xi32, #tpu.memory_space<hbm>>) target(%arg9 : memref<104xi32, #tpu.memory_space<vmem>>) target_semaphore(%arg16 : memref<!tpu.dma_semaphore, #tpu.memory_space<semaphore_mem>>)
    %dma_start3A_21 = arith.constant 0 : i32
    %dma_start3A_22 = tpu.memref_slice %arg8[%dma_start3A_21] : memref<10000xi32, #tpu.memory_space<vmem>> -> memref<104xi32, #tpu.memory_space<vmem>>
    %dma_start3A_23 = arith.constant 0 : i32
    %dma_start3A_24 = arith.constant 0 : i32
    %dma_start3A_25 = tpu.memref_slice %arg2[%dma_start3A_23, %dma_start3A_24] : memref<10000x128xf32, #tpu.memory_space<hbm>> -> memref<10000x128xf32, #tpu.memory_space<hbm>>
    tpu.enqueue_indirect_dma source(%dma_start3A_25 : memref<10000x128xf32, #tpu.memory_space<hbm>>) target(%arg12 : memref<104x128xf32, #tpu.memory_space<vmem>>) offsets(%dma_start3A_22 : memref<104xi32, #tpu.memory_space<vmem>>) semaphore(%arg19 : memref<!tpu.dma_semaphore, #tpu.memory_space<semaphore_mem>>)
    %add3A_26 = arith.constant 104 : i32
    %add3A_27 = arith.addi %mul3A_2, %add3A_26 : i32
    %dma_start3A_28 = tpu.memref_slice %arg4[%add3A_27] : memref<320000xi32, #tpu.memory_space<hbm>> -> memref<104xi32, #tpu.memory_space<hbm>>
    %dma_start3A_29 = tpu.memref_slice %arg4[%add3A_27] : memref<320000xi32, #tpu.memory_space<hbm>> -> memref<104xi32, #tpu.memory_space<hbm>>
    tpu.enqueue_dma source(%dma_start3A_29 : memref<104xi32, #tpu.memory_space<hbm>>) target(%arg10 : memref<104xi32, #tpu.memory_space<vmem>>) target_semaphore(%arg17 : memref<!tpu.dma_semaphore, #tpu.memory_space<semaphore_mem>>)
    %dma_start3A_30 = arith.constant 104 : i32
    %dma_start3A_31 = tpu.memref_slice %arg8[%dma_start3A_30] : memref<10000xi32, #tpu.memory_space<vmem>> -> memref<104xi32, #tpu.memory_space<vmem>>
    %dma_start3A_32 = arith.constant 0 : i32
    %dma_start3A_33 = arith.constant 0 : i32
    %dma_start3A_34 = tpu.memref_slice %arg2[%dma_start3A_32, %dma_start3A_33] : memref<10000x128xf32, #tpu.memory_space<hbm>> -> memref<10000x128xf32, #tpu.memory_space<hbm>>
    tpu.enqueue_indirect_dma source(%dma_start3A_34 : memref<10000x128xf32, #tpu.memory_space<hbm>>) target(%arg13 : memref<104x128xf32, #tpu.memory_space<vmem>>) offsets(%dma_start3A_31 : memref<104xi32, #tpu.memory_space<vmem>>) semaphore(%arg20 : memref<!tpu.dma_semaphore, #tpu.memory_space<semaphore_mem>>)
    %add3A_35 = arith.constant 208 : i32
    %add3A_36 = arith.addi %mul3A_2, %add3A_35 : i32
    %dma_start3A_37 = tpu.memref_slice %arg4[%add3A_36] : memref<320000xi32, #tpu.memory_space<hbm>> -> memref<104xi32, #tpu.memory_space<hbm>>
    %dma_start3A_38 = tpu.memref_slice %arg4[%add3A_36] : memref<320000xi32, #tpu.memory_space<hbm>> -> memref<104xi32, #tpu.memory_space<hbm>>
    tpu.enqueue_dma source(%dma_start3A_38 : memref<104xi32, #tpu.memory_space<hbm>>) target(%arg11 : memref<104xi32, #tpu.memory_space<vmem>>) target_semaphore(%arg18 : memref<!tpu.dma_semaphore, #tpu.memory_space<semaphore_mem>>)
    %dma_start3A_39 = arith.constant 208 : i32
    %dma_start3A_40 = tpu.memref_slice %arg8[%dma_start3A_39] : memref<10000xi32, #tpu.memory_space<vmem>> -> memref<104xi32, #tpu.memory_space<vmem>>
    %dma_start3A_41 = arith.constant 0 : i32
    %dma_start3A_42 = arith.constant 0 : i32
    %dma_start3A_43 = tpu.memref_slice %arg2[%dma_start3A_41, %dma_start3A_42] : memref<10000x128xf32, #tpu.memory_space<hbm>> -> memref<10000x128xf32, #tpu.memory_space<hbm>>
    tpu.enqueue_indirect_dma source(%dma_start3A_43 : memref<10000x128xf32, #tpu.memory_space<hbm>>) target(%arg14 : memref<104x128xf32, #tpu.memory_space<vmem>>) offsets(%dma_start3A_40 : memref<104xi32, #tpu.memory_space<vmem>>) semaphore(%arg21 : memref<!tpu.dma_semaphore, #tpu.memory_space<semaphore_mem>>)
    %scan3A = arith.constant 0 : i32
    %scan3A_44 = arith.constant 32 : i32
    %scan3A_45 = arith.addi %scan3A, %scan3A_44 : i32
    %scan3A_46 = arith.constant 1 : i32
    scf.for %scan3A_72 = %scan3A to %scan3A_45 step %scan3A_46  : i32 {
      %mul3A_73 = arith.constant 3 : i32
      %mul3A_74 = arith.muli %scan3A_72, %mul3A_73 : i32
      %add3A_75 = arith.constant 0 : i32
      %add3A_76 = arith.addi %add3A_75, %mul3A_74 : i32
      %dma_wait3A_77 = tpu.memref_slice %arg4[%mul3A_2] : memref<320000xi32, #tpu.memory_space<hbm>> -> memref<104xi32, #tpu.memory_space<hbm>>
      %dma_wait3A_78 = tpu.memref_slice %arg4[%mul3A_2] : memref<320000xi32, #tpu.memory_space<hbm>> -> memref<104xi32, #tpu.memory_space<hbm>>
      tpu.wait_dma2 semaphore(%arg16 : memref<!tpu.dma_semaphore, #tpu.memory_space<semaphore_mem>>) src(%dma_wait3A_78 : memref<104xi32, #tpu.memory_space<hbm>>) dst(%arg9 : memref<104xi32, #tpu.memory_space<vmem>>)
      %dma_wait3A_79 = arith.constant 0 : i32
      %dma_wait3A_80 = arith.constant 0 : i32
      %dma_wait3A_81 = tpu.memref_slice %arg5[%dma_wait3A_79, %dma_wait3A_80] : memref<10000x128xf32, #tpu.memory_space<hbm>> -> memref<104x128xf32, #tpu.memory_space<hbm>>
      %dma_wait3A_82 = arith.constant 0 : i32
      %dma_wait3A_83 = arith.constant 0 : i32
      %dma_wait3A_84 = tpu.memref_slice %arg5[%dma_wait3A_82, %dma_wait3A_83] : memref<10000x128xf32, #tpu.memory_space<hbm>> -> memref<104x128xf32, #tpu.memory_space<hbm>>
      tpu.wait_dma2 semaphore(%arg19 : memref<!tpu.dma_semaphore, #tpu.memory_space<semaphore_mem>>) src(%dma_wait3A_84 : memref<104x128xf32, #tpu.memory_space<hbm>>) dst(%arg12 : memref<104x128xf32, #tpu.memory_space<vmem>>)
      %dma_start3A_85 = arith.constant 0 : i32
      %dma_start3A_86 = arith.constant 0 : i32
      %dma_start3A_87 = tpu.memref_slice %arg7[%dma_start3A_85, %dma_start3A_86] : memref<10000x128xf32, #tpu.memory_space<vmem_shared>> -> memref<10000x128xf32, #tpu.memory_space<vmem_shared>>
      tpu.enqueue_indirect_dma source(%arg12 : memref<104x128xf32, #tpu.memory_space<vmem>>) target(%dma_start3A_87 : memref<10000x128xf32, #tpu.memory_space<vmem_shared>>) offsets(%arg9 : memref<104xi32, #tpu.memory_space<vmem>>) semaphore(%arg22 : memref<!tpu.dma_semaphore, #tpu.memory_space<semaphore_mem>>) {add = true}
      %dma_wait3A_88 = tpu.memref_slice %arg4[%mul3A_2] : memref<320000xi32, #tpu.memory_space<hbm>> -> memref<104xi32, #tpu.memory_space<hbm>>
      %dma_wait3A_89 = tpu.memref_slice %arg4[%mul3A_2] : memref<320000xi32, #tpu.memory_space<hbm>> -> memref<104xi32, #tpu.memory_space<hbm>>
      tpu.wait_dma2 semaphore(%arg17 : memref<!tpu.dma_semaphore, #tpu.memory_space<semaphore_mem>>) src(%dma_wait3A_89 : memref<104xi32, #tpu.memory_space<hbm>>) dst(%arg10 : memref<104xi32, #tpu.memory_space<vmem>>)
      %dma_wait3A_90 = arith.constant 0 : i32
      %dma_wait3A_91 = arith.constant 0 : i32
      %dma_wait3A_92 = tpu.memref_slice %arg5[%dma_wait3A_90, %dma_wait3A_91] : memref<10000x128xf32, #tpu.memory_space<hbm>> -> memref<104x128xf32, #tpu.memory_space<hbm>>
      %dma_wait3A_93 = arith.constant 0 : i32
      %dma_wait3A_94 = arith.constant 0 : i32
      %dma_wait3A_95 = tpu.memref_slice %arg5[%dma_wait3A_93, %dma_wait3A_94] : memref<10000x128xf32, #tpu.memory_space<hbm>> -> memref<104x128xf32, #tpu.memory_space<hbm>>
      tpu.wait_dma2 semaphore(%arg20 : memref<!tpu.dma_semaphore, #tpu.memory_space<semaphore_mem>>) src(%dma_wait3A_95 : memref<104x128xf32, #tpu.memory_space<hbm>>) dst(%arg13 : memref<104x128xf32, #tpu.memory_space<vmem>>)
      %dma_start3A_96 = arith.constant 0 : i32
      %dma_start3A_97 = arith.constant 0 : i32
      %dma_start3A_98 = tpu.memref_slice %arg7[%dma_start3A_96, %dma_start3A_97] : memref<10000x128xf32, #tpu.memory_space<vmem_shared>> -> memref<10000x128xf32, #tpu.memory_space<vmem_shared>>
      tpu.enqueue_indirect_dma source(%arg13 : memref<104x128xf32, #tpu.memory_space<vmem>>) target(%dma_start3A_98 : memref<10000x128xf32, #tpu.memory_space<vmem_shared>>) offsets(%arg10 : memref<104xi32, #tpu.memory_space<vmem>>) semaphore(%arg23 : memref<!tpu.dma_semaphore, #tpu.memory_space<semaphore_mem>>) {add = true}
      %dma_wait3A_99 = tpu.memref_slice %arg4[%mul3A_2] : memref<320000xi32, #tpu.memory_space<hbm>> -> memref<104xi32, #tpu.memory_space<hbm>>
      %dma_wait3A_100 = tpu.memref_slice %arg4[%mul3A_2] : memref<320000xi32, #tpu.memory_space<hbm>> -> memref<104xi32, #tpu.memory_space<hbm>>
      tpu.wait_dma2 semaphore(%arg18 : memref<!tpu.dma_semaphore, #tpu.memory_space<semaphore_mem>>) src(%dma_wait3A_100 : memref<104xi32, #tpu.memory_space<hbm>>) dst(%arg11 : memref<104xi32, #tpu.memory_space<vmem>>)
      %dma_wait3A_101 = arith.constant 0 : i32
      %dma_wait3A_102 = arith.constant 0 : i32
      %dma_wait3A_103 = tpu.memref_slice %arg5[%dma_wait3A_101, %dma_wait3A_102] : memref<10000x128xf32, #tpu.memory_space<hbm>> -> memref<104x128xf32, #tpu.memory_space<hbm>>
      %dma_wait3A_104 = arith.constant 0 : i32
      %dma_wait3A_105 = arith.constant 0 : i32
      %dma_wait3A_106 = tpu.memref_slice %arg5[%dma_wait3A_104, %dma_wait3A_105] : memref<10000x128xf32, #tpu.memory_space<hbm>> -> memref<104x128xf32, #tpu.memory_space<hbm>>
      tpu.wait_dma2 semaphore(%arg21 : memref<!tpu.dma_semaphore, #tpu.memory_space<semaphore_mem>>) src(%dma_wait3A_106 : memref<104x128xf32, #tpu.memory_space<hbm>>) dst(%arg14 : memref<104x128xf32, #tpu.memory_space<vmem>>)
      %dma_start3A_107 = arith.constant 0 : i32
      %dma_start3A_108 = arith.constant 0 : i32
      %dma_start3A_109 = tpu.memref_slice %arg7[%dma_start3A_107, %dma_start3A_108] : memref<10000x128xf32, #tpu.memory_space<vmem_shared>> -> memref<10000x128xf32, #tpu.memory_space<vmem_shared>>
      tpu.enqueue_indirect_dma source(%arg14 : memref<104x128xf32, #tpu.memory_space<vmem>>) target(%dma_start3A_109 : memref<10000x128xf32, #tpu.memory_space<vmem_shared>>) offsets(%arg11 : memref<104xi32, #tpu.memory_space<vmem>>) semaphore(%arg24 : memref<!tpu.dma_semaphore, #tpu.memory_space<semaphore_mem>>) {add = true}
      %dma_wait3A_110 = arith.constant 0 : i32
      %dma_wait3A_111 = arith.constant 0 : i32
      %dma_wait3A_112 = tpu.memref_slice %arg5[%dma_wait3A_110, %dma_wait3A_111] : memref<10000x128xf32, #tpu.memory_space<hbm>> -> memref<104x128xf32, #tpu.memory_space<hbm>>
      %dma_wait3A_113 = arith.constant 0 : i32
      %dma_wait3A_114 = arith.constant 0 : i32
      %dma_wait3A_115 = tpu.memref_slice %arg5[%dma_wait3A_113, %dma_wait3A_114] : memref<10000x128xf32, #tpu.memory_space<hbm>> -> memref<104x128xf32, #tpu.memory_space<hbm>>
      tpu.wait_dma2 semaphore(%arg22 : memref<!tpu.dma_semaphore, #tpu.memory_space<semaphore_mem>>) src(%dma_wait3A_115 : memref<104x128xf32, #tpu.memory_space<hbm>>) dst(%arg12 : memref<104x128xf32, #tpu.memory_space<vmem>>)
      %add3A_116 = arith.constant 0 : i32
      %add3A_117 = arith.addi %add3A_76, %add3A_116 : i32
      %add3A_118 = arith.constant 3 : i32
      %add3A_119 = arith.addi %add3A_117, %add3A_118 : i32
      %lt3A = arith.constant 96 : i32
      %lt3A_120 = arith.cmpi slt, %add3A_119, %lt3A : i32
      %convert_element_type3A_121 = arith.extui %lt3A_120 : i1 to i32
      %cond3A_122 = arith.constant 0 : i32
      %cond3A_123 = arith.cmpi ne, %convert_element_type3A_121, %cond3A_122 : i32
      scf.if %cond3A_123 {
        %add3A_154 = arith.constant 0 : i32
        %add3A_155 = arith.addi %add3A_76, %add3A_154 : i32
        %add3A_156 = arith.constant 3 : i32
        %add3A_157 = arith.addi %add3A_155, %add3A_156 : i32
        %mul3A_158 = arith.constant 104 : i32
        %mul3A_159 = arith.muli %add3A_157, %mul3A_158 : i32
        %add3A_160 = arith.addi %mul3A_2, %mul3A_159 : i32
        %dma_start3A_161 = tpu.memref_slice %arg4[%add3A_160] : memref<320000xi32, #tpu.memory_space<hbm>> -> memref<104xi32, #tpu.memory_space<hbm>>
        %dma_start3A_162 = tpu.memref_slice %arg4[%add3A_160] : memref<320000xi32, #tpu.memory_space<hbm>> -> memref<104xi32, #tpu.memory_space<hbm>>
        tpu.enqueue_dma source(%dma_start3A_162 : memref<104xi32, #tpu.memory_space<hbm>>) target(%arg9 : memref<104xi32, #tpu.memory_space<vmem>>) target_semaphore(%arg16 : memref<!tpu.dma_semaphore, #tpu.memory_space<semaphore_mem>>)
        %mul3A_163 = arith.constant 104 : i32
        %mul3A_164 = arith.muli %add3A_157, %mul3A_163 : i32
        %dma_start3A_165 = tpu.memref_slice %arg8[%mul3A_164] : memref<10000xi32, #tpu.memory_space<vmem>> -> memref<104xi32, #tpu.memory_space<vmem>>
        %dma_start3A_166 = arith.constant 0 : i32
        %dma_start3A_167 = arith.constant 0 : i32
        %dma_start3A_168 = tpu.memref_slice %arg2[%dma_start3A_166, %dma_start3A_167] : memref<10000x128xf32, #tpu.memory_space<hbm>> -> memref<10000x128xf32, #tpu.memory_space<hbm>>
        tpu.enqueue_indirect_dma source(%dma_start3A_168 : memref<10000x128xf32, #tpu.memory_space<hbm>>) target(%arg12 : memref<104x128xf32, #tpu.memory_space<vmem>>) offsets(%dma_start3A_165 : memref<104xi32, #tpu.memory_space<vmem>>) semaphore(%arg19 : memref<!tpu.dma_semaphore, #tpu.memory_space<semaphore_mem>>)
      } else {
      }
      %dma_wait3A_124 = arith.constant 0 : i32
      %dma_wait3A_125 = arith.constant 0 : i32
      %dma_wait3A_126 = tpu.memref_slice %arg5[%dma_wait3A_124, %dma_wait3A_125] : memref<10000x128xf32, #tpu.memory_space<hbm>> -> memref<104x128xf32, #tpu.memory_space<hbm>>
      %dma_wait3A_127 = arith.constant 0 : i32
      %dma_wait3A_128 = arith.constant 0 : i32
      %dma_wait3A_129 = tpu.memref_slice %arg5[%dma_wait3A_127, %dma_wait3A_128] : memref<10000x128xf32, #tpu.memory_space<hbm>> -> memref<104x128xf32, #tpu.memory_space<hbm>>
      tpu.wait_dma2 semaphore(%arg23 : memref<!tpu.dma_semaphore, #tpu.memory_space<semaphore_mem>>) src(%dma_wait3A_129 : memref<104x128xf32, #tpu.memory_space<hbm>>) dst(%arg13 : memref<104x128xf32, #tpu.memory_space<vmem>>)
      %add3A_130 = arith.constant 1 : i32
      %add3A_131 = arith.addi %add3A_76, %add3A_130 : i32
      %add3A_132 = arith.constant 3 : i32
      %add3A_133 = arith.addi %add3A_131, %add3A_132 : i32
      %lt3A_134 = arith.constant 96 : i32
      %lt3A_135 = arith.cmpi slt, %add3A_133, %lt3A_134 : i32
      %convert_element_type3A_136 = arith.extui %lt3A_135 : i1 to i32
      %cond3A_137 = arith.constant 0 : i32
      %cond3A_138 = arith.cmpi ne, %convert_element_type3A_136, %cond3A_137 : i32
      scf.if %cond3A_138 {
        %add3A_154 = arith.constant 1 : i32
        %add3A_155 = arith.addi %add3A_76, %add3A_154 : i32
        %add3A_156 = arith.constant 3 : i32
        %add3A_157 = arith.addi %add3A_155, %add3A_156 : i32
        %mul3A_158 = arith.constant 104 : i32
        %mul3A_159 = arith.muli %add3A_157, %mul3A_158 : i32
        %add3A_160 = arith.addi %mul3A_2, %mul3A_159 : i32
        %dma_start3A_161 = tpu.memref_slice %arg4[%add3A_160] : memref<320000xi32, #tpu.memory_space<hbm>> -> memref<104xi32, #tpu.memory_space<hbm>>
        %dma_start3A_162 = tpu.memref_slice %arg4[%add3A_160] : memref<320000xi32, #tpu.memory_space<hbm>> -> memref<104xi32, #tpu.memory_space<hbm>>
        tpu.enqueue_dma source(%dma_start3A_162 : memref<104xi32, #tpu.memory_space<hbm>>) target(%arg10 : memref<104xi32, #tpu.memory_space<vmem>>) target_semaphore(%arg17 : memref<!tpu.dma_semaphore, #tpu.memory_space<semaphore_mem>>)
        %mul3A_163 = arith.constant 104 : i32
        %mul3A_164 = arith.muli %add3A_157, %mul3A_163 : i32
        %dma_start3A_165 = tpu.memref_slice %arg8[%mul3A_164] : memref<10000xi32, #tpu.memory_space<vmem>> -> memref<104xi32, #tpu.memory_space<vmem>>
        %dma_start3A_166 = arith.constant 0 : i32
        %dma_start3A_167 = arith.constant 0 : i32
        %dma_start3A_168 = tpu.memref_slice %arg2[%dma_start3A_166, %dma_start3A_167] : memref<10000x128xf32, #tpu.memory_space<hbm>> -> memref<10000x128xf32, #tpu.memory_space<hbm>>
        tpu.enqueue_indirect_dma source(%dma_start3A_168 : memref<10000x128xf32, #tpu.memory_space<hbm>>) target(%arg13 : memref<104x128xf32, #tpu.memory_space<vmem>>) offsets(%dma_start3A_165 : memref<104xi32, #tpu.memory_space<vmem>>) semaphore(%arg20 : memref<!tpu.dma_semaphore, #tpu.memory_space<semaphore_mem>>)
      } else {
      }
      %dma_wait3A_139 = arith.constant 0 : i32
      %dma_wait3A_140 = arith.constant 0 : i32
      %dma_wait3A_141 = tpu.memref_slice %arg5[%dma_wait3A_139, %dma_wait3A_140] : memref<10000x128xf32, #tpu.memory_space<hbm>> -> memref<104x128xf32, #tpu.memory_space<hbm>>
      %dma_wait3A_142 = arith.constant 0 : i32
      %dma_wait3A_143 = arith.constant 0 : i32
      %dma_wait3A_144 = tpu.memref_slice %arg5[%dma_wait3A_142, %dma_wait3A_143] : memref<10000x128xf32, #tpu.memory_space<hbm>> -> memref<104x128xf32, #tpu.memory_space<hbm>>
      tpu.wait_dma2 semaphore(%arg24 : memref<!tpu.dma_semaphore, #tpu.memory_space<semaphore_mem>>) src(%dma_wait3A_144 : memref<104x128xf32, #tpu.memory_space<hbm>>) dst(%arg14 : memref<104x128xf32, #tpu.memory_space<vmem>>)
      %add3A_145 = arith.constant 2 : i32
      %add3A_146 = arith.addi %add3A_76, %add3A_145 : i32
      %add3A_147 = arith.constant 3 : i32
      %add3A_148 = arith.addi %add3A_146, %add3A_147 : i32
      %lt3A_149 = arith.constant 96 : i32
      %lt3A_150 = arith.cmpi slt, %add3A_148, %lt3A_149 : i32
      %convert_element_type3A_151 = arith.extui %lt3A_150 : i1 to i32
      %cond3A_152 = arith.constant 0 : i32
      %cond3A_153 = arith.cmpi ne, %convert_element_type3A_151, %cond3A_152 : i32
      scf.if %cond3A_153 {
        %add3A_154 = arith.constant 2 : i32
        %add3A_155 = arith.addi %add3A_76, %add3A_154 : i32
        %add3A_156 = arith.constant 3 : i32
        %add3A_157 = arith.addi %add3A_155, %add3A_156 : i32
        %mul3A_158 = arith.constant 104 : i32
        %mul3A_159 = arith.muli %add3A_157, %mul3A_158 : i32
        %add3A_160 = arith.addi %mul3A_2, %mul3A_159 : i32
        %dma_start3A_161 = tpu.memref_slice %arg4[%add3A_160] : memref<320000xi32, #tpu.memory_space<hbm>> -> memref<104xi32, #tpu.memory_space<hbm>>
        %dma_start3A_162 = tpu.memref_slice %arg4[%add3A_160] : memref<320000xi32, #tpu.memory_space<hbm>> -> memref<104xi32, #tpu.memory_space<hbm>>
        tpu.enqueue_dma source(%dma_start3A_162 : memref<104xi32, #tpu.memory_space<hbm>>) target(%arg11 : memref<104xi32, #tpu.memory_space<vmem>>) target_semaphore(%arg18 : memref<!tpu.dma_semaphore, #tpu.memory_space<semaphore_mem>>)
        %mul3A_163 = arith.constant 104 : i32
        %mul3A_164 = arith.muli %add3A_157, %mul3A_163 : i32
        %dma_start3A_165 = tpu.memref_slice %arg8[%mul3A_164] : memref<10000xi32, #tpu.memory_space<vmem>> -> memref<104xi32, #tpu.memory_space<vmem>>
        %dma_start3A_166 = arith.constant 0 : i32
        %dma_start3A_167 = arith.constant 0 : i32
        %dma_start3A_168 = tpu.memref_slice %arg2[%dma_start3A_166, %dma_start3A_167] : memref<10000x128xf32, #tpu.memory_space<hbm>> -> memref<10000x128xf32, #tpu.memory_space<hbm>>
        tpu.enqueue_indirect_dma source(%dma_start3A_168 : memref<10000x128xf32, #tpu.memory_space<hbm>>) target(%arg14 : memref<104x128xf32, #tpu.memory_space<vmem>>) offsets(%dma_start3A_165 : memref<104xi32, #tpu.memory_space<vmem>>) semaphore(%arg21 : memref<!tpu.dma_semaphore, #tpu.memory_space<semaphore_mem>>)
      } else {
      }
    }
    %scan3A_47 = arith.constant 32 : i32
    %add3A_48 = arith.constant 9984 : i32
    %add3A_49 = arith.addi %mul3A_2, %add3A_48 : i32
    "tpu.region"() ({
      %run_scoped3A = tpu.sem_alloc : memref<!tpu.dma_semaphore, #tpu.memory_space<semaphore_mem>>
      %dma_start3A_72 = tpu.memref_slice %arg4[%add3A_49] : memref<320000xi32, #tpu.memory_space<hbm>> -> memref<16xi32, #tpu.memory_space<hbm>>
      %dma_start3A_73 = tpu.memref_slice %arg4[%add3A_49] : memref<320000xi32, #tpu.memory_space<hbm>> -> memref<16xi32, #tpu.memory_space<hbm>>
      tpu.enqueue_dma source(%dma_start3A_73 : memref<16xi32, #tpu.memory_space<hbm>>) target(%arg15 : memref<16xi32, #tpu.memory_space<vmem>>) target_semaphore(%run_scoped3A : memref<!tpu.dma_semaphore, #tpu.memory_space<semaphore_mem>>)
      %dma_wait3A_74 = tpu.memref_slice %arg4[%add3A_49] : memref<320000xi32, #tpu.memory_space<hbm>> -> memref<16xi32, #tpu.memory_space<hbm>>
      %dma_wait3A_75 = tpu.memref_slice %arg4[%add3A_49] : memref<320000xi32, #tpu.memory_space<hbm>> -> memref<16xi32, #tpu.memory_space<hbm>>
      tpu.wait_dma2 semaphore(%run_scoped3A : memref<!tpu.dma_semaphore, #tpu.memory_space<semaphore_mem>>) src(%dma_wait3A_75 : memref<16xi32, #tpu.memory_space<hbm>>) dst(%arg15 : memref<16xi32, #tpu.memory_space<vmem>>)
      tpu.yield
    }) : () -> ()
    %dma_start3A_50 = arith.constant 0 : i32
    %dma_start3A_51 = arith.constant 0 : i32
    %dma_start3A_52 = tpu.memref_slice %arg12[%dma_start3A_50, %dma_start3A_51] : memref<104x128xf32, #tpu.memory_space<vmem>> -> memref<16x128xf32, #tpu.memory_space<vmem>>
    %dma_start3A_53 = arith.constant 9984 : i32
    %dma_start3A_54 = tpu.memref_slice %arg8[%dma_start3A_53] : memref<10000xi32, #tpu.memory_space<vmem>> -> memref<16xi32, #tpu.memory_space<vmem>>
    %dma_start3A_55 = arith.constant 0 : i32
    %dma_start3A_56 = arith.constant 0 : i32
    %dma_start3A_57 = tpu.memref_slice %arg2[%dma_start3A_55, %dma_start3A_56] : memref<10000x128xf32, #tpu.memory_space<hbm>> -> memref<10000x128xf32, #tpu.memory_space<hbm>>
    tpu.enqueue_indirect_dma source(%dma_start3A_57 : memref<10000x128xf32, #tpu.memory_space<hbm>>) target(%dma_start3A_52 : memref<16x128xf32, #tpu.memory_space<vmem>>) offsets(%dma_start3A_54 : memref<16xi32, #tpu.memory_space<vmem>>) semaphore(%arg19 : memref<!tpu.dma_semaphore, #tpu.memory_space<semaphore_mem>>)
    %dma_wait3A_58 = arith.constant 0 : i32
    %dma_wait3A_59 = arith.constant 0 : i32
    %dma_wait3A_60 = tpu.memref_slice %arg12[%dma_wait3A_58, %dma_wait3A_59] : memref<104x128xf32, #tpu.memory_space<vmem>> -> memref<16x128xf32, #tpu.memory_space<vmem>>
    %dma_wait3A_61 = arith.constant 9984 : i32
    %dma_wait3A_62 = tpu.memref_slice %arg8[%dma_wait3A_61] : memref<10000xi32, #tpu.memory_space<vmem>> -> memref<16xi32, #tpu.memory_space<vmem>>
    %dma_wait3A_63 = arith.constant 0 : i32
    %dma_wait3A_64 = arith.constant 0 : i32
    %dma_wait3A_65 = tpu.memref_slice %arg2[%dma_wait3A_63, %dma_wait3A_64] : memref<10000x128xf32, #tpu.memory_space<hbm>> -> memref<10000x128xf32, #tpu.memory_space<hbm>>
    tpu.wait_indirect_dma semaphore(%arg19 : memref<!tpu.dma_semaphore, #tpu.memory_space<semaphore_mem>>) src(%dma_wait3A_65 : memref<10000x128xf32, #tpu.memory_space<hbm>>) dst(%dma_wait3A_60 : memref<16x128xf32, #tpu.memory_space<vmem>>)
    "tpu.region"() ({
      %run_scoped3A = tpu.sem_alloc : memref<!tpu.dma_semaphore, #tpu.memory_space<semaphore_mem>>
      %dma_start3A_72 = arith.constant 0 : i32
      %dma_start3A_73 = arith.constant 0 : i32
      %dma_start3A_74 = tpu.memref_slice %arg12[%dma_start3A_72, %dma_start3A_73] : memref<104x128xf32, #tpu.memory_space<vmem>> -> memref<16x128xf32, #tpu.memory_space<vmem>>
      %dma_start3A_75 = arith.constant 0 : i32
      %dma_start3A_76 = arith.constant 0 : i32
      %dma_start3A_77 = tpu.memref_slice %arg7[%dma_start3A_75, %dma_start3A_76] : memref<10000x128xf32, #tpu.memory_space<vmem_shared>> -> memref<10000x128xf32, #tpu.memory_space<vmem_shared>>
      tpu.enqueue_indirect_dma source(%dma_start3A_74 : memref<16x128xf32, #tpu.memory_space<vmem>>) target(%dma_start3A_77 : memref<10000x128xf32, #tpu.memory_space<vmem_shared>>) offsets(%arg15 : memref<16xi32, #tpu.memory_space<vmem>>) semaphore(%run_scoped3A : memref<!tpu.dma_semaphore, #tpu.memory_space<semaphore_mem>>) {add = true}
      %dma_wait3A_78 = arith.constant 0 : i32
      %dma_wait3A_79 = arith.constant 0 : i32
      %dma_wait3A_80 = tpu.memref_slice %arg12[%dma_wait3A_78, %dma_wait3A_79] : memref<104x128xf32, #tpu.memory_space<vmem>> -> memref<16x128xf32, #tpu.memory_space<vmem>>
      %dma_wait3A_81 = arith.constant 0 : i32
      %dma_wait3A_82 = arith.constant 0 : i32
      %dma_wait3A_83 = tpu.memref_slice %arg7[%dma_wait3A_81, %dma_wait3A_82] : memref<10000x128xf32, #tpu.memory_space<vmem_shared>> -> memref<10000x128xf32, #tpu.memory_space<vmem_shared>>
      tpu.wait_indirect_dma semaphore(%run_scoped3A : memref<!tpu.dma_semaphore, #tpu.memory_space<semaphore_mem>>) src(%dma_wait3A_80 : memref<16x128xf32, #tpu.memory_space<vmem>>) dst(%dma_wait3A_83 : memref<10000x128xf32, #tpu.memory_space<vmem_shared>>)
      tpu.yield
    }) : () -> ()
    %barrier3A_66 = arith.constant 0 : index
    tpu.barrier barrier_id(%barrier3A_66)
    "tpu.region"() ({
      %run_scoped3A = tpu.sem_alloc : memref<!tpu.dma_semaphore, #tpu.memory_space<semaphore_mem>>
      %dma_start3A_72 = arith.constant 0 : i32
      %dma_start3A_73 = tpu.memref_slice %arg6[%arg0, %mul3A_4, %dma_start3A_72] : memref<2x10000x128xf32, #tpu.memory_space<hbm>> -> memref<1x624x128xf32, #tpu.memory_space<hbm>>
      %dma_start3A_74 = tpu.memref_squeeze %dma_start3A_73 : memref<1x624x128xf32, #tpu.memory_space<hbm>> -> memref<624x128xf32, #tpu.memory_space<hbm>>
      %dma_start3A_75 = arith.constant 0 : i32
      %dma_start3A_76 = tpu.memref_slice %arg7[%mul3A_4, %dma_start3A_75] : memref<10000x128xf32, #tpu.memory_space<vmem_shared>> -> memref<624x128xf32, #tpu.memory_space<vmem_shared>>
      tpu.enqueue_dma source(%dma_start3A_76 : memref<624x128xf32, #tpu.memory_space<vmem_shared>>) target(%dma_start3A_74 : memref<624x128xf32, #tpu.memory_space<hbm>>) target_semaphore(%run_scoped3A : memref<!tpu.dma_semaphore, #tpu.memory_space<semaphore_mem>>)
      %dma_wait3A_77 = arith.constant 0 : i32
      %dma_wait3A_78 = tpu.memref_slice %arg6[%arg0, %mul3A_4, %dma_wait3A_77] : memref<2x10000x128xf32, #tpu.memory_space<hbm>> -> memref<1x624x128xf32, #tpu.memory_space<hbm>>
      %dma_wait3A_79 = tpu.memref_squeeze %dma_wait3A_78 : memref<1x624x128xf32, #tpu.memory_space<hbm>> -> memref<624x128xf32, #tpu.memory_space<hbm>>
      %dma_wait3A_80 = arith.constant 0 : i32
      %dma_wait3A_81 = tpu.memref_slice %arg7[%mul3A_4, %dma_wait3A_80] : memref<10000x128xf32, #tpu.memory_space<vmem_shared>> -> memref<624x128xf32, #tpu.memory_space<vmem_shared>>
      tpu.wait_dma2 semaphore(%run_scoped3A : memref<!tpu.dma_semaphore, #tpu.memory_space<semaphore_mem>>) src(%dma_wait3A_81 : memref<624x128xf32, #tpu.memory_space<vmem_shared>>) dst(%dma_wait3A_79 : memref<624x128xf32, #tpu.memory_space<hbm>>)
      tpu.yield
    }) : () -> ()
    %eq3A_67 = arith.constant 0 : i32
    %eq3A_68 = arith.cmpi eq, %arg1, %eq3A_67 : i32
    %convert_element_type3A_69 = arith.extui %eq3A_68 : i1 to i32
    %cond3A_70 = arith.constant 0 : i32
    %cond3A_71 = arith.cmpi ne, %convert_element_type3A_69, %cond3A_70 : i32
    scf.if %cond3A_71 {
      "tpu.region"() ({
        %run_scoped3A = tpu.sem_alloc : memref<!tpu.dma_semaphore, #tpu.memory_space<semaphore_mem>>
        %dma_start3A_72 = arith.constant 9984 : i32
        %dma_start3A_73 = arith.constant 0 : i32
        %dma_start3A_74 = tpu.memref_slice %arg6[%arg0, %dma_start3A_72, %dma_start3A_73] : memref<2x10000x128xf32, #tpu.memory_space<hbm>> -> memref<1x16x128xf32, #tpu.memory_space<hbm>>
        %dma_start3A_75 = tpu.memref_squeeze %dma_start3A_74 : memref<1x16x128xf32, #tpu.memory_space<hbm>> -> memref<16x128xf32, #tpu.memory_space<hbm>>
        %dma_start3A_76 = arith.constant 9984 : i32
        %dma_start3A_77 = arith.constant 0 : i32
        %dma_start3A_78 = tpu.memref_slice %arg7[%dma_start3A_76, %dma_start3A_77] : memref<10000x128xf32, #tpu.memory_space<vmem_shared>> -> memref<16x128xf32, #tpu.memory_space<vmem_shared>>
        tpu.enqueue_dma source(%dma_start3A_78 : memref<16x128xf32, #tpu.memory_space<vmem_shared>>) target(%dma_start3A_75 : memref<16x128xf32, #tpu.memory_space<hbm>>) target_semaphore(%run_scoped3A : memref<!tpu.dma_semaphore, #tpu.memory_space<semaphore_mem>>)
        %dma_wait3A_79 = arith.constant 9984 : i32
        %dma_wait3A_80 = arith.constant 0 : i32
        %dma_wait3A_81 = tpu.memref_slice %arg6[%arg0, %dma_wait3A_79, %dma_wait3A_80] : memref<2x10000x128xf32, #tpu.memory_space<hbm>> -> memref<1x16x128xf32, #tpu.memory_space<hbm>>
        %dma_wait3A_82 = tpu.memref_squeeze %dma_wait3A_81 : memref<1x16x128xf32, #tpu.memory_space<hbm>> -> memref<16x128xf32, #tpu.memory_space<hbm>>
        %dma_wait3A_83 = arith.constant 9984 : i32
        %dma_wait3A_84 = arith.constant 0 : i32
        %dma_wait3A_85 = tpu.memref_slice %arg7[%dma_wait3A_83, %dma_wait3A_84] : memref<10000x128xf32, #tpu.memory_space<vmem_shared>> -> memref<16x128xf32, #tpu.memory_space<vmem_shared>>
        tpu.wait_dma2 semaphore(%run_scoped3A : memref<!tpu.dma_semaphore, #tpu.memory_space<semaphore_mem>>) src(%dma_wait3A_85 : memref<16x128xf32, #tpu.memory_space<vmem_shared>>) dst(%dma_wait3A_82 : memref<16x128xf32, #tpu.memory_space<hbm>>)
        tpu.yield
      }) : () -> ()
    } else {
    }
    return
  }
}

#map = affine_map<(d0, d1) -> (0, 0)>
#map1 = affine_map<(d0, d1) -> (0)>
#map2 = affine_map<(d0, d1) -> (0, 0, 0)>
module attributes {stable_mosaic.version = 14 : i64} {
  func.func @seg(%arg0: i32, %arg1: i32, %arg2: memref<10000x128xf32, #tpu.memory_space<hbm>>, %arg3: memref<320000xi32, #tpu.memory_space<hbm>>, %arg4: memref<320000xi32, #tpu.memory_space<hbm>>, %arg5: memref<10000x128xf32, #tpu.memory_space<hbm>>, %arg6: memref<2x10000x128xf32, #tpu.memory_space<hbm>>, %arg7: memref<10000x128xf32, #tpu.memory_space<vmem_shared>>, %arg8: memref<10000xi32, #tpu.memory_space<vmem>>, %arg9: memref<104xi32, #tpu.memory_space<vmem>>, %arg10: memref<104xi32, #tpu.memory_space<vmem>>, %arg11: memref<104xi32, #tpu.memory_space<vmem>>, %arg12: memref<104x128xf32, #tpu.memory_space<vmem>>, %arg13: memref<104x128xf32, #tpu.memory_space<vmem>>, %arg14: memref<104x128xf32, #tpu.memory_space<vmem>>, %arg15: memref<16xi32, #tpu.memory_space<vmem>>, %arg16: memref<!tpu.dma_semaphore, #tpu.memory_space<semaphore_mem>>, %arg17: memref<!tpu.dma_semaphore, #tpu.memory_space<semaphore_mem>>, %arg18: memref<!tpu.dma_semaphore, #tpu.memory_space<semaphore_mem>>, %arg19: memref<!tpu.dma_semaphore, #tpu.memory_space<semaphore_mem>>, %arg20: memref<!tpu.dma_semaphore, #tpu.memory_space<semaphore_mem>>, %arg21: memref<!tpu.dma_semaphore, #tpu.memory_space<semaphore_mem>>, %arg22: memref<!tpu.dma_semaphore, #tpu.memory_space<semaphore_mem>>, %arg23: memref<!tpu.dma_semaphore, #tpu.memory_space<semaphore_mem>>, %arg24: memref<!tpu.dma_semaphore, #tpu.memory_space<semaphore_mem>>) attributes {dimension_semantics = [#tpu.dimension_semantics<core_parallel>, #tpu.dimension_semantics<subcore_parallel>], iteration_bounds = array<i64: 2, 16>, scalar_prefetch = 0 : i64, scratch_operands = 18 : i64, tpu.core_type = #tpu.core_type<sc_vector_subcore>, window_params = [{transform_indices = #map}, {transform_indices = #map1}, {transform_indices = #map1}, {transform_indices = #map}, {transform_indices = #map2}]} {
    %mul3A = arith.constant 16 : i32
    %mul3A_0 = arith.muli %arg0, %mul3A : i32
    %add3A = arith.addi %mul3A_0, %arg1 : i32
    %mul3A_1 = arith.constant 10000 : i32
    %mul3A_2 = arith.muli %add3A, %mul3A_1 : i32
    %mul3A_3 = arith.constant 624 : i32
    %mul3A_4 = arith.muli %arg1, %mul3A_3 : i32
    %dma_start3A = tpu.memref_slice %arg3[%mul3A_2] : memref<320000xi32, #tpu.memory_space<hbm>> -> memref<10000xi32, #tpu.memory_space<hbm>>
    %dma_start3A_5 = tpu.memref_slice %arg3[%mul3A_2] : memref<320000xi32, #tpu.memory_space<hbm>> -> memref<10000xi32, #tpu.memory_space<hbm>>
    tpu.enqueue_dma source(%dma_start3A_5 : memref<10000xi32, #tpu.memory_space<hbm>>) target(%arg8 : memref<10000xi32, #tpu.memory_space<vmem>>) target_semaphore(%arg16 : memref<!tpu.dma_semaphore, #tpu.memory_space<semaphore_mem>>)
    %dma_start3A_6 = arith.constant 0 : i32
    %dma_start3A_7 = tpu.memref_slice %arg7[%mul3A_4, %dma_start3A_6] : memref<10000x128xf32, #tpu.memory_space<vmem_shared>> -> memref<624x128xf32, #tpu.memory_space<vmem_shared>>
    %dma_start3A_8 = arith.constant 0 : i32
    %dma_start3A_9 = tpu.memref_slice %arg5[%mul3A_4, %dma_start3A_8] : memref<10000x128xf32, #tpu.memory_space<hbm>> -> memref<624x128xf32, #tpu.memory_space<hbm>>
    tpu.enqueue_dma source(%dma_start3A_9 : memref<624x128xf32, #tpu.memory_space<hbm>>) target(%dma_start3A_7 : memref<624x128xf32, #tpu.memory_space<vmem_shared>>) target_semaphore(%arg19 : memref<!tpu.dma_semaphore, #tpu.memory_space<semaphore_mem>>)
    %eq3A = arith.constant 0 : i32
    %eq3A_10 = arith.cmpi eq, %arg1, %eq3A : i32
    %convert_element_type3A = arith.extui %eq3A_10 : i1 to i32
    %cond3A = arith.constant 0 : i32
    %cond3A_11 = arith.cmpi ne, %convert_element_type3A, %cond3A : i32
    scf.if %cond3A_11 {
      %dma_start3A_72 = arith.constant 9984 : i32
      %dma_start3A_73 = arith.constant 0 : i32
      %dma_start3A_74 = tpu.memref_slice %arg7[%dma_start3A_72, %dma_start3A_73] : memref<10000x128xf32, #tpu.memory_space<vmem_shared>> -> memref<16x128xf32, #tpu.memory_space<vmem_shared>>
      %dma_start3A_75 = arith.constant 9984 : i32
      %dma_start3A_76 = arith.constant 0 : i32
      %dma_start3A_77 = tpu.memref_slice %arg5[%dma_start3A_75, %dma_start3A_76] : memref<10000x128xf32, #tpu.memory_space<hbm>> -> memref<16x128xf32, #tpu.memory_space<hbm>>
      tpu.enqueue_dma source(%dma_start3A_77 : memref<16x128xf32, #tpu.memory_space<hbm>>) target(%dma_start3A_74 : memref<16x128xf32, #tpu.memory_space<vmem_shared>>) target_semaphore(%arg20 : memref<!tpu.dma_semaphore, #tpu.memory_space<semaphore_mem>>)
      %dma_wait3A_78 = arith.constant 9984 : i32
      %dma_wait3A_79 = arith.constant 0 : i32
      %dma_wait3A_80 = tpu.memref_slice %arg7[%dma_wait3A_78, %dma_wait3A_79] : memref<10000x128xf32, #tpu.memory_space<vmem_shared>> -> memref<16x128xf32, #tpu.memory_space<vmem_shared>>
      %dma_wait3A_81 = arith.constant 9984 : i32
      %dma_wait3A_82 = arith.constant 0 : i32
      %dma_wait3A_83 = tpu.memref_slice %arg5[%dma_wait3A_81, %dma_wait3A_82] : memref<10000x128xf32, #tpu.memory_space<hbm>> -> memref<16x128xf32, #tpu.memory_space<hbm>>
      tpu.wait_dma2 semaphore(%arg20 : memref<!tpu.dma_semaphore, #tpu.memory_space<semaphore_mem>>) src(%dma_wait3A_83 : memref<16x128xf32, #tpu.memory_space<hbm>>) dst(%dma_wait3A_80 : memref<16x128xf32, #tpu.memory_space<vmem_shared>>)
    } else {
    }
    %dma_wait3A = tpu.memref_slice %arg3[%mul3A_2] : memref<320000xi32, #tpu.memory_space<hbm>> -> memref<10000xi32, #tpu.memory_space<hbm>>
    %dma_wait3A_12 = tpu.memref_slice %arg3[%mul3A_2] : memref<320000xi32, #tpu.memory_space<hbm>> -> memref<10000xi32, #tpu.memory_space<hbm>>
    tpu.wait_dma2 semaphore(%arg16 : memref<!tpu.dma_semaphore, #tpu.memory_space<semaphore_mem>>) src(%dma_wait3A_12 : memref<10000xi32, #tpu.memory_space<hbm>>) dst(%arg8 : memref<10000xi32, #tpu.memory_space<vmem>>)
    %dma_wait3A_13 = arith.constant 0 : i32
    %dma_wait3A_14 = tpu.memref_slice %arg7[%mul3A_4, %dma_wait3A_13] : memref<10000x128xf32, #tpu.memory_space<vmem_shared>> -> memref<624x128xf32, #tpu.memory_space<vmem_shared>>
    %dma_wait3A_15 = arith.constant 0 : i32
    %dma_wait3A_16 = tpu.memref_slice %arg5[%mul3A_4, %dma_wait3A_15] : memref<10000x128xf32, #tpu.memory_space<hbm>> -> memref<624x128xf32, #tpu.memory_space<hbm>>
    tpu.wait_dma2 semaphore(%arg19 : memref<!tpu.dma_semaphore, #tpu.memory_space<semaphore_mem>>) src(%dma_wait3A_16 : memref<624x128xf32, #tpu.memory_space<hbm>>) dst(%dma_wait3A_14 : memref<624x128xf32, #tpu.memory_space<vmem_shared>>)
    %barrier3A = arith.constant 0 : index
    tpu.barrier barrier_id(%barrier3A)
    %add3A_17 = arith.constant 0 : i32
    %add3A_18 = arith.addi %mul3A_2, %add3A_17 : i32
    %dma_start3A_19 = tpu.memref_slice %arg4[%add3A_18] : memref<320000xi32, #tpu.memory_space<hbm>> -> memref<104xi32, #tpu.memory_space<hbm>>
    %dma_start3A_20 = tpu.memref_slice %arg4[%add3A_18] : memref<320000xi32, #tpu.memory_space<hbm>> -> memref<104xi32, #tpu.memory_space<hbm>>
    tpu.enqueue_dma source(%dma_start3A_20 : memref<104xi32, #tpu.memory_space<hbm>>) target(%arg9 : memref<104xi32, #tpu.memory_space<vmem>>) target_semaphore(%arg16 : memref<!tpu.dma_semaphore, #tpu.memory_space<semaphore_mem>>)
    %dma_start3A_21 = arith.constant 0 : i32
    %dma_start3A_22 = tpu.memref_slice %arg8[%dma_start3A_21] : memref<10000xi32, #tpu.memory_space<vmem>> -> memref<104xi32, #tpu.memory_space<vmem>>
    %dma_start3A_23 = arith.constant 0 : i32
    %dma_start3A_24 = arith.constant 0 : i32
    %dma_start3A_25 = tpu.memref_slice %arg2[%dma_start3A_23, %dma_start3A_24] : memref<10000x128xf32, #tpu.memory_space<hbm>> -> memref<10000x128xf32, #tpu.memory_space<hbm>>
    tpu.enqueue_indirect_dma source(%dma_start3A_25 : memref<10000x128xf32, #tpu.memory_space<hbm>>) target(%arg12 : memref<104x128xf32, #tpu.memory_space<vmem>>) offsets(%dma_start3A_22 : memref<104xi32, #tpu.memory_space<vmem>>) semaphore(%arg19 : memref<!tpu.dma_semaphore, #tpu.memory_space<semaphore_mem>>)
    %add3A_26 = arith.constant 104 : i32
    %add3A_27 = arith.addi %mul3A_2, %add3A_26 : i32
    %dma_start3A_28 = tpu.memref_slice %arg4[%add3A_27] : memref<320000xi32, #tpu.memory_space<hbm>> -> memref<104xi32, #tpu.memory_space<hbm>>
    %dma_start3A_29 = tpu.memref_slice %arg4[%add3A_27] : memref<320000xi32, #tpu.memory_space<hbm>> -> memref<104xi32, #tpu.memory_space<hbm>>
    tpu.enqueue_dma source(%dma_start3A_29 : memref<104xi32, #tpu.memory_space<hbm>>) target(%arg10 : memref<104xi32, #tpu.memory_space<vmem>>) target_semaphore(%arg17 : memref<!tpu.dma_semaphore, #tpu.memory_space<semaphore_mem>>)
    %dma_start3A_30 = arith.constant 104 : i32
    %dma_start3A_31 = tpu.memref_slice %arg8[%dma_start3A_30] : memref<10000xi32, #tpu.memory_space<vmem>> -> memref<104xi32, #tpu.memory_space<vmem>>
    %dma_start3A_32 = arith.constant 0 : i32
    %dma_start3A_33 = arith.constant 0 : i32
    %dma_start3A_34 = tpu.memref_slice %arg2[%dma_start3A_32, %dma_start3A_33] : memref<10000x128xf32, #tpu.memory_space<hbm>> -> memref<10000x128xf32, #tpu.memory_space<hbm>>
    tpu.enqueue_indirect_dma source(%dma_start3A_34 : memref<10000x128xf32, #tpu.memory_space<hbm>>) target(%arg13 : memref<104x128xf32, #tpu.memory_space<vmem>>) offsets(%dma_start3A_31 : memref<104xi32, #tpu.memory_space<vmem>>) semaphore(%arg20 : memref<!tpu.dma_semaphore, #tpu.memory_space<semaphore_mem>>)
    %add3A_35 = arith.constant 208 : i32
    %add3A_36 = arith.addi %mul3A_2, %add3A_35 : i32
    %dma_start3A_37 = tpu.memref_slice %arg4[%add3A_36] : memref<320000xi32, #tpu.memory_space<hbm>> -> memref<104xi32, #tpu.memory_space<hbm>>
    %dma_start3A_38 = tpu.memref_slice %arg4[%add3A_36] : memref<320000xi32, #tpu.memory_space<hbm>> -> memref<104xi32, #tpu.memory_space<hbm>>
    tpu.enqueue_dma source(%dma_start3A_38 : memref<104xi32, #tpu.memory_space<hbm>>) target(%arg11 : memref<104xi32, #tpu.memory_space<vmem>>) target_semaphore(%arg18 : memref<!tpu.dma_semaphore, #tpu.memory_space<semaphore_mem>>)
    %dma_start3A_39 = arith.constant 208 : i32
    %dma_start3A_40 = tpu.memref_slice %arg8[%dma_start3A_39] : memref<10000xi32, #tpu.memory_space<vmem>> -> memref<104xi32, #tpu.memory_space<vmem>>
    %dma_start3A_41 = arith.constant 0 : i32
    %dma_start3A_42 = arith.constant 0 : i32
    %dma_start3A_43 = tpu.memref_slice %arg2[%dma_start3A_41, %dma_start3A_42] : memref<10000x128xf32, #tpu.memory_space<hbm>> -> memref<10000x128xf32, #tpu.memory_space<hbm>>
    tpu.enqueue_indirect_dma source(%dma_start3A_43 : memref<10000x128xf32, #tpu.memory_space<hbm>>) target(%arg14 : memref<104x128xf32, #tpu.memory_space<vmem>>) offsets(%dma_start3A_40 : memref<104xi32, #tpu.memory_space<vmem>>) semaphore(%arg21 : memref<!tpu.dma_semaphore, #tpu.memory_space<semaphore_mem>>)
    %scan3A = arith.constant 0 : i32
    %scan3A_44 = arith.constant 32 : i32
    %scan3A_45 = arith.addi %scan3A, %scan3A_44 : i32
    %scan3A_46 = arith.constant 1 : i32
    scf.for %scan3A_72 = %scan3A to %scan3A_45 step %scan3A_46  : i32 {
      %mul3A_73 = arith.constant 3 : i32
      %mul3A_74 = arith.muli %scan3A_72, %mul3A_73 : i32
      %add3A_75 = arith.constant 0 : i32
      %add3A_76 = arith.addi %add3A_75, %mul3A_74 : i32
      %dma_wait3A_77 = tpu.memref_slice %arg4[%mul3A_2] : memref<320000xi32, #tpu.memory_space<hbm>> -> memref<104xi32, #tpu.memory_space<hbm>>
      %dma_wait3A_78 = tpu.memref_slice %arg4[%mul3A_2] : memref<320000xi32, #tpu.memory_space<hbm>> -> memref<104xi32, #tpu.memory_space<hbm>>
      tpu.wait_dma2 semaphore(%arg16 : memref<!tpu.dma_semaphore, #tpu.memory_space<semaphore_mem>>) src(%dma_wait3A_78 : memref<104xi32, #tpu.memory_space<hbm>>) dst(%arg9 : memref<104xi32, #tpu.memory_space<vmem>>)
      %dma_wait3A_79 = arith.constant 0 : i32
      %dma_wait3A_80 = arith.constant 0 : i32
      %dma_wait3A_81 = tpu.memref_slice %arg5[%dma_wait3A_79, %dma_wait3A_80] : memref<10000x128xf32, #tpu.memory_space<hbm>> -> memref<104x128xf32, #tpu.memory_space<hbm>>
      %dma_wait3A_82 = arith.constant 0 : i32
      %dma_wait3A_83 = arith.constant 0 : i32
      %dma_wait3A_84 = tpu.memref_slice %arg5[%dma_wait3A_82, %dma_wait3A_83] : memref<10000x128xf32, #tpu.memory_space<hbm>> -> memref<104x128xf32, #tpu.memory_space<hbm>>
      tpu.wait_dma2 semaphore(%arg19 : memref<!tpu.dma_semaphore, #tpu.memory_space<semaphore_mem>>) src(%dma_wait3A_84 : memref<104x128xf32, #tpu.memory_space<hbm>>) dst(%arg12 : memref<104x128xf32, #tpu.memory_space<vmem>>)
      %dma_start3A_85 = arith.constant 0 : i32
      %dma_start3A_86 = arith.constant 0 : i32
      %dma_start3A_87 = tpu.memref_slice %arg7[%dma_start3A_85, %dma_start3A_86] : memref<10000x128xf32, #tpu.memory_space<vmem_shared>> -> memref<10000x128xf32, #tpu.memory_space<vmem_shared>>
      tpu.enqueue_indirect_dma source(%arg12 : memref<104x128xf32, #tpu.memory_space<vmem>>) target(%dma_start3A_87 : memref<10000x128xf32, #tpu.memory_space<vmem_shared>>) offsets(%arg9 : memref<104xi32, #tpu.memory_space<vmem>>) semaphore(%arg22 : memref<!tpu.dma_semaphore, #tpu.memory_space<semaphore_mem>>) {add = true}
      %dma_wait3A_88 = tpu.memref_slice %arg4[%mul3A_2] : memref<320000xi32, #tpu.memory_space<hbm>> -> memref<104xi32, #tpu.memory_space<hbm>>
      %dma_wait3A_89 = tpu.memref_slice %arg4[%mul3A_2] : memref<320000xi32, #tpu.memory_space<hbm>> -> memref<104xi32, #tpu.memory_space<hbm>>
      tpu.wait_dma2 semaphore(%arg17 : memref<!tpu.dma_semaphore, #tpu.memory_space<semaphore_mem>>) src(%dma_wait3A_89 : memref<104xi32, #tpu.memory_space<hbm>>) dst(%arg10 : memref<104xi32, #tpu.memory_space<vmem>>)
      %dma_wait3A_90 = arith.constant 0 : i32
      %dma_wait3A_91 = arith.constant 0 : i32
      %dma_wait3A_92 = tpu.memref_slice %arg5[%dma_wait3A_90, %dma_wait3A_91] : memref<10000x128xf32, #tpu.memory_space<hbm>> -> memref<104x128xf32, #tpu.memory_space<hbm>>
      %dma_wait3A_93 = arith.constant 0 : i32
      %dma_wait3A_94 = arith.constant 0 : i32
      %dma_wait3A_95 = tpu.memref_slice %arg5[%dma_wait3A_93, %dma_wait3A_94] : memref<10000x128xf32, #tpu.memory_space<hbm>> -> memref<104x128xf32, #tpu.memory_space<hbm>>
      tpu.wait_dma2 semaphore(%arg20 : memref<!tpu.dma_semaphore, #tpu.memory_space<semaphore_mem>>) src(%dma_wait3A_95 : memref<104x128xf32, #tpu.memory_space<hbm>>) dst(%arg13 : memref<104x128xf32, #tpu.memory_space<vmem>>)
      %dma_start3A_96 = arith.constant 0 : i32
      %dma_start3A_97 = arith.constant 0 : i32
      %dma_start3A_98 = tpu.memref_slice %arg7[%dma_start3A_96, %dma_start3A_97] : memref<10000x128xf32, #tpu.memory_space<vmem_shared>> -> memref<10000x128xf32, #tpu.memory_space<vmem_shared>>
      tpu.enqueue_indirect_dma source(%arg13 : memref<104x128xf32, #tpu.memory_space<vmem>>) target(%dma_start3A_98 : memref<10000x128xf32, #tpu.memory_space<vmem_shared>>) offsets(%arg10 : memref<104xi32, #tpu.memory_space<vmem>>) semaphore(%arg23 : memref<!tpu.dma_semaphore, #tpu.memory_space<semaphore_mem>>) {add = true}
      %dma_wait3A_99 = tpu.memref_slice %arg4[%mul3A_2] : memref<320000xi32, #tpu.memory_space<hbm>> -> memref<104xi32, #tpu.memory_space<hbm>>
      %dma_wait3A_100 = tpu.memref_slice %arg4[%mul3A_2] : memref<320000xi32, #tpu.memory_space<hbm>> -> memref<104xi32, #tpu.memory_space<hbm>>
      tpu.wait_dma2 semaphore(%arg18 : memref<!tpu.dma_semaphore, #tpu.memory_space<semaphore_mem>>) src(%dma_wait3A_100 : memref<104xi32, #tpu.memory_space<hbm>>) dst(%arg11 : memref<104xi32, #tpu.memory_space<vmem>>)
      %dma_wait3A_101 = arith.constant 0 : i32
      %dma_wait3A_102 = arith.constant 0 : i32
      %dma_wait3A_103 = tpu.memref_slice %arg5[%dma_wait3A_101, %dma_wait3A_102] : memref<10000x128xf32, #tpu.memory_space<hbm>> -> memref<104x128xf32, #tpu.memory_space<hbm>>
      %dma_wait3A_104 = arith.constant 0 : i32
      %dma_wait3A_105 = arith.constant 0 : i32
      %dma_wait3A_106 = tpu.memref_slice %arg5[%dma_wait3A_104, %dma_wait3A_105] : memref<10000x128xf32, #tpu.memory_space<hbm>> -> memref<104x128xf32, #tpu.memory_space<hbm>>
      tpu.wait_dma2 semaphore(%arg21 : memref<!tpu.dma_semaphore, #tpu.memory_space<semaphore_mem>>) src(%dma_wait3A_106 : memref<104x128xf32, #tpu.memory_space<hbm>>) dst(%arg14 : memref<104x128xf32, #tpu.memory_space<vmem>>)
      %dma_start3A_107 = arith.constant 0 : i32
      %dma_start3A_108 = arith.constant 0 : i32
      %dma_start3A_109 = tpu.memref_slice %arg7[%dma_start3A_107, %dma_start3A_108] : memref<10000x128xf32, #tpu.memory_space<vmem_shared>> -> memref<10000x128xf32, #tpu.memory_space<vmem_shared>>
      tpu.enqueue_indirect_dma source(%arg14 : memref<104x128xf32, #tpu.memory_space<vmem>>) target(%dma_start3A_109 : memref<10000x128xf32, #tpu.memory_space<vmem_shared>>) offsets(%arg11 : memref<104xi32, #tpu.memory_space<vmem>>) semaphore(%arg24 : memref<!tpu.dma_semaphore, #tpu.memory_space<semaphore_mem>>) {add = true}
      %dma_wait3A_110 = arith.constant 0 : i32
      %dma_wait3A_111 = arith.constant 0 : i32
      %dma_wait3A_112 = tpu.memref_slice %arg5[%dma_wait3A_110, %dma_wait3A_111] : memref<10000x128xf32, #tpu.memory_space<hbm>> -> memref<104x128xf32, #tpu.memory_space<hbm>>
      %dma_wait3A_113 = arith.constant 0 : i32
      %dma_wait3A_114 = arith.constant 0 : i32
      %dma_wait3A_115 = tpu.memref_slice %arg5[%dma_wait3A_113, %dma_wait3A_114] : memref<10000x128xf32, #tpu.memory_space<hbm>> -> memref<104x128xf32, #tpu.memory_space<hbm>>
      tpu.wait_dma2 semaphore(%arg22 : memref<!tpu.dma_semaphore, #tpu.memory_space<semaphore_mem>>) src(%dma_wait3A_115 : memref<104x128xf32, #tpu.memory_space<hbm>>) dst(%arg12 : memref<104x128xf32, #tpu.memory_space<vmem>>)
      %add3A_116 = arith.constant 0 : i32
      %add3A_117 = arith.addi %add3A_76, %add3A_116 : i32
      %add3A_118 = arith.constant 3 : i32
      %add3A_119 = arith.addi %add3A_117, %add3A_118 : i32
      %lt3A = arith.constant 96 : i32
      %lt3A_120 = arith.cmpi slt, %add3A_119, %lt3A : i32
      %convert_element_type3A_121 = arith.extui %lt3A_120 : i1 to i32
      %cond3A_122 = arith.constant 0 : i32
      %cond3A_123 = arith.cmpi ne, %convert_element_type3A_121, %cond3A_122 : i32
      scf.if %cond3A_123 {
        %add3A_154 = arith.constant 0 : i32
        %add3A_155 = arith.addi %add3A_76, %add3A_154 : i32
        %add3A_156 = arith.constant 3 : i32
        %add3A_157 = arith.addi %add3A_155, %add3A_156 : i32
        %mul3A_158 = arith.constant 104 : i32
        %mul3A_159 = arith.muli %add3A_157, %mul3A_158 : i32
        %add3A_160 = arith.addi %mul3A_2, %mul3A_159 : i32
        %dma_start3A_161 = tpu.memref_slice %arg4[%add3A_160] : memref<320000xi32, #tpu.memory_space<hbm>> -> memref<104xi32, #tpu.memory_space<hbm>>
        %dma_start3A_162 = tpu.memref_slice %arg4[%add3A_160] : memref<320000xi32, #tpu.memory_space<hbm>> -> memref<104xi32, #tpu.memory_space<hbm>>
        tpu.enqueue_dma source(%dma_start3A_162 : memref<104xi32, #tpu.memory_space<hbm>>) target(%arg9 : memref<104xi32, #tpu.memory_space<vmem>>) target_semaphore(%arg16 : memref<!tpu.dma_semaphore, #tpu.memory_space<semaphore_mem>>)
        %mul3A_163 = arith.constant 104 : i32
        %mul3A_164 = arith.muli %add3A_157, %mul3A_163 : i32
        %dma_start3A_165 = tpu.memref_slice %arg8[%mul3A_164] : memref<10000xi32, #tpu.memory_space<vmem>> -> memref<104xi32, #tpu.memory_space<vmem>>
        %dma_start3A_166 = arith.constant 0 : i32
        %dma_start3A_167 = arith.constant 0 : i32
        %dma_start3A_168 = tpu.memref_slice %arg2[%dma_start3A_166, %dma_start3A_167] : memref<10000x128xf32, #tpu.memory_space<hbm>> -> memref<10000x128xf32, #tpu.memory_space<hbm>>
        tpu.enqueue_indirect_dma source(%dma_start3A_168 : memref<10000x128xf32, #tpu.memory_space<hbm>>) target(%arg12 : memref<104x128xf32, #tpu.memory_space<vmem>>) offsets(%dma_start3A_165 : memref<104xi32, #tpu.memory_space<vmem>>) semaphore(%arg19 : memref<!tpu.dma_semaphore, #tpu.memory_space<semaphore_mem>>)
      } else {
      }
      %dma_wait3A_124 = arith.constant 0 : i32
      %dma_wait3A_125 = arith.constant 0 : i32
      %dma_wait3A_126 = tpu.memref_slice %arg5[%dma_wait3A_124, %dma_wait3A_125] : memref<10000x128xf32, #tpu.memory_space<hbm>> -> memref<104x128xf32, #tpu.memory_space<hbm>>
      %dma_wait3A_127 = arith.constant 0 : i32
      %dma_wait3A_128 = arith.constant 0 : i32
      %dma_wait3A_129 = tpu.memref_slice %arg5[%dma_wait3A_127, %dma_wait3A_128] : memref<10000x128xf32, #tpu.memory_space<hbm>> -> memref<104x128xf32, #tpu.memory_space<hbm>>
      tpu.wait_dma2 semaphore(%arg23 : memref<!tpu.dma_semaphore, #tpu.memory_space<semaphore_mem>>) src(%dma_wait3A_129 : memref<104x128xf32, #tpu.memory_space<hbm>>) dst(%arg13 : memref<104x128xf32, #tpu.memory_space<vmem>>)
      %add3A_130 = arith.constant 1 : i32
      %add3A_131 = arith.addi %add3A_76, %add3A_130 : i32
      %add3A_132 = arith.constant 3 : i32
      %add3A_133 = arith.addi %add3A_131, %add3A_132 : i32
      %lt3A_134 = arith.constant 96 : i32
      %lt3A_135 = arith.cmpi slt, %add3A_133, %lt3A_134 : i32
      %convert_element_type3A_136 = arith.extui %lt3A_135 : i1 to i32
      %cond3A_137 = arith.constant 0 : i32
      %cond3A_138 = arith.cmpi ne, %convert_element_type3A_136, %cond3A_137 : i32
      scf.if %cond3A_138 {
        %add3A_154 = arith.constant 1 : i32
        %add3A_155 = arith.addi %add3A_76, %add3A_154 : i32
        %add3A_156 = arith.constant 3 : i32
        %add3A_157 = arith.addi %add3A_155, %add3A_156 : i32
        %mul3A_158 = arith.constant 104 : i32
        %mul3A_159 = arith.muli %add3A_157, %mul3A_158 : i32
        %add3A_160 = arith.addi %mul3A_2, %mul3A_159 : i32
        %dma_start3A_161 = tpu.memref_slice %arg4[%add3A_160] : memref<320000xi32, #tpu.memory_space<hbm>> -> memref<104xi32, #tpu.memory_space<hbm>>
        %dma_start3A_162 = tpu.memref_slice %arg4[%add3A_160] : memref<320000xi32, #tpu.memory_space<hbm>> -> memref<104xi32, #tpu.memory_space<hbm>>
        tpu.enqueue_dma source(%dma_start3A_162 : memref<104xi32, #tpu.memory_space<hbm>>) target(%arg10 : memref<104xi32, #tpu.memory_space<vmem>>) target_semaphore(%arg17 : memref<!tpu.dma_semaphore, #tpu.memory_space<semaphore_mem>>)
        %mul3A_163 = arith.constant 104 : i32
        %mul3A_164 = arith.muli %add3A_157, %mul3A_163 : i32
        %dma_start3A_165 = tpu.memref_slice %arg8[%mul3A_164] : memref<10000xi32, #tpu.memory_space<vmem>> -> memref<104xi32, #tpu.memory_space<vmem>>
        %dma_start3A_166 = arith.constant 0 : i32
        %dma_start3A_167 = arith.constant 0 : i32
        %dma_start3A_168 = tpu.memref_slice %arg2[%dma_start3A_166, %dma_start3A_167] : memref<10000x128xf32, #tpu.memory_space<hbm>> -> memref<10000x128xf32, #tpu.memory_space<hbm>>
        tpu.enqueue_indirect_dma source(%dma_start3A_168 : memref<10000x128xf32, #tpu.memory_space<hbm>>) target(%arg13 : memref<104x128xf32, #tpu.memory_space<vmem>>) offsets(%dma_start3A_165 : memref<104xi32, #tpu.memory_space<vmem>>) semaphore(%arg20 : memref<!tpu.dma_semaphore, #tpu.memory_space<semaphore_mem>>)
      } else {
      }
      %dma_wait3A_139 = arith.constant 0 : i32
      %dma_wait3A_140 = arith.constant 0 : i32
      %dma_wait3A_141 = tpu.memref_slice %arg5[%dma_wait3A_139, %dma_wait3A_140] : memref<10000x128xf32, #tpu.memory_space<hbm>> -> memref<104x128xf32, #tpu.memory_space<hbm>>
      %dma_wait3A_142 = arith.constant 0 : i32
      %dma_wait3A_143 = arith.constant 0 : i32
      %dma_wait3A_144 = tpu.memref_slice %arg5[%dma_wait3A_142, %dma_wait3A_143] : memref<10000x128xf32, #tpu.memory_space<hbm>> -> memref<104x128xf32, #tpu.memory_space<hbm>>
      tpu.wait_dma2 semaphore(%arg24 : memref<!tpu.dma_semaphore, #tpu.memory_space<semaphore_mem>>) src(%dma_wait3A_144 : memref<104x128xf32, #tpu.memory_space<hbm>>) dst(%arg14 : memref<104x128xf32, #tpu.memory_space<vmem>>)
      %add3A_145 = arith.constant 2 : i32
      %add3A_146 = arith.addi %add3A_76, %add3A_145 : i32
      %add3A_147 = arith.constant 3 : i32
      %add3A_148 = arith.addi %add3A_146, %add3A_147 : i32
      %lt3A_149 = arith.constant 96 : i32
      %lt3A_150 = arith.cmpi slt, %add3A_148, %lt3A_149 : i32
      %convert_element_type3A_151 = arith.extui %lt3A_150 : i1 to i32
      %cond3A_152 = arith.constant 0 : i32
      %cond3A_153 = arith.cmpi ne, %convert_element_type3A_151, %cond3A_152 : i32
      scf.if %cond3A_153 {
        %add3A_154 = arith.constant 2 : i32
        %add3A_155 = arith.addi %add3A_76, %add3A_154 : i32
        %add3A_156 = arith.constant 3 : i32
        %add3A_157 = arith.addi %add3A_155, %add3A_156 : i32
        %mul3A_158 = arith.constant 104 : i32
        %mul3A_159 = arith.muli %add3A_157, %mul3A_158 : i32
        %add3A_160 = arith.addi %mul3A_2, %mul3A_159 : i32
        %dma_start3A_161 = tpu.memref_slice %arg4[%add3A_160] : memref<320000xi32, #tpu.memory_space<hbm>> -> memref<104xi32, #tpu.memory_space<hbm>>
        %dma_start3A_162 = tpu.memref_slice %arg4[%add3A_160] : memref<320000xi32, #tpu.memory_space<hbm>> -> memref<104xi32, #tpu.memory_space<hbm>>
        tpu.enqueue_dma source(%dma_start3A_162 : memref<104xi32, #tpu.memory_space<hbm>>) target(%arg11 : memref<104xi32, #tpu.memory_space<vmem>>) target_semaphore(%arg18 : memref<!tpu.dma_semaphore, #tpu.memory_space<semaphore_mem>>)
        %mul3A_163 = arith.constant 104 : i32
        %mul3A_164 = arith.muli %add3A_157, %mul3A_163 : i32
        %dma_start3A_165 = tpu.memref_slice %arg8[%mul3A_164] : memref<10000xi32, #tpu.memory_space<vmem>> -> memref<104xi32, #tpu.memory_space<vmem>>
        %dma_start3A_166 = arith.constant 0 : i32
        %dma_start3A_167 = arith.constant 0 : i32
        %dma_start3A_168 = tpu.memref_slice %arg2[%dma_start3A_166, %dma_start3A_167] : memref<10000x128xf32, #tpu.memory_space<hbm>> -> memref<10000x128xf32, #tpu.memory_space<hbm>>
        tpu.enqueue_indirect_dma source(%dma_start3A_168 : memref<10000x128xf32, #tpu.memory_space<hbm>>) target(%arg14 : memref<104x128xf32, #tpu.memory_space<vmem>>) offsets(%dma_start3A_165 : memref<104xi32, #tpu.memory_space<vmem>>) semaphore(%arg21 : memref<!tpu.dma_semaphore, #tpu.memory_space<semaphore_mem>>)
      } else {
      }
    }
    %scan3A_47 = arith.constant 32 : i32
    %add3A_48 = arith.constant 9984 : i32
    %add3A_49 = arith.addi %mul3A_2, %add3A_48 : i32
    "tpu.region"() ({
      %run_scoped3A = tpu.sem_alloc : memref<!tpu.dma_semaphore, #tpu.memory_space<semaphore_mem>>
      %dma_start3A_72 = tpu.memref_slice %arg4[%add3A_49] : memref<320000xi32, #tpu.memory_space<hbm>> -> memref<16xi32, #tpu.memory_space<hbm>>
      %dma_start3A_73 = tpu.memref_slice %arg4[%add3A_49] : memref<320000xi32, #tpu.memory_space<hbm>> -> memref<16xi32, #tpu.memory_space<hbm>>
      tpu.enqueue_dma source(%dma_start3A_73 : memref<16xi32, #tpu.memory_space<hbm>>) target(%arg15 : memref<16xi32, #tpu.memory_space<vmem>>) target_semaphore(%run_scoped3A : memref<!tpu.dma_semaphore, #tpu.memory_space<semaphore_mem>>)
      %dma_wait3A_74 = tpu.memref_slice %arg4[%add3A_49] : memref<320000xi32, #tpu.memory_space<hbm>> -> memref<16xi32, #tpu.memory_space<hbm>>
      %dma_wait3A_75 = tpu.memref_slice %arg4[%add3A_49] : memref<320000xi32, #tpu.memory_space<hbm>> -> memref<16xi32, #tpu.memory_space<hbm>>
      tpu.wait_dma2 semaphore(%run_scoped3A : memref<!tpu.dma_semaphore, #tpu.memory_space<semaphore_mem>>) src(%dma_wait3A_75 : memref<16xi32, #tpu.memory_space<hbm>>) dst(%arg15 : memref<16xi32, #tpu.memory_space<vmem>>)
      tpu.yield
    }) : () -> ()
    %dma_start3A_50 = arith.constant 0 : i32
    %dma_start3A_51 = arith.constant 0 : i32
    %dma_start3A_52 = tpu.memref_slice %arg12[%dma_start3A_50, %dma_start3A_51] : memref<104x128xf32, #tpu.memory_space<vmem>> -> memref<16x128xf32, #tpu.memory_space<vmem>>
    %dma_start3A_53 = arith.constant 9984 : i32
    %dma_start3A_54 = tpu.memref_slice %arg8[%dma_start3A_53] : memref<10000xi32, #tpu.memory_space<vmem>> -> memref<16xi32, #tpu.memory_space<vmem>>
    %dma_start3A_55 = arith.constant 0 : i32
    %dma_start3A_56 = arith.constant 0 : i32
    %dma_start3A_57 = tpu.memref_slice %arg2[%dma_start3A_55, %dma_start3A_56] : memref<10000x128xf32, #tpu.memory_space<hbm>> -> memref<10000x128xf32, #tpu.memory_space<hbm>>
    tpu.enqueue_indirect_dma source(%dma_start3A_57 : memref<10000x128xf32, #tpu.memory_space<hbm>>) target(%dma_start3A_52 : memref<16x128xf32, #tpu.memory_space<vmem>>) offsets(%dma_start3A_54 : memref<16xi32, #tpu.memory_space<vmem>>) semaphore(%arg19 : memref<!tpu.dma_semaphore, #tpu.memory_space<semaphore_mem>>)
    %dma_wait3A_58 = arith.constant 0 : i32
    %dma_wait3A_59 = arith.constant 0 : i32
    %dma_wait3A_60 = tpu.memref_slice %arg12[%dma_wait3A_58, %dma_wait3A_59] : memref<104x128xf32, #tpu.memory_space<vmem>> -> memref<16x128xf32, #tpu.memory_space<vmem>>
    %dma_wait3A_61 = arith.constant 9984 : i32
    %dma_wait3A_62 = tpu.memref_slice %arg8[%dma_wait3A_61] : memref<10000xi32, #tpu.memory_space<vmem>> -> memref<16xi32, #tpu.memory_space<vmem>>
    %dma_wait3A_63 = arith.constant 0 : i32
    %dma_wait3A_64 = arith.constant 0 : i32
    %dma_wait3A_65 = tpu.memref_slice %arg2[%dma_wait3A_63, %dma_wait3A_64] : memref<10000x128xf32, #tpu.memory_space<hbm>> -> memref<10000x128xf32, #tpu.memory_space<hbm>>
    tpu.wait_indirect_dma semaphore(%arg19 : memref<!tpu.dma_semaphore, #tpu.memory_space<semaphore_mem>>) src(%dma_wait3A_65 : memref<10000x128xf32, #tpu.memory_space<hbm>>) dst(%dma_wait3A_60 : memref<16x128xf32, #tpu.memory_space<vmem>>)
    "tpu.region"() ({
      %run_scoped3A = tpu.sem_alloc : memref<!tpu.dma_semaphore, #tpu.memory_space<semaphore_mem>>
      %dma_start3A_72 = arith.constant 0 : i32
      %dma_start3A_73 = arith.constant 0 : i32
      %dma_start3A_74 = tpu.memref_slice %arg12[%dma_start3A_72, %dma_start3A_73] : memref<104x128xf32, #tpu.memory_space<vmem>> -> memref<16x128xf32, #tpu.memory_space<vmem>>
      %dma_start3A_75 = arith.constant 0 : i32
      %dma_start3A_76 = arith.constant 0 : i32
      %dma_start3A_77 = tpu.memref_slice %arg7[%dma_start3A_75, %dma_start3A_76] : memref<10000x128xf32, #tpu.memory_space<vmem_shared>> -> memref<10000x128xf32, #tpu.memory_space<vmem_shared>>
      tpu.enqueue_indirect_dma source(%dma_start3A_74 : memref<16x128xf32, #tpu.memory_space<vmem>>) target(%dma_start3A_77 : memref<10000x128xf32, #tpu.memory_space<vmem_shared>>) offsets(%arg15 : memref<16xi32, #tpu.memory_space<vmem>>) semaphore(%run_scoped3A : memref<!tpu.dma_semaphore, #tpu.memory_space<semaphore_mem>>) {add = true}
      %dma_wait3A_78 = arith.constant 0 : i32
      %dma_wait3A_79 = arith.constant 0 : i32
      %dma_wait3A_80 = tpu.memref_slice %arg12[%dma_wait3A_78, %dma_wait3A_79] : memref<104x128xf32, #tpu.memory_space<vmem>> -> memref<16x128xf32, #tpu.memory_space<vmem>>
      %dma_wait3A_81 = arith.constant 0 : i32
      %dma_wait3A_82 = arith.constant 0 : i32
      %dma_wait3A_83 = tpu.memref_slice %arg7[%dma_wait3A_81, %dma_wait3A_82] : memref<10000x128xf32, #tpu.memory_space<vmem_shared>> -> memref<10000x128xf32, #tpu.memory_space<vmem_shared>>
      tpu.wait_indirect_dma semaphore(%run_scoped3A : memref<!tpu.dma_semaphore, #tpu.memory_space<semaphore_mem>>) src(%dma_wait3A_80 : memref<16x128xf32, #tpu.memory_space<vmem>>) dst(%dma_wait3A_83 : memref<10000x128xf32, #tpu.memory_space<vmem_shared>>)
      tpu.yield
    }) : () -> ()
    %barrier3A_66 = arith.constant 0 : index
    tpu.barrier barrier_id(%barrier3A_66)
    "tpu.region"() ({
      %run_scoped3A = tpu.sem_alloc : memref<!tpu.dma_semaphore, #tpu.memory_space<semaphore_mem>>
      %dma_start3A_72 = arith.constant 0 : i32
      %dma_start3A_73 = tpu.memref_slice %arg6[%arg0, %mul3A_4, %dma_start3A_72] : memref<2x10000x128xf32, #tpu.memory_space<hbm>> -> memref<1x624x128xf32, #tpu.memory_space<hbm>>
      %dma_start3A_74 = tpu.memref_squeeze %dma_start3A_73 : memref<1x624x128xf32, #tpu.memory_space<hbm>> -> memref<624x128xf32, #tpu.memory_space<hbm>>
      %dma_start3A_75 = arith.constant 0 : i32
      %dma_start3A_76 = tpu.memref_slice %arg7[%mul3A_4, %dma_start3A_75] : memref<10000x128xf32, #tpu.memory_space<vmem_shared>> -> memref<624x128xf32, #tpu.memory_space<vmem_shared>>
      tpu.enqueue_dma source(%dma_start3A_76 : memref<624x128xf32, #tpu.memory_space<vmem_shared>>) target(%dma_start3A_74 : memref<624x128xf32, #tpu.memory_space<hbm>>) target_semaphore(%run_scoped3A : memref<!tpu.dma_semaphore, #tpu.memory_space<semaphore_mem>>)
      %dma_wait3A_77 = arith.constant 0 : i32
      %dma_wait3A_78 = tpu.memref_slice %arg6[%arg0, %mul3A_4, %dma_wait3A_77] : memref<2x10000x128xf32, #tpu.memory_space<hbm>> -> memref<1x624x128xf32, #tpu.memory_space<hbm>>
      %dma_wait3A_79 = tpu.memref_squeeze %dma_wait3A_78 : memref<1x624x128xf32, #tpu.memory_space<hbm>> -> memref<624x128xf32, #tpu.memory_space<hbm>>
      %dma_wait3A_80 = arith.constant 0 : i32
      %dma_wait3A_81 = tpu.memref_slice %arg7[%mul3A_4, %dma_wait3A_80] : memref<10000x128xf32, #tpu.memory_space<vmem_shared>> -> memref<624x128xf32, #tpu.memory_space<vmem_shared>>
      tpu.wait_dma2 semaphore(%run_scoped3A : memref<!tpu.dma_semaphore, #tpu.memory_space<semaphore_mem>>) src(%dma_wait3A_81 : memref<624x128xf32, #tpu.memory_space<vmem_shared>>) dst(%dma_wait3A_79 : memref<624x128xf32, #tpu.memory_space<hbm>>)
      tpu.yield
    }) : () -> ()
    %eq3A_67 = arith.constant 0 : i32
    %eq3A_68 = arith.cmpi eq, %arg1, %eq3A_67 : i32
    %convert_element_type3A_69 = arith.extui %eq3A_68 : i1 to i32
    %cond3A_70 = arith.constant 0 : i32
    %cond3A_71 = arith.cmpi ne, %convert_element_type3A_69, %cond3A_70 : i32
    scf.if %cond3A_71 {
      "tpu.region"() ({
        %run_scoped3A = tpu.sem_alloc : memref<!tpu.dma_semaphore, #tpu.memory_space<semaphore_mem>>
        %dma_start3A_72 = arith.constant 9984 : i32
        %dma_start3A_73 = arith.constant 0 : i32
        %dma_start3A_74 = tpu.memref_slice %arg6[%arg0, %dma_start3A_72, %dma_start3A_73] : memref<2x10000x128xf32, #tpu.memory_space<hbm>> -> memref<1x16x128xf32, #tpu.memory_space<hbm>>
        %dma_start3A_75 = tpu.memref_squeeze %dma_start3A_74 : memref<1x16x128xf32, #tpu.memory_space<hbm>> -> memref<16x128xf32, #tpu.memory_space<hbm>>
        %dma_start3A_76 = arith.constant 9984 : i32
        %dma_start3A_77 = arith.constant 0 : i32
        %dma_start3A_78 = tpu.memref_slice %arg7[%dma_start3A_76, %dma_start3A_77] : memref<10000x128xf32, #tpu.memory_space<vmem_shared>> -> memref<16x128xf32, #tpu.memory_space<vmem_shared>>
        tpu.enqueue_dma source(%dma_start3A_78 : memref<16x128xf32, #tpu.memory_space<vmem_shared>>) target(%dma_start3A_75 : memref<16x128xf32, #tpu.memory_space<hbm>>) target_semaphore(%run_scoped3A : memref<!tpu.dma_semaphore, #tpu.memory_space<semaphore_mem>>)
        %dma_wait3A_79 = arith.constant 9984 : i32
        %dma_wait3A_80 = arith.constant 0 : i32
        %dma_wait3A_81 = tpu.memref_slice %arg6[%arg0, %dma_wait3A_79, %dma_wait3A_80] : memref<2x10000x128xf32, #tpu.memory_space<hbm>> -> memref<1x16x128xf32, #tpu.memory_space<hbm>>
        %dma_wait3A_82 = tpu.memref_squeeze %dma_wait3A_81 : memref<1x16x128xf32, #tpu.memory_space<hbm>> -> memref<16x128xf32, #tpu.memory_space<hbm>>
        %dma_wait3A_83 = arith.constant 9984 : i32
        %dma_wait3A_84 = arith.constant 0 : i32
        %dma_wait3A_85 = tpu.memref_slice %arg7[%dma_wait3A_83, %dma_wait3A_84] : memref<10000x128xf32, #tpu.memory_space<vmem_shared>> -> memref<16x128xf32, #tpu.memory_space<vmem_shared>>
        tpu.wait_dma2 semaphore(%run_scoped3A : memref<!tpu.dma_semaphore, #tpu.memory_space<semaphore_mem>>) src(%dma_wait3A_85 : memref<16x128xf32, #tpu.memory_space<vmem_shared>>) dst(%dma_wait3A_82 : memref<16x128xf32, #tpu.memory_space<hbm>>)
        tpu.yield
      }) : () -> ()
    } else {
    }
    return
  }
}

module attributes {stable_mosaic.version = 14 : i64} {
  func.func @_scale_tc_body(%arg0: i32, %arg1: memref<32x2x80x128xf32, #tpu.memory_space<vmem>>, %arg2: memref<10112x128xf32, #tpu.memory_space<vmem>>, %arg3: memref<10112x128xf32, #tpu.memory_space<vmem>>) attributes {dimension_semantics = [#tpu.dimension_semantics<arbitrary>], iteration_bounds = array<i64: 1>, scalar_prefetch = 0 : i64, scratch_operands = 0 : i64, tpu.core_type = #tpu.core_type<tc>, window_params = [{pipeline_mode = #tpu.pipeline_mode<synchronous>, transform_indices = @transform_0, window_bounds = array<i64: 32, 2, 80, 128>}, {pipeline_mode = #tpu.pipeline_mode<synchronous>, transform_indices = @transform_1, window_bounds = array<i64: 10112, 128>}, {pipeline_mode = #tpu.pipeline_mode<synchronous>, transform_indices = @transform_2, window_bounds = array<i64: 10112, 128>}]} {
    %get3A = arith.constant 0 : index
    %get3A_0 = arith.constant 0 : index
    %get3A_1 = arith.constant 0 : index
    %get3A_2 = arith.constant 0 : index
    %get3A_3 = vector.load %arg1[%get3A, %get3A_0, %get3A_1, %get3A_2] : memref<32x2x80x128xf32, #tpu.memory_space<vmem>>, vector<32x2x80x128xf32>
    %reduce_sum3A = arith.constant dense<0.000000e+00> : vector<2x80x128xf32>
    %reduce_sum3A_4 = vector.multi_reduction <add>, %get3A_3, %reduce_sum3A [0] : vector<32x2x80x128xf32> to vector<2x80x128xf32>
    %slice3A = vector.extract_strided_slice %reduce_sum3A_4 {offsets = [0, 0, 0], sizes = [1, 80, 128], strides = [1, 1, 1]} : vector<2x80x128xf32> to vector<1x80x128xf32>
    %squeeze3A = vector.shape_cast %slice3A : vector<1x80x128xf32> to vector<80x128xf32>
    %gt3A = arith.constant 0.000000e+00 : f32
    %gt3A_5 = vector.broadcast %gt3A : f32 to vector<80x128xf32>
    %gt3A_6 = arith.cmpf ogt, %squeeze3A, %gt3A_5 : vector<80x128xf32>
    %div3A = arith.constant 1.000000e+00 : f32
    %div3A_7 = vector.broadcast %div3A : f32 to vector<80x128xf32>
    %div3A_8 = arith.divf %div3A_7, %squeeze3A : vector<80x128xf32>
    %jit3A = arith.constant 0.000000e+00 : f32
    %broadcast_in_dim3A = vector.broadcast %jit3A : f32 to vector<80x128xf32>
    %select_n3A = arith.select %gt3A_6, %div3A_8, %broadcast_in_dim3A : vector<80x128xi1>, vector<80x128xf32>
    %slice3A_9 = vector.extract_strided_slice %select_n3A {offsets = [0, 0], sizes = [1, 128], strides = [1, 1]} : vector<80x128xf32> to vector<1x128xf32>
    %broadcast_in_dim3A_10 = vector.shape_cast %slice3A_9 : vector<1x128xf32> to vector<1x128xf32>
    %broadcast_in_dim3A_11 = vector.broadcast %broadcast_in_dim3A_10 : vector<1x128xf32> to vector<128x128xf32>
    %transpose3A = tpu.transpose %broadcast_in_dim3A_11, [1, 0] : vector<128x128xf32> -> vector<128x128xf32>
    %swap3A = arith.constant 0 : index
    %swap3A_12 = arith.constant 0 : index
    %swap3A_13 = vector.load %arg2[%swap3A, %swap3A_12] : memref<10112x128xf32, #tpu.memory_space<vmem>>, vector<128x128xf32>
    tpu.vector_store %arg2[%swap3A, %swap3A_12], %transpose3A {strides = array<i32>} : memref<10112x128xf32, #tpu.memory_space<vmem>>, vector<128x128xf32>,
    %slice3A_14 = vector.extract_strided_slice %select_n3A {offsets = [1, 0], sizes = [1, 128], strides = [1, 1]} : vector<80x128xf32> to vector<1x128xf32>
    %broadcast_in_dim3A_15 = vector.shape_cast %slice3A_14 : vector<1x128xf32> to vector<1x128xf32>
    %broadcast_in_dim3A_16 = vector.broadcast %broadcast_in_dim3A_15 : vector<1x128xf32> to vector<128x128xf32>
    %transpose3A_17 = tpu.transpose %broadcast_in_dim3A_16, [1, 0] : vector<128x128xf32> -> vector<128x128xf32>
    %swap3A_18 = arith.constant 128 : index
    %swap3A_19 = arith.constant 0 : index
    %swap3A_20 = vector.load %arg2[%swap3A_18, %swap3A_19] : memref<10112x128xf32, #tpu.memory_space<vmem>>, vector<128x128xf32>
    tpu.vector_store %arg2[%swap3A_18, %swap3A_19], %transpose3A_17 {strides = array<i32>} : memref<10112x128xf32, #tpu.memory_space<vmem>>, vector<128x128xf32>,
    %slice3A_21 = vector.extract_strided_slice %select_n3A {offsets = [2, 0], sizes = [1, 128], strides = [1, 1]} : vector<80x128xf32> to vector<1x128xf32>
    %broadcast_in_dim3A_22 = vector.shape_cast %slice3A_21 : vector<1x128xf32> to vector<1x128xf32>
    %broadcast_in_dim3A_23 = vector.broadcast %broadcast_in_dim3A_22 : vector<1x128xf32> to vector<128x128xf32>
    %transpose3A_24 = tpu.transpose %broadcast_in_dim3A_23, [1, 0] : vector<128x128xf32> -> vector<128x128xf32>
    %swap3A_25 = arith.constant 256 : index
    %swap3A_26 = arith.constant 0 : index
    %swap3A_27 = vector.load %arg2[%swap3A_25, %swap3A_26] : memref<10112x128xf32, #tpu.memory_space<vmem>>, vector<128x128xf32>
    tpu.vector_store %arg2[%swap3A_25, %swap3A_26], %transpose3A_24 {strides = array<i32>} : memref<10112x128xf32, #tpu.memory_space<vmem>>, vector<128x128xf32>,
    %slice3A_28 = vector.extract_strided_slice %select_n3A {offsets = [3, 0], sizes = [1, 128], strides = [1, 1]} : vector<80x128xf32> to vector<1x128xf32>
    %broadcast_in_dim3A_29 = vector.shape_cast %slice3A_28 : vector<1x128xf32> to vector<1x128xf32>
    %broadcast_in_dim3A_30 = vector.broadcast %broadcast_in_dim3A_29 : vector<1x128xf32> to vector<128x128xf32>
    %transpose3A_31 = tpu.transpose %broadcast_in_dim3A_30, [1, 0] : vector<128x128xf32> -> vector<128x128xf32>
    %swap3A_32 = arith.constant 384 : index
    %swap3A_33 = arith.constant 0 : index
    %swap3A_34 = vector.load %arg2[%swap3A_32, %swap3A_33] : memref<10112x128xf32, #tpu.memory_space<vmem>>, vector<128x128xf32>
    tpu.vector_store %arg2[%swap3A_32, %swap3A_33], %transpose3A_31 {strides = array<i32>} : memref<10112x128xf32, #tpu.memory_space<vmem>>, vector<128x128xf32>,
    %slice3A_35 = vector.extract_strided_slice %select_n3A {offsets = [4, 0], sizes = [1, 128], strides = [1, 1]} : vector<80x128xf32> to vector<1x128xf32>
    %broadcast_in_dim3A_36 = vector.shape_cast %slice3A_35 : vector<1x128xf32> to vector<1x128xf32>
    %broadcast_in_dim3A_37 = vector.broadcast %broadcast_in_dim3A_36 : vector<1x128xf32> to vector<128x128xf32>
    %transpose3A_38 = tpu.transpose %broadcast_in_dim3A_37, [1, 0] : vector<128x128xf32> -> vector<128x128xf32>
    %swap3A_39 = arith.constant 512 : index
    %swap3A_40 = arith.constant 0 : index
    %swap3A_41 = vector.load %arg2[%swap3A_39, %swap3A_40] : memref<10112x128xf32, #tpu.memory_space<vmem>>, vector<128x128xf32>
    tpu.vector_store %arg2[%swap3A_39, %swap3A_40], %transpose3A_38 {strides = array<i32>} : memref<10112x128xf32, #tpu.memory_space<vmem>>, vector<128x128xf32>,
    %slice3A_42 = vector.extract_strided_slice %select_n3A {offsets = [5, 0], sizes = [1, 128], strides = [1, 1]} : vector<80x128xf32> to vector<1x128xf32>
    %broadcast_in_dim3A_43 = vector.shape_cast %slice3A_42 : vector<1x128xf32> to vector<1x128xf32>
    %broadcast_in_dim3A_44 = vector.broadcast %broadcast_in_dim3A_43 : vector<1x128xf32> to vector<128x128xf32>
    %transpose3A_45 = tpu.transpose %broadcast_in_dim3A_44, [1, 0] : vector<128x128xf32> -> vector<128x128xf32>
    %swap3A_46 = arith.constant 640 : index
    %swap3A_47 = arith.constant 0 : index
    %swap3A_48 = vector.load %arg2[%swap3A_46, %swap3A_47] : memref<10112x128xf32, #tpu.memory_space<vmem>>, vector<128x128xf32>
    tpu.vector_store %arg2[%swap3A_46, %swap3A_47], %transpose3A_45 {strides = array<i32>} : memref<10112x128xf32, #tpu.memory_space<vmem>>, vector<128x128xf32>,
    %slice3A_49 = vector.extract_strided_slice %select_n3A {offsets = [6, 0], sizes = [1, 128], strides = [1, 1]} : vector<80x128xf32> to vector<1x128xf32>
    %broadcast_in_dim3A_50 = vector.shape_cast %slice3A_49 : vector<1x128xf32> to vector<1x128xf32>
    %broadcast_in_dim3A_51 = vector.broadcast %broadcast_in_dim3A_50 : vector<1x128xf32> to vector<128x128xf32>
    %transpose3A_52 = tpu.transpose %broadcast_in_dim3A_51, [1, 0] : vector<128x128xf32> -> vector<128x128xf32>
    %swap3A_53 = arith.constant 768 : index
    %swap3A_54 = arith.constant 0 : index
    %swap3A_55 = vector.load %arg2[%swap3A_53, %swap3A_54] : memref<10112x128xf32, #tpu.memory_space<vmem>>, vector<128x128xf32>
    tpu.vector_store %arg2[%swap3A_53, %swap3A_54], %transpose3A_52 {strides = array<i32>} : memref<10112x128xf32, #tpu.memory_space<vmem>>, vector<128x128xf32>,
    %slice3A_56 = vector.extract_strided_slice %select_n3A {offsets = [7, 0], sizes = [1, 128], strides = [1, 1]} : vector<80x128xf32> to vector<1x128xf32>
    %broadcast_in_dim3A_57 = vector.shape_cast %slice3A_56 : vector<1x128xf32> to vector<1x128xf32>
    %broadcast_in_dim3A_58 = vector.broadcast %broadcast_in_dim3A_57 : vector<1x128xf32> to vector<128x128xf32>
    %transpose3A_59 = tpu.transpose %broadcast_in_dim3A_58, [1, 0] : vector<128x128xf32> -> vector<128x128xf32>
    %swap3A_60 = arith.constant 896 : index
    %swap3A_61 = arith.constant 0 : index
    %swap3A_62 = vector.load %arg2[%swap3A_60, %swap3A_61] : memref<10112x128xf32, #tpu.memory_space<vmem>>, vector<128x128xf32>
    tpu.vector_store %arg2[%swap3A_60, %swap3A_61], %transpose3A_59 {strides = array<i32>} : memref<10112x128xf32, #tpu.memory_space<vmem>>, vector<128x128xf32>,
    %slice3A_63 = vector.extract_strided_slice %select_n3A {offsets = [8, 0], sizes = [1, 128], strides = [1, 1]} : vector<80x128xf32> to vector<1x128xf32>
    %broadcast_in_dim3A_64 = vector.shape_cast %slice3A_63 : vector<1x128xf32> to vector<1x128xf32>
    %broadcast_in_dim3A_65 = vector.broadcast %broadcast_in_dim3A_64 : vector<1x128xf32> to vector<128x128xf32>
    %transpose3A_66 = tpu.transpose %broadcast_in_dim3A_65, [1, 0] : vector<128x128xf32> -> vector<128x128xf32>
    %swap3A_67 = arith.constant 1024 : index
    %swap3A_68 = arith.constant 0 : index
    %swap3A_69 = vector.load %arg2[%swap3A_67, %swap3A_68] : memref<10112x128xf32, #tpu.memory_space<vmem>>, vector<128x128xf32>
    tpu.vector_store %arg2[%swap3A_67, %swap3A_68], %transpose3A_66 {strides = array<i32>} : memref<10112x128xf32, #tpu.memory_space<vmem>>, vector<128x128xf32>,
    %slice3A_70 = vector.extract_strided_slice %select_n3A {offsets = [9, 0], sizes = [1, 128], strides = [1, 1]} : vector<80x128xf32> to vector<1x128xf32>
    %broadcast_in_dim3A_71 = vector.shape_cast %slice3A_70 : vector<1x128xf32> to vector<1x128xf32>
    %broadcast_in_dim3A_72 = vector.broadcast %broadcast_in_dim3A_71 : vector<1x128xf32> to vector<128x128xf32>
    %transpose3A_73 = tpu.transpose %broadcast_in_dim3A_72, [1, 0] : vector<128x128xf32> -> vector<128x128xf32>
    %swap3A_74 = arith.constant 1152 : index
    %swap3A_75 = arith.constant 0 : index
    %swap3A_76 = vector.load %arg2[%swap3A_74, %swap3A_75] : memref<10112x128xf32, #tpu.memory_space<vmem>>, vector<128x128xf32>
    tpu.vector_store %arg2[%swap3A_74, %swap3A_75], %transpose3A_73 {strides = array<i32>} : memref<10112x128xf32, #tpu.memory_space<vmem>>, vector<128x128xf32>,
    %slice3A_77 = vector.extract_strided_slice %select_n3A {offsets = [10, 0], sizes = [1, 128], strides = [1, 1]} : vector<80x128xf32> to vector<1x128xf32>
    %broadcast_in_dim3A_78 = vector.shape_cast %slice3A_77 : vector<1x128xf32> to vector<1x128xf32>
    %broadcast_in_dim3A_79 = vector.broadcast %broadcast_in_dim3A_78 : vector<1x128xf32> to vector<128x128xf32>
    %transpose3A_80 = tpu.transpose %broadcast_in_dim3A_79, [1, 0] : vector<128x128xf32> -> vector<128x128xf32>
    %swap3A_81 = arith.constant 1280 : index
    %swap3A_82 = arith.constant 0 : index
    %swap3A_83 = vector.load %arg2[%swap3A_81, %swap3A_82] : memref<10112x128xf32, #tpu.memory_space<vmem>>, vector<128x128xf32>
    tpu.vector_store %arg2[%swap3A_81, %swap3A_82], %transpose3A_80 {strides = array<i32>} : memref<10112x128xf32, #tpu.memory_space<vmem>>, vector<128x128xf32>,
    %slice3A_84 = vector.extract_strided_slice %select_n3A {offsets = [11, 0], sizes = [1, 128], strides = [1, 1]} : vector<80x128xf32> to vector<1x128xf32>
    %broadcast_in_dim3A_85 = vector.shape_cast %slice3A_84 : vector<1x128xf32> to vector<1x128xf32>
    %broadcast_in_dim3A_86 = vector.broadcast %broadcast_in_dim3A_85 : vector<1x128xf32> to vector<128x128xf32>
    %transpose3A_87 = tpu.transpose %broadcast_in_dim3A_86, [1, 0] : vector<128x128xf32> -> vector<128x128xf32>
    %swap3A_88 = arith.constant 1408 : index
    %swap3A_89 = arith.constant 0 : index
    %swap3A_90 = vector.load %arg2[%swap3A_88, %swap3A_89] : memref<10112x128xf32, #tpu.memory_space<vmem>>, vector<128x128xf32>
    tpu.vector_store %arg2[%swap3A_88, %swap3A_89], %transpose3A_87 {strides = array<i32>} : memref<10112x128xf32, #tpu.memory_space<vmem>>, vector<128x128xf32>,
    %slice3A_91 = vector.extract_strided_slice %select_n3A {offsets = [12, 0], sizes = [1, 128], strides = [1, 1]} : vector<80x128xf32> to vector<1x128xf32>
    %broadcast_in_dim3A_92 = vector.shape_cast %slice3A_91 : vector<1x128xf32> to vector<1x128xf32>
    %broadcast_in_dim3A_93 = vector.broadcast %broadcast_in_dim3A_92 : vector<1x128xf32> to vector<128x128xf32>
    %transpose3A_94 = tpu.transpose %broadcast_in_dim3A_93, [1, 0] : vector<128x128xf32> -> vector<128x128xf32>
    %swap3A_95 = arith.constant 1536 : index
    %swap3A_96 = arith.constant 0 : index
    %swap3A_97 = vector.load %arg2[%swap3A_95, %swap3A_96] : memref<10112x128xf32, #tpu.memory_space<vmem>>, vector<128x128xf32>
    tpu.vector_store %arg2[%swap3A_95, %swap3A_96], %transpose3A_94 {strides = array<i32>} : memref<10112x128xf32, #tpu.memory_space<vmem>>, vector<128x128xf32>,
    %slice3A_98 = vector.extract_strided_slice %select_n3A {offsets = [13, 0], sizes = [1, 128], strides = [1, 1]} : vector<80x128xf32> to vector<1x128xf32>
    %broadcast_in_dim3A_99 = vector.shape_cast %slice3A_98 : vector<1x128xf32> to vector<1x128xf32>
    %broadcast_in_dim3A_100 = vector.broadcast %broadcast_in_dim3A_99 : vector<1x128xf32> to vector<128x128xf32>
    %transpose3A_101 = tpu.transpose %broadcast_in_dim3A_100, [1, 0] : vector<128x128xf32> -> vector<128x128xf32>
    %swap3A_102 = arith.constant 1664 : index
    %swap3A_103 = arith.constant 0 : index
    %swap3A_104 = vector.load %arg2[%swap3A_102, %swap3A_103] : memref<10112x128xf32, #tpu.memory_space<vmem>>, vector<128x128xf32>
    tpu.vector_store %arg2[%swap3A_102, %swap3A_103], %transpose3A_101 {strides = array<i32>} : memref<10112x128xf32, #tpu.memory_space<vmem>>, vector<128x128xf32>,
    %slice3A_105 = vector.extract_strided_slice %select_n3A {offsets = [14, 0], sizes = [1, 128], strides = [1, 1]} : vector<80x128xf32> to vector<1x128xf32>
    %broadcast_in_dim3A_106 = vector.shape_cast %slice3A_105 : vector<1x128xf32> to vector<1x128xf32>
    %broadcast_in_dim3A_107 = vector.broadcast %broadcast_in_dim3A_106 : vector<1x128xf32> to vector<128x128xf32>
    %transpose3A_108 = tpu.transpose %broadcast_in_dim3A_107, [1, 0] : vector<128x128xf32> -> vector<128x128xf32>
    %swap3A_109 = arith.constant 1792 : index
    %swap3A_110 = arith.constant 0 : index
    %swap3A_111 = vector.load %arg2[%swap3A_109, %swap3A_110] : memref<10112x128xf32, #tpu.memory_space<vmem>>, vector<128x128xf32>
    tpu.vector_store %arg2[%swap3A_109, %swap3A_110], %transpose3A_108 {strides = array<i32>} : memref<10112x128xf32, #tpu.memory_space<vmem>>, vector<128x128xf32>,
    %slice3A_112 = vector.extract_strided_slice %select_n3A {offsets = [15, 0], sizes = [1, 128], strides = [1, 1]} : vector<80x128xf32> to vector<1x128xf32>
    %broadcast_in_dim3A_113 = vector.shape_cast %slice3A_112 : vector<1x128xf32> to vector<1x128xf32>
    %broadcast_in_dim3A_114 = vector.broadcast %broadcast_in_dim3A_113 : vector<1x128xf32> to vector<128x128xf32>
    %transpose3A_115 = tpu.transpose %broadcast_in_dim3A_114, [1, 0] : vector<128x128xf32> -> vector<128x128xf32>
    %swap3A_116 = arith.constant 1920 : index
    %swap3A_117 = arith.constant 0 : index
    %swap3A_118 = vector.load %arg2[%swap3A_116, %swap3A_117] : memref<10112x128xf32, #tpu.memory_space<vmem>>, vector<128x128xf32>
    tpu.vector_store %arg2[%swap3A_116, %swap3A_117], %transpose3A_115 {strides = array<i32>} : memref<10112x128xf32, #tpu.memory_space<vmem>>, vector<128x128xf32>,
    %slice3A_119 = vector.extract_strided_slice %select_n3A {offsets = [16, 0], sizes = [1, 128], strides = [1, 1]} : vector<80x128xf32> to vector<1x128xf32>
    %broadcast_in_dim3A_120 = vector.shape_cast %slice3A_119 : vector<1x128xf32> to vector<1x128xf32>
    %broadcast_in_dim3A_121 = vector.broadcast %broadcast_in_dim3A_120 : vector<1x128xf32> to vector<128x128xf32>
    %transpose3A_122 = tpu.transpose %broadcast_in_dim3A_121, [1, 0] : vector<128x128xf32> -> vector<128x128xf32>
    %swap3A_123 = arith.constant 2048 : index
    %swap3A_124 = arith.constant 0 : index
    %swap3A_125 = vector.load %arg2[%swap3A_123, %swap3A_124] : memref<10112x128xf32, #tpu.memory_space<vmem>>, vector<128x128xf32>
    tpu.vector_store %arg2[%swap3A_123, %swap3A_124], %transpose3A_122 {strides = array<i32>} : memref<10112x128xf32, #tpu.memory_space<vmem>>, vector<128x128xf32>,
    %slice3A_126 = vector.extract_strided_slice %select_n3A {offsets = [17, 0], sizes = [1, 128], strides = [1, 1]} : vector<80x128xf32> to vector<1x128xf32>
    %broadcast_in_dim3A_127 = vector.shape_cast %slice3A_126 : vector<1x128xf32> to vector<1x128xf32>
    %broadcast_in_dim3A_128 = vector.broadcast %broadcast_in_dim3A_127 : vector<1x128xf32> to vector<128x128xf32>
    %transpose3A_129 = tpu.transpose %broadcast_in_dim3A_128, [1, 0] : vector<128x128xf32> -> vector<128x128xf32>
    %swap3A_130 = arith.constant 2176 : index
    %swap3A_131 = arith.constant 0 : index
    %swap3A_132 = vector.load %arg2[%swap3A_130, %swap3A_131] : memref<10112x128xf32, #tpu.memory_space<vmem>>, vector<128x128xf32>
    tpu.vector_store %arg2[%swap3A_130, %swap3A_131], %transpose3A_129 {strides = array<i32>} : memref<10112x128xf32, #tpu.memory_space<vmem>>, vector<128x128xf32>,
    %slice3A_133 = vector.extract_strided_slice %select_n3A {offsets = [18, 0], sizes = [1, 128], strides = [1, 1]} : vector<80x128xf32> to vector<1x128xf32>
    %broadcast_in_dim3A_134 = vector.shape_cast %slice3A_133 : vector<1x128xf32> to vector<1x128xf32>
    %broadcast_in_dim3A_135 = vector.broadcast %broadcast_in_dim3A_134 : vector<1x128xf32> to vector<128x128xf32>
    %transpose3A_136 = tpu.transpose %broadcast_in_dim3A_135, [1, 0] : vector<128x128xf32> -> vector<128x128xf32>
    %swap3A_137 = arith.constant 2304 : index
    %swap3A_138 = arith.constant 0 : index
    %swap3A_139 = vector.load %arg2[%swap3A_137, %swap3A_138] : memref<10112x128xf32, #tpu.memory_space<vmem>>, vector<128x128xf32>
    tpu.vector_store %arg2[%swap3A_137, %swap3A_138], %transpose3A_136 {strides = array<i32>} : memref<10112x128xf32, #tpu.memory_space<vmem>>, vector<128x128xf32>,
    %slice3A_140 = vector.extract_strided_slice %select_n3A {offsets = [19, 0], sizes = [1, 128], strides = [1, 1]} : vector<80x128xf32> to vector<1x128xf32>
    %broadcast_in_dim3A_141 = vector.shape_cast %slice3A_140 : vector<1x128xf32> to vector<1x128xf32>
    %broadcast_in_dim3A_142 = vector.broadcast %broadcast_in_dim3A_141 : vector<1x128xf32> to vector<128x128xf32>
    %transpose3A_143 = tpu.transpose %broadcast_in_dim3A_142, [1, 0] : vector<128x128xf32> -> vector<128x128xf32>
    %swap3A_144 = arith.constant 2432 : index
    %swap3A_145 = arith.constant 0 : index
    %swap3A_146 = vector.load %arg2[%swap3A_144, %swap3A_145] : memref<10112x128xf32, #tpu.memory_space<vmem>>, vector<128x128xf32>
    tpu.vector_store %arg2[%swap3A_144, %swap3A_145], %transpose3A_143 {strides = array<i32>} : memref<10112x128xf32, #tpu.memory_space<vmem>>, vector<128x128xf32>,
    %slice3A_147 = vector.extract_strided_slice %select_n3A {offsets = [20, 0], sizes = [1, 128], strides = [1, 1]} : vector<80x128xf32> to vector<1x128xf32>
    %broadcast_in_dim3A_148 = vector.shape_cast %slice3A_147 : vector<1x128xf32> to vector<1x128xf32>
    %broadcast_in_dim3A_149 = vector.broadcast %broadcast_in_dim3A_148 : vector<1x128xf32> to vector<128x128xf32>
    %transpose3A_150 = tpu.transpose %broadcast_in_dim3A_149, [1, 0] : vector<128x128xf32> -> vector<128x128xf32>
    %swap3A_151 = arith.constant 2560 : index
    %swap3A_152 = arith.constant 0 : index
    %swap3A_153 = vector.load %arg2[%swap3A_151, %swap3A_152] : memref<10112x128xf32, #tpu.memory_space<vmem>>, vector<128x128xf32>
    tpu.vector_store %arg2[%swap3A_151, %swap3A_152], %transpose3A_150 {strides = array<i32>} : memref<10112x128xf32, #tpu.memory_space<vmem>>, vector<128x128xf32>,
    %slice3A_154 = vector.extract_strided_slice %select_n3A {offsets = [21, 0], sizes = [1, 128], strides = [1, 1]} : vector<80x128xf32> to vector<1x128xf32>
    %broadcast_in_dim3A_155 = vector.shape_cast %slice3A_154 : vector<1x128xf32> to vector<1x128xf32>
    %broadcast_in_dim3A_156 = vector.broadcast %broadcast_in_dim3A_155 : vector<1x128xf32> to vector<128x128xf32>
    %transpose3A_157 = tpu.transpose %broadcast_in_dim3A_156, [1, 0] : vector<128x128xf32> -> vector<128x128xf32>
    %swap3A_158 = arith.constant 2688 : index
    %swap3A_159 = arith.constant 0 : index
    %swap3A_160 = vector.load %arg2[%swap3A_158, %swap3A_159] : memref<10112x128xf32, #tpu.memory_space<vmem>>, vector<128x128xf32>
    tpu.vector_store %arg2[%swap3A_158, %swap3A_159], %transpose3A_157 {strides = array<i32>} : memref<10112x128xf32, #tpu.memory_space<vmem>>, vector<128x128xf32>,
    %slice3A_161 = vector.extract_strided_slice %select_n3A {offsets = [22, 0], sizes = [1, 128], strides = [1, 1]} : vector<80x128xf32> to vector<1x128xf32>
    %broadcast_in_dim3A_162 = vector.shape_cast %slice3A_161 : vector<1x128xf32> to vector<1x128xf32>
    %broadcast_in_dim3A_163 = vector.broadcast %broadcast_in_dim3A_162 : vector<1x128xf32> to vector<128x128xf32>
    %transpose3A_164 = tpu.transpose %broadcast_in_dim3A_163, [1, 0] : vector<128x128xf32> -> vector<128x128xf32>
    %swap3A_165 = arith.constant 2816 : index
    %swap3A_166 = arith.constant 0 : index
    %swap3A_167 = vector.load %arg2[%swap3A_165, %swap3A_166] : memref<10112x128xf32, #tpu.memory_space<vmem>>, vector<128x128xf32>
    tpu.vector_store %arg2[%swap3A_165, %swap3A_166], %transpose3A_164 {strides = array<i32>} : memref<10112x128xf32, #tpu.memory_space<vmem>>, vector<128x128xf32>,
    %slice3A_168 = vector.extract_strided_slice %select_n3A {offsets = [23, 0], sizes = [1, 128], strides = [1, 1]} : vector<80x128xf32> to vector<1x128xf32>
    %broadcast_in_dim3A_169 = vector.shape_cast %slice3A_168 : vector<1x128xf32> to vector<1x128xf32>
    %broadcast_in_dim3A_170 = vector.broadcast %broadcast_in_dim3A_169 : vector<1x128xf32> to vector<128x128xf32>
    %transpose3A_171 = tpu.transpose %broadcast_in_dim3A_170, [1, 0] : vector<128x128xf32> -> vector<128x128xf32>
    %swap3A_172 = arith.constant 2944 : index
    %swap3A_173 = arith.constant 0 : index
    %swap3A_174 = vector.load %arg2[%swap3A_172, %swap3A_173] : memref<10112x128xf32, #tpu.memory_space<vmem>>, vector<128x128xf32>
    tpu.vector_store %arg2[%swap3A_172, %swap3A_173], %transpose3A_171 {strides = array<i32>} : memref<10112x128xf32, #tpu.memory_space<vmem>>, vector<128x128xf32>,
    %slice3A_175 = vector.extract_strided_slice %select_n3A {offsets = [24, 0], sizes = [1, 128], strides = [1, 1]} : vector<80x128xf32> to vector<1x128xf32>
    %broadcast_in_dim3A_176 = vector.shape_cast %slice3A_175 : vector<1x128xf32> to vector<1x128xf32>
    %broadcast_in_dim3A_177 = vector.broadcast %broadcast_in_dim3A_176 : vector<1x128xf32> to vector<128x128xf32>
    %transpose3A_178 = tpu.transpose %broadcast_in_dim3A_177, [1, 0] : vector<128x128xf32> -> vector<128x128xf32>
    %swap3A_179 = arith.constant 3072 : index
    %swap3A_180 = arith.constant 0 : index
    %swap3A_181 = vector.load %arg2[%swap3A_179, %swap3A_180] : memref<10112x128xf32, #tpu.memory_space<vmem>>, vector<128x128xf32>
    tpu.vector_store %arg2[%swap3A_179, %swap3A_180], %transpose3A_178 {strides = array<i32>} : memref<10112x128xf32, #tpu.memory_space<vmem>>, vector<128x128xf32>,
    %slice3A_182 = vector.extract_strided_slice %select_n3A {offsets = [25, 0], sizes = [1, 128], strides = [1, 1]} : vector<80x128xf32> to vector<1x128xf32>
    %broadcast_in_dim3A_183 = vector.shape_cast %slice3A_182 : vector<1x128xf32> to vector<1x128xf32>
    %broadcast_in_dim3A_184 = vector.broadcast %broadcast_in_dim3A_183 : vector<1x128xf32> to vector<128x128xf32>
    %transpose3A_185 = tpu.transpose %broadcast_in_dim3A_184, [1, 0] : vector<128x128xf32> -> vector<128x128xf32>
    %swap3A_186 = arith.constant 3200 : index
    %swap3A_187 = arith.constant 0 : index
    %swap3A_188 = vector.load %arg2[%swap3A_186, %swap3A_187] : memref<10112x128xf32, #tpu.memory_space<vmem>>, vector<128x128xf32>
    tpu.vector_store %arg2[%swap3A_186, %swap3A_187], %transpose3A_185 {strides = array<i32>} : memref<10112x128xf32, #tpu.memory_space<vmem>>, vector<128x128xf32>,
    %slice3A_189 = vector.extract_strided_slice %select_n3A {offsets = [26, 0], sizes = [1, 128], strides = [1, 1]} : vector<80x128xf32> to vector<1x128xf32>
    %broadcast_in_dim3A_190 = vector.shape_cast %slice3A_189 : vector<1x128xf32> to vector<1x128xf32>
    %broadcast_in_dim3A_191 = vector.broadcast %broadcast_in_dim3A_190 : vector<1x128xf32> to vector<128x128xf32>
    %transpose3A_192 = tpu.transpose %broadcast_in_dim3A_191, [1, 0] : vector<128x128xf32> -> vector<128x128xf32>
    %swap3A_193 = arith.constant 3328 : index
    %swap3A_194 = arith.constant 0 : index
    %swap3A_195 = vector.load %arg2[%swap3A_193, %swap3A_194] : memref<10112x128xf32, #tpu.memory_space<vmem>>, vector<128x128xf32>
    tpu.vector_store %arg2[%swap3A_193, %swap3A_194], %transpose3A_192 {strides = array<i32>} : memref<10112x128xf32, #tpu.memory_space<vmem>>, vector<128x128xf32>,
    %slice3A_196 = vector.extract_strided_slice %select_n3A {offsets = [27, 0], sizes = [1, 128], strides = [1, 1]} : vector<80x128xf32> to vector<1x128xf32>
    %broadcast_in_dim3A_197 = vector.shape_cast %slice3A_196 : vector<1x128xf32> to vector<1x128xf32>
    %broadcast_in_dim3A_198 = vector.broadcast %broadcast_in_dim3A_197 : vector<1x128xf32> to vector<128x128xf32>
    %transpose3A_199 = tpu.transpose %broadcast_in_dim3A_198, [1, 0] : vector<128x128xf32> -> vector<128x128xf32>
    %swap3A_200 = arith.constant 3456 : index
    %swap3A_201 = arith.constant 0 : index
    %swap3A_202 = vector.load %arg2[%swap3A_200, %swap3A_201] : memref<10112x128xf32, #tpu.memory_space<vmem>>, vector<128x128xf32>
    tpu.vector_store %arg2[%swap3A_200, %swap3A_201], %transpose3A_199 {strides = array<i32>} : memref<10112x128xf32, #tpu.memory_space<vmem>>, vector<128x128xf32>,
    %slice3A_203 = vector.extract_strided_slice %select_n3A {offsets = [28, 0], sizes = [1, 128], strides = [1, 1]} : vector<80x128xf32> to vector<1x128xf32>
    %broadcast_in_dim3A_204 = vector.shape_cast %slice3A_203 : vector<1x128xf32> to vector<1x128xf32>
    %broadcast_in_dim3A_205 = vector.broadcast %broadcast_in_dim3A_204 : vector<1x128xf32> to vector<128x128xf32>
    %transpose3A_206 = tpu.transpose %broadcast_in_dim3A_205, [1, 0] : vector<128x128xf32> -> vector<128x128xf32>
    %swap3A_207 = arith.constant 3584 : index
    %swap3A_208 = arith.constant 0 : index
    %swap3A_209 = vector.load %arg2[%swap3A_207, %swap3A_208] : memref<10112x128xf32, #tpu.memory_space<vmem>>, vector<128x128xf32>
    tpu.vector_store %arg2[%swap3A_207, %swap3A_208], %transpose3A_206 {strides = array<i32>} : memref<10112x128xf32, #tpu.memory_space<vmem>>, vector<128x128xf32>,
    %slice3A_210 = vector.extract_strided_slice %select_n3A {offsets = [29, 0], sizes = [1, 128], strides = [1, 1]} : vector<80x128xf32> to vector<1x128xf32>
    %broadcast_in_dim3A_211 = vector.shape_cast %slice3A_210 : vector<1x128xf32> to vector<1x128xf32>
    %broadcast_in_dim3A_212 = vector.broadcast %broadcast_in_dim3A_211 : vector<1x128xf32> to vector<128x128xf32>
    %transpose3A_213 = tpu.transpose %broadcast_in_dim3A_212, [1, 0] : vector<128x128xf32> -> vector<128x128xf32>
    %swap3A_214 = arith.constant 3712 : index
    %swap3A_215 = arith.constant 0 : index
    %swap3A_216 = vector.load %arg2[%swap3A_214, %swap3A_215] : memref<10112x128xf32, #tpu.memory_space<vmem>>, vector<128x128xf32>
    tpu.vector_store %arg2[%swap3A_214, %swap3A_215], %transpose3A_213 {strides = array<i32>} : memref<10112x128xf32, #tpu.memory_space<vmem>>, vector<128x128xf32>,
    %slice3A_217 = vector.extract_strided_slice %select_n3A {offsets = [30, 0], sizes = [1, 128], strides = [1, 1]} : vector<80x128xf32> to vector<1x128xf32>
    %broadcast_in_dim3A_218 = vector.shape_cast %slice3A_217 : vector<1x128xf32> to vector<1x128xf32>
    %broadcast_in_dim3A_219 = vector.broadcast %broadcast_in_dim3A_218 : vector<1x128xf32> to vector<128x128xf32>
    %transpose3A_220 = tpu.transpose %broadcast_in_dim3A_219, [1, 0] : vector<128x128xf32> -> vector<128x128xf32>
    %swap3A_221 = arith.constant 3840 : index
    %swap3A_222 = arith.constant 0 : index
    %swap3A_223 = vector.load %arg2[%swap3A_221, %swap3A_222] : memref<10112x128xf32, #tpu.memory_space<vmem>>, vector<128x128xf32>
    tpu.vector_store %arg2[%swap3A_221, %swap3A_222], %transpose3A_220 {strides = array<i32>} : memref<10112x128xf32, #tpu.memory_space<vmem>>, vector<128x128xf32>,
    %slice3A_224 = vector.extract_strided_slice %select_n3A {offsets = [31, 0], sizes = [1, 128], strides = [1, 1]} : vector<80x128xf32> to vector<1x128xf32>
    %broadcast_in_dim3A_225 = vector.shape_cast %slice3A_224 : vector<1x128xf32> to vector<1x128xf32>
    %broadcast_in_dim3A_226 = vector.broadcast %broadcast_in_dim3A_225 : vector<1x128xf32> to vector<128x128xf32>
    %transpose3A_227 = tpu.transpose %broadcast_in_dim3A_226, [1, 0] : vector<128x128xf32> -> vector<128x128xf32>
    %swap3A_228 = arith.constant 3968 : index
    %swap3A_229 = arith.constant 0 : index
    %swap3A_230 = vector.load %arg2[%swap3A_228, %swap3A_229] : memref<10112x128xf32, #tpu.memory_space<vmem>>, vector<128x128xf32>
    tpu.vector_store %arg2[%swap3A_228, %swap3A_229], %transpose3A_227 {strides = array<i32>} : memref<10112x128xf32, #tpu.memory_space<vmem>>, vector<128x128xf32>,
    %slice3A_231 = vector.extract_strided_slice %select_n3A {offsets = [32, 0], sizes = [1, 128], strides = [1, 1]} : vector<80x128xf32> to vector<1x128xf32>
    %broadcast_in_dim3A_232 = vector.shape_cast %slice3A_231 : vector<1x128xf32> to vector<1x128xf32>
    %broadcast_in_dim3A_233 = vector.broadcast %broadcast_in_dim3A_232 : vector<1x128xf32> to vector<128x128xf32>
    %transpose3A_234 = tpu.transpose %broadcast_in_dim3A_233, [1, 0] : vector<128x128xf32> -> vector<128x128xf32>
    %swap3A_235 = arith.constant 4096 : index
    %swap3A_236 = arith.constant 0 : index
    %swap3A_237 = vector.load %arg2[%swap3A_235, %swap3A_236] : memref<10112x128xf32, #tpu.memory_space<vmem>>, vector<128x128xf32>
    tpu.vector_store %arg2[%swap3A_235, %swap3A_236], %transpose3A_234 {strides = array<i32>} : memref<10112x128xf32, #tpu.memory_space<vmem>>, vector<128x128xf32>,
    %slice3A_238 = vector.extract_strided_slice %select_n3A {offsets = [33, 0], sizes = [1, 128], strides = [1, 1]} : vector<80x128xf32> to vector<1x128xf32>
    %broadcast_in_dim3A_239 = vector.shape_cast %slice3A_238 : vector<1x128xf32> to vector<1x128xf32>
    %broadcast_in_dim3A_240 = vector.broadcast %broadcast_in_dim3A_239 : vector<1x128xf32> to vector<128x128xf32>
    %transpose3A_241 = tpu.transpose %broadcast_in_dim3A_240, [1, 0] : vector<128x128xf32> -> vector<128x128xf32>
    %swap3A_242 = arith.constant 4224 : index
    %swap3A_243 = arith.constant 0 : index
    %swap3A_244 = vector.load %arg2[%swap3A_242, %swap3A_243] : memref<10112x128xf32, #tpu.memory_space<vmem>>, vector<128x128xf32>
    tpu.vector_store %arg2[%swap3A_242, %swap3A_243], %transpose3A_241 {strides = array<i32>} : memref<10112x128xf32, #tpu.memory_space<vmem>>, vector<128x128xf32>,
    %slice3A_245 = vector.extract_strided_slice %select_n3A {offsets = [34, 0], sizes = [1, 128], strides = [1, 1]} : vector<80x128xf32> to vector<1x128xf32>
    %broadcast_in_dim3A_246 = vector.shape_cast %slice3A_245 : vector<1x128xf32> to vector<1x128xf32>
    %broadcast_in_dim3A_247 = vector.broadcast %broadcast_in_dim3A_246 : vector<1x128xf32> to vector<128x128xf32>
    %transpose3A_248 = tpu.transpose %broadcast_in_dim3A_247, [1, 0] : vector<128x128xf32> -> vector<128x128xf32>
    %swap3A_249 = arith.constant 4352 : index
    %swap3A_250 = arith.constant 0 : index
    %swap3A_251 = vector.load %arg2[%swap3A_249, %swap3A_250] : memref<10112x128xf32, #tpu.memory_space<vmem>>, vector<128x128xf32>
    tpu.vector_store %arg2[%swap3A_249, %swap3A_250], %transpose3A_248 {strides = array<i32>} : memref<10112x128xf32, #tpu.memory_space<vmem>>, vector<128x128xf32>,
    %slice3A_252 = vector.extract_strided_slice %select_n3A {offsets = [35, 0], sizes = [1, 128], strides = [1, 1]} : vector<80x128xf32> to vector<1x128xf32>
    %broadcast_in_dim3A_253 = vector.shape_cast %slice3A_252 : vector<1x128xf32> to vector<1x128xf32>
    %broadcast_in_dim3A_254 = vector.broadcast %broadcast_in_dim3A_253 : vector<1x128xf32> to vector<128x128xf32>
    %transpose3A_255 = tpu.transpose %broadcast_in_dim3A_254, [1, 0] : vector<128x128xf32> -> vector<128x128xf32>
    %swap3A_256 = arith.constant 4480 : index
    %swap3A_257 = arith.constant 0 : index
    %swap3A_258 = vector.load %arg2[%swap3A_256, %swap3A_257] : memref<10112x128xf32, #tpu.memory_space<vmem>>, vector<128x128xf32>
    tpu.vector_store %arg2[%swap3A_256, %swap3A_257], %transpose3A_255 {strides = array<i32>} : memref<10112x128xf32, #tpu.memory_space<vmem>>, vector<128x128xf32>,
    %slice3A_259 = vector.extract_strided_slice %select_n3A {offsets = [36, 0], sizes = [1, 128], strides = [1, 1]} : vector<80x128xf32> to vector<1x128xf32>
    %broadcast_in_dim3A_260 = vector.shape_cast %slice3A_259 : vector<1x128xf32> to vector<1x128xf32>
    %broadcast_in_dim3A_261 = vector.broadcast %broadcast_in_dim3A_260 : vector<1x128xf32> to vector<128x128xf32>
    %transpose3A_262 = tpu.transpose %broadcast_in_dim3A_261, [1, 0] : vector<128x128xf32> -> vector<128x128xf32>
    %swap3A_263 = arith.constant 4608 : index
    %swap3A_264 = arith.constant 0 : index
    %swap3A_265 = vector.load %arg2[%swap3A_263, %swap3A_264] : memref<10112x128xf32, #tpu.memory_space<vmem>>, vector<128x128xf32>
    tpu.vector_store %arg2[%swap3A_263, %swap3A_264], %transpose3A_262 {strides = array<i32>} : memref<10112x128xf32, #tpu.memory_space<vmem>>, vector<128x128xf32>,
    %slice3A_266 = vector.extract_strided_slice %select_n3A {offsets = [37, 0], sizes = [1, 128], strides = [1, 1]} : vector<80x128xf32> to vector<1x128xf32>
    %broadcast_in_dim3A_267 = vector.shape_cast %slice3A_266 : vector<1x128xf32> to vector<1x128xf32>
    %broadcast_in_dim3A_268 = vector.broadcast %broadcast_in_dim3A_267 : vector<1x128xf32> to vector<128x128xf32>
    %transpose3A_269 = tpu.transpose %broadcast_in_dim3A_268, [1, 0] : vector<128x128xf32> -> vector<128x128xf32>
    %swap3A_270 = arith.constant 4736 : index
    %swap3A_271 = arith.constant 0 : index
    %swap3A_272 = vector.load %arg2[%swap3A_270, %swap3A_271] : memref<10112x128xf32, #tpu.memory_space<vmem>>, vector<128x128xf32>
    tpu.vector_store %arg2[%swap3A_270, %swap3A_271], %transpose3A_269 {strides = array<i32>} : memref<10112x128xf32, #tpu.memory_space<vmem>>, vector<128x128xf32>,
    %slice3A_273 = vector.extract_strided_slice %select_n3A {offsets = [38, 0], sizes = [1, 128], strides = [1, 1]} : vector<80x128xf32> to vector<1x128xf32>
    %broadcast_in_dim3A_274 = vector.shape_cast %slice3A_273 : vector<1x128xf32> to vector<1x128xf32>
    %broadcast_in_dim3A_275 = vector.broadcast %broadcast_in_dim3A_274 : vector<1x128xf32> to vector<128x128xf32>
    %transpose3A_276 = tpu.transpose %broadcast_in_dim3A_275, [1, 0] : vector<128x128xf32> -> vector<128x128xf32>
    %swap3A_277 = arith.constant 4864 : index
    %swap3A_278 = arith.constant 0 : index
    %swap3A_279 = vector.load %arg2[%swap3A_277, %swap3A_278] : memref<10112x128xf32, #tpu.memory_space<vmem>>, vector<128x128xf32>
    tpu.vector_store %arg2[%swap3A_277, %swap3A_278], %transpose3A_276 {strides = array<i32>} : memref<10112x128xf32, #tpu.memory_space<vmem>>, vector<128x128xf32>,
    %slice3A_280 = vector.extract_strided_slice %select_n3A {offsets = [39, 0], sizes = [1, 128], strides = [1, 1]} : vector<80x128xf32> to vector<1x128xf32>
    %broadcast_in_dim3A_281 = vector.shape_cast %slice3A_280 : vector<1x128xf32> to vector<1x128xf32>
    %broadcast_in_dim3A_282 = vector.broadcast %broadcast_in_dim3A_281 : vector<1x128xf32> to vector<128x128xf32>
    %transpose3A_283 = tpu.transpose %broadcast_in_dim3A_282, [1, 0] : vector<128x128xf32> -> vector<128x128xf32>
    %swap3A_284 = arith.constant 4992 : index
    %swap3A_285 = arith.constant 0 : index
    %swap3A_286 = vector.load %arg2[%swap3A_284, %swap3A_285] : memref<10112x128xf32, #tpu.memory_space<vmem>>, vector<128x128xf32>
    tpu.vector_store %arg2[%swap3A_284, %swap3A_285], %transpose3A_283 {strides = array<i32>} : memref<10112x128xf32, #tpu.memory_space<vmem>>, vector<128x128xf32>,
    %slice3A_287 = vector.extract_strided_slice %select_n3A {offsets = [40, 0], sizes = [1, 128], strides = [1, 1]} : vector<80x128xf32> to vector<1x128xf32>
    %broadcast_in_dim3A_288 = vector.shape_cast %slice3A_287 : vector<1x128xf32> to vector<1x128xf32>
    %broadcast_in_dim3A_289 = vector.broadcast %broadcast_in_dim3A_288 : vector<1x128xf32> to vector<128x128xf32>
    %transpose3A_290 = tpu.transpose %broadcast_in_dim3A_289, [1, 0] : vector<128x128xf32> -> vector<128x128xf32>
    %swap3A_291 = arith.constant 5120 : index
    %swap3A_292 = arith.constant 0 : index
    %swap3A_293 = vector.load %arg2[%swap3A_291, %swap3A_292] : memref<10112x128xf32, #tpu.memory_space<vmem>>, vector<128x128xf32>
    tpu.vector_store %arg2[%swap3A_291, %swap3A_292], %transpose3A_290 {strides = array<i32>} : memref<10112x128xf32, #tpu.memory_space<vmem>>, vector<128x128xf32>,
    %slice3A_294 = vector.extract_strided_slice %select_n3A {offsets = [41, 0], sizes = [1, 128], strides = [1, 1]} : vector<80x128xf32> to vector<1x128xf32>
    %broadcast_in_dim3A_295 = vector.shape_cast %slice3A_294 : vector<1x128xf32> to vector<1x128xf32>
    %broadcast_in_dim3A_296 = vector.broadcast %broadcast_in_dim3A_295 : vector<1x128xf32> to vector<128x128xf32>
    %transpose3A_297 = tpu.transpose %broadcast_in_dim3A_296, [1, 0] : vector<128x128xf32> -> vector<128x128xf32>
    %swap3A_298 = arith.constant 5248 : index
    %swap3A_299 = arith.constant 0 : index
    %swap3A_300 = vector.load %arg2[%swap3A_298, %swap3A_299] : memref<10112x128xf32, #tpu.memory_space<vmem>>, vector<128x128xf32>
    tpu.vector_store %arg2[%swap3A_298, %swap3A_299], %transpose3A_297 {strides = array<i32>} : memref<10112x128xf32, #tpu.memory_space<vmem>>, vector<128x128xf32>,
    %slice3A_301 = vector.extract_strided_slice %select_n3A {offsets = [42, 0], sizes = [1, 128], strides = [1, 1]} : vector<80x128xf32> to vector<1x128xf32>
    %broadcast_in_dim3A_302 = vector.shape_cast %slice3A_301 : vector<1x128xf32> to vector<1x128xf32>
    %broadcast_in_dim3A_303 = vector.broadcast %broadcast_in_dim3A_302 : vector<1x128xf32> to vector<128x128xf32>
    %transpose3A_304 = tpu.transpose %broadcast_in_dim3A_303, [1, 0] : vector<128x128xf32> -> vector<128x128xf32>
    %swap3A_305 = arith.constant 5376 : index
    %swap3A_306 = arith.constant 0 : index
    %swap3A_307 = vector.load %arg2[%swap3A_305, %swap3A_306] : memref<10112x128xf32, #tpu.memory_space<vmem>>, vector<128x128xf32>
    tpu.vector_store %arg2[%swap3A_305, %swap3A_306], %transpose3A_304 {strides = array<i32>} : memref<10112x128xf32, #tpu.memory_space<vmem>>, vector<128x128xf32>,
    %slice3A_308 = vector.extract_strided_slice %select_n3A {offsets = [43, 0], sizes = [1, 128], strides = [1, 1]} : vector<80x128xf32> to vector<1x128xf32>
    %broadcast_in_dim3A_309 = vector.shape_cast %slice3A_308 : vector<1x128xf32> to vector<1x128xf32>
    %broadcast_in_dim3A_310 = vector.broadcast %broadcast_in_dim3A_309 : vector<1x128xf32> to vector<128x128xf32>
    %transpose3A_311 = tpu.transpose %broadcast_in_dim3A_310, [1, 0] : vector<128x128xf32> -> vector<128x128xf32>
    %swap3A_312 = arith.constant 5504 : index
    %swap3A_313 = arith.constant 0 : index
    %swap3A_314 = vector.load %arg2[%swap3A_312, %swap3A_313] : memref<10112x128xf32, #tpu.memory_space<vmem>>, vector<128x128xf32>
    tpu.vector_store %arg2[%swap3A_312, %swap3A_313], %transpose3A_311 {strides = array<i32>} : memref<10112x128xf32, #tpu.memory_space<vmem>>, vector<128x128xf32>,
    %slice3A_315 = vector.extract_strided_slice %select_n3A {offsets = [44, 0], sizes = [1, 128], strides = [1, 1]} : vector<80x128xf32> to vector<1x128xf32>
    %broadcast_in_dim3A_316 = vector.shape_cast %slice3A_315 : vector<1x128xf32> to vector<1x128xf32>
    %broadcast_in_dim3A_317 = vector.broadcast %broadcast_in_dim3A_316 : vector<1x128xf32> to vector<128x128xf32>
    %transpose3A_318 = tpu.transpose %broadcast_in_dim3A_317, [1, 0] : vector<128x128xf32> -> vector<128x128xf32>
    %swap3A_319 = arith.constant 5632 : index
    %swap3A_320 = arith.constant 0 : index
    %swap3A_321 = vector.load %arg2[%swap3A_319, %swap3A_320] : memref<10112x128xf32, #tpu.memory_space<vmem>>, vector<128x128xf32>
    tpu.vector_store %arg2[%swap3A_319, %swap3A_320], %transpose3A_318 {strides = array<i32>} : memref<10112x128xf32, #tpu.memory_space<vmem>>, vector<128x128xf32>,
    %slice3A_322 = vector.extract_strided_slice %select_n3A {offsets = [45, 0], sizes = [1, 128], strides = [1, 1]} : vector<80x128xf32> to vector<1x128xf32>
    %broadcast_in_dim3A_323 = vector.shape_cast %slice3A_322 : vector<1x128xf32> to vector<1x128xf32>
    %broadcast_in_dim3A_324 = vector.broadcast %broadcast_in_dim3A_323 : vector<1x128xf32> to vector<128x128xf32>
    %transpose3A_325 = tpu.transpose %broadcast_in_dim3A_324, [1, 0] : vector<128x128xf32> -> vector<128x128xf32>
    %swap3A_326 = arith.constant 5760 : index
    %swap3A_327 = arith.constant 0 : index
    %swap3A_328 = vector.load %arg2[%swap3A_326, %swap3A_327] : memref<10112x128xf32, #tpu.memory_space<vmem>>, vector<128x128xf32>
    tpu.vector_store %arg2[%swap3A_326, %swap3A_327], %transpose3A_325 {strides = array<i32>} : memref<10112x128xf32, #tpu.memory_space<vmem>>, vector<128x128xf32>,
    %slice3A_329 = vector.extract_strided_slice %select_n3A {offsets = [46, 0], sizes = [1, 128], strides = [1, 1]} : vector<80x128xf32> to vector<1x128xf32>
    %broadcast_in_dim3A_330 = vector.shape_cast %slice3A_329 : vector<1x128xf32> to vector<1x128xf32>
    %broadcast_in_dim3A_331 = vector.broadcast %broadcast_in_dim3A_330 : vector<1x128xf32> to vector<128x128xf32>
    %transpose3A_332 = tpu.transpose %broadcast_in_dim3A_331, [1, 0] : vector<128x128xf32> -> vector<128x128xf32>
    %swap3A_333 = arith.constant 5888 : index
    %swap3A_334 = arith.constant 0 : index
    %swap3A_335 = vector.load %arg2[%swap3A_333, %swap3A_334] : memref<10112x128xf32, #tpu.memory_space<vmem>>, vector<128x128xf32>
    tpu.vector_store %arg2[%swap3A_333, %swap3A_334], %transpose3A_332 {strides = array<i32>} : memref<10112x128xf32, #tpu.memory_space<vmem>>, vector<128x128xf32>,
    %slice3A_336 = vector.extract_strided_slice %select_n3A {offsets = [47, 0], sizes = [1, 128], strides = [1, 1]} : vector<80x128xf32> to vector<1x128xf32>
    %broadcast_in_dim3A_337 = vector.shape_cast %slice3A_336 : vector<1x128xf32> to vector<1x128xf32>
    %broadcast_in_dim3A_338 = vector.broadcast %broadcast_in_dim3A_337 : vector<1x128xf32> to vector<128x128xf32>
    %transpose3A_339 = tpu.transpose %broadcast_in_dim3A_338, [1, 0] : vector<128x128xf32> -> vector<128x128xf32>
    %swap3A_340 = arith.constant 6016 : index
    %swap3A_341 = arith.constant 0 : index
    %swap3A_342 = vector.load %arg2[%swap3A_340, %swap3A_341] : memref<10112x128xf32, #tpu.memory_space<vmem>>, vector<128x128xf32>
    tpu.vector_store %arg2[%swap3A_340, %swap3A_341], %transpose3A_339 {strides = array<i32>} : memref<10112x128xf32, #tpu.memory_space<vmem>>, vector<128x128xf32>,
    %slice3A_343 = vector.extract_strided_slice %select_n3A {offsets = [48, 0], sizes = [1, 128], strides = [1, 1]} : vector<80x128xf32> to vector<1x128xf32>
    %broadcast_in_dim3A_344 = vector.shape_cast %slice3A_343 : vector<1x128xf32> to vector<1x128xf32>
    %broadcast_in_dim3A_345 = vector.broadcast %broadcast_in_dim3A_344 : vector<1x128xf32> to vector<128x128xf32>
    %transpose3A_346 = tpu.transpose %broadcast_in_dim3A_345, [1, 0] : vector<128x128xf32> -> vector<128x128xf32>
    %swap3A_347 = arith.constant 6144 : index
    %swap3A_348 = arith.constant 0 : index
    %swap3A_349 = vector.load %arg2[%swap3A_347, %swap3A_348] : memref<10112x128xf32, #tpu.memory_space<vmem>>, vector<128x128xf32>
    tpu.vector_store %arg2[%swap3A_347, %swap3A_348], %transpose3A_346 {strides = array<i32>} : memref<10112x128xf32, #tpu.memory_space<vmem>>, vector<128x128xf32>,
    %slice3A_350 = vector.extract_strided_slice %select_n3A {offsets = [49, 0], sizes = [1, 128], strides = [1, 1]} : vector<80x128xf32> to vector<1x128xf32>
    %broadcast_in_dim3A_351 = vector.shape_cast %slice3A_350 : vector<1x128xf32> to vector<1x128xf32>
    %broadcast_in_dim3A_352 = vector.broadcast %broadcast_in_dim3A_351 : vector<1x128xf32> to vector<128x128xf32>
    %transpose3A_353 = tpu.transpose %broadcast_in_dim3A_352, [1, 0] : vector<128x128xf32> -> vector<128x128xf32>
    %swap3A_354 = arith.constant 6272 : index
    %swap3A_355 = arith.constant 0 : index
    %swap3A_356 = vector.load %arg2[%swap3A_354, %swap3A_355] : memref<10112x128xf32, #tpu.memory_space<vmem>>, vector<128x128xf32>
    tpu.vector_store %arg2[%swap3A_354, %swap3A_355], %transpose3A_353 {strides = array<i32>} : memref<10112x128xf32, #tpu.memory_space<vmem>>, vector<128x128xf32>,
    %slice3A_357 = vector.extract_strided_slice %select_n3A {offsets = [50, 0], sizes = [1, 128], strides = [1, 1]} : vector<80x128xf32> to vector<1x128xf32>
    %broadcast_in_dim3A_358 = vector.shape_cast %slice3A_357 : vector<1x128xf32> to vector<1x128xf32>
    %broadcast_in_dim3A_359 = vector.broadcast %broadcast_in_dim3A_358 : vector<1x128xf32> to vector<128x128xf32>
    %transpose3A_360 = tpu.transpose %broadcast_in_dim3A_359, [1, 0] : vector<128x128xf32> -> vector<128x128xf32>
    %swap3A_361 = arith.constant 6400 : index
    %swap3A_362 = arith.constant 0 : index
    %swap3A_363 = vector.load %arg2[%swap3A_361, %swap3A_362] : memref<10112x128xf32, #tpu.memory_space<vmem>>, vector<128x128xf32>
    tpu.vector_store %arg2[%swap3A_361, %swap3A_362], %transpose3A_360 {strides = array<i32>} : memref<10112x128xf32, #tpu.memory_space<vmem>>, vector<128x128xf32>,
    %slice3A_364 = vector.extract_strided_slice %select_n3A {offsets = [51, 0], sizes = [1, 128], strides = [1, 1]} : vector<80x128xf32> to vector<1x128xf32>
    %broadcast_in_dim3A_365 = vector.shape_cast %slice3A_364 : vector<1x128xf32> to vector<1x128xf32>
    %broadcast_in_dim3A_366 = vector.broadcast %broadcast_in_dim3A_365 : vector<1x128xf32> to vector<128x128xf32>
    %transpose3A_367 = tpu.transpose %broadcast_in_dim3A_366, [1, 0] : vector<128x128xf32> -> vector<128x128xf32>
    %swap3A_368 = arith.constant 6528 : index
    %swap3A_369 = arith.constant 0 : index
    %swap3A_370 = vector.load %arg2[%swap3A_368, %swap3A_369] : memref<10112x128xf32, #tpu.memory_space<vmem>>, vector<128x128xf32>
    tpu.vector_store %arg2[%swap3A_368, %swap3A_369], %transpose3A_367 {strides = array<i32>} : memref<10112x128xf32, #tpu.memory_space<vmem>>, vector<128x128xf32>,
    %slice3A_371 = vector.extract_strided_slice %select_n3A {offsets = [52, 0], sizes = [1, 128], strides = [1, 1]} : vector<80x128xf32> to vector<1x128xf32>
    %broadcast_in_dim3A_372 = vector.shape_cast %slice3A_371 : vector<1x128xf32> to vector<1x128xf32>
    %broadcast_in_dim3A_373 = vector.broadcast %broadcast_in_dim3A_372 : vector<1x128xf32> to vector<128x128xf32>
    %transpose3A_374 = tpu.transpose %broadcast_in_dim3A_373, [1, 0] : vector<128x128xf32> -> vector<128x128xf32>
    %swap3A_375 = arith.constant 6656 : index
    %swap3A_376 = arith.constant 0 : index
    %swap3A_377 = vector.load %arg2[%swap3A_375, %swap3A_376] : memref<10112x128xf32, #tpu.memory_space<vmem>>, vector<128x128xf32>
    tpu.vector_store %arg2[%swap3A_375, %swap3A_376], %transpose3A_374 {strides = array<i32>} : memref<10112x128xf32, #tpu.memory_space<vmem>>, vector<128x128xf32>,
    %slice3A_378 = vector.extract_strided_slice %select_n3A {offsets = [53, 0], sizes = [1, 128], strides = [1, 1]} : vector<80x128xf32> to vector<1x128xf32>
    %broadcast_in_dim3A_379 = vector.shape_cast %slice3A_378 : vector<1x128xf32> to vector<1x128xf32>
    %broadcast_in_dim3A_380 = vector.broadcast %broadcast_in_dim3A_379 : vector<1x128xf32> to vector<128x128xf32>
    %transpose3A_381 = tpu.transpose %broadcast_in_dim3A_380, [1, 0] : vector<128x128xf32> -> vector<128x128xf32>
    %swap3A_382 = arith.constant 6784 : index
    %swap3A_383 = arith.constant 0 : index
    %swap3A_384 = vector.load %arg2[%swap3A_382, %swap3A_383] : memref<10112x128xf32, #tpu.memory_space<vmem>>, vector<128x128xf32>
    tpu.vector_store %arg2[%swap3A_382, %swap3A_383], %transpose3A_381 {strides = array<i32>} : memref<10112x128xf32, #tpu.memory_space<vmem>>, vector<128x128xf32>,
    %slice3A_385 = vector.extract_strided_slice %select_n3A {offsets = [54, 0], sizes = [1, 128], strides = [1, 1]} : vector<80x128xf32> to vector<1x128xf32>
    %broadcast_in_dim3A_386 = vector.shape_cast %slice3A_385 : vector<1x128xf32> to vector<1x128xf32>
    %broadcast_in_dim3A_387 = vector.broadcast %broadcast_in_dim3A_386 : vector<1x128xf32> to vector<128x128xf32>
    %transpose3A_388 = tpu.transpose %broadcast_in_dim3A_387, [1, 0] : vector<128x128xf32> -> vector<128x128xf32>
    %swap3A_389 = arith.constant 6912 : index
    %swap3A_390 = arith.constant 0 : index
    %swap3A_391 = vector.load %arg2[%swap3A_389, %swap3A_390] : memref<10112x128xf32, #tpu.memory_space<vmem>>, vector<128x128xf32>
    tpu.vector_store %arg2[%swap3A_389, %swap3A_390], %transpose3A_388 {strides = array<i32>} : memref<10112x128xf32, #tpu.memory_space<vmem>>, vector<128x128xf32>,
    %slice3A_392 = vector.extract_strided_slice %select_n3A {offsets = [55, 0], sizes = [1, 128], strides = [1, 1]} : vector<80x128xf32> to vector<1x128xf32>
    %broadcast_in_dim3A_393 = vector.shape_cast %slice3A_392 : vector<1x128xf32> to vector<1x128xf32>
    %broadcast_in_dim3A_394 = vector.broadcast %broadcast_in_dim3A_393 : vector<1x128xf32> to vector<128x128xf32>
    %transpose3A_395 = tpu.transpose %broadcast_in_dim3A_394, [1, 0] : vector<128x128xf32> -> vector<128x128xf32>
    %swap3A_396 = arith.constant 7040 : index
    %swap3A_397 = arith.constant 0 : index
    %swap3A_398 = vector.load %arg2[%swap3A_396, %swap3A_397] : memref<10112x128xf32, #tpu.memory_space<vmem>>, vector<128x128xf32>
    tpu.vector_store %arg2[%swap3A_396, %swap3A_397], %transpose3A_395 {strides = array<i32>} : memref<10112x128xf32, #tpu.memory_space<vmem>>, vector<128x128xf32>,
    %slice3A_399 = vector.extract_strided_slice %select_n3A {offsets = [56, 0], sizes = [1, 128], strides = [1, 1]} : vector<80x128xf32> to vector<1x128xf32>
    %broadcast_in_dim3A_400 = vector.shape_cast %slice3A_399 : vector<1x128xf32> to vector<1x128xf32>
    %broadcast_in_dim3A_401 = vector.broadcast %broadcast_in_dim3A_400 : vector<1x128xf32> to vector<128x128xf32>
    %transpose3A_402 = tpu.transpose %broadcast_in_dim3A_401, [1, 0] : vector<128x128xf32> -> vector<128x128xf32>
    %swap3A_403 = arith.constant 7168 : index
    %swap3A_404 = arith.constant 0 : index
    %swap3A_405 = vector.load %arg2[%swap3A_403, %swap3A_404] : memref<10112x128xf32, #tpu.memory_space<vmem>>, vector<128x128xf32>
    tpu.vector_store %arg2[%swap3A_403, %swap3A_404], %transpose3A_402 {strides = array<i32>} : memref<10112x128xf32, #tpu.memory_space<vmem>>, vector<128x128xf32>,
    %slice3A_406 = vector.extract_strided_slice %select_n3A {offsets = [57, 0], sizes = [1, 128], strides = [1, 1]} : vector<80x128xf32> to vector<1x128xf32>
    %broadcast_in_dim3A_407 = vector.shape_cast %slice3A_406 : vector<1x128xf32> to vector<1x128xf32>
    %broadcast_in_dim3A_408 = vector.broadcast %broadcast_in_dim3A_407 : vector<1x128xf32> to vector<128x128xf32>
    %transpose3A_409 = tpu.transpose %broadcast_in_dim3A_408, [1, 0] : vector<128x128xf32> -> vector<128x128xf32>
    %swap3A_410 = arith.constant 7296 : index
    %swap3A_411 = arith.constant 0 : index
    %swap3A_412 = vector.load %arg2[%swap3A_410, %swap3A_411] : memref<10112x128xf32, #tpu.memory_space<vmem>>, vector<128x128xf32>
    tpu.vector_store %arg2[%swap3A_410, %swap3A_411], %transpose3A_409 {strides = array<i32>} : memref<10112x128xf32, #tpu.memory_space<vmem>>, vector<128x128xf32>,
    %slice3A_413 = vector.extract_strided_slice %select_n3A {offsets = [58, 0], sizes = [1, 128], strides = [1, 1]} : vector<80x128xf32> to vector<1x128xf32>
    %broadcast_in_dim3A_414 = vector.shape_cast %slice3A_413 : vector<1x128xf32> to vector<1x128xf32>
    %broadcast_in_dim3A_415 = vector.broadcast %broadcast_in_dim3A_414 : vector<1x128xf32> to vector<128x128xf32>
    %transpose3A_416 = tpu.transpose %broadcast_in_dim3A_415, [1, 0] : vector<128x128xf32> -> vector<128x128xf32>
    %swap3A_417 = arith.constant 7424 : index
    %swap3A_418 = arith.constant 0 : index
    %swap3A_419 = vector.load %arg2[%swap3A_417, %swap3A_418] : memref<10112x128xf32, #tpu.memory_space<vmem>>, vector<128x128xf32>
    tpu.vector_store %arg2[%swap3A_417, %swap3A_418], %transpose3A_416 {strides = array<i32>} : memref<10112x128xf32, #tpu.memory_space<vmem>>, vector<128x128xf32>,
    %slice3A_420 = vector.extract_strided_slice %select_n3A {offsets = [59, 0], sizes = [1, 128], strides = [1, 1]} : vector<80x128xf32> to vector<1x128xf32>
    %broadcast_in_dim3A_421 = vector.shape_cast %slice3A_420 : vector<1x128xf32> to vector<1x128xf32>
    %broadcast_in_dim3A_422 = vector.broadcast %broadcast_in_dim3A_421 : vector<1x128xf32> to vector<128x128xf32>
    %transpose3A_423 = tpu.transpose %broadcast_in_dim3A_422, [1, 0] : vector<128x128xf32> -> vector<128x128xf32>
    %swap3A_424 = arith.constant 7552 : index
    %swap3A_425 = arith.constant 0 : index
    %swap3A_426 = vector.load %arg2[%swap3A_424, %swap3A_425] : memref<10112x128xf32, #tpu.memory_space<vmem>>, vector<128x128xf32>
    tpu.vector_store %arg2[%swap3A_424, %swap3A_425], %transpose3A_423 {strides = array<i32>} : memref<10112x128xf32, #tpu.memory_space<vmem>>, vector<128x128xf32>,
    %slice3A_427 = vector.extract_strided_slice %select_n3A {offsets = [60, 0], sizes = [1, 128], strides = [1, 1]} : vector<80x128xf32> to vector<1x128xf32>
    %broadcast_in_dim3A_428 = vector.shape_cast %slice3A_427 : vector<1x128xf32> to vector<1x128xf32>
    %broadcast_in_dim3A_429 = vector.broadcast %broadcast_in_dim3A_428 : vector<1x128xf32> to vector<128x128xf32>
    %transpose3A_430 = tpu.transpose %broadcast_in_dim3A_429, [1, 0] : vector<128x128xf32> -> vector<128x128xf32>
    %swap3A_431 = arith.constant 7680 : index
    %swap3A_432 = arith.constant 0 : index
    %swap3A_433 = vector.load %arg2[%swap3A_431, %swap3A_432] : memref<10112x128xf32, #tpu.memory_space<vmem>>, vector<128x128xf32>
    tpu.vector_store %arg2[%swap3A_431, %swap3A_432], %transpose3A_430 {strides = array<i32>} : memref<10112x128xf32, #tpu.memory_space<vmem>>, vector<128x128xf32>,
    %slice3A_434 = vector.extract_strided_slice %select_n3A {offsets = [61, 0], sizes = [1, 128], strides = [1, 1]} : vector<80x128xf32> to vector<1x128xf32>
    %broadcast_in_dim3A_435 = vector.shape_cast %slice3A_434 : vector<1x128xf32> to vector<1x128xf32>
    %broadcast_in_dim3A_436 = vector.broadcast %broadcast_in_dim3A_435 : vector<1x128xf32> to vector<128x128xf32>
    %transpose3A_437 = tpu.transpose %broadcast_in_dim3A_436, [1, 0] : vector<128x128xf32> -> vector<128x128xf32>
    %swap3A_438 = arith.constant 7808 : index
    %swap3A_439 = arith.constant 0 : index
    %swap3A_440 = vector.load %arg2[%swap3A_438, %swap3A_439] : memref<10112x128xf32, #tpu.memory_space<vmem>>, vector<128x128xf32>
    tpu.vector_store %arg2[%swap3A_438, %swap3A_439], %transpose3A_437 {strides = array<i32>} : memref<10112x128xf32, #tpu.memory_space<vmem>>, vector<128x128xf32>,
    %slice3A_441 = vector.extract_strided_slice %select_n3A {offsets = [62, 0], sizes = [1, 128], strides = [1, 1]} : vector<80x128xf32> to vector<1x128xf32>
    %broadcast_in_dim3A_442 = vector.shape_cast %slice3A_441 : vector<1x128xf32> to vector<1x128xf32>
    %broadcast_in_dim3A_443 = vector.broadcast %broadcast_in_dim3A_442 : vector<1x128xf32> to vector<128x128xf32>
    %transpose3A_444 = tpu.transpose %broadcast_in_dim3A_443, [1, 0] : vector<128x128xf32> -> vector<128x128xf32>
    %swap3A_445 = arith.constant 7936 : index
    %swap3A_446 = arith.constant 0 : index
    %swap3A_447 = vector.load %arg2[%swap3A_445, %swap3A_446] : memref<10112x128xf32, #tpu.memory_space<vmem>>, vector<128x128xf32>
    tpu.vector_store %arg2[%swap3A_445, %swap3A_446], %transpose3A_444 {strides = array<i32>} : memref<10112x128xf32, #tpu.memory_space<vmem>>, vector<128x128xf32>,
    %slice3A_448 = vector.extract_strided_slice %select_n3A {offsets = [63, 0], sizes = [1, 128], strides = [1, 1]} : vector<80x128xf32> to vector<1x128xf32>
    %broadcast_in_dim3A_449 = vector.shape_cast %slice3A_448 : vector<1x128xf32> to vector<1x128xf32>
    %broadcast_in_dim3A_450 = vector.broadcast %broadcast_in_dim3A_449 : vector<1x128xf32> to vector<128x128xf32>
    %transpose3A_451 = tpu.transpose %broadcast_in_dim3A_450, [1, 0] : vector<128x128xf32> -> vector<128x128xf32>
    %swap3A_452 = arith.constant 8064 : index
    %swap3A_453 = arith.constant 0 : index
    %swap3A_454 = vector.load %arg2[%swap3A_452, %swap3A_453] : memref<10112x128xf32, #tpu.memory_space<vmem>>, vector<128x128xf32>
    tpu.vector_store %arg2[%swap3A_452, %swap3A_453], %transpose3A_451 {strides = array<i32>} : memref<10112x128xf32, #tpu.memory_space<vmem>>, vector<128x128xf32>,
    %slice3A_455 = vector.extract_strided_slice %select_n3A {offsets = [64, 0], sizes = [1, 128], strides = [1, 1]} : vector<80x128xf32> to vector<1x128xf32>
    %broadcast_in_dim3A_456 = vector.shape_cast %slice3A_455 : vector<1x128xf32> to vector<1x128xf32>
    %broadcast_in_dim3A_457 = vector.broadcast %broadcast_in_dim3A_456 : vector<1x128xf32> to vector<128x128xf32>
    %transpose3A_458 = tpu.transpose %broadcast_in_dim3A_457, [1, 0] : vector<128x128xf32> -> vector<128x128xf32>
    %swap3A_459 = arith.constant 8192 : index
    %swap3A_460 = arith.constant 0 : index
    %swap3A_461 = vector.load %arg2[%swap3A_459, %swap3A_460] : memref<10112x128xf32, #tpu.memory_space<vmem>>, vector<128x128xf32>
    tpu.vector_store %arg2[%swap3A_459, %swap3A_460], %transpose3A_458 {strides = array<i32>} : memref<10112x128xf32, #tpu.memory_space<vmem>>, vector<128x128xf32>,
    %slice3A_462 = vector.extract_strided_slice %select_n3A {offsets = [65, 0], sizes = [1, 128], strides = [1, 1]} : vector<80x128xf32> to vector<1x128xf32>
    %broadcast_in_dim3A_463 = vector.shape_cast %slice3A_462 : vector<1x128xf32> to vector<1x128xf32>
    %broadcast_in_dim3A_464 = vector.broadcast %broadcast_in_dim3A_463 : vector<1x128xf32> to vector<128x128xf32>
    %transpose3A_465 = tpu.transpose %broadcast_in_dim3A_464, [1, 0] : vector<128x128xf32> -> vector<128x128xf32>
    %swap3A_466 = arith.constant 8320 : index
    %swap3A_467 = arith.constant 0 : index
    %swap3A_468 = vector.load %arg2[%swap3A_466, %swap3A_467] : memref<10112x128xf32, #tpu.memory_space<vmem>>, vector<128x128xf32>
    tpu.vector_store %arg2[%swap3A_466, %swap3A_467], %transpose3A_465 {strides = array<i32>} : memref<10112x128xf32, #tpu.memory_space<vmem>>, vector<128x128xf32>,
    %slice3A_469 = vector.extract_strided_slice %select_n3A {offsets = [66, 0], sizes = [1, 128], strides = [1, 1]} : vector<80x128xf32> to vector<1x128xf32>
    %broadcast_in_dim3A_470 = vector.shape_cast %slice3A_469 : vector<1x128xf32> to vector<1x128xf32>
    %broadcast_in_dim3A_471 = vector.broadcast %broadcast_in_dim3A_470 : vector<1x128xf32> to vector<128x128xf32>
    %transpose3A_472 = tpu.transpose %broadcast_in_dim3A_471, [1, 0] : vector<128x128xf32> -> vector<128x128xf32>
    %swap3A_473 = arith.constant 8448 : index
    %swap3A_474 = arith.constant 0 : index
    %swap3A_475 = vector.load %arg2[%swap3A_473, %swap3A_474] : memref<10112x128xf32, #tpu.memory_space<vmem>>, vector<128x128xf32>
    tpu.vector_store %arg2[%swap3A_473, %swap3A_474], %transpose3A_472 {strides = array<i32>} : memref<10112x128xf32, #tpu.memory_space<vmem>>, vector<128x128xf32>,
    %slice3A_476 = vector.extract_strided_slice %select_n3A {offsets = [67, 0], sizes = [1, 128], strides = [1, 1]} : vector<80x128xf32> to vector<1x128xf32>
    %broadcast_in_dim3A_477 = vector.shape_cast %slice3A_476 : vector<1x128xf32> to vector<1x128xf32>
    %broadcast_in_dim3A_478 = vector.broadcast %broadcast_in_dim3A_477 : vector<1x128xf32> to vector<128x128xf32>
    %transpose3A_479 = tpu.transpose %broadcast_in_dim3A_478, [1, 0] : vector<128x128xf32> -> vector<128x128xf32>
    %swap3A_480 = arith.constant 8576 : index
    %swap3A_481 = arith.constant 0 : index
    %swap3A_482 = vector.load %arg2[%swap3A_480, %swap3A_481] : memref<10112x128xf32, #tpu.memory_space<vmem>>, vector<128x128xf32>
    tpu.vector_store %arg2[%swap3A_480, %swap3A_481], %transpose3A_479 {strides = array<i32>} : memref<10112x128xf32, #tpu.memory_space<vmem>>, vector<128x128xf32>,
    %slice3A_483 = vector.extract_strided_slice %select_n3A {offsets = [68, 0], sizes = [1, 128], strides = [1, 1]} : vector<80x128xf32> to vector<1x128xf32>
    %broadcast_in_dim3A_484 = vector.shape_cast %slice3A_483 : vector<1x128xf32> to vector<1x128xf32>
    %broadcast_in_dim3A_485 = vector.broadcast %broadcast_in_dim3A_484 : vector<1x128xf32> to vector<128x128xf32>
    %transpose3A_486 = tpu.transpose %broadcast_in_dim3A_485, [1, 0] : vector<128x128xf32> -> vector<128x128xf32>
    %swap3A_487 = arith.constant 8704 : index
    %swap3A_488 = arith.constant 0 : index
    %swap3A_489 = vector.load %arg2[%swap3A_487, %swap3A_488] : memref<10112x128xf32, #tpu.memory_space<vmem>>, vector<128x128xf32>
    tpu.vector_store %arg2[%swap3A_487, %swap3A_488], %transpose3A_486 {strides = array<i32>} : memref<10112x128xf32, #tpu.memory_space<vmem>>, vector<128x128xf32>,
    %slice3A_490 = vector.extract_strided_slice %select_n3A {offsets = [69, 0], sizes = [1, 128], strides = [1, 1]} : vector<80x128xf32> to vector<1x128xf32>
    %broadcast_in_dim3A_491 = vector.shape_cast %slice3A_490 : vector<1x128xf32> to vector<1x128xf32>
    %broadcast_in_dim3A_492 = vector.broadcast %broadcast_in_dim3A_491 : vector<1x128xf32> to vector<128x128xf32>
    %transpose3A_493 = tpu.transpose %broadcast_in_dim3A_492, [1, 0] : vector<128x128xf32> -> vector<128x128xf32>
    %swap3A_494 = arith.constant 8832 : index
    %swap3A_495 = arith.constant 0 : index
    %swap3A_496 = vector.load %arg2[%swap3A_494, %swap3A_495] : memref<10112x128xf32, #tpu.memory_space<vmem>>, vector<128x128xf32>
    tpu.vector_store %arg2[%swap3A_494, %swap3A_495], %transpose3A_493 {strides = array<i32>} : memref<10112x128xf32, #tpu.memory_space<vmem>>, vector<128x128xf32>,
    %slice3A_497 = vector.extract_strided_slice %select_n3A {offsets = [70, 0], sizes = [1, 128], strides = [1, 1]} : vector<80x128xf32> to vector<1x128xf32>
    %broadcast_in_dim3A_498 = vector.shape_cast %slice3A_497 : vector<1x128xf32> to vector<1x128xf32>
    %broadcast_in_dim3A_499 = vector.broadcast %broadcast_in_dim3A_498 : vector<1x128xf32> to vector<128x128xf32>
    %transpose3A_500 = tpu.transpose %broadcast_in_dim3A_499, [1, 0] : vector<128x128xf32> -> vector<128x128xf32>
    %swap3A_501 = arith.constant 8960 : index
    %swap3A_502 = arith.constant 0 : index
    %swap3A_503 = vector.load %arg2[%swap3A_501, %swap3A_502] : memref<10112x128xf32, #tpu.memory_space<vmem>>, vector<128x128xf32>
    tpu.vector_store %arg2[%swap3A_501, %swap3A_502], %transpose3A_500 {strides = array<i32>} : memref<10112x128xf32, #tpu.memory_space<vmem>>, vector<128x128xf32>,
    %slice3A_504 = vector.extract_strided_slice %select_n3A {offsets = [71, 0], sizes = [1, 128], strides = [1, 1]} : vector<80x128xf32> to vector<1x128xf32>
    %broadcast_in_dim3A_505 = vector.shape_cast %slice3A_504 : vector<1x128xf32> to vector<1x128xf32>
    %broadcast_in_dim3A_506 = vector.broadcast %broadcast_in_dim3A_505 : vector<1x128xf32> to vector<128x128xf32>
    %transpose3A_507 = tpu.transpose %broadcast_in_dim3A_506, [1, 0] : vector<128x128xf32> -> vector<128x128xf32>
    %swap3A_508 = arith.constant 9088 : index
    %swap3A_509 = arith.constant 0 : index
    %swap3A_510 = vector.load %arg2[%swap3A_508, %swap3A_509] : memref<10112x128xf32, #tpu.memory_space<vmem>>, vector<128x128xf32>
    tpu.vector_store %arg2[%swap3A_508, %swap3A_509], %transpose3A_507 {strides = array<i32>} : memref<10112x128xf32, #tpu.memory_space<vmem>>, vector<128x128xf32>,
    %slice3A_511 = vector.extract_strided_slice %select_n3A {offsets = [72, 0], sizes = [1, 128], strides = [1, 1]} : vector<80x128xf32> to vector<1x128xf32>
    %broadcast_in_dim3A_512 = vector.shape_cast %slice3A_511 : vector<1x128xf32> to vector<1x128xf32>
    %broadcast_in_dim3A_513 = vector.broadcast %broadcast_in_dim3A_512 : vector<1x128xf32> to vector<128x128xf32>
    %transpose3A_514 = tpu.transpose %broadcast_in_dim3A_513, [1, 0] : vector<128x128xf32> -> vector<128x128xf32>
    %swap3A_515 = arith.constant 9216 : index
    %swap3A_516 = arith.constant 0 : index
    %swap3A_517 = vector.load %arg2[%swap3A_515, %swap3A_516] : memref<10112x128xf32, #tpu.memory_space<vmem>>, vector<128x128xf32>
    tpu.vector_store %arg2[%swap3A_515, %swap3A_516], %transpose3A_514 {strides = array<i32>} : memref<10112x128xf32, #tpu.memory_space<vmem>>, vector<128x128xf32>,
    %slice3A_518 = vector.extract_strided_slice %select_n3A {offsets = [73, 0], sizes = [1, 128], strides = [1, 1]} : vector<80x128xf32> to vector<1x128xf32>
    %broadcast_in_dim3A_519 = vector.shape_cast %slice3A_518 : vector<1x128xf32> to vector<1x128xf32>
    %broadcast_in_dim3A_520 = vector.broadcast %broadcast_in_dim3A_519 : vector<1x128xf32> to vector<128x128xf32>
    %transpose3A_521 = tpu.transpose %broadcast_in_dim3A_520, [1, 0] : vector<128x128xf32> -> vector<128x128xf32>
    %swap3A_522 = arith.constant 9344 : index
    %swap3A_523 = arith.constant 0 : index
    %swap3A_524 = vector.load %arg2[%swap3A_522, %swap3A_523] : memref<10112x128xf32, #tpu.memory_space<vmem>>, vector<128x128xf32>
    tpu.vector_store %arg2[%swap3A_522, %swap3A_523], %transpose3A_521 {strides = array<i32>} : memref<10112x128xf32, #tpu.memory_space<vmem>>, vector<128x128xf32>,
    %slice3A_525 = vector.extract_strided_slice %select_n3A {offsets = [74, 0], sizes = [1, 128], strides = [1, 1]} : vector<80x128xf32> to vector<1x128xf32>
    %broadcast_in_dim3A_526 = vector.shape_cast %slice3A_525 : vector<1x128xf32> to vector<1x128xf32>
    %broadcast_in_dim3A_527 = vector.broadcast %broadcast_in_dim3A_526 : vector<1x128xf32> to vector<128x128xf32>
    %transpose3A_528 = tpu.transpose %broadcast_in_dim3A_527, [1, 0] : vector<128x128xf32> -> vector<128x128xf32>
    %swap3A_529 = arith.constant 9472 : index
    %swap3A_530 = arith.constant 0 : index
    %swap3A_531 = vector.load %arg2[%swap3A_529, %swap3A_530] : memref<10112x128xf32, #tpu.memory_space<vmem>>, vector<128x128xf32>
    tpu.vector_store %arg2[%swap3A_529, %swap3A_530], %transpose3A_528 {strides = array<i32>} : memref<10112x128xf32, #tpu.memory_space<vmem>>, vector<128x128xf32>,
    %slice3A_532 = vector.extract_strided_slice %select_n3A {offsets = [75, 0], sizes = [1, 128], strides = [1, 1]} : vector<80x128xf32> to vector<1x128xf32>
    %broadcast_in_dim3A_533 = vector.shape_cast %slice3A_532 : vector<1x128xf32> to vector<1x128xf32>
    %broadcast_in_dim3A_534 = vector.broadcast %broadcast_in_dim3A_533 : vector<1x128xf32> to vector<128x128xf32>
    %transpose3A_535 = tpu.transpose %broadcast_in_dim3A_534, [1, 0] : vector<128x128xf32> -> vector<128x128xf32>
    %swap3A_536 = arith.constant 9600 : index
    %swap3A_537 = arith.constant 0 : index
    %swap3A_538 = vector.load %arg2[%swap3A_536, %swap3A_537] : memref<10112x128xf32, #tpu.memory_space<vmem>>, vector<128x128xf32>
    tpu.vector_store %arg2[%swap3A_536, %swap3A_537], %transpose3A_535 {strides = array<i32>} : memref<10112x128xf32, #tpu.memory_space<vmem>>, vector<128x128xf32>,
    %slice3A_539 = vector.extract_strided_slice %select_n3A {offsets = [76, 0], sizes = [1, 128], strides = [1, 1]} : vector<80x128xf32> to vector<1x128xf32>
    %broadcast_in_dim3A_540 = vector.shape_cast %slice3A_539 : vector<1x128xf32> to vector<1x128xf32>
    %broadcast_in_dim3A_541 = vector.broadcast %broadcast_in_dim3A_540 : vector<1x128xf32> to vector<128x128xf32>
    %transpose3A_542 = tpu.transpose %broadcast_in_dim3A_541, [1, 0] : vector<128x128xf32> -> vector<128x128xf32>
    %swap3A_543 = arith.constant 9728 : index
    %swap3A_544 = arith.constant 0 : index
    %swap3A_545 = vector.load %arg2[%swap3A_543, %swap3A_544] : memref<10112x128xf32, #tpu.memory_space<vmem>>, vector<128x128xf32>
    tpu.vector_store %arg2[%swap3A_543, %swap3A_544], %transpose3A_542 {strides = array<i32>} : memref<10112x128xf32, #tpu.memory_space<vmem>>, vector<128x128xf32>,
    %slice3A_546 = vector.extract_strided_slice %select_n3A {offsets = [77, 0], sizes = [1, 128], strides = [1, 1]} : vector<80x128xf32> to vector<1x128xf32>
    %broadcast_in_dim3A_547 = vector.shape_cast %slice3A_546 : vector<1x128xf32> to vector<1x128xf32>
    %broadcast_in_dim3A_548 = vector.broadcast %broadcast_in_dim3A_547 : vector<1x128xf32> to vector<128x128xf32>
    %transpose3A_549 = tpu.transpose %broadcast_in_dim3A_548, [1, 0] : vector<128x128xf32> -> vector<128x128xf32>
    %swap3A_550 = arith.constant 9856 : index
    %swap3A_551 = arith.constant 0 : index
    %swap3A_552 = vector.load %arg2[%swap3A_550, %swap3A_551] : memref<10112x128xf32, #tpu.memory_space<vmem>>, vector<128x128xf32>
    tpu.vector_store %arg2[%swap3A_550, %swap3A_551], %transpose3A_549 {strides = array<i32>} : memref<10112x128xf32, #tpu.memory_space<vmem>>, vector<128x128xf32>,
    %slice3A_553 = vector.extract_strided_slice %select_n3A {offsets = [78, 0], sizes = [1, 128], strides = [1, 1]} : vector<80x128xf32> to vector<1x128xf32>
    %broadcast_in_dim3A_554 = vector.shape_cast %slice3A_553 : vector<1x128xf32> to vector<1x128xf32>
    %broadcast_in_dim3A_555 = vector.broadcast %broadcast_in_dim3A_554 : vector<1x128xf32> to vector<128x128xf32>
    %transpose3A_556 = tpu.transpose %broadcast_in_dim3A_555, [1, 0] : vector<128x128xf32> -> vector<128x128xf32>
    %swap3A_557 = arith.constant 9984 : index
    %swap3A_558 = arith.constant 0 : index
    %swap3A_559 = vector.load %arg2[%swap3A_557, %swap3A_558] : memref<10112x128xf32, #tpu.memory_space<vmem>>, vector<128x128xf32>
    tpu.vector_store %arg2[%swap3A_557, %swap3A_558], %transpose3A_556 {strides = array<i32>} : memref<10112x128xf32, #tpu.memory_space<vmem>>, vector<128x128xf32>,
    %slice3A_560 = vector.extract_strided_slice %reduce_sum3A_4 {offsets = [1, 0, 0], sizes = [1, 80, 128], strides = [1, 1, 1]} : vector<2x80x128xf32> to vector<1x80x128xf32>
    %squeeze3A_561 = vector.shape_cast %slice3A_560 : vector<1x80x128xf32> to vector<80x128xf32>
    %gt3A_562 = arith.constant 0.000000e+00 : f32
    %gt3A_563 = vector.broadcast %gt3A_562 : f32 to vector<80x128xf32>
    %gt3A_564 = arith.cmpf ogt, %squeeze3A_561, %gt3A_563 : vector<80x128xf32>
    %div3A_565 = arith.constant 1.000000e+00 : f32
    %div3A_566 = vector.broadcast %div3A_565 : f32 to vector<80x128xf32>
    %div3A_567 = arith.divf %div3A_566, %squeeze3A_561 : vector<80x128xf32>
    %jit3A_568 = arith.constant 0.000000e+00 : f32
    %broadcast_in_dim3A_569 = vector.broadcast %jit3A_568 : f32 to vector<80x128xf32>
    %select_n3A_570 = arith.select %gt3A_564, %div3A_567, %broadcast_in_dim3A_569 : vector<80x128xi1>, vector<80x128xf32>
    %slice3A_571 = vector.extract_strided_slice %select_n3A_570 {offsets = [0, 0], sizes = [1, 128], strides = [1, 1]} : vector<80x128xf32> to vector<1x128xf32>
    %broadcast_in_dim3A_572 = vector.shape_cast %slice3A_571 : vector<1x128xf32> to vector<1x128xf32>
    %broadcast_in_dim3A_573 = vector.broadcast %broadcast_in_dim3A_572 : vector<1x128xf32> to vector<128x128xf32>
    %transpose3A_574 = tpu.transpose %broadcast_in_dim3A_573, [1, 0] : vector<128x128xf32> -> vector<128x128xf32>
    %swap3A_575 = arith.constant 0 : index
    %swap3A_576 = arith.constant 0 : index
    %swap3A_577 = vector.load %arg3[%swap3A_575, %swap3A_576] : memref<10112x128xf32, #tpu.memory_space<vmem>>, vector<128x128xf32>
    tpu.vector_store %arg3[%swap3A_575, %swap3A_576], %transpose3A_574 {strides = array<i32>} : memref<10112x128xf32, #tpu.memory_space<vmem>>, vector<128x128xf32>,
    %slice3A_578 = vector.extract_strided_slice %select_n3A_570 {offsets = [1, 0], sizes = [1, 128], strides = [1, 1]} : vector<80x128xf32> to vector<1x128xf32>
    %broadcast_in_dim3A_579 = vector.shape_cast %slice3A_578 : vector<1x128xf32> to vector<1x128xf32>
    %broadcast_in_dim3A_580 = vector.broadcast %broadcast_in_dim3A_579 : vector<1x128xf32> to vector<128x128xf32>
    %transpose3A_581 = tpu.transpose %broadcast_in_dim3A_580, [1, 0] : vector<128x128xf32> -> vector<128x128xf32>
    %swap3A_582 = arith.constant 128 : index
    %swap3A_583 = arith.constant 0 : index
    %swap3A_584 = vector.load %arg3[%swap3A_582, %swap3A_583] : memref<10112x128xf32, #tpu.memory_space<vmem>>, vector<128x128xf32>
    tpu.vector_store %arg3[%swap3A_582, %swap3A_583], %transpose3A_581 {strides = array<i32>} : memref<10112x128xf32, #tpu.memory_space<vmem>>, vector<128x128xf32>,
    %slice3A_585 = vector.extract_strided_slice %select_n3A_570 {offsets = [2, 0], sizes = [1, 128], strides = [1, 1]} : vector<80x128xf32> to vector<1x128xf32>
    %broadcast_in_dim3A_586 = vector.shape_cast %slice3A_585 : vector<1x128xf32> to vector<1x128xf32>
    %broadcast_in_dim3A_587 = vector.broadcast %broadcast_in_dim3A_586 : vector<1x128xf32> to vector<128x128xf32>
    %transpose3A_588 = tpu.transpose %broadcast_in_dim3A_587, [1, 0] : vector<128x128xf32> -> vector<128x128xf32>
    %swap3A_589 = arith.constant 256 : index
    %swap3A_590 = arith.constant 0 : index
    %swap3A_591 = vector.load %arg3[%swap3A_589, %swap3A_590] : memref<10112x128xf32, #tpu.memory_space<vmem>>, vector<128x128xf32>
    tpu.vector_store %arg3[%swap3A_589, %swap3A_590], %transpose3A_588 {strides = array<i32>} : memref<10112x128xf32, #tpu.memory_space<vmem>>, vector<128x128xf32>,
    %slice3A_592 = vector.extract_strided_slice %select_n3A_570 {offsets = [3, 0], sizes = [1, 128], strides = [1, 1]} : vector<80x128xf32> to vector<1x128xf32>
    %broadcast_in_dim3A_593 = vector.shape_cast %slice3A_592 : vector<1x128xf32> to vector<1x128xf32>
    %broadcast_in_dim3A_594 = vector.broadcast %broadcast_in_dim3A_593 : vector<1x128xf32> to vector<128x128xf32>
    %transpose3A_595 = tpu.transpose %broadcast_in_dim3A_594, [1, 0] : vector<128x128xf32> -> vector<128x128xf32>
    %swap3A_596 = arith.constant 384 : index
    %swap3A_597 = arith.constant 0 : index
    %swap3A_598 = vector.load %arg3[%swap3A_596, %swap3A_597] : memref<10112x128xf32, #tpu.memory_space<vmem>>, vector<128x128xf32>
    tpu.vector_store %arg3[%swap3A_596, %swap3A_597], %transpose3A_595 {strides = array<i32>} : memref<10112x128xf32, #tpu.memory_space<vmem>>, vector<128x128xf32>,
    %slice3A_599 = vector.extract_strided_slice %select_n3A_570 {offsets = [4, 0], sizes = [1, 128], strides = [1, 1]} : vector<80x128xf32> to vector<1x128xf32>
    %broadcast_in_dim3A_600 = vector.shape_cast %slice3A_599 : vector<1x128xf32> to vector<1x128xf32>
    %broadcast_in_dim3A_601 = vector.broadcast %broadcast_in_dim3A_600 : vector<1x128xf32> to vector<128x128xf32>
    %transpose3A_602 = tpu.transpose %broadcast_in_dim3A_601, [1, 0] : vector<128x128xf32> -> vector<128x128xf32>
    %swap3A_603 = arith.constant 512 : index
    %swap3A_604 = arith.constant 0 : index
    %swap3A_605 = vector.load %arg3[%swap3A_603, %swap3A_604] : memref<10112x128xf32, #tpu.memory_space<vmem>>, vector<128x128xf32>
    tpu.vector_store %arg3[%swap3A_603, %swap3A_604], %transpose3A_602 {strides = array<i32>} : memref<10112x128xf32, #tpu.memory_space<vmem>>, vector<128x128xf32>,
    %slice3A_606 = vector.extract_strided_slice %select_n3A_570 {offsets = [5, 0], sizes = [1, 128], strides = [1, 1]} : vector<80x128xf32> to vector<1x128xf32>
    %broadcast_in_dim3A_607 = vector.shape_cast %slice3A_606 : vector<1x128xf32> to vector<1x128xf32>
    %broadcast_in_dim3A_608 = vector.broadcast %broadcast_in_dim3A_607 : vector<1x128xf32> to vector<128x128xf32>
    %transpose3A_609 = tpu.transpose %broadcast_in_dim3A_608, [1, 0] : vector<128x128xf32> -> vector<128x128xf32>
    %swap3A_610 = arith.constant 640 : index
    %swap3A_611 = arith.constant 0 : index
    %swap3A_612 = vector.load %arg3[%swap3A_610, %swap3A_611] : memref<10112x128xf32, #tpu.memory_space<vmem>>, vector<128x128xf32>
    tpu.vector_store %arg3[%swap3A_610, %swap3A_611], %transpose3A_609 {strides = array<i32>} : memref<10112x128xf32, #tpu.memory_space<vmem>>, vector<128x128xf32>,
    %slice3A_613 = vector.extract_strided_slice %select_n3A_570 {offsets = [6, 0], sizes = [1, 128], strides = [1, 1]} : vector<80x128xf32> to vector<1x128xf32>
    %broadcast_in_dim3A_614 = vector.shape_cast %slice3A_613 : vector<1x128xf32> to vector<1x128xf32>
    %broadcast_in_dim3A_615 = vector.broadcast %broadcast_in_dim3A_614 : vector<1x128xf32> to vector<128x128xf32>
    %transpose3A_616 = tpu.transpose %broadcast_in_dim3A_615, [1, 0] : vector<128x128xf32> -> vector<128x128xf32>
    %swap3A_617 = arith.constant 768 : index
    %swap3A_618 = arith.constant 0 : index
    %swap3A_619 = vector.load %arg3[%swap3A_617, %swap3A_618] : memref<10112x128xf32, #tpu.memory_space<vmem>>, vector<128x128xf32>
    tpu.vector_store %arg3[%swap3A_617, %swap3A_618], %transpose3A_616 {strides = array<i32>} : memref<10112x128xf32, #tpu.memory_space<vmem>>, vector<128x128xf32>,
    %slice3A_620 = vector.extract_strided_slice %select_n3A_570 {offsets = [7, 0], sizes = [1, 128], strides = [1, 1]} : vector<80x128xf32> to vector<1x128xf32>
    %broadcast_in_dim3A_621 = vector.shape_cast %slice3A_620 : vector<1x128xf32> to vector<1x128xf32>
    %broadcast_in_dim3A_622 = vector.broadcast %broadcast_in_dim3A_621 : vector<1x128xf32> to vector<128x128xf32>
    %transpose3A_623 = tpu.transpose %broadcast_in_dim3A_622, [1, 0] : vector<128x128xf32> -> vector<128x128xf32>
    %swap3A_624 = arith.constant 896 : index
    %swap3A_625 = arith.constant 0 : index
    %swap3A_626 = vector.load %arg3[%swap3A_624, %swap3A_625] : memref<10112x128xf32, #tpu.memory_space<vmem>>, vector<128x128xf32>
    tpu.vector_store %arg3[%swap3A_624, %swap3A_625], %transpose3A_623 {strides = array<i32>} : memref<10112x128xf32, #tpu.memory_space<vmem>>, vector<128x128xf32>,
    %slice3A_627 = vector.extract_strided_slice %select_n3A_570 {offsets = [8, 0], sizes = [1, 128], strides = [1, 1]} : vector<80x128xf32> to vector<1x128xf32>
    %broadcast_in_dim3A_628 = vector.shape_cast %slice3A_627 : vector<1x128xf32> to vector<1x128xf32>
    %broadcast_in_dim3A_629 = vector.broadcast %broadcast_in_dim3A_628 : vector<1x128xf32> to vector<128x128xf32>
    %transpose3A_630 = tpu.transpose %broadcast_in_dim3A_629, [1, 0] : vector<128x128xf32> -> vector<128x128xf32>
    %swap3A_631 = arith.constant 1024 : index
    %swap3A_632 = arith.constant 0 : index
    %swap3A_633 = vector.load %arg3[%swap3A_631, %swap3A_632] : memref<10112x128xf32, #tpu.memory_space<vmem>>, vector<128x128xf32>
    tpu.vector_store %arg3[%swap3A_631, %swap3A_632], %transpose3A_630 {strides = array<i32>} : memref<10112x128xf32, #tpu.memory_space<vmem>>, vector<128x128xf32>,
    %slice3A_634 = vector.extract_strided_slice %select_n3A_570 {offsets = [9, 0], sizes = [1, 128], strides = [1, 1]} : vector<80x128xf32> to vector<1x128xf32>
    %broadcast_in_dim3A_635 = vector.shape_cast %slice3A_634 : vector<1x128xf32> to vector<1x128xf32>
    %broadcast_in_dim3A_636 = vector.broadcast %broadcast_in_dim3A_635 : vector<1x128xf32> to vector<128x128xf32>
    %transpose3A_637 = tpu.transpose %broadcast_in_dim3A_636, [1, 0] : vector<128x128xf32> -> vector<128x128xf32>
    %swap3A_638 = arith.constant 1152 : index
    %swap3A_639 = arith.constant 0 : index
    %swap3A_640 = vector.load %arg3[%swap3A_638, %swap3A_639] : memref<10112x128xf32, #tpu.memory_space<vmem>>, vector<128x128xf32>
    tpu.vector_store %arg3[%swap3A_638, %swap3A_639], %transpose3A_637 {strides = array<i32>} : memref<10112x128xf32, #tpu.memory_space<vmem>>, vector<128x128xf32>,
    %slice3A_641 = vector.extract_strided_slice %select_n3A_570 {offsets = [10, 0], sizes = [1, 128], strides = [1, 1]} : vector<80x128xf32> to vector<1x128xf32>
    %broadcast_in_dim3A_642 = vector.shape_cast %slice3A_641 : vector<1x128xf32> to vector<1x128xf32>
    %broadcast_in_dim3A_643 = vector.broadcast %broadcast_in_dim3A_642 : vector<1x128xf32> to vector<128x128xf32>
    %transpose3A_644 = tpu.transpose %broadcast_in_dim3A_643, [1, 0] : vector<128x128xf32> -> vector<128x128xf32>
    %swap3A_645 = arith.constant 1280 : index
    %swap3A_646 = arith.constant 0 : index
    %swap3A_647 = vector.load %arg3[%swap3A_645, %swap3A_646] : memref<10112x128xf32, #tpu.memory_space<vmem>>, vector<128x128xf32>
    tpu.vector_store %arg3[%swap3A_645, %swap3A_646], %transpose3A_644 {strides = array<i32>} : memref<10112x128xf32, #tpu.memory_space<vmem>>, vector<128x128xf32>,
    %slice3A_648 = vector.extract_strided_slice %select_n3A_570 {offsets = [11, 0], sizes = [1, 128], strides = [1, 1]} : vector<80x128xf32> to vector<1x128xf32>
    %broadcast_in_dim3A_649 = vector.shape_cast %slice3A_648 : vector<1x128xf32> to vector<1x128xf32>
    %broadcast_in_dim3A_650 = vector.broadcast %broadcast_in_dim3A_649 : vector<1x128xf32> to vector<128x128xf32>
    %transpose3A_651 = tpu.transpose %broadcast_in_dim3A_650, [1, 0] : vector<128x128xf32> -> vector<128x128xf32>
    %swap3A_652 = arith.constant 1408 : index
    %swap3A_653 = arith.constant 0 : index
    %swap3A_654 = vector.load %arg3[%swap3A_652, %swap3A_653] : memref<10112x128xf32, #tpu.memory_space<vmem>>, vector<128x128xf32>
    tpu.vector_store %arg3[%swap3A_652, %swap3A_653], %transpose3A_651 {strides = array<i32>} : memref<10112x128xf32, #tpu.memory_space<vmem>>, vector<128x128xf32>,
    %slice3A_655 = vector.extract_strided_slice %select_n3A_570 {offsets = [12, 0], sizes = [1, 128], strides = [1, 1]} : vector<80x128xf32> to vector<1x128xf32>
    %broadcast_in_dim3A_656 = vector.shape_cast %slice3A_655 : vector<1x128xf32> to vector<1x128xf32>
    %broadcast_in_dim3A_657 = vector.broadcast %broadcast_in_dim3A_656 : vector<1x128xf32> to vector<128x128xf32>
    %transpose3A_658 = tpu.transpose %broadcast_in_dim3A_657, [1, 0] : vector<128x128xf32> -> vector<128x128xf32>
    %swap3A_659 = arith.constant 1536 : index
    %swap3A_660 = arith.constant 0 : index
    %swap3A_661 = vector.load %arg3[%swap3A_659, %swap3A_660] : memref<10112x128xf32, #tpu.memory_space<vmem>>, vector<128x128xf32>
    tpu.vector_store %arg3[%swap3A_659, %swap3A_660], %transpose3A_658 {strides = array<i32>} : memref<10112x128xf32, #tpu.memory_space<vmem>>, vector<128x128xf32>,
    %slice3A_662 = vector.extract_strided_slice %select_n3A_570 {offsets = [13, 0], sizes = [1, 128], strides = [1, 1]} : vector<80x128xf32> to vector<1x128xf32>
    %broadcast_in_dim3A_663 = vector.shape_cast %slice3A_662 : vector<1x128xf32> to vector<1x128xf32>
    %broadcast_in_dim3A_664 = vector.broadcast %broadcast_in_dim3A_663 : vector<1x128xf32> to vector<128x128xf32>
    %transpose3A_665 = tpu.transpose %broadcast_in_dim3A_664, [1, 0] : vector<128x128xf32> -> vector<128x128xf32>
    %swap3A_666 = arith.constant 1664 : index
    %swap3A_667 = arith.constant 0 : index
    %swap3A_668 = vector.load %arg3[%swap3A_666, %swap3A_667] : memref<10112x128xf32, #tpu.memory_space<vmem>>, vector<128x128xf32>
    tpu.vector_store %arg3[%swap3A_666, %swap3A_667], %transpose3A_665 {strides = array<i32>} : memref<10112x128xf32, #tpu.memory_space<vmem>>, vector<128x128xf32>,
    %slice3A_669 = vector.extract_strided_slice %select_n3A_570 {offsets = [14, 0], sizes = [1, 128], strides = [1, 1]} : vector<80x128xf32> to vector<1x128xf32>
    %broadcast_in_dim3A_670 = vector.shape_cast %slice3A_669 : vector<1x128xf32> to vector<1x128xf32>
    %broadcast_in_dim3A_671 = vector.broadcast %broadcast_in_dim3A_670 : vector<1x128xf32> to vector<128x128xf32>
    %transpose3A_672 = tpu.transpose %broadcast_in_dim3A_671, [1, 0] : vector<128x128xf32> -> vector<128x128xf32>
    %swap3A_673 = arith.constant 1792 : index
    %swap3A_674 = arith.constant 0 : index
    %swap3A_675 = vector.load %arg3[%swap3A_673, %swap3A_674] : memref<10112x128xf32, #tpu.memory_space<vmem>>, vector<128x128xf32>
    tpu.vector_store %arg3[%swap3A_673, %swap3A_674], %transpose3A_672 {strides = array<i32>} : memref<10112x128xf32, #tpu.memory_space<vmem>>, vector<128x128xf32>,
    %slice3A_676 = vector.extract_strided_slice %select_n3A_570 {offsets = [15, 0], sizes = [1, 128], strides = [1, 1]} : vector<80x128xf32> to vector<1x128xf32>
    %broadcast_in_dim3A_677 = vector.shape_cast %slice3A_676 : vector<1x128xf32> to vector<1x128xf32>
    %broadcast_in_dim3A_678 = vector.broadcast %broadcast_in_dim3A_677 : vector<1x128xf32> to vector<128x128xf32>
    %transpose3A_679 = tpu.transpose %broadcast_in_dim3A_678, [1, 0] : vector<128x128xf32> -> vector<128x128xf32>
    %swap3A_680 = arith.constant 1920 : index
    %swap3A_681 = arith.constant 0 : index
    %swap3A_682 = vector.load %arg3[%swap3A_680, %swap3A_681] : memref<10112x128xf32, #tpu.memory_space<vmem>>, vector<128x128xf32>
    tpu.vector_store %arg3[%swap3A_680, %swap3A_681], %transpose3A_679 {strides = array<i32>} : memref<10112x128xf32, #tpu.memory_space<vmem>>, vector<128x128xf32>,
    %slice3A_683 = vector.extract_strided_slice %select_n3A_570 {offsets = [16, 0], sizes = [1, 128], strides = [1, 1]} : vector<80x128xf32> to vector<1x128xf32>
    %broadcast_in_dim3A_684 = vector.shape_cast %slice3A_683 : vector<1x128xf32> to vector<1x128xf32>
    %broadcast_in_dim3A_685 = vector.broadcast %broadcast_in_dim3A_684 : vector<1x128xf32> to vector<128x128xf32>
    %transpose3A_686 = tpu.transpose %broadcast_in_dim3A_685, [1, 0] : vector<128x128xf32> -> vector<128x128xf32>
    %swap3A_687 = arith.constant 2048 : index
    %swap3A_688 = arith.constant 0 : index
    %swap3A_689 = vector.load %arg3[%swap3A_687, %swap3A_688] : memref<10112x128xf32, #tpu.memory_space<vmem>>, vector<128x128xf32>
    tpu.vector_store %arg3[%swap3A_687, %swap3A_688], %transpose3A_686 {strides = array<i32>} : memref<10112x128xf32, #tpu.memory_space<vmem>>, vector<128x128xf32>,
    %slice3A_690 = vector.extract_strided_slice %select_n3A_570 {offsets = [17, 0], sizes = [1, 128], strides = [1, 1]} : vector<80x128xf32> to vector<1x128xf32>
    %broadcast_in_dim3A_691 = vector.shape_cast %slice3A_690 : vector<1x128xf32> to vector<1x128xf32>
    %broadcast_in_dim3A_692 = vector.broadcast %broadcast_in_dim3A_691 : vector<1x128xf32> to vector<128x128xf32>
    %transpose3A_693 = tpu.transpose %broadcast_in_dim3A_692, [1, 0] : vector<128x128xf32> -> vector<128x128xf32>
    %swap3A_694 = arith.constant 2176 : index
    %swap3A_695 = arith.constant 0 : index
    %swap3A_696 = vector.load %arg3[%swap3A_694, %swap3A_695] : memref<10112x128xf32, #tpu.memory_space<vmem>>, vector<128x128xf32>
    tpu.vector_store %arg3[%swap3A_694, %swap3A_695], %transpose3A_693 {strides = array<i32>} : memref<10112x128xf32, #tpu.memory_space<vmem>>, vector<128x128xf32>,
    %slice3A_697 = vector.extract_strided_slice %select_n3A_570 {offsets = [18, 0], sizes = [1, 128], strides = [1, 1]} : vector<80x128xf32> to vector<1x128xf32>
    %broadcast_in_dim3A_698 = vector.shape_cast %slice3A_697 : vector<1x128xf32> to vector<1x128xf32>
    %broadcast_in_dim3A_699 = vector.broadcast %broadcast_in_dim3A_698 : vector<1x128xf32> to vector<128x128xf32>
    %transpose3A_700 = tpu.transpose %broadcast_in_dim3A_699, [1, 0] : vector<128x128xf32> -> vector<128x128xf32>
    %swap3A_701 = arith.constant 2304 : index
    %swap3A_702 = arith.constant 0 : index
    %swap3A_703 = vector.load %arg3[%swap3A_701, %swap3A_702] : memref<10112x128xf32, #tpu.memory_space<vmem>>, vector<128x128xf32>
    tpu.vector_store %arg3[%swap3A_701, %swap3A_702], %transpose3A_700 {strides = array<i32>} : memref<10112x128xf32, #tpu.memory_space<vmem>>, vector<128x128xf32>,
    %slice3A_704 = vector.extract_strided_slice %select_n3A_570 {offsets = [19, 0], sizes = [1, 128], strides = [1, 1]} : vector<80x128xf32> to vector<1x128xf32>
    %broadcast_in_dim3A_705 = vector.shape_cast %slice3A_704 : vector<1x128xf32> to vector<1x128xf32>
    %broadcast_in_dim3A_706 = vector.broadcast %broadcast_in_dim3A_705 : vector<1x128xf32> to vector<128x128xf32>
    %transpose3A_707 = tpu.transpose %broadcast_in_dim3A_706, [1, 0] : vector<128x128xf32> -> vector<128x128xf32>
    %swap3A_708 = arith.constant 2432 : index
    %swap3A_709 = arith.constant 0 : index
    %swap3A_710 = vector.load %arg3[%swap3A_708, %swap3A_709] : memref<10112x128xf32, #tpu.memory_space<vmem>>, vector<128x128xf32>
    tpu.vector_store %arg3[%swap3A_708, %swap3A_709], %transpose3A_707 {strides = array<i32>} : memref<10112x128xf32, #tpu.memory_space<vmem>>, vector<128x128xf32>,
    %slice3A_711 = vector.extract_strided_slice %select_n3A_570 {offsets = [20, 0], sizes = [1, 128], strides = [1, 1]} : vector<80x128xf32> to vector<1x128xf32>
    %broadcast_in_dim3A_712 = vector.shape_cast %slice3A_711 : vector<1x128xf32> to vector<1x128xf32>
    %broadcast_in_dim3A_713 = vector.broadcast %broadcast_in_dim3A_712 : vector<1x128xf32> to vector<128x128xf32>
    %transpose3A_714 = tpu.transpose %broadcast_in_dim3A_713, [1, 0] : vector<128x128xf32> -> vector<128x128xf32>
    %swap3A_715 = arith.constant 2560 : index
    %swap3A_716 = arith.constant 0 : index
    %swap3A_717 = vector.load %arg3[%swap3A_715, %swap3A_716] : memref<10112x128xf32, #tpu.memory_space<vmem>>, vector<128x128xf32>
    tpu.vector_store %arg3[%swap3A_715, %swap3A_716], %transpose3A_714 {strides = array<i32>} : memref<10112x128xf32, #tpu.memory_space<vmem>>, vector<128x128xf32>,
    %slice3A_718 = vector.extract_strided_slice %select_n3A_570 {offsets = [21, 0], sizes = [1, 128], strides = [1, 1]} : vector<80x128xf32> to vector<1x128xf32>
    %broadcast_in_dim3A_719 = vector.shape_cast %slice3A_718 : vector<1x128xf32> to vector<1x128xf32>
    %broadcast_in_dim3A_720 = vector.broadcast %broadcast_in_dim3A_719 : vector<1x128xf32> to vector<128x128xf32>
    %transpose3A_721 = tpu.transpose %broadcast_in_dim3A_720, [1, 0] : vector<128x128xf32> -> vector<128x128xf32>
    %swap3A_722 = arith.constant 2688 : index
    %swap3A_723 = arith.constant 0 : index
    %swap3A_724 = vector.load %arg3[%swap3A_722, %swap3A_723] : memref<10112x128xf32, #tpu.memory_space<vmem>>, vector<128x128xf32>
    tpu.vector_store %arg3[%swap3A_722, %swap3A_723], %transpose3A_721 {strides = array<i32>} : memref<10112x128xf32, #tpu.memory_space<vmem>>, vector<128x128xf32>,
    %slice3A_725 = vector.extract_strided_slice %select_n3A_570 {offsets = [22, 0], sizes = [1, 128], strides = [1, 1]} : vector<80x128xf32> to vector<1x128xf32>
    %broadcast_in_dim3A_726 = vector.shape_cast %slice3A_725 : vector<1x128xf32> to vector<1x128xf32>
    %broadcast_in_dim3A_727 = vector.broadcast %broadcast_in_dim3A_726 : vector<1x128xf32> to vector<128x128xf32>
    %transpose3A_728 = tpu.transpose %broadcast_in_dim3A_727, [1, 0] : vector<128x128xf32> -> vector<128x128xf32>
    %swap3A_729 = arith.constant 2816 : index
    %swap3A_730 = arith.constant 0 : index
    %swap3A_731 = vector.load %arg3[%swap3A_729, %swap3A_730] : memref<10112x128xf32, #tpu.memory_space<vmem>>, vector<128x128xf32>
    tpu.vector_store %arg3[%swap3A_729, %swap3A_730], %transpose3A_728 {strides = array<i32>} : memref<10112x128xf32, #tpu.memory_space<vmem>>, vector<128x128xf32>,
    %slice3A_732 = vector.extract_strided_slice %select_n3A_570 {offsets = [23, 0], sizes = [1, 128], strides = [1, 1]} : vector<80x128xf32> to vector<1x128xf32>
    %broadcast_in_dim3A_733 = vector.shape_cast %slice3A_732 : vector<1x128xf32> to vector<1x128xf32>
    %broadcast_in_dim3A_734 = vector.broadcast %broadcast_in_dim3A_733 : vector<1x128xf32> to vector<128x128xf32>
    %transpose3A_735 = tpu.transpose %broadcast_in_dim3A_734, [1, 0] : vector<128x128xf32> -> vector<128x128xf32>
    %swap3A_736 = arith.constant 2944 : index
    %swap3A_737 = arith.constant 0 : index
    %swap3A_738 = vector.load %arg3[%swap3A_736, %swap3A_737] : memref<10112x128xf32, #tpu.memory_space<vmem>>, vector<128x128xf32>
    tpu.vector_store %arg3[%swap3A_736, %swap3A_737], %transpose3A_735 {strides = array<i32>} : memref<10112x128xf32, #tpu.memory_space<vmem>>, vector<128x128xf32>,
    %slice3A_739 = vector.extract_strided_slice %select_n3A_570 {offsets = [24, 0], sizes = [1, 128], strides = [1, 1]} : vector<80x128xf32> to vector<1x128xf32>
    %broadcast_in_dim3A_740 = vector.shape_cast %slice3A_739 : vector<1x128xf32> to vector<1x128xf32>
    %broadcast_in_dim3A_741 = vector.broadcast %broadcast_in_dim3A_740 : vector<1x128xf32> to vector<128x128xf32>
    %transpose3A_742 = tpu.transpose %broadcast_in_dim3A_741, [1, 0] : vector<128x128xf32> -> vector<128x128xf32>
    %swap3A_743 = arith.constant 3072 : index
    %swap3A_744 = arith.constant 0 : index
    %swap3A_745 = vector.load %arg3[%swap3A_743, %swap3A_744] : memref<10112x128xf32, #tpu.memory_space<vmem>>, vector<128x128xf32>
    tpu.vector_store %arg3[%swap3A_743, %swap3A_744], %transpose3A_742 {strides = array<i32>} : memref<10112x128xf32, #tpu.memory_space<vmem>>, vector<128x128xf32>,
    %slice3A_746 = vector.extract_strided_slice %select_n3A_570 {offsets = [25, 0], sizes = [1, 128], strides = [1, 1]} : vector<80x128xf32> to vector<1x128xf32>
    %broadcast_in_dim3A_747 = vector.shape_cast %slice3A_746 : vector<1x128xf32> to vector<1x128xf32>
    %broadcast_in_dim3A_748 = vector.broadcast %broadcast_in_dim3A_747 : vector<1x128xf32> to vector<128x128xf32>
    %transpose3A_749 = tpu.transpose %broadcast_in_dim3A_748, [1, 0] : vector<128x128xf32> -> vector<128x128xf32>
    %swap3A_750 = arith.constant 3200 : index
    %swap3A_751 = arith.constant 0 : index
    %swap3A_752 = vector.load %arg3[%swap3A_750, %swap3A_751] : memref<10112x128xf32, #tpu.memory_space<vmem>>, vector<128x128xf32>
    tpu.vector_store %arg3[%swap3A_750, %swap3A_751], %transpose3A_749 {strides = array<i32>} : memref<10112x128xf32, #tpu.memory_space<vmem>>, vector<128x128xf32>,
    %slice3A_753 = vector.extract_strided_slice %select_n3A_570 {offsets = [26, 0], sizes = [1, 128], strides = [1, 1]} : vector<80x128xf32> to vector<1x128xf32>
    %broadcast_in_dim3A_754 = vector.shape_cast %slice3A_753 : vector<1x128xf32> to vector<1x128xf32>
    %broadcast_in_dim3A_755 = vector.broadcast %broadcast_in_dim3A_754 : vector<1x128xf32> to vector<128x128xf32>
    %transpose3A_756 = tpu.transpose %broadcast_in_dim3A_755, [1, 0] : vector<128x128xf32> -> vector<128x128xf32>
    %swap3A_757 = arith.constant 3328 : index
    %swap3A_758 = arith.constant 0 : index
    %swap3A_759 = vector.load %arg3[%swap3A_757, %swap3A_758] : memref<10112x128xf32, #tpu.memory_space<vmem>>, vector<128x128xf32>
    tpu.vector_store %arg3[%swap3A_757, %swap3A_758], %transpose3A_756 {strides = array<i32>} : memref<10112x128xf32, #tpu.memory_space<vmem>>, vector<128x128xf32>,
    %slice3A_760 = vector.extract_strided_slice %select_n3A_570 {offsets = [27, 0], sizes = [1, 128], strides = [1, 1]} : vector<80x128xf32> to vector<1x128xf32>
    %broadcast_in_dim3A_761 = vector.shape_cast %slice3A_760 : vector<1x128xf32> to vector<1x128xf32>
    %broadcast_in_dim3A_762 = vector.broadcast %broadcast_in_dim3A_761 : vector<1x128xf32> to vector<128x128xf32>
    %transpose3A_763 = tpu.transpose %broadcast_in_dim3A_762, [1, 0] : vector<128x128xf32> -> vector<128x128xf32>
    %swap3A_764 = arith.constant 3456 : index
    %swap3A_765 = arith.constant 0 : index
    %swap3A_766 = vector.load %arg3[%swap3A_764, %swap3A_765] : memref<10112x128xf32, #tpu.memory_space<vmem>>, vector<128x128xf32>
    tpu.vector_store %arg3[%swap3A_764, %swap3A_765], %transpose3A_763 {strides = array<i32>} : memref<10112x128xf32, #tpu.memory_space<vmem>>, vector<128x128xf32>,
    %slice3A_767 = vector.extract_strided_slice %select_n3A_570 {offsets = [28, 0], sizes = [1, 128], strides = [1, 1]} : vector<80x128xf32> to vector<1x128xf32>
    %broadcast_in_dim3A_768 = vector.shape_cast %slice3A_767 : vector<1x128xf32> to vector<1x128xf32>
    %broadcast_in_dim3A_769 = vector.broadcast %broadcast_in_dim3A_768 : vector<1x128xf32> to vector<128x128xf32>
    %transpose3A_770 = tpu.transpose %broadcast_in_dim3A_769, [1, 0] : vector<128x128xf32> -> vector<128x128xf32>
    %swap3A_771 = arith.constant 3584 : index
    %swap3A_772 = arith.constant 0 : index
    %swap3A_773 = vector.load %arg3[%swap3A_771, %swap3A_772] : memref<10112x128xf32, #tpu.memory_space<vmem>>, vector<128x128xf32>
    tpu.vector_store %arg3[%swap3A_771, %swap3A_772], %transpose3A_770 {strides = array<i32>} : memref<10112x128xf32, #tpu.memory_space<vmem>>, vector<128x128xf32>,
    %slice3A_774 = vector.extract_strided_slice %select_n3A_570 {offsets = [29, 0], sizes = [1, 128], strides = [1, 1]} : vector<80x128xf32> to vector<1x128xf32>
    %broadcast_in_dim3A_775 = vector.shape_cast %slice3A_774 : vector<1x128xf32> to vector<1x128xf32>
    %broadcast_in_dim3A_776 = vector.broadcast %broadcast_in_dim3A_775 : vector<1x128xf32> to vector<128x128xf32>
    %transpose3A_777 = tpu.transpose %broadcast_in_dim3A_776, [1, 0] : vector<128x128xf32> -> vector<128x128xf32>
    %swap3A_778 = arith.constant 3712 : index
    %swap3A_779 = arith.constant 0 : index
    %swap3A_780 = vector.load %arg3[%swap3A_778, %swap3A_779] : memref<10112x128xf32, #tpu.memory_space<vmem>>, vector<128x128xf32>
    tpu.vector_store %arg3[%swap3A_778, %swap3A_779], %transpose3A_777 {strides = array<i32>} : memref<10112x128xf32, #tpu.memory_space<vmem>>, vector<128x128xf32>,
    %slice3A_781 = vector.extract_strided_slice %select_n3A_570 {offsets = [30, 0], sizes = [1, 128], strides = [1, 1]} : vector<80x128xf32> to vector<1x128xf32>
    %broadcast_in_dim3A_782 = vector.shape_cast %slice3A_781 : vector<1x128xf32> to vector<1x128xf32>
    %broadcast_in_dim3A_783 = vector.broadcast %broadcast_in_dim3A_782 : vector<1x128xf32> to vector<128x128xf32>
    %transpose3A_784 = tpu.transpose %broadcast_in_dim3A_783, [1, 0] : vector<128x128xf32> -> vector<128x128xf32>
    %swap3A_785 = arith.constant 3840 : index
    %swap3A_786 = arith.constant 0 : index
    %swap3A_787 = vector.load %arg3[%swap3A_785, %swap3A_786] : memref<10112x128xf32, #tpu.memory_space<vmem>>, vector<128x128xf32>
    tpu.vector_store %arg3[%swap3A_785, %swap3A_786], %transpose3A_784 {strides = array<i32>} : memref<10112x128xf32, #tpu.memory_space<vmem>>, vector<128x128xf32>,
    %slice3A_788 = vector.extract_strided_slice %select_n3A_570 {offsets = [31, 0], sizes = [1, 128], strides = [1, 1]} : vector<80x128xf32> to vector<1x128xf32>
    %broadcast_in_dim3A_789 = vector.shape_cast %slice3A_788 : vector<1x128xf32> to vector<1x128xf32>
    %broadcast_in_dim3A_790 = vector.broadcast %broadcast_in_dim3A_789 : vector<1x128xf32> to vector<128x128xf32>
    %transpose3A_791 = tpu.transpose %broadcast_in_dim3A_790, [1, 0] : vector<128x128xf32> -> vector<128x128xf32>
    %swap3A_792 = arith.constant 3968 : index
    %swap3A_793 = arith.constant 0 : index
    %swap3A_794 = vector.load %arg3[%swap3A_792, %swap3A_793] : memref<10112x128xf32, #tpu.memory_space<vmem>>, vector<128x128xf32>
    tpu.vector_store %arg3[%swap3A_792, %swap3A_793], %transpose3A_791 {strides = array<i32>} : memref<10112x128xf32, #tpu.memory_space<vmem>>, vector<128x128xf32>,
    %slice3A_795 = vector.extract_strided_slice %select_n3A_570 {offsets = [32, 0], sizes = [1, 128], strides = [1, 1]} : vector<80x128xf32> to vector<1x128xf32>
    %broadcast_in_dim3A_796 = vector.shape_cast %slice3A_795 : vector<1x128xf32> to vector<1x128xf32>
    %broadcast_in_dim3A_797 = vector.broadcast %broadcast_in_dim3A_796 : vector<1x128xf32> to vector<128x128xf32>
    %transpose3A_798 = tpu.transpose %broadcast_in_dim3A_797, [1, 0] : vector<128x128xf32> -> vector<128x128xf32>
    %swap3A_799 = arith.constant 4096 : index
    %swap3A_800 = arith.constant 0 : index
    %swap3A_801 = vector.load %arg3[%swap3A_799, %swap3A_800] : memref<10112x128xf32, #tpu.memory_space<vmem>>, vector<128x128xf32>
    tpu.vector_store %arg3[%swap3A_799, %swap3A_800], %transpose3A_798 {strides = array<i32>} : memref<10112x128xf32, #tpu.memory_space<vmem>>, vector<128x128xf32>,
    %slice3A_802 = vector.extract_strided_slice %select_n3A_570 {offsets = [33, 0], sizes = [1, 128], strides = [1, 1]} : vector<80x128xf32> to vector<1x128xf32>
    %broadcast_in_dim3A_803 = vector.shape_cast %slice3A_802 : vector<1x128xf32> to vector<1x128xf32>
    %broadcast_in_dim3A_804 = vector.broadcast %broadcast_in_dim3A_803 : vector<1x128xf32> to vector<128x128xf32>
    %transpose3A_805 = tpu.transpose %broadcast_in_dim3A_804, [1, 0] : vector<128x128xf32> -> vector<128x128xf32>
    %swap3A_806 = arith.constant 4224 : index
    %swap3A_807 = arith.constant 0 : index
    %swap3A_808 = vector.load %arg3[%swap3A_806, %swap3A_807] : memref<10112x128xf32, #tpu.memory_space<vmem>>, vector<128x128xf32>
    tpu.vector_store %arg3[%swap3A_806, %swap3A_807], %transpose3A_805 {strides = array<i32>} : memref<10112x128xf32, #tpu.memory_space<vmem>>, vector<128x128xf32>,
    %slice3A_809 = vector.extract_strided_slice %select_n3A_570 {offsets = [34, 0], sizes = [1, 128], strides = [1, 1]} : vector<80x128xf32> to vector<1x128xf32>
    %broadcast_in_dim3A_810 = vector.shape_cast %slice3A_809 : vector<1x128xf32> to vector<1x128xf32>
    %broadcast_in_dim3A_811 = vector.broadcast %broadcast_in_dim3A_810 : vector<1x128xf32> to vector<128x128xf32>
    %transpose3A_812 = tpu.transpose %broadcast_in_dim3A_811, [1, 0] : vector<128x128xf32> -> vector<128x128xf32>
    %swap3A_813 = arith.constant 4352 : index
    %swap3A_814 = arith.constant 0 : index
    %swap3A_815 = vector.load %arg3[%swap3A_813, %swap3A_814] : memref<10112x128xf32, #tpu.memory_space<vmem>>, vector<128x128xf32>
    tpu.vector_store %arg3[%swap3A_813, %swap3A_814], %transpose3A_812 {strides = array<i32>} : memref<10112x128xf32, #tpu.memory_space<vmem>>, vector<128x128xf32>,
    %slice3A_816 = vector.extract_strided_slice %select_n3A_570 {offsets = [35, 0], sizes = [1, 128], strides = [1, 1]} : vector<80x128xf32> to vector<1x128xf32>
    %broadcast_in_dim3A_817 = vector.shape_cast %slice3A_816 : vector<1x128xf32> to vector<1x128xf32>
    %broadcast_in_dim3A_818 = vector.broadcast %broadcast_in_dim3A_817 : vector<1x128xf32> to vector<128x128xf32>
    %transpose3A_819 = tpu.transpose %broadcast_in_dim3A_818, [1, 0] : vector<128x128xf32> -> vector<128x128xf32>
    %swap3A_820 = arith.constant 4480 : index
    %swap3A_821 = arith.constant 0 : index
    %swap3A_822 = vector.load %arg3[%swap3A_820, %swap3A_821] : memref<10112x128xf32, #tpu.memory_space<vmem>>, vector<128x128xf32>
    tpu.vector_store %arg3[%swap3A_820, %swap3A_821], %transpose3A_819 {strides = array<i32>} : memref<10112x128xf32, #tpu.memory_space<vmem>>, vector<128x128xf32>,
    %slice3A_823 = vector.extract_strided_slice %select_n3A_570 {offsets = [36, 0], sizes = [1, 128], strides = [1, 1]} : vector<80x128xf32> to vector<1x128xf32>
    %broadcast_in_dim3A_824 = vector.shape_cast %slice3A_823 : vector<1x128xf32> to vector<1x128xf32>
    %broadcast_in_dim3A_825 = vector.broadcast %broadcast_in_dim3A_824 : vector<1x128xf32> to vector<128x128xf32>
    %transpose3A_826 = tpu.transpose %broadcast_in_dim3A_825, [1, 0] : vector<128x128xf32> -> vector<128x128xf32>
    %swap3A_827 = arith.constant 4608 : index
    %swap3A_828 = arith.constant 0 : index
    %swap3A_829 = vector.load %arg3[%swap3A_827, %swap3A_828] : memref<10112x128xf32, #tpu.memory_space<vmem>>, vector<128x128xf32>
    tpu.vector_store %arg3[%swap3A_827, %swap3A_828], %transpose3A_826 {strides = array<i32>} : memref<10112x128xf32, #tpu.memory_space<vmem>>, vector<128x128xf32>,
    %slice3A_830 = vector.extract_strided_slice %select_n3A_570 {offsets = [37, 0], sizes = [1, 128], strides = [1, 1]} : vector<80x128xf32> to vector<1x128xf32>
    %broadcast_in_dim3A_831 = vector.shape_cast %slice3A_830 : vector<1x128xf32> to vector<1x128xf32>
    %broadcast_in_dim3A_832 = vector.broadcast %broadcast_in_dim3A_831 : vector<1x128xf32> to vector<128x128xf32>
    %transpose3A_833 = tpu.transpose %broadcast_in_dim3A_832, [1, 0] : vector<128x128xf32> -> vector<128x128xf32>
    %swap3A_834 = arith.constant 4736 : index
    %swap3A_835 = arith.constant 0 : index
    %swap3A_836 = vector.load %arg3[%swap3A_834, %swap3A_835] : memref<10112x128xf32, #tpu.memory_space<vmem>>, vector<128x128xf32>
    tpu.vector_store %arg3[%swap3A_834, %swap3A_835], %transpose3A_833 {strides = array<i32>} : memref<10112x128xf32, #tpu.memory_space<vmem>>, vector<128x128xf32>,
    %slice3A_837 = vector.extract_strided_slice %select_n3A_570 {offsets = [38, 0], sizes = [1, 128], strides = [1, 1]} : vector<80x128xf32> to vector<1x128xf32>
    %broadcast_in_dim3A_838 = vector.shape_cast %slice3A_837 : vector<1x128xf32> to vector<1x128xf32>
    %broadcast_in_dim3A_839 = vector.broadcast %broadcast_in_dim3A_838 : vector<1x128xf32> to vector<128x128xf32>
    %transpose3A_840 = tpu.transpose %broadcast_in_dim3A_839, [1, 0] : vector<128x128xf32> -> vector<128x128xf32>
    %swap3A_841 = arith.constant 4864 : index
    %swap3A_842 = arith.constant 0 : index
    %swap3A_843 = vector.load %arg3[%swap3A_841, %swap3A_842] : memref<10112x128xf32, #tpu.memory_space<vmem>>, vector<128x128xf32>
    tpu.vector_store %arg3[%swap3A_841, %swap3A_842], %transpose3A_840 {strides = array<i32>} : memref<10112x128xf32, #tpu.memory_space<vmem>>, vector<128x128xf32>,
    %slice3A_844 = vector.extract_strided_slice %select_n3A_570 {offsets = [39, 0], sizes = [1, 128], strides = [1, 1]} : vector<80x128xf32> to vector<1x128xf32>
    %broadcast_in_dim3A_845 = vector.shape_cast %slice3A_844 : vector<1x128xf32> to vector<1x128xf32>
    %broadcast_in_dim3A_846 = vector.broadcast %broadcast_in_dim3A_845 : vector<1x128xf32> to vector<128x128xf32>
    %transpose3A_847 = tpu.transpose %broadcast_in_dim3A_846, [1, 0] : vector<128x128xf32> -> vector<128x128xf32>
    %swap3A_848 = arith.constant 4992 : index
    %swap3A_849 = arith.constant 0 : index
    %swap3A_850 = vector.load %arg3[%swap3A_848, %swap3A_849] : memref<10112x128xf32, #tpu.memory_space<vmem>>, vector<128x128xf32>
    tpu.vector_store %arg3[%swap3A_848, %swap3A_849], %transpose3A_847 {strides = array<i32>} : memref<10112x128xf32, #tpu.memory_space<vmem>>, vector<128x128xf32>,
    %slice3A_851 = vector.extract_strided_slice %select_n3A_570 {offsets = [40, 0], sizes = [1, 128], strides = [1, 1]} : vector<80x128xf32> to vector<1x128xf32>
    %broadcast_in_dim3A_852 = vector.shape_cast %slice3A_851 : vector<1x128xf32> to vector<1x128xf32>
    %broadcast_in_dim3A_853 = vector.broadcast %broadcast_in_dim3A_852 : vector<1x128xf32> to vector<128x128xf32>
    %transpose3A_854 = tpu.transpose %broadcast_in_dim3A_853, [1, 0] : vector<128x128xf32> -> vector<128x128xf32>
    %swap3A_855 = arith.constant 5120 : index
    %swap3A_856 = arith.constant 0 : index
    %swap3A_857 = vector.load %arg3[%swap3A_855, %swap3A_856] : memref<10112x128xf32, #tpu.memory_space<vmem>>, vector<128x128xf32>
    tpu.vector_store %arg3[%swap3A_855, %swap3A_856], %transpose3A_854 {strides = array<i32>} : memref<10112x128xf32, #tpu.memory_space<vmem>>, vector<128x128xf32>,
    %slice3A_858 = vector.extract_strided_slice %select_n3A_570 {offsets = [41, 0], sizes = [1, 128], strides = [1, 1]} : vector<80x128xf32> to vector<1x128xf32>
    %broadcast_in_dim3A_859 = vector.shape_cast %slice3A_858 : vector<1x128xf32> to vector<1x128xf32>
    %broadcast_in_dim3A_860 = vector.broadcast %broadcast_in_dim3A_859 : vector<1x128xf32> to vector<128x128xf32>
    %transpose3A_861 = tpu.transpose %broadcast_in_dim3A_860, [1, 0] : vector<128x128xf32> -> vector<128x128xf32>
    %swap3A_862 = arith.constant 5248 : index
    %swap3A_863 = arith.constant 0 : index
    %swap3A_864 = vector.load %arg3[%swap3A_862, %swap3A_863] : memref<10112x128xf32, #tpu.memory_space<vmem>>, vector<128x128xf32>
    tpu.vector_store %arg3[%swap3A_862, %swap3A_863], %transpose3A_861 {strides = array<i32>} : memref<10112x128xf32, #tpu.memory_space<vmem>>, vector<128x128xf32>,
    %slice3A_865 = vector.extract_strided_slice %select_n3A_570 {offsets = [42, 0], sizes = [1, 128], strides = [1, 1]} : vector<80x128xf32> to vector<1x128xf32>
    %broadcast_in_dim3A_866 = vector.shape_cast %slice3A_865 : vector<1x128xf32> to vector<1x128xf32>
    %broadcast_in_dim3A_867 = vector.broadcast %broadcast_in_dim3A_866 : vector<1x128xf32> to vector<128x128xf32>
    %transpose3A_868 = tpu.transpose %broadcast_in_dim3A_867, [1, 0] : vector<128x128xf32> -> vector<128x128xf32>
    %swap3A_869 = arith.constant 5376 : index
    %swap3A_870 = arith.constant 0 : index
    %swap3A_871 = vector.load %arg3[%swap3A_869, %swap3A_870] : memref<10112x128xf32, #tpu.memory_space<vmem>>, vector<128x128xf32>
    tpu.vector_store %arg3[%swap3A_869, %swap3A_870], %transpose3A_868 {strides = array<i32>} : memref<10112x128xf32, #tpu.memory_space<vmem>>, vector<128x128xf32>,
    %slice3A_872 = vector.extract_strided_slice %select_n3A_570 {offsets = [43, 0], sizes = [1, 128], strides = [1, 1]} : vector<80x128xf32> to vector<1x128xf32>
    %broadcast_in_dim3A_873 = vector.shape_cast %slice3A_872 : vector<1x128xf32> to vector<1x128xf32>
    %broadcast_in_dim3A_874 = vector.broadcast %broadcast_in_dim3A_873 : vector<1x128xf32> to vector<128x128xf32>
    %transpose3A_875 = tpu.transpose %broadcast_in_dim3A_874, [1, 0] : vector<128x128xf32> -> vector<128x128xf32>
    %swap3A_876 = arith.constant 5504 : index
    %swap3A_877 = arith.constant 0 : index
    %swap3A_878 = vector.load %arg3[%swap3A_876, %swap3A_877] : memref<10112x128xf32, #tpu.memory_space<vmem>>, vector<128x128xf32>
    tpu.vector_store %arg3[%swap3A_876, %swap3A_877], %transpose3A_875 {strides = array<i32>} : memref<10112x128xf32, #tpu.memory_space<vmem>>, vector<128x128xf32>,
    %slice3A_879 = vector.extract_strided_slice %select_n3A_570 {offsets = [44, 0], sizes = [1, 128], strides = [1, 1]} : vector<80x128xf32> to vector<1x128xf32>
    %broadcast_in_dim3A_880 = vector.shape_cast %slice3A_879 : vector<1x128xf32> to vector<1x128xf32>
    %broadcast_in_dim3A_881 = vector.broadcast %broadcast_in_dim3A_880 : vector<1x128xf32> to vector<128x128xf32>
    %transpose3A_882 = tpu.transpose %broadcast_in_dim3A_881, [1, 0] : vector<128x128xf32> -> vector<128x128xf32>
    %swap3A_883 = arith.constant 5632 : index
    %swap3A_884 = arith.constant 0 : index
    %swap3A_885 = vector.load %arg3[%swap3A_883, %swap3A_884] : memref<10112x128xf32, #tpu.memory_space<vmem>>, vector<128x128xf32>
    tpu.vector_store %arg3[%swap3A_883, %swap3A_884], %transpose3A_882 {strides = array<i32>} : memref<10112x128xf32, #tpu.memory_space<vmem>>, vector<128x128xf32>,
    %slice3A_886 = vector.extract_strided_slice %select_n3A_570 {offsets = [45, 0], sizes = [1, 128], strides = [1, 1]} : vector<80x128xf32> to vector<1x128xf32>
    %broadcast_in_dim3A_887 = vector.shape_cast %slice3A_886 : vector<1x128xf32> to vector<1x128xf32>
    %broadcast_in_dim3A_888 = vector.broadcast %broadcast_in_dim3A_887 : vector<1x128xf32> to vector<128x128xf32>
    %transpose3A_889 = tpu.transpose %broadcast_in_dim3A_888, [1, 0] : vector<128x128xf32> -> vector<128x128xf32>
    %swap3A_890 = arith.constant 5760 : index
    %swap3A_891 = arith.constant 0 : index
    %swap3A_892 = vector.load %arg3[%swap3A_890, %swap3A_891] : memref<10112x128xf32, #tpu.memory_space<vmem>>, vector<128x128xf32>
    tpu.vector_store %arg3[%swap3A_890, %swap3A_891], %transpose3A_889 {strides = array<i32>} : memref<10112x128xf32, #tpu.memory_space<vmem>>, vector<128x128xf32>,
    %slice3A_893 = vector.extract_strided_slice %select_n3A_570 {offsets = [46, 0], sizes = [1, 128], strides = [1, 1]} : vector<80x128xf32> to vector<1x128xf32>
    %broadcast_in_dim3A_894 = vector.shape_cast %slice3A_893 : vector<1x128xf32> to vector<1x128xf32>
    %broadcast_in_dim3A_895 = vector.broadcast %broadcast_in_dim3A_894 : vector<1x128xf32> to vector<128x128xf32>
    %transpose3A_896 = tpu.transpose %broadcast_in_dim3A_895, [1, 0] : vector<128x128xf32> -> vector<128x128xf32>
    %swap3A_897 = arith.constant 5888 : index
    %swap3A_898 = arith.constant 0 : index
    %swap3A_899 = vector.load %arg3[%swap3A_897, %swap3A_898] : memref<10112x128xf32, #tpu.memory_space<vmem>>, vector<128x128xf32>
    tpu.vector_store %arg3[%swap3A_897, %swap3A_898], %transpose3A_896 {strides = array<i32>} : memref<10112x128xf32, #tpu.memory_space<vmem>>, vector<128x128xf32>,
    %slice3A_900 = vector.extract_strided_slice %select_n3A_570 {offsets = [47, 0], sizes = [1, 128], strides = [1, 1]} : vector<80x128xf32> to vector<1x128xf32>
    %broadcast_in_dim3A_901 = vector.shape_cast %slice3A_900 : vector<1x128xf32> to vector<1x128xf32>
    %broadcast_in_dim3A_902 = vector.broadcast %broadcast_in_dim3A_901 : vector<1x128xf32> to vector<128x128xf32>
    %transpose3A_903 = tpu.transpose %broadcast_in_dim3A_902, [1, 0] : vector<128x128xf32> -> vector<128x128xf32>
    %swap3A_904 = arith.constant 6016 : index
    %swap3A_905 = arith.constant 0 : index
    %swap3A_906 = vector.load %arg3[%swap3A_904, %swap3A_905] : memref<10112x128xf32, #tpu.memory_space<vmem>>, vector<128x128xf32>
    tpu.vector_store %arg3[%swap3A_904, %swap3A_905], %transpose3A_903 {strides = array<i32>} : memref<10112x128xf32, #tpu.memory_space<vmem>>, vector<128x128xf32>,
    %slice3A_907 = vector.extract_strided_slice %select_n3A_570 {offsets = [48, 0], sizes = [1, 128], strides = [1, 1]} : vector<80x128xf32> to vector<1x128xf32>
    %broadcast_in_dim3A_908 = vector.shape_cast %slice3A_907 : vector<1x128xf32> to vector<1x128xf32>
    %broadcast_in_dim3A_909 = vector.broadcast %broadcast_in_dim3A_908 : vector<1x128xf32> to vector<128x128xf32>
    %transpose3A_910 = tpu.transpose %broadcast_in_dim3A_909, [1, 0] : vector<128x128xf32> -> vector<128x128xf32>
    %swap3A_911 = arith.constant 6144 : index
    %swap3A_912 = arith.constant 0 : index
    %swap3A_913 = vector.load %arg3[%swap3A_911, %swap3A_912] : memref<10112x128xf32, #tpu.memory_space<vmem>>, vector<128x128xf32>
    tpu.vector_store %arg3[%swap3A_911, %swap3A_912], %transpose3A_910 {strides = array<i32>} : memref<10112x128xf32, #tpu.memory_space<vmem>>, vector<128x128xf32>,
    %slice3A_914 = vector.extract_strided_slice %select_n3A_570 {offsets = [49, 0], sizes = [1, 128], strides = [1, 1]} : vector<80x128xf32> to vector<1x128xf32>
    %broadcast_in_dim3A_915 = vector.shape_cast %slice3A_914 : vector<1x128xf32> to vector<1x128xf32>
    %broadcast_in_dim3A_916 = vector.broadcast %broadcast_in_dim3A_915 : vector<1x128xf32> to vector<128x128xf32>
    %transpose3A_917 = tpu.transpose %broadcast_in_dim3A_916, [1, 0] : vector<128x128xf32> -> vector<128x128xf32>
    %swap3A_918 = arith.constant 6272 : index
    %swap3A_919 = arith.constant 0 : index
    %swap3A_920 = vector.load %arg3[%swap3A_918, %swap3A_919] : memref<10112x128xf32, #tpu.memory_space<vmem>>, vector<128x128xf32>
    tpu.vector_store %arg3[%swap3A_918, %swap3A_919], %transpose3A_917 {strides = array<i32>} : memref<10112x128xf32, #tpu.memory_space<vmem>>, vector<128x128xf32>,
    %slice3A_921 = vector.extract_strided_slice %select_n3A_570 {offsets = [50, 0], sizes = [1, 128], strides = [1, 1]} : vector<80x128xf32> to vector<1x128xf32>
    %broadcast_in_dim3A_922 = vector.shape_cast %slice3A_921 : vector<1x128xf32> to vector<1x128xf32>
    %broadcast_in_dim3A_923 = vector.broadcast %broadcast_in_dim3A_922 : vector<1x128xf32> to vector<128x128xf32>
    %transpose3A_924 = tpu.transpose %broadcast_in_dim3A_923, [1, 0] : vector<128x128xf32> -> vector<128x128xf32>
    %swap3A_925 = arith.constant 6400 : index
    %swap3A_926 = arith.constant 0 : index
    %swap3A_927 = vector.load %arg3[%swap3A_925, %swap3A_926] : memref<10112x128xf32, #tpu.memory_space<vmem>>, vector<128x128xf32>
    tpu.vector_store %arg3[%swap3A_925, %swap3A_926], %transpose3A_924 {strides = array<i32>} : memref<10112x128xf32, #tpu.memory_space<vmem>>, vector<128x128xf32>,
    %slice3A_928 = vector.extract_strided_slice %select_n3A_570 {offsets = [51, 0], sizes = [1, 128], strides = [1, 1]} : vector<80x128xf32> to vector<1x128xf32>
    %broadcast_in_dim3A_929 = vector.shape_cast %slice3A_928 : vector<1x128xf32> to vector<1x128xf32>
    %broadcast_in_dim3A_930 = vector.broadcast %broadcast_in_dim3A_929 : vector<1x128xf32> to vector<128x128xf32>
    %transpose3A_931 = tpu.transpose %broadcast_in_dim3A_930, [1, 0] : vector<128x128xf32> -> vector<128x128xf32>
    %swap3A_932 = arith.constant 6528 : index
    %swap3A_933 = arith.constant 0 : index
    %swap3A_934 = vector.load %arg3[%swap3A_932, %swap3A_933] : memref<10112x128xf32, #tpu.memory_space<vmem>>, vector<128x128xf32>
    tpu.vector_store %arg3[%swap3A_932, %swap3A_933], %transpose3A_931 {strides = array<i32>} : memref<10112x128xf32, #tpu.memory_space<vmem>>, vector<128x128xf32>,
    %slice3A_935 = vector.extract_strided_slice %select_n3A_570 {offsets = [52, 0], sizes = [1, 128], strides = [1, 1]} : vector<80x128xf32> to vector<1x128xf32>
    %broadcast_in_dim3A_936 = vector.shape_cast %slice3A_935 : vector<1x128xf32> to vector<1x128xf32>
    %broadcast_in_dim3A_937 = vector.broadcast %broadcast_in_dim3A_936 : vector<1x128xf32> to vector<128x128xf32>
    %transpose3A_938 = tpu.transpose %broadcast_in_dim3A_937, [1, 0] : vector<128x128xf32> -> vector<128x128xf32>
    %swap3A_939 = arith.constant 6656 : index
    %swap3A_940 = arith.constant 0 : index
    %swap3A_941 = vector.load %arg3[%swap3A_939, %swap3A_940] : memref<10112x128xf32, #tpu.memory_space<vmem>>, vector<128x128xf32>
    tpu.vector_store %arg3[%swap3A_939, %swap3A_940], %transpose3A_938 {strides = array<i32>} : memref<10112x128xf32, #tpu.memory_space<vmem>>, vector<128x128xf32>,
    %slice3A_942 = vector.extract_strided_slice %select_n3A_570 {offsets = [53, 0], sizes = [1, 128], strides = [1, 1]} : vector<80x128xf32> to vector<1x128xf32>
    %broadcast_in_dim3A_943 = vector.shape_cast %slice3A_942 : vector<1x128xf32> to vector<1x128xf32>
    %broadcast_in_dim3A_944 = vector.broadcast %broadcast_in_dim3A_943 : vector<1x128xf32> to vector<128x128xf32>
    %transpose3A_945 = tpu.transpose %broadcast_in_dim3A_944, [1, 0] : vector<128x128xf32> -> vector<128x128xf32>
    %swap3A_946 = arith.constant 6784 : index
    %swap3A_947 = arith.constant 0 : index
    %swap3A_948 = vector.load %arg3[%swap3A_946, %swap3A_947] : memref<10112x128xf32, #tpu.memory_space<vmem>>, vector<128x128xf32>
    tpu.vector_store %arg3[%swap3A_946, %swap3A_947], %transpose3A_945 {strides = array<i32>} : memref<10112x128xf32, #tpu.memory_space<vmem>>, vector<128x128xf32>,
    %slice3A_949 = vector.extract_strided_slice %select_n3A_570 {offsets = [54, 0], sizes = [1, 128], strides = [1, 1]} : vector<80x128xf32> to vector<1x128xf32>
    %broadcast_in_dim3A_950 = vector.shape_cast %slice3A_949 : vector<1x128xf32> to vector<1x128xf32>
    %broadcast_in_dim3A_951 = vector.broadcast %broadcast_in_dim3A_950 : vector<1x128xf32> to vector<128x128xf32>
    %transpose3A_952 = tpu.transpose %broadcast_in_dim3A_951, [1, 0] : vector<128x128xf32> -> vector<128x128xf32>
    %swap3A_953 = arith.constant 6912 : index
    %swap3A_954 = arith.constant 0 : index
    %swap3A_955 = vector.load %arg3[%swap3A_953, %swap3A_954] : memref<10112x128xf32, #tpu.memory_space<vmem>>, vector<128x128xf32>
    tpu.vector_store %arg3[%swap3A_953, %swap3A_954], %transpose3A_952 {strides = array<i32>} : memref<10112x128xf32, #tpu.memory_space<vmem>>, vector<128x128xf32>,
    %slice3A_956 = vector.extract_strided_slice %select_n3A_570 {offsets = [55, 0], sizes = [1, 128], strides = [1, 1]} : vector<80x128xf32> to vector<1x128xf32>
    %broadcast_in_dim3A_957 = vector.shape_cast %slice3A_956 : vector<1x128xf32> to vector<1x128xf32>
    %broadcast_in_dim3A_958 = vector.broadcast %broadcast_in_dim3A_957 : vector<1x128xf32> to vector<128x128xf32>
    %transpose3A_959 = tpu.transpose %broadcast_in_dim3A_958, [1, 0] : vector<128x128xf32> -> vector<128x128xf32>
    %swap3A_960 = arith.constant 7040 : index
    %swap3A_961 = arith.constant 0 : index
    %swap3A_962 = vector.load %arg3[%swap3A_960, %swap3A_961] : memref<10112x128xf32, #tpu.memory_space<vmem>>, vector<128x128xf32>
    tpu.vector_store %arg3[%swap3A_960, %swap3A_961], %transpose3A_959 {strides = array<i32>} : memref<10112x128xf32, #tpu.memory_space<vmem>>, vector<128x128xf32>,
    %slice3A_963 = vector.extract_strided_slice %select_n3A_570 {offsets = [56, 0], sizes = [1, 128], strides = [1, 1]} : vector<80x128xf32> to vector<1x128xf32>
    %broadcast_in_dim3A_964 = vector.shape_cast %slice3A_963 : vector<1x128xf32> to vector<1x128xf32>
    %broadcast_in_dim3A_965 = vector.broadcast %broadcast_in_dim3A_964 : vector<1x128xf32> to vector<128x128xf32>
    %transpose3A_966 = tpu.transpose %broadcast_in_dim3A_965, [1, 0] : vector<128x128xf32> -> vector<128x128xf32>
    %swap3A_967 = arith.constant 7168 : index
    %swap3A_968 = arith.constant 0 : index
    %swap3A_969 = vector.load %arg3[%swap3A_967, %swap3A_968] : memref<10112x128xf32, #tpu.memory_space<vmem>>, vector<128x128xf32>
    tpu.vector_store %arg3[%swap3A_967, %swap3A_968], %transpose3A_966 {strides = array<i32>} : memref<10112x128xf32, #tpu.memory_space<vmem>>, vector<128x128xf32>,
    %slice3A_970 = vector.extract_strided_slice %select_n3A_570 {offsets = [57, 0], sizes = [1, 128], strides = [1, 1]} : vector<80x128xf32> to vector<1x128xf32>
    %broadcast_in_dim3A_971 = vector.shape_cast %slice3A_970 : vector<1x128xf32> to vector<1x128xf32>
    %broadcast_in_dim3A_972 = vector.broadcast %broadcast_in_dim3A_971 : vector<1x128xf32> to vector<128x128xf32>
    %transpose3A_973 = tpu.transpose %broadcast_in_dim3A_972, [1, 0] : vector<128x128xf32> -> vector<128x128xf32>
    %swap3A_974 = arith.constant 7296 : index
    %swap3A_975 = arith.constant 0 : index
    %swap3A_976 = vector.load %arg3[%swap3A_974, %swap3A_975] : memref<10112x128xf32, #tpu.memory_space<vmem>>, vector<128x128xf32>
    tpu.vector_store %arg3[%swap3A_974, %swap3A_975], %transpose3A_973 {strides = array<i32>} : memref<10112x128xf32, #tpu.memory_space<vmem>>, vector<128x128xf32>,
    %slice3A_977 = vector.extract_strided_slice %select_n3A_570 {offsets = [58, 0], sizes = [1, 128], strides = [1, 1]} : vector<80x128xf32> to vector<1x128xf32>
    %broadcast_in_dim3A_978 = vector.shape_cast %slice3A_977 : vector<1x128xf32> to vector<1x128xf32>
    %broadcast_in_dim3A_979 = vector.broadcast %broadcast_in_dim3A_978 : vector<1x128xf32> to vector<128x128xf32>
    %transpose3A_980 = tpu.transpose %broadcast_in_dim3A_979, [1, 0] : vector<128x128xf32> -> vector<128x128xf32>
    %swap3A_981 = arith.constant 7424 : index
    %swap3A_982 = arith.constant 0 : index
    %swap3A_983 = vector.load %arg3[%swap3A_981, %swap3A_982] : memref<10112x128xf32, #tpu.memory_space<vmem>>, vector<128x128xf32>
    tpu.vector_store %arg3[%swap3A_981, %swap3A_982], %transpose3A_980 {strides = array<i32>} : memref<10112x128xf32, #tpu.memory_space<vmem>>, vector<128x128xf32>,
    %slice3A_984 = vector.extract_strided_slice %select_n3A_570 {offsets = [59, 0], sizes = [1, 128], strides = [1, 1]} : vector<80x128xf32> to vector<1x128xf32>
    %broadcast_in_dim3A_985 = vector.shape_cast %slice3A_984 : vector<1x128xf32> to vector<1x128xf32>
    %broadcast_in_dim3A_986 = vector.broadcast %broadcast_in_dim3A_985 : vector<1x128xf32> to vector<128x128xf32>
    %transpose3A_987 = tpu.transpose %broadcast_in_dim3A_986, [1, 0] : vector<128x128xf32> -> vector<128x128xf32>
    %swap3A_988 = arith.constant 7552 : index
    %swap3A_989 = arith.constant 0 : index
    %swap3A_990 = vector.load %arg3[%swap3A_988, %swap3A_989] : memref<10112x128xf32, #tpu.memory_space<vmem>>, vector<128x128xf32>
    tpu.vector_store %arg3[%swap3A_988, %swap3A_989], %transpose3A_987 {strides = array<i32>} : memref<10112x128xf32, #tpu.memory_space<vmem>>, vector<128x128xf32>,
    %slice3A_991 = vector.extract_strided_slice %select_n3A_570 {offsets = [60, 0], sizes = [1, 128], strides = [1, 1]} : vector<80x128xf32> to vector<1x128xf32>
    %broadcast_in_dim3A_992 = vector.shape_cast %slice3A_991 : vector<1x128xf32> to vector<1x128xf32>
    %broadcast_in_dim3A_993 = vector.broadcast %broadcast_in_dim3A_992 : vector<1x128xf32> to vector<128x128xf32>
    %transpose3A_994 = tpu.transpose %broadcast_in_dim3A_993, [1, 0] : vector<128x128xf32> -> vector<128x128xf32>
    %swap3A_995 = arith.constant 7680 : index
    %swap3A_996 = arith.constant 0 : index
    %swap3A_997 = vector.load %arg3[%swap3A_995, %swap3A_996] : memref<10112x128xf32, #tpu.memory_space<vmem>>, vector<128x128xf32>
    tpu.vector_store %arg3[%swap3A_995, %swap3A_996], %transpose3A_994 {strides = array<i32>} : memref<10112x128xf32, #tpu.memory_space<vmem>>, vector<128x128xf32>,
    %slice3A_998 = vector.extract_strided_slice %select_n3A_570 {offsets = [61, 0], sizes = [1, 128], strides = [1, 1]} : vector<80x128xf32> to vector<1x128xf32>
    %broadcast_in_dim3A_999 = vector.shape_cast %slice3A_998 : vector<1x128xf32> to vector<1x128xf32>
    %broadcast_in_dim3A_1000 = vector.broadcast %broadcast_in_dim3A_999 : vector<1x128xf32> to vector<128x128xf32>
    %transpose3A_1001 = tpu.transpose %broadcast_in_dim3A_1000, [1, 0] : vector<128x128xf32> -> vector<128x128xf32>
    %swap3A_1002 = arith.constant 7808 : index
    %swap3A_1003 = arith.constant 0 : index
    %swap3A_1004 = vector.load %arg3[%swap3A_1002, %swap3A_1003] : memref<10112x128xf32, #tpu.memory_space<vmem>>, vector<128x128xf32>
    tpu.vector_store %arg3[%swap3A_1002, %swap3A_1003], %transpose3A_1001 {strides = array<i32>} : memref<10112x128xf32, #tpu.memory_space<vmem>>, vector<128x128xf32>,
    %slice3A_1005 = vector.extract_strided_slice %select_n3A_570 {offsets = [62, 0], sizes = [1, 128], strides = [1, 1]} : vector<80x128xf32> to vector<1x128xf32>
    %broadcast_in_dim3A_1006 = vector.shape_cast %slice3A_1005 : vector<1x128xf32> to vector<1x128xf32>
    %broadcast_in_dim3A_1007 = vector.broadcast %broadcast_in_dim3A_1006 : vector<1x128xf32> to vector<128x128xf32>
    %transpose3A_1008 = tpu.transpose %broadcast_in_dim3A_1007, [1, 0] : vector<128x128xf32> -> vector<128x128xf32>
    %swap3A_1009 = arith.constant 7936 : index
    %swap3A_1010 = arith.constant 0 : index
    %swap3A_1011 = vector.load %arg3[%swap3A_1009, %swap3A_1010] : memref<10112x128xf32, #tpu.memory_space<vmem>>, vector<128x128xf32>
    tpu.vector_store %arg3[%swap3A_1009, %swap3A_1010], %transpose3A_1008 {strides = array<i32>} : memref<10112x128xf32, #tpu.memory_space<vmem>>, vector<128x128xf32>,
    %slice3A_1012 = vector.extract_strided_slice %select_n3A_570 {offsets = [63, 0], sizes = [1, 128], strides = [1, 1]} : vector<80x128xf32> to vector<1x128xf32>
    %broadcast_in_dim3A_1013 = vector.shape_cast %slice3A_1012 : vector<1x128xf32> to vector<1x128xf32>
    %broadcast_in_dim3A_1014 = vector.broadcast %broadcast_in_dim3A_1013 : vector<1x128xf32> to vector<128x128xf32>
    %transpose3A_1015 = tpu.transpose %broadcast_in_dim3A_1014, [1, 0] : vector<128x128xf32> -> vector<128x128xf32>
    %swap3A_1016 = arith.constant 8064 : index
    %swap3A_1017 = arith.constant 0 : index
    %swap3A_1018 = vector.load %arg3[%swap3A_1016, %swap3A_1017] : memref<10112x128xf32, #tpu.memory_space<vmem>>, vector<128x128xf32>
    tpu.vector_store %arg3[%swap3A_1016, %swap3A_1017], %transpose3A_1015 {strides = array<i32>} : memref<10112x128xf32, #tpu.memory_space<vmem>>, vector<128x128xf32>,
    %slice3A_1019 = vector.extract_strided_slice %select_n3A_570 {offsets = [64, 0], sizes = [1, 128], strides = [1, 1]} : vector<80x128xf32> to vector<1x128xf32>
    %broadcast_in_dim3A_1020 = vector.shape_cast %slice3A_1019 : vector<1x128xf32> to vector<1x128xf32>
    %broadcast_in_dim3A_1021 = vector.broadcast %broadcast_in_dim3A_1020 : vector<1x128xf32> to vector<128x128xf32>
    %transpose3A_1022 = tpu.transpose %broadcast_in_dim3A_1021, [1, 0] : vector<128x128xf32> -> vector<128x128xf32>
    %swap3A_1023 = arith.constant 8192 : index
    %swap3A_1024 = arith.constant 0 : index
    %swap3A_1025 = vector.load %arg3[%swap3A_1023, %swap3A_1024] : memref<10112x128xf32, #tpu.memory_space<vmem>>, vector<128x128xf32>
    tpu.vector_store %arg3[%swap3A_1023, %swap3A_1024], %transpose3A_1022 {strides = array<i32>} : memref<10112x128xf32, #tpu.memory_space<vmem>>, vector<128x128xf32>,
    %slice3A_1026 = vector.extract_strided_slice %select_n3A_570 {offsets = [65, 0], sizes = [1, 128], strides = [1, 1]} : vector<80x128xf32> to vector<1x128xf32>
    %broadcast_in_dim3A_1027 = vector.shape_cast %slice3A_1026 : vector<1x128xf32> to vector<1x128xf32>
    %broadcast_in_dim3A_1028 = vector.broadcast %broadcast_in_dim3A_1027 : vector<1x128xf32> to vector<128x128xf32>
    %transpose3A_1029 = tpu.transpose %broadcast_in_dim3A_1028, [1, 0] : vector<128x128xf32> -> vector<128x128xf32>
    %swap3A_1030 = arith.constant 8320 : index
    %swap3A_1031 = arith.constant 0 : index
    %swap3A_1032 = vector.load %arg3[%swap3A_1030, %swap3A_1031] : memref<10112x128xf32, #tpu.memory_space<vmem>>, vector<128x128xf32>
    tpu.vector_store %arg3[%swap3A_1030, %swap3A_1031], %transpose3A_1029 {strides = array<i32>} : memref<10112x128xf32, #tpu.memory_space<vmem>>, vector<128x128xf32>,
    %slice3A_1033 = vector.extract_strided_slice %select_n3A_570 {offsets = [66, 0], sizes = [1, 128], strides = [1, 1]} : vector<80x128xf32> to vector<1x128xf32>
    %broadcast_in_dim3A_1034 = vector.shape_cast %slice3A_1033 : vector<1x128xf32> to vector<1x128xf32>
    %broadcast_in_dim3A_1035 = vector.broadcast %broadcast_in_dim3A_1034 : vector<1x128xf32> to vector<128x128xf32>
    %transpose3A_1036 = tpu.transpose %broadcast_in_dim3A_1035, [1, 0] : vector<128x128xf32> -> vector<128x128xf32>
    %swap3A_1037 = arith.constant 8448 : index
    %swap3A_1038 = arith.constant 0 : index
    %swap3A_1039 = vector.load %arg3[%swap3A_1037, %swap3A_1038] : memref<10112x128xf32, #tpu.memory_space<vmem>>, vector<128x128xf32>
    tpu.vector_store %arg3[%swap3A_1037, %swap3A_1038], %transpose3A_1036 {strides = array<i32>} : memref<10112x128xf32, #tpu.memory_space<vmem>>, vector<128x128xf32>,
    %slice3A_1040 = vector.extract_strided_slice %select_n3A_570 {offsets = [67, 0], sizes = [1, 128], strides = [1, 1]} : vector<80x128xf32> to vector<1x128xf32>
    %broadcast_in_dim3A_1041 = vector.shape_cast %slice3A_1040 : vector<1x128xf32> to vector<1x128xf32>
    %broadcast_in_dim3A_1042 = vector.broadcast %broadcast_in_dim3A_1041 : vector<1x128xf32> to vector<128x128xf32>
    %transpose3A_1043 = tpu.transpose %broadcast_in_dim3A_1042, [1, 0] : vector<128x128xf32> -> vector<128x128xf32>
    %swap3A_1044 = arith.constant 8576 : index
    %swap3A_1045 = arith.constant 0 : index
    %swap3A_1046 = vector.load %arg3[%swap3A_1044, %swap3A_1045] : memref<10112x128xf32, #tpu.memory_space<vmem>>, vector<128x128xf32>
    tpu.vector_store %arg3[%swap3A_1044, %swap3A_1045], %transpose3A_1043 {strides = array<i32>} : memref<10112x128xf32, #tpu.memory_space<vmem>>, vector<128x128xf32>,
    %slice3A_1047 = vector.extract_strided_slice %select_n3A_570 {offsets = [68, 0], sizes = [1, 128], strides = [1, 1]} : vector<80x128xf32> to vector<1x128xf32>
    %broadcast_in_dim3A_1048 = vector.shape_cast %slice3A_1047 : vector<1x128xf32> to vector<1x128xf32>
    %broadcast_in_dim3A_1049 = vector.broadcast %broadcast_in_dim3A_1048 : vector<1x128xf32> to vector<128x128xf32>
    %transpose3A_1050 = tpu.transpose %broadcast_in_dim3A_1049, [1, 0] : vector<128x128xf32> -> vector<128x128xf32>
    %swap3A_1051 = arith.constant 8704 : index
    %swap3A_1052 = arith.constant 0 : index
    %swap3A_1053 = vector.load %arg3[%swap3A_1051, %swap3A_1052] : memref<10112x128xf32, #tpu.memory_space<vmem>>, vector<128x128xf32>
    tpu.vector_store %arg3[%swap3A_1051, %swap3A_1052], %transpose3A_1050 {strides = array<i32>} : memref<10112x128xf32, #tpu.memory_space<vmem>>, vector<128x128xf32>,
    %slice3A_1054 = vector.extract_strided_slice %select_n3A_570 {offsets = [69, 0], sizes = [1, 128], strides = [1, 1]} : vector<80x128xf32> to vector<1x128xf32>
    %broadcast_in_dim3A_1055 = vector.shape_cast %slice3A_1054 : vector<1x128xf32> to vector<1x128xf32>
    %broadcast_in_dim3A_1056 = vector.broadcast %broadcast_in_dim3A_1055 : vector<1x128xf32> to vector<128x128xf32>
    %transpose3A_1057 = tpu.transpose %broadcast_in_dim3A_1056, [1, 0] : vector<128x128xf32> -> vector<128x128xf32>
    %swap3A_1058 = arith.constant 8832 : index
    %swap3A_1059 = arith.constant 0 : index
    %swap3A_1060 = vector.load %arg3[%swap3A_1058, %swap3A_1059] : memref<10112x128xf32, #tpu.memory_space<vmem>>, vector<128x128xf32>
    tpu.vector_store %arg3[%swap3A_1058, %swap3A_1059], %transpose3A_1057 {strides = array<i32>} : memref<10112x128xf32, #tpu.memory_space<vmem>>, vector<128x128xf32>,
    %slice3A_1061 = vector.extract_strided_slice %select_n3A_570 {offsets = [70, 0], sizes = [1, 128], strides = [1, 1]} : vector<80x128xf32> to vector<1x128xf32>
    %broadcast_in_dim3A_1062 = vector.shape_cast %slice3A_1061 : vector<1x128xf32> to vector<1x128xf32>
    %broadcast_in_dim3A_1063 = vector.broadcast %broadcast_in_dim3A_1062 : vector<1x128xf32> to vector<128x128xf32>
    %transpose3A_1064 = tpu.transpose %broadcast_in_dim3A_1063, [1, 0] : vector<128x128xf32> -> vector<128x128xf32>
    %swap3A_1065 = arith.constant 8960 : index
    %swap3A_1066 = arith.constant 0 : index
    %swap3A_1067 = vector.load %arg3[%swap3A_1065, %swap3A_1066] : memref<10112x128xf32, #tpu.memory_space<vmem>>, vector<128x128xf32>
    tpu.vector_store %arg3[%swap3A_1065, %swap3A_1066], %transpose3A_1064 {strides = array<i32>} : memref<10112x128xf32, #tpu.memory_space<vmem>>, vector<128x128xf32>,
    %slice3A_1068 = vector.extract_strided_slice %select_n3A_570 {offsets = [71, 0], sizes = [1, 128], strides = [1, 1]} : vector<80x128xf32> to vector<1x128xf32>
    %broadcast_in_dim3A_1069 = vector.shape_cast %slice3A_1068 : vector<1x128xf32> to vector<1x128xf32>
    %broadcast_in_dim3A_1070 = vector.broadcast %broadcast_in_dim3A_1069 : vector<1x128xf32> to vector<128x128xf32>
    %transpose3A_1071 = tpu.transpose %broadcast_in_dim3A_1070, [1, 0] : vector<128x128xf32> -> vector<128x128xf32>
    %swap3A_1072 = arith.constant 9088 : index
    %swap3A_1073 = arith.constant 0 : index
    %swap3A_1074 = vector.load %arg3[%swap3A_1072, %swap3A_1073] : memref<10112x128xf32, #tpu.memory_space<vmem>>, vector<128x128xf32>
    tpu.vector_store %arg3[%swap3A_1072, %swap3A_1073], %transpose3A_1071 {strides = array<i32>} : memref<10112x128xf32, #tpu.memory_space<vmem>>, vector<128x128xf32>,
    %slice3A_1075 = vector.extract_strided_slice %select_n3A_570 {offsets = [72, 0], sizes = [1, 128], strides = [1, 1]} : vector<80x128xf32> to vector<1x128xf32>
    %broadcast_in_dim3A_1076 = vector.shape_cast %slice3A_1075 : vector<1x128xf32> to vector<1x128xf32>
    %broadcast_in_dim3A_1077 = vector.broadcast %broadcast_in_dim3A_1076 : vector<1x128xf32> to vector<128x128xf32>
    %transpose3A_1078 = tpu.transpose %broadcast_in_dim3A_1077, [1, 0] : vector<128x128xf32> -> vector<128x128xf32>
    %swap3A_1079 = arith.constant 9216 : index
    %swap3A_1080 = arith.constant 0 : index
    %swap3A_1081 = vector.load %arg3[%swap3A_1079, %swap3A_1080] : memref<10112x128xf32, #tpu.memory_space<vmem>>, vector<128x128xf32>
    tpu.vector_store %arg3[%swap3A_1079, %swap3A_1080], %transpose3A_1078 {strides = array<i32>} : memref<10112x128xf32, #tpu.memory_space<vmem>>, vector<128x128xf32>,
    %slice3A_1082 = vector.extract_strided_slice %select_n3A_570 {offsets = [73, 0], sizes = [1, 128], strides = [1, 1]} : vector<80x128xf32> to vector<1x128xf32>
    %broadcast_in_dim3A_1083 = vector.shape_cast %slice3A_1082 : vector<1x128xf32> to vector<1x128xf32>
    %broadcast_in_dim3A_1084 = vector.broadcast %broadcast_in_dim3A_1083 : vector<1x128xf32> to vector<128x128xf32>
    %transpose3A_1085 = tpu.transpose %broadcast_in_dim3A_1084, [1, 0] : vector<128x128xf32> -> vector<128x128xf32>
    %swap3A_1086 = arith.constant 9344 : index
    %swap3A_1087 = arith.constant 0 : index
    %swap3A_1088 = vector.load %arg3[%swap3A_1086, %swap3A_1087] : memref<10112x128xf32, #tpu.memory_space<vmem>>, vector<128x128xf32>
    tpu.vector_store %arg3[%swap3A_1086, %swap3A_1087], %transpose3A_1085 {strides = array<i32>} : memref<10112x128xf32, #tpu.memory_space<vmem>>, vector<128x128xf32>,
    %slice3A_1089 = vector.extract_strided_slice %select_n3A_570 {offsets = [74, 0], sizes = [1, 128], strides = [1, 1]} : vector<80x128xf32> to vector<1x128xf32>
    %broadcast_in_dim3A_1090 = vector.shape_cast %slice3A_1089 : vector<1x128xf32> to vector<1x128xf32>
    %broadcast_in_dim3A_1091 = vector.broadcast %broadcast_in_dim3A_1090 : vector<1x128xf32> to vector<128x128xf32>
    %transpose3A_1092 = tpu.transpose %broadcast_in_dim3A_1091, [1, 0] : vector<128x128xf32> -> vector<128x128xf32>
    %swap3A_1093 = arith.constant 9472 : index
    %swap3A_1094 = arith.constant 0 : index
    %swap3A_1095 = vector.load %arg3[%swap3A_1093, %swap3A_1094] : memref<10112x128xf32, #tpu.memory_space<vmem>>, vector<128x128xf32>
    tpu.vector_store %arg3[%swap3A_1093, %swap3A_1094], %transpose3A_1092 {strides = array<i32>} : memref<10112x128xf32, #tpu.memory_space<vmem>>, vector<128x128xf32>,
    %slice3A_1096 = vector.extract_strided_slice %select_n3A_570 {offsets = [75, 0], sizes = [1, 128], strides = [1, 1]} : vector<80x128xf32> to vector<1x128xf32>
    %broadcast_in_dim3A_1097 = vector.shape_cast %slice3A_1096 : vector<1x128xf32> to vector<1x128xf32>
    %broadcast_in_dim3A_1098 = vector.broadcast %broadcast_in_dim3A_1097 : vector<1x128xf32> to vector<128x128xf32>
    %transpose3A_1099 = tpu.transpose %broadcast_in_dim3A_1098, [1, 0] : vector<128x128xf32> -> vector<128x128xf32>
    %swap3A_1100 = arith.constant 9600 : index
    %swap3A_1101 = arith.constant 0 : index
    %swap3A_1102 = vector.load %arg3[%swap3A_1100, %swap3A_1101] : memref<10112x128xf32, #tpu.memory_space<vmem>>, vector<128x128xf32>
    tpu.vector_store %arg3[%swap3A_1100, %swap3A_1101], %transpose3A_1099 {strides = array<i32>} : memref<10112x128xf32, #tpu.memory_space<vmem>>, vector<128x128xf32>,
    %slice3A_1103 = vector.extract_strided_slice %select_n3A_570 {offsets = [76, 0], sizes = [1, 128], strides = [1, 1]} : vector<80x128xf32> to vector<1x128xf32>
    %broadcast_in_dim3A_1104 = vector.shape_cast %slice3A_1103 : vector<1x128xf32> to vector<1x128xf32>
    %broadcast_in_dim3A_1105 = vector.broadcast %broadcast_in_dim3A_1104 : vector<1x128xf32> to vector<128x128xf32>
    %transpose3A_1106 = tpu.transpose %broadcast_in_dim3A_1105, [1, 0] : vector<128x128xf32> -> vector<128x128xf32>
    %swap3A_1107 = arith.constant 9728 : index
    %swap3A_1108 = arith.constant 0 : index
    %swap3A_1109 = vector.load %arg3[%swap3A_1107, %swap3A_1108] : memref<10112x128xf32, #tpu.memory_space<vmem>>, vector<128x128xf32>
    tpu.vector_store %arg3[%swap3A_1107, %swap3A_1108], %transpose3A_1106 {strides = array<i32>} : memref<10112x128xf32, #tpu.memory_space<vmem>>, vector<128x128xf32>,
    %slice3A_1110 = vector.extract_strided_slice %select_n3A_570 {offsets = [77, 0], sizes = [1, 128], strides = [1, 1]} : vector<80x128xf32> to vector<1x128xf32>
    %broadcast_in_dim3A_1111 = vector.shape_cast %slice3A_1110 : vector<1x128xf32> to vector<1x128xf32>
    %broadcast_in_dim3A_1112 = vector.broadcast %broadcast_in_dim3A_1111 : vector<1x128xf32> to vector<128x128xf32>
    %transpose3A_1113 = tpu.transpose %broadcast_in_dim3A_1112, [1, 0] : vector<128x128xf32> -> vector<128x128xf32>
    %swap3A_1114 = arith.constant 9856 : index
    %swap3A_1115 = arith.constant 0 : index
    %swap3A_1116 = vector.load %arg3[%swap3A_1114, %swap3A_1115] : memref<10112x128xf32, #tpu.memory_space<vmem>>, vector<128x128xf32>
    tpu.vector_store %arg3[%swap3A_1114, %swap3A_1115], %transpose3A_1113 {strides = array<i32>} : memref<10112x128xf32, #tpu.memory_space<vmem>>, vector<128x128xf32>,
    %slice3A_1117 = vector.extract_strided_slice %select_n3A_570 {offsets = [78, 0], sizes = [1, 128], strides = [1, 1]} : vector<80x128xf32> to vector<1x128xf32>
    %broadcast_in_dim3A_1118 = vector.shape_cast %slice3A_1117 : vector<1x128xf32> to vector<1x128xf32>
    %broadcast_in_dim3A_1119 = vector.broadcast %broadcast_in_dim3A_1118 : vector<1x128xf32> to vector<128x128xf32>
    %transpose3A_1120 = tpu.transpose %broadcast_in_dim3A_1119, [1, 0] : vector<128x128xf32> -> vector<128x128xf32>
    %swap3A_1121 = arith.constant 9984 : index
    %swap3A_1122 = arith.constant 0 : index
    %swap3A_1123 = vector.load %arg3[%swap3A_1121, %swap3A_1122] : memref<10112x128xf32, #tpu.memory_space<vmem>>, vector<128x128xf32>
    tpu.vector_store %arg3[%swap3A_1121, %swap3A_1122], %transpose3A_1120 {strides = array<i32>} : memref<10112x128xf32, #tpu.memory_space<vmem>>, vector<128x128xf32>,
    return
  }
  func.func @transform_0(%arg0: i32) -> (i32, i32, i32, i32) {
    %c0_i32 = arith.constant 0 : i32
    %c0_i32_0 = arith.constant 0 : i32
    %c0_i32_1 = arith.constant 0 : i32
    %c0_i32_2 = arith.constant 0 : i32
    %c0_i32_3 = arith.constant 0 : i32
    return %c0_i32, %c0_i32_0, %c0_i32_1, %c0_i32_2 : i32, i32, i32, i32
  }
  func.func @transform_1(%arg0: i32) -> (i32, i32) {
    %c0_i32 = arith.constant 0 : i32
    %c0_i32_0 = arith.constant 0 : i32
    %c0_i32_1 = arith.constant 0 : i32
    return %c0_i32, %c0_i32_0 : i32, i32
  }
  func.func @transform_2(%arg0: i32) -> (i32, i32) {
    %c0_i32 = arith.constant 0 : i32
    %c0_i32_0 = arith.constant 0 : i32
    %c0_i32_1 = arith.constant 0 : i32
    return %c0_i32, %c0_i32_0 : i32, i32
  }
}

module attributes {stable_mosaic.version = 14 : i64} {
  func.func @_mm_body(%arg0: i32, %arg1: memref<2000x128xf32, #tpu.memory_space<vmem>>, %arg2: memref<128x128xf32, #tpu.memory_space<vmem>>, %arg3: memref<2000x128xf32, #tpu.memory_space<vmem>>) attributes {dimension_semantics = [#tpu.dimension_semantics<arbitrary>], iteration_bounds = array<i64: 5>, scalar_prefetch = 0 : i64, scratch_operands = 0 : i64, tpu.core_type = #tpu.core_type<tc>, window_params = [{transform_indices = @transform_0, window_bounds = array<i64: 2000, 128>}, {pipeline_mode = #tpu.pipeline_mode<synchronous>, transform_indices = @transform_1, window_bounds = array<i64: 128, 128>}, {transform_indices = @transform_2, window_bounds = array<i64: 2000, 128>}]} {
    %get3A = arith.constant 0 : index
    %get3A_0 = arith.constant 0 : index
    %get3A_1 = vector.load %arg1[%get3A, %get3A_0] : memref<2000x128xf32, #tpu.memory_space<vmem>>, vector<2000x128xf32>
    %get3A_2 = arith.constant 0 : index
    %get3A_3 = arith.constant 0 : index
    %get3A_4 = vector.load %arg2[%get3A_2, %get3A_3] : memref<128x128xf32, #tpu.memory_space<vmem>>, vector<128x128xf32>
    %dot_general3A = arith.constant dense<0.000000e+00> : vector<2000x128xf32>
    %dot_general3A_5 = tpu.matmul %get3A_1, %get3A_4, %dot_general3A {dimension_numbers = #tpu.dot_dimension_numbers<[1], [0], [0], [1], [0, 0, 1, 1], [], []>, transpose_lhs_hint = false} : vector<2000x128xf32>, vector<128x128xf32>, vector<2000x128xf32> -> vector<2000x128xf32>
    %swap3A = arith.constant 0 : index
    %swap3A_6 = arith.constant 0 : index
    %swap3A_7 = vector.load %arg3[%swap3A, %swap3A_6] : memref<2000x128xf32, #tpu.memory_space<vmem>>, vector<2000x128xf32>
    tpu.vector_store %arg3[%swap3A, %swap3A_6], %dot_general3A_5 {strides = array<i32>} : memref<2000x128xf32, #tpu.memory_space<vmem>>, vector<2000x128xf32>,
    return
  }
  func.func @transform_0(%arg0: i32) -> (i32, i32) {
    %c0_i32 = arith.constant 0 : i32
    %c0_i32_0 = arith.constant 0 : i32
    return %arg0, %c0_i32 : i32, i32
  }
  func.func @transform_1(%arg0: i32) -> (i32, i32) {
    %c0_i32 = arith.constant 0 : i32
    %c0_i32_0 = arith.constant 0 : i32
    %c0_i32_1 = arith.constant 0 : i32
    return %c0_i32, %c0_i32_0 : i32, i32
  }
  func.func @transform_2(%arg0: i32) -> (i32, i32) {
    %c0_i32 = arith.constant 0 : i32
    %c0_i32_0 = arith.constant 0 : i32
    return %arg0, %c0_i32 : i32, i32
  }
}

module attributes {stable_mosaic.version = 14 : i64} {
  func.func @_deint_body(%arg0: i32, %arg1: memref<2x320000xi32, #tpu.memory_space<vmem>>, %arg2: memref<320000xi32, #tpu.memory_space<vmem>>, %arg3: memref<320000xi32, #tpu.memory_space<vmem>>) attributes {dimension_semantics = [#tpu.dimension_semantics<arbitrary>], iteration_bounds = array<i64: 1>, scalar_prefetch = 0 : i64, scratch_operands = 0 : i64, tpu.core_type = #tpu.core_type<tc>, window_params = [{pipeline_mode = #tpu.pipeline_mode<synchronous>, transform_indices = @transform_0, window_bounds = array<i64: 2, 320000>}, {pipeline_mode = #tpu.pipeline_mode<synchronous>, transform_indices = @transform_1, window_bounds = array<i64: 320000>}, {pipeline_mode = #tpu.pipeline_mode<synchronous>, transform_indices = @transform_2, window_bounds = array<i64: 320000>}]} {
    %get3A = arith.constant 0 : index
    %get3A_0 = arith.constant 0 : index
    %get3A_1 = vector.load %arg1[%get3A, %get3A_0] : memref<2x320000xi32, #tpu.memory_space<vmem>>, vector<1x320000xi32>
    %get3A_2 = vector.shape_cast %get3A_1 : vector<1x320000xi32> to vector<320000xi32>
    %swap3A = arith.constant 0 : index
    %swap3A_3 = vector.load %arg2[%swap3A] : memref<320000xi32, #tpu.memory_space<vmem>>, vector<320000xi32>
    tpu.vector_store %arg2[%swap3A], %get3A_2 {strides = array<i32>} : memref<320000xi32, #tpu.memory_space<vmem>>, vector<320000xi32>,
    %get3A_4 = arith.constant 1 : index
    %get3A_5 = arith.constant 0 : index
    %get3A_6 = vector.load %arg1[%get3A_4, %get3A_5] : memref<2x320000xi32, #tpu.memory_space<vmem>>, vector<1x320000xi32>
    %get3A_7 = vector.shape_cast %get3A_6 : vector<1x320000xi32> to vector<320000xi32>
    %swap3A_8 = arith.constant 0 : index
    %swap3A_9 = vector.load %arg3[%swap3A_8] : memref<320000xi32, #tpu.memory_space<vmem>>, vector<320000xi32>
    tpu.vector_store %arg3[%swap3A_8], %get3A_7 {strides = array<i32>} : memref<320000xi32, #tpu.memory_space<vmem>>, vector<320000xi32>,
    return
  }
  func.func @transform_0(%arg0: i32) -> (i32, i32) {
    %c0_i32 = arith.constant 0 : i32
    %c0_i32_0 = arith.constant 0 : i32
    %c0_i32_1 = arith.constant 0 : i32
    return %c0_i32, %c0_i32_0 : i32, i32
  }
  func.func @transform_1(%arg0: i32) -> i32 {
    %c0_i32 = arith.constant 0 : i32
    %c0_i32_0 = arith.constant 0 : i32
    return %c0_i32 : i32
  }
  func.func @transform_2(%arg0: i32) -> i32 {
    %c0_i32 = arith.constant 0 : i32
    %c0_i32_0 = arith.constant 0 : i32
    return %c0_i32 : i32
  }
}

module attributes {stable_mosaic.version = 14 : i64} {
  func.func @_combine_body(%arg0: i32, %arg1: memref<2x2000x128xf32, #tpu.memory_space<vmem>>, %arg2: memref<2000x128xf32, #tpu.memory_space<vmem>>, %arg3: memref<1x128xf32, #tpu.memory_space<vmem>>, %arg4: memref<2000x128xf32, #tpu.memory_space<vmem>>) attributes {dimension_semantics = [#tpu.dimension_semantics<arbitrary>], iteration_bounds = array<i64: 5>, scalar_prefetch = 0 : i64, scratch_operands = 0 : i64, tpu.core_type = #tpu.core_type<tc>, window_params = [{transform_indices = @transform_0, window_bounds = array<i64: 2, 2000, 128>}, {transform_indices = @transform_1, window_bounds = array<i64: 2000, 128>}, {pipeline_mode = #tpu.pipeline_mode<synchronous>, transform_indices = @transform_2, window_bounds = array<i64: 1, 128>}, {transform_indices = @transform_3, window_bounds = array<i64: 2000, 128>}]} {
    %get3A = arith.constant 0 : index
    %get3A_0 = arith.constant 0 : index
    %get3A_1 = arith.constant 0 : index
    %get3A_2 = vector.load %arg1[%get3A, %get3A_0, %get3A_1] : memref<2x2000x128xf32, #tpu.memory_space<vmem>>, vector<1x2000x128xf32>
    %get3A_3 = vector.shape_cast %get3A_2 : vector<1x2000x128xf32> to vector<2000x128xf32>
    %get3A_4 = arith.constant 1 : index
    %get3A_5 = arith.constant 0 : index
    %get3A_6 = arith.constant 0 : index
    %get3A_7 = vector.load %arg1[%get3A_4, %get3A_5, %get3A_6] : memref<2x2000x128xf32, #tpu.memory_space<vmem>>, vector<1x2000x128xf32>
    %get3A_8 = vector.shape_cast %get3A_7 : vector<1x2000x128xf32> to vector<2000x128xf32>
    %add3A = arith.addf %get3A_3, %get3A_8 : vector<2000x128xf32>
    %get3A_9 = arith.constant 0 : index
    %get3A_10 = arith.constant 0 : index
    %get3A_11 = vector.load %arg2[%get3A_9, %get3A_10] : memref<2000x128xf32, #tpu.memory_space<vmem>>, vector<2000x128xf32>
    %mul3A = arith.mulf %add3A, %get3A_11 : vector<2000x128xf32>
    %get3A_12 = arith.constant 0 : index
    %get3A_13 = arith.constant 0 : index
    %get3A_14 = vector.load %arg3[%get3A_12, %get3A_13] : memref<1x128xf32, #tpu.memory_space<vmem>>, vector<1x128xf32>
    %add3A_15 = vector.broadcast %get3A_14 : vector<1x128xf32> to vector<2000x128xf32>
    %add3A_16 = arith.addf %mul3A, %add3A_15 : vector<2000x128xf32>
    %swap3A = arith.constant 0 : index
    %swap3A_17 = arith.constant 0 : index
    %swap3A_18 = vector.load %arg4[%swap3A, %swap3A_17] : memref<2000x128xf32, #tpu.memory_space<vmem>>, vector<2000x128xf32>
    tpu.vector_store %arg4[%swap3A, %swap3A_17], %add3A_16 {strides = array<i32>} : memref<2000x128xf32, #tpu.memory_space<vmem>>, vector<2000x128xf32>,
    return
  }
  func.func @transform_0(%arg0: i32) -> (i32, i32, i32) {
    %c0_i32 = arith.constant 0 : i32
    %c0_i32_0 = arith.constant 0 : i32
    %c0_i32_1 = arith.constant 0 : i32
    return %c0_i32, %arg0, %c0_i32_0 : i32, i32, i32
  }
  func.func @transform_1(%arg0: i32) -> (i32, i32) {
    %c0_i32 = arith.constant 0 : i32
    %c0_i32_0 = arith.constant 0 : i32
    return %arg0, %c0_i32 : i32, i32
  }
  func.func @transform_2(%arg0: i32) -> (i32, i32) {
    %c0_i32 = arith.constant 0 : i32
    %c0_i32_0 = arith.constant 0 : i32
    %c0_i32_1 = arith.constant 0 : i32
    return %c0_i32, %c0_i32_0 : i32, i32
  }
  func.func @transform_3(%arg0: i32) -> (i32, i32) {
    %c0_i32 = arith.constant 0 : i32
    %c0_i32_0 = arith.constant 0 : i32
    return %arg0, %c0_i32 : i32, i32
  }
}

module attributes {stable_mosaic.version = 14 : i64} {
  func.func @_combine_mm_body(%arg0: i32, %arg1: memref<2x2000x128xf32, #tpu.memory_space<vmem>>, %arg2: memref<2000x128xf32, #tpu.memory_space<vmem>>, %arg3: memref<1x128xf32, #tpu.memory_space<vmem>>, %arg4: memref<128x128xf32, #tpu.memory_space<vmem>>, %arg5: memref<2000x128xf32, #tpu.memory_space<vmem>>) attributes {dimension_semantics = [#tpu.dimension_semantics<arbitrary>], iteration_bounds = array<i64: 5>, scalar_prefetch = 0 : i64, scratch_operands = 0 : i64, tpu.core_type = #tpu.core_type<tc>, window_params = [{transform_indices = @transform_0, window_bounds = array<i64: 2, 2000, 128>}, {transform_indices = @transform_1, window_bounds = array<i64: 2000, 128>}, {pipeline_mode = #tpu.pipeline_mode<synchronous>, transform_indices = @transform_2, window_bounds = array<i64: 1, 128>}, {pipeline_mode = #tpu.pipeline_mode<synchronous>, transform_indices = @transform_3, window_bounds = array<i64: 128, 128>}, {transform_indices = @transform_4, window_bounds = array<i64: 2000, 128>}]} {
    %get3A = arith.constant 0 : index
    %get3A_0 = arith.constant 0 : index
    %get3A_1 = arith.constant 0 : index
    %get3A_2 = vector.load %arg1[%get3A, %get3A_0, %get3A_1] : memref<2x2000x128xf32, #tpu.memory_space<vmem>>, vector<1x2000x128xf32>
    %get3A_3 = vector.shape_cast %get3A_2 : vector<1x2000x128xf32> to vector<2000x128xf32>
    %get3A_4 = arith.constant 1 : index
    %get3A_5 = arith.constant 0 : index
    %get3A_6 = arith.constant 0 : index
    %get3A_7 = vector.load %arg1[%get3A_4, %get3A_5, %get3A_6] : memref<2x2000x128xf32, #tpu.memory_space<vmem>>, vector<1x2000x128xf32>
    %get3A_8 = vector.shape_cast %get3A_7 : vector<1x2000x128xf32> to vector<2000x128xf32>
    %add3A = arith.addf %get3A_3, %get3A_8 : vector<2000x128xf32>
    %get3A_9 = arith.constant 0 : index
    %get3A_10 = arith.constant 0 : index
    %get3A_11 = vector.load %arg2[%get3A_9, %get3A_10] : memref<2000x128xf32, #tpu.memory_space<vmem>>, vector<2000x128xf32>
    %mul3A = arith.mulf %add3A, %get3A_11 : vector<2000x128xf32>
    %get3A_12 = arith.constant 0 : index
    %get3A_13 = arith.constant 0 : index
    %get3A_14 = vector.load %arg3[%get3A_12, %get3A_13] : memref<1x128xf32, #tpu.memory_space<vmem>>, vector<1x128xf32>
    %add3A_15 = vector.broadcast %get3A_14 : vector<1x128xf32> to vector<2000x128xf32>
    %add3A_16 = arith.addf %mul3A, %add3A_15 : vector<2000x128xf32>
    %max3A = arith.constant 0.000000e+00 : f32
    %max3A_17 = vector.broadcast %max3A : f32 to vector<2000x128xf32>
    %max3A_18 = arith.maximumf %add3A_16, %max3A_17 : vector<2000x128xf32>
    %get3A_19 = arith.constant 0 : index
    %get3A_20 = arith.constant 0 : index
    %get3A_21 = vector.load %arg4[%get3A_19, %get3A_20] : memref<128x128xf32, #tpu.memory_space<vmem>>, vector<128x128xf32>
    %dot_general3A = arith.constant dense<0.000000e+00> : vector<2000x128xf32>
    %dot_general3A_22 = tpu.matmul %max3A_18, %get3A_21, %dot_general3A {dimension_numbers = #tpu.dot_dimension_numbers<[1], [0], [0], [1], [0, 0, 1, 1], [], []>, transpose_lhs_hint = false} : vector<2000x128xf32>, vector<128x128xf32>, vector<2000x128xf32> -> vector<2000x128xf32>
    %swap3A = arith.constant 0 : index
    %swap3A_23 = arith.constant 0 : index
    %swap3A_24 = vector.load %arg5[%swap3A, %swap3A_23] : memref<2000x128xf32, #tpu.memory_space<vmem>>, vector<2000x128xf32>
    tpu.vector_store %arg5[%swap3A, %swap3A_23], %dot_general3A_22 {strides = array<i32>} : memref<2000x128xf32, #tpu.memory_space<vmem>>, vector<2000x128xf32>,
    return
  }
  func.func @transform_0(%arg0: i32) -> (i32, i32, i32) {
    %c0_i32 = arith.constant 0 : i32
    %c0_i32_0 = arith.constant 0 : i32
    %c0_i32_1 = arith.constant 0 : i32
    return %c0_i32, %arg0, %c0_i32_0 : i32, i32, i32
  }
  func.func @transform_1(%arg0: i32) -> (i32, i32) {
    %c0_i32 = arith.constant 0 : i32
    %c0_i32_0 = arith.constant 0 : i32
    return %arg0, %c0_i32 : i32, i32
  }
  func.func @transform_2(%arg0: i32) -> (i32, i32) {
    %c0_i32 = arith.constant 0 : i32
    %c0_i32_0 = arith.constant 0 : i32
    %c0_i32_1 = arith.constant 0 : i32
    return %c0_i32, %c0_i32_0 : i32, i32
  }
  func.func @transform_3(%arg0: i32) -> (i32, i32) {
    %c0_i32 = arith.constant 0 : i32
    %c0_i32_0 = arith.constant 0 : i32
    %c0_i32_1 = arith.constant 0 : i32
    return %c0_i32, %c0_i32_0 : i32, i32
  }
  func.func @transform_4(%arg0: i32) -> (i32, i32) {
    %c0_i32 = arith.constant 0 : i32
    %c0_i32_0 = arith.constant 0 : i32
    return %arg0, %c0_i32 : i32, i32
  }
}

module attributes {stable_mosaic.version = 14 : i64} {
  func.func @_combine_body(%arg0: i32, %arg1: memref<2x2000x128xf32, #tpu.memory_space<vmem>>, %arg2: memref<2000x128xf32, #tpu.memory_space<vmem>>, %arg3: memref<1x128xf32, #tpu.memory_space<vmem>>, %arg4: memref<2000x128xf32, #tpu.memory_space<vmem>>) attributes {dimension_semantics = [#tpu.dimension_semantics<arbitrary>], iteration_bounds = array<i64: 5>, scalar_prefetch = 0 : i64, scratch_operands = 0 : i64, tpu.core_type = #tpu.core_type<tc>, window_params = [{transform_indices = @transform_0, window_bounds = array<i64: 2, 2000, 128>}, {transform_indices = @transform_1, window_bounds = array<i64: 2000, 128>}, {pipeline_mode = #tpu.pipeline_mode<synchronous>, transform_indices = @transform_2, window_bounds = array<i64: 1, 128>}, {transform_indices = @transform_3, window_bounds = array<i64: 2000, 128>}]} {
    %get3A = arith.constant 0 : index
    %get3A_0 = arith.constant 0 : index
    %get3A_1 = arith.constant 0 : index
    %get3A_2 = vector.load %arg1[%get3A, %get3A_0, %get3A_1] : memref<2x2000x128xf32, #tpu.memory_space<vmem>>, vector<1x2000x128xf32>
    %get3A_3 = vector.shape_cast %get3A_2 : vector<1x2000x128xf32> to vector<2000x128xf32>
    %get3A_4 = arith.constant 1 : index
    %get3A_5 = arith.constant 0 : index
    %get3A_6 = arith.constant 0 : index
    %get3A_7 = vector.load %arg1[%get3A_4, %get3A_5, %get3A_6] : memref<2x2000x128xf32, #tpu.memory_space<vmem>>, vector<1x2000x128xf32>
    %get3A_8 = vector.shape_cast %get3A_7 : vector<1x2000x128xf32> to vector<2000x128xf32>
    %add3A = arith.addf %get3A_3, %get3A_8 : vector<2000x128xf32>
    %get3A_9 = arith.constant 0 : index
    %get3A_10 = arith.constant 0 : index
    %get3A_11 = vector.load %arg2[%get3A_9, %get3A_10] : memref<2000x128xf32, #tpu.memory_space<vmem>>, vector<2000x128xf32>
    %mul3A = arith.mulf %add3A, %get3A_11 : vector<2000x128xf32>
    %get3A_12 = arith.constant 0 : index
    %get3A_13 = arith.constant 0 : index
    %get3A_14 = vector.load %arg3[%get3A_12, %get3A_13] : memref<1x128xf32, #tpu.memory_space<vmem>>, vector<1x128xf32>
    %add3A_15 = vector.broadcast %get3A_14 : vector<1x128xf32> to vector<2000x128xf32>
    %add3A_16 = arith.addf %mul3A, %add3A_15 : vector<2000x128xf32>
    %swap3A = arith.constant 0 : index
    %swap3A_17 = arith.constant 0 : index
    %swap3A_18 = vector.load %arg4[%swap3A, %swap3A_17] : memref<2000x128xf32, #tpu.memory_space<vmem>>, vector<2000x128xf32>
    tpu.vector_store %arg4[%swap3A, %swap3A_17], %add3A_16 {strides = array<i32>} : memref<2000x128xf32, #tpu.memory_space<vmem>>, vector<2000x128xf32>,
    return
  }
  func.func @transform_0(%arg0: i32) -> (i32, i32, i32) {
    %c0_i32 = arith.constant 0 : i32
    %c0_i32_0 = arith.constant 0 : i32
    %c0_i32_1 = arith.constant 0 : i32
    return %c0_i32, %arg0, %c0_i32_0 : i32, i32, i32
  }
  func.func @transform_1(%arg0: i32) -> (i32, i32) {
    %c0_i32 = arith.constant 0 : i32
    %c0_i32_0 = arith.constant 0 : i32
    return %arg0, %c0_i32 : i32, i32
  }
  func.func @transform_2(%arg0: i32) -> (i32, i32) {
    %c0_i32 = arith.constant 0 : i32
    %c0_i32_0 = arith.constant 0 : i32
    %c0_i32_1 = arith.constant 0 : i32
    return %c0_i32, %c0_i32_0 : i32, i32
  }
  func.func @transform_3(%arg0: i32) -> (i32, i32) {
    %c0_i32 = arith.constant 0 : i32
    %c0_i32_0 = arith.constant 0 : i32
    return %arg0, %c0_i32 : i32, i32
  }
}

</mosaic_0001>

<sc_bundles>
// kernel: kernel.14.cloned.1.call-start
scs
__scs_entry_jumppad:
0x0: {  	(pc) =	sbr.rel $0x88, $3  }
0x1: {  	(tag) =	ssettag $0x0;
	lr =	simm.s32 $0x1  }
0x2: {  	[smem:$0x3F9B] =	sst lr;
	_ =	strace $0xD0000000  }
0x3: {  	_ = 	snop  }
0x4: {  	_ = 	snop  }
0x5: {  	_ = 	snop  }
0x6: {  	_ = 	snop  }
0x7: {  	_ = 	snop  }
__scs_overlays_trampoline_lowered:
0x8: {  	[smem:$0x3FAA] =	sst s0  }
0x9: {  	[smem:$0x3FAB] =	sst s1  }
0xa: {  	[smem:$0x3FAC] =	sst s2  }
0xb: {  	[smem:$0x3FAD] =	sst s3  }
0xc: {  	[smem:$0x3FAE] =	sst s4  }
0xd: {  	[smem:$0x3FAF] =	sst s5  }
0xe: {  	[smem:$0x3FB0] =	sst s6  }
0xf: {  	[smem:$0x3FB1] =	sst s7  }
0x10: {  	[smem:$0x3FB2] =	sst s8  }
0x11: {  	[smem:$0x3FB3] =	sst s9;
	s0 =	simm.s32 @!p0 $0x0  }
0x12: {  	s1 =	sld [smem:$0x3F99];
	s0 =	simm.s32 @p0 $0x1  }
0x13: {  	[smem:$0x3FB4] =	sst s0;
	s0 =	simm.s32 @!p1 $0x0  }
0x14: {  	s2 =	sld [smem:$0x3F98];
	s0 =	simm.s32 @p1 $0x1  }
0x15: {  	[smem:$0x3FB5] =	sst s0;
	s0 =	simm.s32 @!p2 $0x0  }
0x16: {  	s3 =	sld [smem:$0x3FDB];
	s0 =	simm.s32 @p2 $0x1  }
0x17: {  	s4 =	simm.s32 $0x1BF5;
	[smem:$0x3FB7] =	sst s0  }
0x18: {  	s0 =	sld [smem:$0x3F9A];
	_ =	swait.ge [sflag:s4], $0x0  }
0x19: {  	s7 =	sld [smem:$0x3F9B]  }
0x1a: {  	s8 =	sadd.s32 $0xFFFFE003, lr  }
0x1b: {  	s9 =	sadd.s32 $0xFFFFFEF7, lr;
	s5 =	simm.s32 $0xFFFFFFFF;
	p2 =	slt.u32 s8, $0xFFFFF086  }
0x1c: {  	p1 =	slt.u32 s9, $0xF7A;
	s5 =	simm.s32 @!p2 $0x0  }
0x1d: {  	s5 =	simm.s32 @p1 $0x1;
	p0 =	seq.s32 s7, s2  }
0x1e: {  	s7 =	smul.u32 @!p0 $0xF7A, s2;
	p2 =	seq.s32 @!p0 s5, $0x0  }
0x1f: {  	s9 =	smul.u32 $0xF7A, s1;
	s8 =	simm.s32 @!p0 $0x1BF5;
	p2 =	por !p2, p0  }
0x20: {  	[sflag:s8] =	ssyncset.s32 @!p0 $0xFFFFF086;
	s6 =	sadd.s32 @!p0 s3, s7;
	s7 =	simm.s32 @!p0 $0x108  }
0x21: {  	s3 =	sadd.s32 s3, s9;
	s6 =	sadd.s32 @!p0 $0x88, s6;
	s7 =	simm.s32 @p2 $0x1082  }
0x22: {  	[simem:s7], [sflag:s8] =	dma.local @!p0 [hbm:s6], $0xF7A  }
0x23: {  	s9 =	sor.u32 $0xD0000000, s2;
	s6 =	simm.s32 $0x108;
	_ =	swait.ge @!p0 [sflag:s8], $0x0  }
0x24: {  	s3 =	sadd.s32 $0x88, s3;
	s6 =	simm.s32 @!p1 $0x1082;
	[sflag:s4] =	ssyncset.s32 $0xFFFFF086  }
0x25: {  	[simem:s6], [sflag:s4] =	dma.local [hbm:s3], $0xF7A  }
0x26: {  	[smem:$0x3F9B] =	sst s1;
	(tag) =	ssettag s2;
	_ =	strace s9  }
0x27: {  	s1 =	sld [smem:$0x3FAB]  }
0x28: {  	s2 =	sld [smem:$0x3FAC]  }
0x29: {  	s4 =	sld [smem:$0x3FAE]  }
0x2a: {  	p0 =	seq.s32 s5, $0x0;
	s5 =	sld [smem:$0x3FAF]  }
0x2b: {  	s6 =	sld [smem:$0x3FB0]  }
0x2c: {  	s7 =	sld [smem:$0x3FB1]  }
0x2d: {  	s3 =	simm.s32 $0x108;
	s8 =	sld [smem:$0x3FB2]  }
0x2e: {  	s3 =	simm.s32 @!p0 $0x1082;
	s9 =	sld [smem:$0x3FB3]  }
0x2f: {  	lr =	sadd.s32 s0, s3;
	s0 =	sld [smem:$0x3FAA]  }
0x30: {  	s3 =	sld [smem:$0x3FAD]  }
0x31: {  	[smem:$0x3FB6] =	sst s10  }
0x32: {  	s10 =	sld [smem:$0x3FB4];
	_ =	sdelay $0x3  }
0x33: {  	p0 =	seq.s32 s10, $0x1;
	s10 =	sld [smem:$0x3FB6];
	_ =	sdelay $0x3  }
0x34: {  	[smem:$0x3FB6] =	sst s10  }
0x35: {  	s10 =	sld [smem:$0x3FB5];
	_ =	sdelay $0x3  }
0x36: {  	p1 =	seq.s32 s10, $0x1;
	s10 =	sld [smem:$0x3FB6];
	_ =	sdelay $0x3  }
0x37: {  	[smem:$0x3FB6] =	sst s10  }
0x38: {  	s10 =	sld [smem:$0x3FB7]  }
0x39: {  	_ = 	snop;
	(pc) =	sbr.ind lr, $3  }
0x3a: {  	_ = 	snop  }
0x3b: {  	_ = 	snop  }
0x3c: {  	p2 =	seq.s32 s10, $0x1;
	s10 =	sld [smem:$0x3FB6]  }
0x3d: {  	_ =	shalt  }
0x3e: {  	_ =	shalt  }
0x3f: {  	_ =	shalt  }
0x40: {  	_ =	shalt  }
0x41: {  	_ =	shalt  }
0x42: {  	_ =	shalt  }
0x43: {  	_ =	shalt  }
0x44: {  	_ =	shalt  }
0x45: {  	_ =	shalt  }
0x46: {  	_ =	shalt  }
0x47: {  	_ =	shalt  }
0x48: {  	_ =	shalt  }
0x49: {  	_ =	shalt  }
0x4a: {  	_ =	shalt  }
0x4b: {  	_ =	shalt  }
0x4c: {  	_ =	shalt  }
0x4d: {  	_ =	shalt  }
0x4e: {  	_ =	shalt  }
0x4f: {  	_ =	shalt  }
0x50: {  	_ =	shalt  }
0x51: {  	_ =	shalt  }
0x52: {  	_ =	shalt  }
0x53: {  	_ =	shalt  }
0x54: {  	_ =	shalt  }
0x55: {  	_ =	shalt  }
0x56: {  	_ =	shalt  }
0x57: {  	_ =	shalt  }
0x58: {  	_ =	shalt  }
0x59: {  	_ =	shalt  }
0x5a: {  	_ =	shalt  }
0x5b: {  	_ =	shalt  }
0x5c: {  	_ =	shalt  }
0x5d: {  	_ =	shalt  }
0x5e: {  	_ =	shalt  }
0x5f: {  	_ =	shalt  }
0x60: {  	_ =	shalt  }
0x61: {  	_ =	shalt  }
0x62: {  	_ =	shalt  }
0x63: {  	_ =	shalt  }
0x64: {  	_ =	shalt  }
0x65: {  	_ =	shalt  }
0x66: {  	_ =	shalt  }
0x67: {  	_ =	shalt  }
0x68: {  	_ =	shalt  }
0x69: {  	_ =	shalt  }
0x6a: {  	_ =	shalt  }
0x6b: {  	_ =	shalt  }
0x6c: {  	_ =	shalt  }
0x6d: {  	_ =	shalt  }
0x6e: {  	_ =	shalt  }
0x6f: {  	_ =	shalt  }
0x70: {  	_ =	shalt  }
0x71: {  	_ =	shalt  }
0x72: {  	_ =	shalt  }
0x73: {  	_ =	shalt  }
0x74: {  	_ =	shalt  }
0x75: {  	_ =	shalt  }
0x76: {  	_ =	shalt  }
0x77: {  	_ =	shalt  }
0x78: {  	_ =	shalt  }
0x79: {  	_ =	shalt  }
0x7a: {  	_ =	shalt  }
0x7b: {  	_ =	shalt  }
0x7c: {  	_ =	shalt  }
0x7d: {  	_ =	shalt  }
0x7e: {  	_ =	shalt  }
0x7f: {  	_ =	shalt  }
0x80: {  	_ =	shalt  }
0x81: {  	_ =	shalt  }
0x82: {  	_ =	shalt  }
0x83: {  	_ =	shalt  }
0x84: {  	_ =	shalt  }
0x85: {  	_ =	shalt  }
0x86: {  	_ =	shalt  }
0x87: {  	_ =	shalt  }
.Lfunc_end0:
.L_simem_size_0:
called_computation_lowered:
.L_overlay_start_0:
0x88: {  	s2 =	sld [smem:$0x3FD9]  }
0x89: {  	s3 =	sld [smem:$0x3FFE];
	_ =	sdelay $0x1  }
0x8a: {  	s1 =	srdreg.scid  }
0x8b: {  	s0 =	sand.u32 $0x1, s1  }
0x8c: {  	s16 =	sshll.u32 s0, $0xA;
	s2 =	sadd.s32 s3, s2  }
0x8d: {  	s2 =	sadd.s32 s2, s16  }
0x8e: {  	[smem:$0x3FC2] =	sst s2  }
0x8f: {  	_ = 	snop  }
0x90: {  	(tm) =	ssettm $0x1  }
0x91: {  	s17 =	sld [smem:$0x3FFB];
	_ =	sdelay $0x3  }
0x92: {  	_ =	strace s17  }
0x93: {  	s2 =	sld [smem:$0x3FFC];
	_ =	sdelay $0x3  }
0x94: {  	_ =	strace s2  }
0x95: {  	s2 =	sld [smem:$0x3FFD];
	_ =	sdelay $0x3  }
0x96: {  	_ =	strace s2  }
0x97: {  	_ =	strace $0x8FFFFFFF  }
0x98: {  	s18 =	sld [smem:$0x3FDB];
	_ =	sdelay $0x1  }
0x99: {  	s19 =	simm.s32 $_scs_section_size  }
0x9a: {  	s4 =	simm.s32 $_size__tile_overlayer_lowered;
	s5 =	simm.s32 $_tile_overlayer_lowered  }
0x9b: {  	s22 =	simm.s32 $0x1BFF;
	s21 =	sshll.u32 s5, $0x1;
	s2 =	sadd.s32 s19, s18  }
0x9c: {  	s6 =	simm.s32 $0x0;
	s20 =	sshll.u32 s4, $0x1;
	s4 =	sadd.s32 s21, s2  }
0x9d: {  	[timem:s6], [sflag:s22] =	dma.local [hbm:s4], s20  }
0x9e: {  	_ =	swait.ge [sflag:s22], s20  }
0x9f: {  	s3 =	ssub.s32 $0x0, s20;
	[sflag:s22] =	ssyncset.done $0x0  }
0xa0: {  	[sflag:s22] =	ssyncadd.s32 s3;
	_ =	sdelay $0x1  }
0xa1: {  	s23 =	simm.s32 $0x1B8B  }
0xa2: {  	_ =	swait.ge [sflag:s23], $0x1  }
0xa3: {  	[sflag:s23] =	ssyncset.done $0x0  }
0xa4: {  	s25 =	simm.s32 $0x1B8E;
	s24 =	sld [smem:$0x3FFE];
	[sflag:s23] =	ssyncadd.s32 $0xFFFFFFFF  }
0xa5: {  	s26 =	simm.s32 $execute0_lowered;
	[smem:$0x3FD2] =	sst s25  }
0xa6: {  	s4 =	sshll.u32 s26, $0x1;
	_ =	strace $0x80000046;
	[dreg:$0x1] =	wrdreg $0xFFFFFFFF  }
0xa7: {  	s28 =	simm.s32 $_size_execute0_lowered;
	s2 =	sadd.s32 s2, s4;
	[dreg:$0x0] =	wrdreg $0x0  }
0xa8: {  	s4 =	sshll.u32 s28, $0x1;
	[dreg:$0x2] =	wrdreg s2  }
0xa9: {  	[dreg:$0x3] =	wrdreg s4  }
0xaa: {  	[dreg:$0x4] =	wrdreg $0xC0  }
0xab: {  	_ =	task [dreg:s6], $0x5FFFF  }
0xac: {  	[dreg:$0x1] =	wrdreg $0xFFFFFFFF  }
0xad: {  	[dreg:$0x0] =	wrdreg $0x60  }
0xae: {  	[dreg:$0x2] =	wrdreg s24  }
0xaf: {  	[dreg:$0x3] =	wrdreg $0x9  }
0xb0: {  	_ =	task.clear_ibuf [dreg:s6], $0x4FFFF;
	_ =	strace $0x90000046  }
0xb1: {  	s29 =	simm.s32 $0x9;
	_ =	strace $0x80000048  }
0xb2: {  	_ =	swait.ge [sflag:s29], $0x1  }
0xb3: {  	[sflag:s29] =	ssyncadd.s32 $0xFFFFFFFF  }
0xb4: {  	_ =	strace $0x90000048  }
0xb5: {  	_ =	sfence  }
0xb6: {  	s30 =	sld [smem:$0x0];
	_ =	sdelay $0x2  }
0xb7: {  	s31 =	sshll.u32 s1, $0xD;
	s1 =	sshrl.u32 s1, $0x2  }
0xb8: {  	s3 =	sand.u32 $0x4000, s31;
	s1 =	sadd.s32 s1, s30  }
0xb9: {  	s0 =	sor.u32 s3, s0;
	s1 =	sshll.u32 s1, $0x11  }
0xba: {  	s0 =	sor.u32 s1, s0  }
0xbb: {  	s0 =	sadd.s32 $0x8F2B, s0  }
0xbc: {  	[sflag:s0] =	ssyncadd.remote.s32 $0x1  }
0xbd: {  	_ =	sfence.sel $0xFFFF  }
0xbe: {  	[dreg:$0x0] =	wrdreg $0xFFFFFFFF;
	(pc) =	sbr.abs _section_cstart, $3  }
0xbf: {  	[dreg:$0x1] =	wrdreg $0xFFFFFFFF  }
0xc0: {  	_ =	task.clear_ibuf [dreg:s6], $0x2FFFF;
	_ =	strace $0x9FFFFFFF  }
0xc1: {  	(tm) =	ssettm $0x7FFFFFFF  }
tec
execute0_lowered:
.L_overlay_start_1:
0x0: {  	(tag) =	ssettag $0x1  }
0x1: {  	s0 =	srdreg.scid  }
0x2: {  	s4 =	rddreg [dreg:$0x0];
	s2 =	simm.s32 $0x0;
	s10 =	simm.s32 $0x2780  }
0x3: {  	s11 =	simm.s32 $0x4F00;
	s12 =	simm.s32 $0x7700;
	s3 =	sand.u32 $0x1, s0  }
0x4: {  	s13 =	simm.s32 $0x0;
	s0 =	stileid.u32;
	s6 =	smul.u32 $0x50000, s3  }
0x5: {  	[smem:$0x7FF] =	sst s2;
	s1 =	sshll.u32 s3, $0x4;
	s7 =	smul.u32 $0x5000, s0  }
0x6: {  	s31 =	ssub.s32 $0x2, s3;
	s3 =	sadd.s32 $0x17C00, s4;
	s1 =	sor.u32 s0, s1  }
0x7: {  	s8 =	sshrl.u32 s31, $0x1;
	s5 =	smul.u32 $0x4E2, s1;
	s1 =	rddreg [dreg:$0x1]  }
0x8: {  	_ =	strace $0x80000047;
	s6 =	sadd.s32 s7, s6;
	s8 =	ssub.s32 s31, s8  }
0x9: {  	s6 =	sshrl.u32 s6, $0x3;
	s8 =	smax.u32 s8, $0x1;
	s5 =	sadd.s32 s5, s4  }
0xa: {  	s9 =	sadd.s32 s6, s4;
	s4 =	sadd.s32 $0x4000, s5;
	s5 =	sadd.s32 $0xDE00, s5  }
0xb: {  	v0 =	vimm.f32 $1.000000000e+00;
	s6 =	sadd.s32 $0x3EE00, s9;
	s7 =	sadd.s32 $0x3F300, s9;
	s9 =	simm.s32 $0x1  }
.LBB2_1:
0xc: {  	[tilespmem:s2], [sflag:$0x1] =	stream.linear.gather [hbm4b:s4+s2], $0x2710, $0x38;
	[tilespmem:$0x9F00] =	vst v63  }
0xd: {  	_ =	swait.ge [sflag:s9], $0x2710  }
0xe: {  	[sflag:s9] =	ssyncset.done $0x0  }
0xf: {  	[sflag:s9] =	ssyncadd.s32 $0xFFFFD8F0  }
0x10: {  	[tilespmem:s10], [sflag:$0x1] =	stream.linear.gather [hbm4b:s5+s2], $0x2710, $0x38;
	[tilespmem:$0x9F00] =	vst v63  }
0x11: {  	_ =	swait.ge [sflag:s9], $0x2710  }
0x12: {  	[sflag:s9] =	ssyncset.done $0x0  }
0x13: {  	[sflag:s9] =	ssyncadd.s32 $0xFFFFD8F0  }
0x14: {  	[tilespmem:s11], [sflag:$0x1] =	stream.linear.gather [hbm4b:s3+s2], $0x2800, $0x38;
	[tilespmem:$0x9F00] =	vst v63  }
0x15: {  	_ =	swait.ge [sflag:s9], $0x2800  }
0x16: {  	[sflag:s9] =	ssyncset.done $0x0  }
0x17: {  	[sflag:s9] =	ssyncadd.s32 $0xFFFFD800  }
0x18: {  	[tilespmem:s12], [sflag:$0x1] =	stream.linear.gather [hbm4b:s3+s2], $0x2800, $0x38;
	[tilespmem:$0x9F00] =	vst v63  }
0x19: {  	_ =	swait.ge [sflag:s9], $0x2800  }
0x1a: {  	[sflag:s9] =	ssyncset.done $0x0  }
0x1b: {  	s15 =	simm.s32 $0x0;
	s14 =	simm.s32 $0x40;
	[sflag:s9] =	ssyncadd.s32 $0xFFFFD800  }
.LBB2_2:
0x1c: {  	p0 =	sne.s32 s14, $0x9C00;
	v1 =	vld [tilespmem:s15+$0x0];
	_ =	sdelay $0x7  }
0x1d: {  	[tilespmem:v1+s11+$0x0] =	vst.idx.add.f32.msk $0xffff, v0  }
0x1e: {  	v1 =	vld [tilespmem:s15+$0x2780];
	_ =	sdelay $0x3  }
.Ltmp0:
0x1f: {  	(pc) =	sbr.rel @p0 .LBB2_2-.Ltmp0, $2  }
0x20: {  	_ =	sdelay $0x2  }
0x21: {  	s15 =	sshra.s32 s14, $0x2;
	s14 =	sadd.s32 $0x40, s14;
	[tilespmem:v1+s12+$0x0] =	vst.idx.add.f32.msk $0xffff, v0  }
0x22: {  	v1 =	vld [tilespmem:s15+$0x0];
	_ =	sdelay $0x7  }
0x23: {  	[tilespmem:v1+s11+$0x0] =	vst.idx.add.f32.msk $0xffff, v0  }
0x24: {  	v1 =	vld [tilespmem:s15+$0x2780];
	_ =	sdelay $0x7  }
0x25: {  	[tilespmem:v1+s12+$0x0] =	vst.idx.add.f32.msk $0xffff, v0  }
0x26: {  	[hbm4b:s6+s2] =	stream.linear.scatter [tilespmem:s11], [sflag:$0x1], $0x2800, $0x38;
	[tilespmem:$0x9F00] =	vst v63  }
0x27: {  	s13 =	sadd.s32 $0x1, s13;
	_ =	swait.ge [sflag:s9], $0x2800  }
0x28: {  	p0 =	sne.s32 s13, s8;
	[sflag:s9] =	ssyncset.done $0x0  }
.Ltmp1:
0x29: {  	[sflag:s9] =	ssyncadd.s32 $0xFFFFD800;
	(pc) =	sbr.rel @p0 .LBB2_1-.Ltmp1, $4  }
0x2a: {  	[hbm4b:s7+s2] =	stream.linear.scatter [tilespmem:s12], [sflag:$0x1], $0x2800, $0x38;
	[tilespmem:$0x9F00] =	vst v63  }
0x2b: {  	_ =	swait.ge [sflag:s9], $0x2800  }
0x2c: {  	[sflag:s9] =	ssyncset.done $0x0  }
0x2d: {  	[sflag:s9] =	ssyncadd.s32 $0xFFFFD800  }
0x2e: {  	_ =	sfence.sel $0x180000  }
0x2f: {  	[bflag:$0x0] =	sbarrier.arrive $0xFFFF  }
0x30: {  	p0 =	sne.s32 s0, $0x0;
	_ =	strace $0x90000047  }
0x31: {  	s0 =	sadd.s32 @!p0 $0x100000, s1;
	[bflag:$0x2] =	sbarrier.arrive $0xFFFF  }
0x32: {  	[sflag:s0] =	ssyncadd.tile.s32 @!p0 $0x1;
	_ =	shalt  }
.Lfunc_end2:
_tile_overlayer_lowered:
.L_overlay_start_2:
0x33: {  	(tag) =	ssettag $0x2  }
0x34: {  	s0 =	rddreg [dreg:$0x0];
	s2 =	stileid.u32  }
0x35: {  	s1 =	rddreg [dreg:$0x1];
	p0 =	sne.s32 s2, $0x0  }
0x36: {  	s3 =	rddreg [dreg:$0x2];
	[bflag:$0x3] =	sbarrier.arrive $0xFFFF;
	s2 =	simm.s32 @!p0 $0x1C01  }
0x37: {  	[timem:s3], [sflag:s2] =	dma.local @!p0 [hbm:s0], s1  }
0x38: {  	s0 =	simm.s32 @!p0 $0x1  }
0x39: {  	_ =	swait.ge @!p0 [sflag:s0], s1  }
0x3a: {  	s1 =	ssub.s32 @!p0 $0x0, s1;
	[sflag:s0] =	ssyncset.done @!p0 $0x0  }
0x3b: {  	[sflag:s0] =	ssyncadd.s32 @!p0 s1  }
0x3c: {  	[bflag:$0x3] =	sbarrier.arrive $0xFFFF  }
0x3d: {  	_ =	shalt  }

// kernel: kernel.17.cloned.1.call-start
scs
__scs_entry_jumppad:
0x0: {  	(pc) =	sbr.rel $0x88, $3  }
0x1: {  	(tag) =	ssettag $0x0;
	lr =	simm.s32 $0x1  }
0x2: {  	[smem:$0x3F9B] =	sst lr;
	_ =	strace $0xD0000000  }
0x3: {  	_ = 	snop  }
0x4: {  	_ = 	snop  }
0x5: {  	_ = 	snop  }
0x6: {  	_ = 	snop  }
0x7: {  	_ = 	snop  }
__scs_overlays_trampoline_lowered:
0x8: {  	[smem:$0x3FAA] =	sst s0  }
0x9: {  	[smem:$0x3FAB] =	sst s1  }
0xa: {  	[smem:$0x3FAC] =	sst s2  }
0xb: {  	[smem:$0x3FAD] =	sst s3  }
0xc: {  	[smem:$0x3FAE] =	sst s4  }
0xd: {  	[smem:$0x3FAF] =	sst s5  }
0xe: {  	[smem:$0x3FB0] =	sst s6  }
0xf: {  	[smem:$0x3FB1] =	sst s7  }
0x10: {  	[smem:$0x3FB2] =	sst s8  }
0x11: {  	[smem:$0x3FB3] =	sst s9;
	s0 =	simm.s32 @!p0 $0x0  }
0x12: {  	s1 =	sld [smem:$0x3F99];
	s0 =	simm.s32 @p0 $0x1  }
0x13: {  	[smem:$0x3FB4] =	sst s0;
	s0 =	simm.s32 @!p1 $0x0  }
0x14: {  	s2 =	sld [smem:$0x3F98];
	s0 =	simm.s32 @p1 $0x1  }
0x15: {  	[smem:$0x3FB5] =	sst s0;
	s0 =	simm.s32 @!p2 $0x0  }
0x16: {  	s3 =	sld [smem:$0x3FDB];
	s0 =	simm.s32 @p2 $0x1  }
0x17: {  	s4 =	simm.s32 $0x1BF5;
	[smem:$0x3FB7] =	sst s0  }
0x18: {  	s0 =	sld [smem:$0x3F9A];
	_ =	swait.ge [sflag:s4], $0x0  }
0x19: {  	s7 =	sld [smem:$0x3F9B]  }
0x1a: {  	s8 =	sadd.s32 $0xFFFFE003, lr  }
0x1b: {  	s9 =	sadd.s32 $0xFFFFFEF7, lr;
	s5 =	simm.s32 $0xFFFFFFFF;
	p2 =	slt.u32 s8, $0xFFFFF086  }
0x1c: {  	p1 =	slt.u32 s9, $0xF7A;
	s5 =	simm.s32 @!p2 $0x0  }
0x1d: {  	s5 =	simm.s32 @p1 $0x1;
	p0 =	seq.s32 s7, s2  }
0x1e: {  	s7 =	smul.u32 @!p0 $0xF7A, s2;
	p2 =	seq.s32 @!p0 s5, $0x0  }
0x1f: {  	s9 =	smul.u32 $0xF7A, s1;
	s8 =	simm.s32 @!p0 $0x1BF5;
	p2 =	por !p2, p0  }
0x20: {  	[sflag:s8] =	ssyncset.s32 @!p0 $0xFFFFF086;
	s6 =	sadd.s32 @!p0 s3, s7;
	s7 =	simm.s32 @!p0 $0x108  }
0x21: {  	s3 =	sadd.s32 s3, s9;
	s6 =	sadd.s32 @!p0 $0x88, s6;
	s7 =	simm.s32 @p2 $0x1082  }
0x22: {  	[simem:s7], [sflag:s8] =	dma.local @!p0 [hbm:s6], $0xF7A  }
0x23: {  	s9 =	sor.u32 $0xD0000000, s2;
	s6 =	simm.s32 $0x108;
	_ =	swait.ge @!p0 [sflag:s8], $0x0  }
0x24: {  	s3 =	sadd.s32 $0x88, s3;
	s6 =	simm.s32 @!p1 $0x1082;
	[sflag:s4] =	ssyncset.s32 $0xFFFFF086  }
0x25: {  	[simem:s6], [sflag:s4] =	dma.local [hbm:s3], $0xF7A  }
0x26: {  	[smem:$0x3F9B] =	sst s1;
	(tag) =	ssettag s2;
	_ =	strace s9  }
0x27: {  	s1 =	sld [smem:$0x3FAB]  }
0x28: {  	s2 =	sld [smem:$0x3FAC]  }
0x29: {  	s4 =	sld [smem:$0x3FAE]  }
0x2a: {  	p0 =	seq.s32 s5, $0x0;
	s5 =	sld [smem:$0x3FAF]  }
0x2b: {  	s6 =	sld [smem:$0x3FB0]  }
0x2c: {  	s7 =	sld [smem:$0x3FB1]  }
0x2d: {  	s3 =	simm.s32 $0x108;
	s8 =	sld [smem:$0x3FB2]  }
0x2e: {  	s3 =	simm.s32 @!p0 $0x1082;
	s9 =	sld [smem:$0x3FB3]  }
0x2f: {  	lr =	sadd.s32 s0, s3;
	s0 =	sld [smem:$0x3FAA]  }
0x30: {  	s3 =	sld [smem:$0x3FAD]  }
0x31: {  	[smem:$0x3FB6] =	sst s10  }
0x32: {  	s10 =	sld [smem:$0x3FB4];
	_ =	sdelay $0x3  }
0x33: {  	p0 =	seq.s32 s10, $0x1;
	s10 =	sld [smem:$0x3FB6];
	_ =	sdelay $0x3  }
0x34: {  	[smem:$0x3FB6] =	sst s10  }
0x35: {  	s10 =	sld [smem:$0x3FB5];
	_ =	sdelay $0x3  }
0x36: {  	p1 =	seq.s32 s10, $0x1;
	s10 =	sld [smem:$0x3FB6];
	_ =	sdelay $0x3  }
0x37: {  	[smem:$0x3FB6] =	sst s10  }
0x38: {  	s10 =	sld [smem:$0x3FB7]  }
0x39: {  	_ = 	snop;
	(pc) =	sbr.ind lr, $3  }
0x3a: {  	_ = 	snop  }
0x3b: {  	_ = 	snop  }
0x3c: {  	p2 =	seq.s32 s10, $0x1;
	s10 =	sld [smem:$0x3FB6]  }
0x3d: {  	_ =	shalt  }
0x3e: {  	_ =	shalt  }
0x3f: {  	_ =	shalt  }
0x40: {  	_ =	shalt  }
0x41: {  	_ =	shalt  }
0x42: {  	_ =	shalt  }
0x43: {  	_ =	shalt  }
0x44: {  	_ =	shalt  }
0x45: {  	_ =	shalt  }
0x46: {  	_ =	shalt  }
0x47: {  	_ =	shalt  }
0x48: {  	_ =	shalt  }
0x49: {  	_ =	shalt  }
0x4a: {  	_ =	shalt  }
0x4b: {  	_ =	shalt  }
0x4c: {  	_ =	shalt  }
0x4d: {  	_ =	shalt  }
0x4e: {  	_ =	shalt  }
0x4f: {  	_ =	shalt  }
0x50: {  	_ =	shalt  }
0x51: {  	_ =	shalt  }
0x52: {  	_ =	shalt  }
0x53: {  	_ =	shalt  }
0x54: {  	_ =	shalt  }
0x55: {  	_ =	shalt  }
0x56: {  	_ =	shalt  }
0x57: {  	_ =	shalt  }
0x58: {  	_ =	shalt  }
0x59: {  	_ =	shalt  }
0x5a: {  	_ =	shalt  }
0x5b: {  	_ =	shalt  }
0x5c: {  	_ =	shalt  }
0x5d: {  	_ =	shalt  }
0x5e: {  	_ =	shalt  }
0x5f: {  	_ =	shalt  }
0x60: {  	_ =	shalt  }
0x61: {  	_ =	shalt  }
0x62: {  	_ =	shalt  }
0x63: {  	_ =	shalt  }
0x64: {  	_ =	shalt  }
0x65: {  	_ =	shalt  }
0x66: {  	_ =	shalt  }
0x67: {  	_ =	shalt  }
0x68: {  	_ =	shalt  }
0x69: {  	_ =	shalt  }
0x6a: {  	_ =	shalt  }
0x6b: {  	_ =	shalt  }
0x6c: {  	_ =	shalt  }
0x6d: {  	_ =	shalt  }
0x6e: {  	_ =	shalt  }
0x6f: {  	_ =	shalt  }
0x70: {  	_ =	shalt  }
0x71: {  	_ =	shalt  }
0x72: {  	_ =	shalt  }
0x73: {  	_ =	shalt  }
0x74: {  	_ =	shalt  }
0x75: {  	_ =	shalt  }
0x76: {  	_ =	shalt  }
0x77: {  	_ =	shalt  }
0x78: {  	_ =	shalt  }
0x79: {  	_ =	shalt  }
0x7a: {  	_ =	shalt  }
0x7b: {  	_ =	shalt  }
0x7c: {  	_ =	shalt  }
0x7d: {  	_ =	shalt  }
0x7e: {  	_ =	shalt  }
0x7f: {  	_ =	shalt  }
0x80: {  	_ =	shalt  }
0x81: {  	_ =	shalt  }
0x82: {  	_ =	shalt  }
0x83: {  	_ =	shalt  }
0x84: {  	_ =	shalt  }
0x85: {  	_ =	shalt  }
0x86: {  	_ =	shalt  }
0x87: {  	_ =	shalt  }
.Lfunc_end0:
.L_simem_size_0:
called_computation.1_lowered:
.L_overlay_start_0:
0x88: {  	s2 =	sld [smem:$0x3FD9]  }
0x89: {  	s3 =	sld [smem:$0x3FFE];
	_ =	sdelay $0x1  }
0x8a: {  	s1 =	srdreg.scid  }
0x8b: {  	s0 =	sand.u32 $0x1, s1  }
0x8c: {  	s17 =	sshll.u32 s0, $0xA;
	s2 =	sadd.s32 s3, s2  }
0x8d: {  	s2 =	sadd.s32 s2, s17  }
0x8e: {  	[smem:$0x3FC2] =	sst s2  }
0x8f: {  	_ = 	snop  }
0x90: {  	s18 =	sld [smem:$0x3FD0];
	(tm) =	ssettm $0x1  }
0x91: {  	s19 =	sld [smem:$0x3FFB];
	_ =	sdelay $0x3  }
0x92: {  	_ =	strace s19  }
0x93: {  	s2 =	sld [smem:$0x3FFC];
	_ =	sdelay $0x3  }
0x94: {  	_ =	strace s2  }
0x95: {  	s2 =	sld [smem:$0x3FFD];
	_ =	sdelay $0x3  }
0x96: {  	_ =	strace s2  }
0x97: {  	_ =	strace $0x8FFFFFFF  }
0x98: {  	s20 =	sld [smem:$0x3FDB];
	_ =	sdelay $0x1  }
0x99: {  	s4 =	simm.s32 $_scs_section_size  }
0x9a: {  	s5 =	simm.s32 $_size__tile_overlayer_lowered;
	s6 =	simm.s32 $_tile_overlayer_lowered  }
0x9b: {  	s7 =	simm.s32 $0x1BFF;
	s21 =	sshll.u32 s6, $0x1;
	s4 =	sadd.s32 s4, s20  }
0x9c: {  	s22 =	simm.s32 $0x0;
	s5 =	sshll.u32 s5, $0x1;
	s6 =	sadd.s32 s21, s4  }
0x9d: {  	[timem:s22], [sflag:s7] =	dma.local [hbm:s6], s5  }
0x9e: {  	_ =	swait.ge [sflag:s7], s5  }
0x9f: {  	s5 =	ssub.s32 $0x0, s5;
	[sflag:s7] =	ssyncset.done $0x0  }
0xa0: {  	[sflag:s7] =	ssyncadd.s32 s5;
	_ =	sdelay $0x1  }
0xa1: {  	s23 =	simm.s32 $0x1B8B  }
0xa2: {  	_ =	swait.ge [sflag:s23], $0x1  }
0xa3: {  	[sflag:s23] =	ssyncset.done $0x0  }
0xa4: {  	[sflag:s23] =	ssyncadd.s32 $0xFFFFFFFF  }
0xa5: {  	s5 =	sld [smem:$0x0]  }
0xa6: {  	s6 =	sand.u32 $0xFFFFFFFE, s1  }
0xa7: {  	p0 =	sne.s32 s1, s6  }
0xa8: {  	s6 =	sshll.u32 @p0 s6, $0xE  }
0xa9: {  	s6 =	sadd.s32 @p0 $0x11B8D, s6;
	s7 =	sshll.u32 @p0 s5, $0x11  }
0xaa: {  	s6 =	sor.u32 @p0 s7, s6  }
0xab: {  	[sflag:s6] =	ssyncadd.remote.s32 @p0 $0x1;
	_ =	sdelay $0x1  }
0xac: {  	s6 =	simm.s32 @p0 $0x1B8D  }
0xad: {  	_ =	swait.eq @p0 [sflag:s6], $0x1  }
0xae: {  	[sflag:s6] =	ssyncadd.s32 @p0 $0xFFFFFFFF  }
0xaf: {  	s7 =	sshll.u32 @!p0 s1, $0xE  }
0xb0: {  	s7 =	sor.u32 @!p0 $0x4000, s7;
	s6 =	simm.s32 @!p0 $0x1B8D  }
0xb1: {  	s5 =	sshll.u32 @!p0 s5, $0x11;
	s7 =	sadd.s32 @!p0 $0x11B8D, s7;
	_ =	swait.eq @!p0 [sflag:s6], $0x1  }
0xb2: {  	s5 =	sor.u32 @!p0 s5, s7;
	[sflag:s6] =	ssyncadd.s32 @!p0 $0xFFFFFFFF  }
0xb3: {  	s25 =	simm.s32 $0x1B8E;
	s24 =	sld [smem:$0x3FFE];
	[sflag:s5] =	ssyncadd.remote.s32 @!p0 $0x1  }
0xb4: {  	s26 =	simm.s32 $execute0_lowered;
	[smem:$0x3FD2] =	sst s25  }
0xb5: {  	s6 =	sshll.u32 s26, $0x1;
	_ =	strace $0x80000049;
	[dreg:$0x1] =	wrdreg $0xFFFFFFFF  }
0xb6: {  	s28 =	simm.s32 $_size_execute0_lowered;
	s4 =	sadd.s32 s4, s6;
	[dreg:$0x0] =	wrdreg $0x0  }
0xb7: {  	s6 =	sshll.u32 s28, $0x1;
	[dreg:$0x2] =	wrdreg s4  }
0xb8: {  	[dreg:$0x3] =	wrdreg s6  }
0xb9: {  	[dreg:$0x4] =	wrdreg $0xC0  }
0xba: {  	_ =	task [dreg:s22], $0x5FFFF  }
0xbb: {  	[dreg:$0x1] =	wrdreg $0xFFFFFFFF  }
0xbc: {  	[dreg:$0x0] =	wrdreg $0x60  }
0xbd: {  	[dreg:$0x2] =	wrdreg s18  }
0xbe: {  	[dreg:$0x3] =	wrdreg s24  }
0xbf: {  	[dreg:$0x4] =	wrdreg $0x0  }
0xc0: {  	[dreg:$0x5] =	wrdreg $0xA  }
0xc1: {  	_ =	task.clear_ibuf [dreg:s22], $0x6FFFF;
	_ =	strace $0x90000049  }
0xc2: {  	s29 =	simm.s32 $0xA;
	_ =	strace $0x8000004B  }
0xc3: {  	_ =	swait.ge [sflag:s29], $0x1  }
0xc4: {  	[sflag:s29] =	ssyncadd.s32 $0xFFFFFFFF  }
0xc5: {  	_ =	strace $0x9000004B  }
0xc6: {  	_ =	sfence  }
0xc7: {  	s30 =	sld [smem:$0x0];
	_ =	sdelay $0x2  }
0xc8: {  	s31 =	sshll.u32 s1, $0xD;
	s1 =	sshrl.u32 s1, $0x2  }
0xc9: {  	s4 =	sand.u32 $0x4000, s31;
	s1 =	sadd.s32 s1, s30  }
0xca: {  	s0 =	sor.u32 s4, s0;
	s1 =	sshll.u32 s1, $0x11  }
0xcb: {  	s0 =	sor.u32 s1, s0  }
0xcc: {  	s0 =	sadd.s32 $0x8F2B, s0  }
0xcd: {  	[sflag:s0] =	ssyncadd.remote.s32 $0x1  }
0xce: {  	_ =	sfence.sel $0xFFFF  }
0xcf: {  	[dreg:$0x0] =	wrdreg $0xFFFFFFFF;
	(pc) =	sbr.abs _section_cstart, $3  }
0xd0: {  	[dreg:$0x1] =	wrdreg $0xFFFFFFFF  }
0xd1: {  	_ =	task.clear_ibuf [dreg:s22], $0x2FFFF;
	_ =	strace $0x9FFFFFFF  }
0xd2: {  	(tm) =	ssettm $0x7FFFFFFF  }
0xd3: {  	_ =	shalt  }
tec
execute0_lowered:
.L_overlay_start_1:
0x0: {  	(tag) =	ssettag $0x1  }
0x1: {  	s0 =	rddreg [dreg:$0x0]  }
0x2: {  	s1 =	srdreg.scid;
	s5 =	rddreg [dreg:$0x1]  }
0x3: {  	s6 =	stileid.u32;
	s2 =	rddreg [dreg:$0x2];
	s28 =	simm.s32 $0x16180  }
0x4: {  	s29 =	simm.s32 $0x16080;
	s31 =	simm.s32 $0x19580;
	s9 =	smul.u32 $0x13800, s6  }
0x5: {  	s30 =	simm.s32 $0x1C980;
	s1 =	sand.u32 $0x1, s1;
	s14 =	smul.u32 $0x4E000, s6  }
0x6: {  	s15 =	sadd.s32 $0x52E00, s5;
	s24 =	sshll.u32 s6, $0x6;
	s17 =	smul.u32 $0x2710, s6  }
0x7: {  	p0 =	sne.s32 s6, $0x0;
	s3 =	sshll.u32 s1, $0x4;
	s11 =	ssub.s32 $0x2, s1  }
0x8: {  	s26 =	sor.u32 $0x1C04, s24;
	s4 =	sor.u32 s6, s3;
	s3 =	simm.s32 $0x0  }
0x9: {  	s12 =	sshrl.u32 s9, $0x3;
	s13 =	sshrl.u32 s11, $0x1;
	s23 =	sshrl.u32 s14, $0x2  }
0xa: {  	s6 =	simm.s32 $0x8;
	s7 =	smul.u32 $0x2710, s4;
	[smem:$0x7FF] =	sst s3  }
0xb: {  	s4 =	sadd.s32 $0xDE00, s5;
	s12 =	sadd.s32 s12, s5;
	s11 =	ssub.s32 s11, s13  }
0xc: {  	s13 =	smul.u32 $0x138800, s1;
	_ =	strace $0x8000004A;
	[dreg:$0x5] =	wrdreg s24  }
0xd: {  	s1 =	smul.u32 $0x27100, s1;
	s25 =	sadd.s32 $0x17C00, s12;
	[dreg:$0x8] =	wrdreg s26  }
0xe: {  	s12 =	sadd.s32 $0x138000, s2;
	s8 =	sshrl.u32 s7, $0x3;
	[dreg:$0x7] =	wrdreg s25  }
0xf: {  	[dreg:$0x9] =	wrdreg s12;
	s7 =	sadd.s32 $0x68, s7;
	s18 =	sadd.s32 s9, s13  }
0x10: {  	s19 =	sshrl.u32 s13, $0x3;
	s1 =	sadd.s32 s17, s1;
	s25 =	smax.u32 s11, $0x1  }
0x11: {  	s9 =	simm.s32 $0x6;
	s11 =	simm.s32 $0x9;
	s10 =	sadd.s32 s8, s5  }
0x12: {  	s5 =	sadd.s32 $0x3EC00, s5;
	s14 =	sshrl.u32 s7, $0x3;
	s16 =	sadd.s32 s4, s8  }
0x13: {  	s21 =	sadd.s32 s15, s19;
	s22 =	sadd.s32 $0x208, s1;
	[dreg:$0x11] =	wrdreg s25  }
0x14: {  	s24 =	sadd.s32 $0x1A0, s1;
	s1 =	sadd.s32 $0x138, s1;
	[dreg:$0xa] =	wrdreg s5  }
0x15: {  	s25 =	simm.s32 $0x16000;
	s10 =	sadd.s32 $0x4000, s10;
	[dreg:$0xb] =	wrdreg s16  }
0x16: {  	s5 =	sadd.s32 s4, s14;
	s8 =	sadd.s32 $0x1A, s16;
	[dreg:$0x14] =	wrdreg s1  }
0x17: {  	s7 =	sadd.s32 $0x4E0, s16;
	s26 =	sshrl.u32 s24, $0x3;
	[dreg:$0x4] =	wrdreg s10  }
0x18: {  	s24 =	simm.s32 $0x4;
	s1 =	simm.s32 $0x16100;
	[dreg:$0xc] =	wrdreg s5  }
0x19: {  	s14 =	simm.s32 $0xA;
	s16 =	simm.s32 $0x0;
	[dreg:$0xd] =	wrdreg s8  }
0x1a: {  	s10 =	sadd.s32 s23, s2;
	[dreg:$0xe] =	wrdreg s7;
	s7 =	sshrl.u32 s18, $0x3  }
0x1b: {  	s5 =	sadd.s32 $0x27000, s21;
	s23 =	sshrl.u32 s22, $0x3;
	s8 =	simm.s32 $0x3  }
.Ltmp0:
0x1c: {  	[dreg:$0x6] =	wrdreg s10;
	s20 =	sadd.s32 s15, s7;
	(pc) =	sbr.rel .LBB2_1-.Ltmp0, $4  }
0x1d: {  	[dreg:$0x10] =	wrdreg s5;
	s5 =	sadd.s32 s23, s4;
	s23 =	simm.s32 $0x1  }
0x1e: {  	s7 =	simm.s32 $0x5;
	s10 =	simm.s32 $0x7;
	[dreg:$0xf] =	wrdreg s20  }
0x1f: {  	s15 =	simm.s32 $0x10;
	[dreg:$0x12] =	wrdreg s5;
	s5 =	sadd.s32 s26, s4  }
0x20: {  	s26 =	simm.s32 $0x68;
	[dreg:$0x13] =	wrdreg s5;
	s5 =	simm.s32 $0x2  }
.LBB2_4:
0x21: {  	_ =	swait.ge [sflag:s6], $0x3400  }
0x22: {  	[sflag:s6] =	ssyncset.done $0x0  }
0x23: {  	[sflag:s6] =	ssyncadd.s32 $0xFFFFCC00  }
0x24: {  	_ =	swait.ge [sflag:s11], $0x3400  }
0x25: {  	[sflag:s11] =	ssyncset.done $0x0  }
0x26: {  	s18 =	simm.s32 $0x1FD80;
	s13 =	rddreg [dreg:$0xe];
	[sflag:s11] =	ssyncadd.s32 $0xFFFFCC00  }
0x27: {  	[tilespmem:s18], [sflag:$0xA] =	stream.linear.gather [hbm4b:s13+s3], $0x10, $0x38;
	[tilespmem:$0x1FE00] =	vst v63  }
0x28: {  	_ =	swait.ge [sflag:s14], $0x10  }
0x29: {  	[sflag:s14] =	ssyncset.done $0x0  }
0x2a: {  	s19 =	simm.s32 $0x15F80;
	[sflag:s14] =	ssyncadd.s32 $0xFFFFFFF0  }
0x2b: {  	[tilespmem:s28], [sflag:$0x4] =	stream.indirect.gather [hbm4b:s0+s15], $0x80, s19, s15, $0xb8;
	[tilespmem:$0x1FE00] =	vst v63  }
0x2c: {  	_ =	swait.ge [sflag:s24], $0x800  }
0x2d: {  	[sflag:s24] =	ssyncset.done $0x0  }
0x2e: {  	[sflag:s24] =	ssyncadd.s32 $0xFFFFF800  }
0x2f: {  	[spmem:s2] =	stream.indirect.scatter.add.f32 [tilespmem:s28], [sflag:$0xA], $0x80, s18, s15, $0xb8;
	[tilespmem:$0x1FE00] =	vst v63  }
0x30: {  	_ =	swait.ge [sflag:s14], $0x800  }
0x31: {  	[sflag:s14] =	ssyncset.done $0x0  }
0x32: {  	[sflag:s14] =	ssyncadd.s32 $0xFFFFF800  }
0x33: {  	[bflag:$0x0] =	sbarrier.arrive $0xFFFF  }
0x34: {  	s20 =	rddreg [dreg:$0x5]  }
0x35: {  	s21 =	rddreg [dreg:$0xf];
	s13 =	sor.u32 $0x1C0A, s20  }
0x36: {  	[hbm:s21], [sflag:s13] =	dma.local [spmem:s17], $0x2700  }
0x37: {  	_ =	swait.ge [sflag:s14], $0x2700  }
0x38: {  	[sflag:s14] =	ssyncset.done $0x0  }
0x39: {  	s17 =	rddreg [dreg:$0x10];
	[sflag:s14] =	ssyncadd.s32 $0xFFFFD900  }
0x3a: {  	[hbm:s17], [sflag:s13] =	dma.local @!p0 [spmem:s12], $0x100  }
0x3b: {  	s12 =	simm.s32 @!p0 $0xA  }
0x3c: {  	_ =	swait.ge @!p0 [sflag:s12], $0x100  }
0x3d: {  	s16 =	sadd.s32 $0x1, s16;
	s22 =	rddreg [dreg:$0x11]  }
0x3e: {  	p1 =	sne.s32 s16, s22  }
.Ltmp1:
0x3f: {  	_ = 	snop;
	(pc) =	sbr.rel @!p1 .LBB2_5-.Ltmp1, $3  }
0x40: {  	_ =	sdelay $0x1  }
0x41: {  	[sflag:s12] =	ssyncset.done @!p0 $0x0  }
0x42: {  	[sflag:s12] =	ssyncadd.s32 @!p0 $0xFFFFFF00  }
.LBB2_1:
0x43: {  	s12 =	rddreg [dreg:$0x4]  }
0x44: {  	s20 =	rddreg [dreg:$0x6]  }
0x45: {  	s18 =	simm.s32 $0x13880;
	s21 =	rddreg [dreg:$0x7]  }
0x46: {  	[tilespmem:s18], [sflag:$0x1] =	stream.linear.gather [hbm4b:s12+s3], $0x2710, $0x38;
	[tilespmem:$0x1FE00] =	vst v63  }
0x47: {  	s13 =	rddreg [dreg:$0x8];
	s17 =	sshrl.u32 s20, $0x3  }
0x48: {  	[spmem:s17], [sflag:s13] =	dma.local [hbm:s21], $0x2700  }
0x49: {  	s12 =	rddreg [dreg:$0x9]  }
0x4a: {  	s19 =	simm.s32 @!p0 $0x1C05;
	s13 =	rddreg [dreg:$0xa];
	s12 =	sshrl.u32 @!p0 s12, $0x3  }
0x4b: {  	[spmem:s12], [sflag:s19] =	dma.local @!p0 [hbm:s13], $0x100  }
0x4c: {  	s19 =	simm.s32 @!p0 $0x5  }
0x4d: {  	_ =	swait.ge @!p0 [sflag:s19], $0x100  }
0x4e: {  	[sflag:s19] =	ssyncset.done @!p0 $0x0  }
0x4f: {  	[sflag:s19] =	ssyncadd.s32 @!p0 $0xFFFFFF00  }
0x50: {  	_ =	swait.ge [sflag:s23], $0x2710  }
0x51: {  	[sflag:s23] =	ssyncset.done $0x0  }
0x52: {  	[sflag:s23] =	ssyncadd.s32 $0xFFFFD8F0  }
0x53: {  	_ =	swait.ge [sflag:s24], $0x2700  }
0x54: {  	[sflag:s24] =	ssyncset.done $0x0  }
0x55: {  	[sflag:s24] =	ssyncadd.s32 $0xFFFFD900  }
0x56: {  	[bflag:$0x0] =	sbarrier.arrive $0xFFFF  }
0x57: {  	s22 =	rddreg [dreg:$0xb]  }
0x58: {  	[tilespmem:s25], [sflag:$0x1] =	stream.linear.gather [hbm4b:s22+s3], $0x68, $0x38;
	[tilespmem:$0x1FE00] =	vst v63  }
0x59: {  	_ = 	snop  }
0x5a: {  	[tilespmem:s28], [sflag:$0x4] =	stream.indirect.gather [hbm4b:s0+s26], $0x80, s18, s26, $0xb8;
	[tilespmem:$0x1FE00] =	vst v63  }
0x5b: {  	s19 =	rddreg [dreg:$0xc]  }
0x5c: {  	[tilespmem:s29], [sflag:$0x2] =	stream.linear.gather [hbm4b:s19+s3], $0x68, $0x38;
	[tilespmem:$0x1FE00] =	vst v63  }
0x5d: {  	s20 =	simm.s32 $0x138E8;
	s21 =	rddreg [dreg:$0xd]  }
0x5e: {  	[tilespmem:s31], [sflag:$0x5] =	stream.indirect.gather [hbm4b:s0+s26], $0x80, s20, s26, $0xb8;
	[tilespmem:$0x1FE00] =	vst v63  }
0x5f: {  	s19 =	rddreg [dreg:$0x12]  }
0x60: {  	[tilespmem:s1], [sflag:$0x3] =	stream.linear.gather [hbm4b:s21+s3], $0x68, $0x38;
	[tilespmem:$0x1FE00] =	vst v63  }
0x61: {  	s22 =	simm.s32 $0x13950;
	s20 =	rddreg [dreg:$0x13]  }
0x62: {  	[tilespmem:s30], [sflag:$0x6] =	stream.indirect.gather [hbm4b:s0+s26], $0x80, s22, s26, $0xb8;
	[tilespmem:$0x1FE00] =	vst v63  }
0x63: {  	s21 =	rddreg [dreg:$0x14];
	s22 =	simm.s32 $0x0  }
.LBB2_2:
0x64: {  	_ =	swait.ge [sflag:s23], $0x68  }
0x65: {  	[sflag:s23] =	ssyncset.done $0x0  }
0x66: {  	[sflag:s23] =	ssyncadd.s32 $0xFFFFFF98  }
0x67: {  	_ =	swait.ge [sflag:s24], $0x3400  }
0x68: {  	[sflag:s24] =	ssyncset.done $0x0  }
0x69: {  	[sflag:s24] =	ssyncadd.s32 $0xFFFFCC00  }
0x6a: {  	[spmem:s2] =	stream.indirect.scatter.add.f32 [tilespmem:s28], [sflag:$0x7], $0x80, s25, s26, $0xb8;
	[tilespmem:$0x1FE00] =	vst v63  }
0x6b: {  	_ =	swait.ge [sflag:s5], $0x68  }
0x6c: {  	[sflag:s5] =	ssyncset.done $0x0  }
0x6d: {  	[sflag:s5] =	ssyncadd.s32 $0xFFFFFF98  }
0x6e: {  	_ =	swait.ge [sflag:s7], $0x3400  }
0x6f: {  	[sflag:s7] =	ssyncset.done $0x0  }
0x70: {  	[sflag:s7] =	ssyncadd.s32 $0xFFFFCC00  }
0x71: {  	[spmem:s2] =	stream.indirect.scatter.add.f32 [tilespmem:s31], [sflag:$0x8], $0x80, s29, s26, $0xb8;
	[tilespmem:$0x1FE00] =	vst v63  }
0x72: {  	_ =	swait.ge [sflag:s8], $0x68  }
0x73: {  	[sflag:s8] =	ssyncset.done $0x0  }
0x74: {  	[sflag:s8] =	ssyncadd.s32 $0xFFFFFF98  }
0x75: {  	_ =	swait.ge [sflag:s9], $0x3400  }
0x76: {  	p1 =	seq.s32 s22, $0x9720;
	[sflag:s9] =	ssyncset.done $0x0  }
.Ltmp2:
0x77: {  	[sflag:s9] =	ssyncadd.s32 $0xFFFFCC00;
	(pc) =	sbr.rel @p1 .LBB2_4-.Ltmp2, $4  }
0x78: {  	[spmem:s2] =	stream.indirect.scatter.add.f32 [tilespmem:s30], [sflag:$0x9], $0x80, s1, s26, $0xb8;
	[tilespmem:$0x1FE00] =	vst v63  }
0x79: {  	_ =	swait.ge [sflag:s10], $0x3400  }
0x7a: {  	[sflag:s10] =	ssyncset.done $0x0  }
0x7b: {  	[sflag:s10] =	ssyncadd.s32 $0xFFFFCC00  }
0x7c: {  	s18 =	sshrl.u32 s21, $0x3  }
0x7d: {  	s18 =	sadd.s32 s4, s18  }
0x7e: {  	[tilespmem:s25], [sflag:$0x1] =	stream.linear.gather [hbm4b:s18+s3], $0x68, $0x38;
	[tilespmem:$0x1FE00] =	vst v63  }
0x7f: {  	s18 =	sshra.s32 s22, $0x2  }
0x80: {  	s13 =	sadd.s32 $0x139B8, s18  }
0x81: {  	[tilespmem:s28], [sflag:$0x4] =	stream.indirect.gather [hbm4b:s0+s26], $0x80, s13, s26, $0xb8;
	[tilespmem:$0x1FE00] =	vst v63  }
0x82: {  	_ =	swait.ge [sflag:s6], $0x3400  }
0x83: {  	[sflag:s6] =	ssyncset.done $0x0  }
0x84: {  	[sflag:s6] =	ssyncadd.s32 $0xFFFFCC00  }
0x85: {  	[tilespmem:s29], [sflag:$0x2] =	stream.linear.gather [hbm4b:s20+s3], $0x68, $0x38;
	[tilespmem:$0x1FE00] =	vst v63  }
0x86: {  	s13 =	sadd.s32 $0x13A20, s18  }
0x87: {  	[tilespmem:s31], [sflag:$0x5] =	stream.indirect.gather [hbm4b:s0+s26], $0x80, s13, s26, $0xb8;
	[tilespmem:$0x1FE00] =	vst v63  }
0x88: {  	_ =	swait.ge [sflag:s11], $0x3400  }
.Ltmp3:
0x89: {  	[sflag:s11] =	ssyncset.done $0x0;
	(pc) =	sbr.rel .LBB2_2-.Ltmp3, $4  }
0x8a: {  	s21 =	sadd.s32 $0x138, s21;
	s22 =	sadd.s32 $0x4E0, s22;
	[sflag:s11] =	ssyncadd.s32 $0xFFFFCC00  }
0x8b: {  	[tilespmem:s1], [sflag:$0x3] =	stream.linear.gather [hbm4b:s19+s3], $0x68, $0x38;
	[tilespmem:$0x1FE00] =	vst v63  }
0x8c: {  	s18 =	sadd.s32 $0x13A88, s18;
	s20 =	sadd.s32 $0x27, s20;
	s19 =	sadd.s32 $0x27, s19  }
0x8d: {  	[tilespmem:s30], [sflag:$0x6] =	stream.indirect.gather [hbm4b:s0+s26], $0x80, s18, s26, $0xb8;
	[tilespmem:$0x1FE00] =	vst v63  }
.LBB2_5:
0x8e: {  	_ =	sfence.sel $0x180000  }
0x8f: {  	[bflag:$0x0] =	sbarrier.arrive $0xFFFF  }
0x90: {  	_ =	strace $0x9000004A  }
0x91: {  	[bflag:$0x2] =	sbarrier.arrive $0xFFFF  }
0x92: {  	s0 =	rddreg [dreg:$0x3]  }
0x93: {  	s0 =	sadd.s32 @!p0 $0x100000, s0  }
0x94: {  	[sflag:s0] =	ssyncadd.tile.s32 @!p0 $0x1;
	_ =	shalt  }
.Lfunc_end2:
_tile_overlayer_lowered:
.L_overlay_start_2:
0x95: {  	(tag) =	ssettag $0x2  }
0x96: {  	s0 =	rddreg [dreg:$0x0];
	s2 =	stileid.u32  }
0x97: {  	s1 =	rddreg [dreg:$0x1];
	p0 =	sne.s32 s2, $0x0  }
0x98: {  	s3 =	rddreg [dreg:$0x2];
	[bflag:$0x3] =	sbarrier.arrive $0xFFFF;
	s2 =	simm.s32 @!p0 $0x1C0A  }
0x99: {  	[timem:s3], [sflag:s2] =	dma.local @!p0 [hbm:s0], s1  }
0x9a: {  	s0 =	simm.s32 @!p0 $0xA  }
0x9b: {  	_ =	swait.ge @!p0 [sflag:s0], s1  }
0x9c: {  	s1 =	ssub.s32 @!p0 $0x0, s1;
	[sflag:s0] =	ssyncset.done @!p0 $0x0  }
0x9d: {  	[sflag:s0] =	ssyncadd.s32 @!p0 s1  }
0x9e: {  	[bflag:$0x3] =	sbarrier.arrive $0xFFFF  }
0x9f: {  	_ =	shalt  }

// kernel: kernel.20.cloned.1.call-start
scs
__scs_entry_jumppad:
0x0: {  	(pc) =	sbr.rel $0x88, $3  }
0x1: {  	(tag) =	ssettag $0x0;
	lr =	simm.s32 $0x1  }
0x2: {  	[smem:$0x3F9B] =	sst lr;
	_ =	strace $0xD0000000  }
0x3: {  	_ = 	snop  }
0x4: {  	_ = 	snop  }
0x5: {  	_ = 	snop  }
0x6: {  	_ = 	snop  }
0x7: {  	_ = 	snop  }
__scs_overlays_trampoline_lowered:
0x8: {  	[smem:$0x3FAA] =	sst s0  }
0x9: {  	[smem:$0x3FAB] =	sst s1  }
0xa: {  	[smem:$0x3FAC] =	sst s2  }
0xb: {  	[smem:$0x3FAD] =	sst s3  }
0xc: {  	[smem:$0x3FAE] =	sst s4  }
0xd: {  	[smem:$0x3FAF] =	sst s5  }
0xe: {  	[smem:$0x3FB0] =	sst s6  }
0xf: {  	[smem:$0x3FB1] =	sst s7  }
0x10: {  	[smem:$0x3FB2] =	sst s8  }
0x11: {  	[smem:$0x3FB3] =	sst s9;
	s0 =	simm.s32 @!p0 $0x0  }
0x12: {  	s1 =	sld [smem:$0x3F99];
	s0 =	simm.s32 @p0 $0x1  }
0x13: {  	[smem:$0x3FB4] =	sst s0;
	s0 =	simm.s32 @!p1 $0x0  }
0x14: {  	s2 =	sld [smem:$0x3F98];
	s0 =	simm.s32 @p1 $0x1  }
0x15: {  	[smem:$0x3FB5] =	sst s0;
	s0 =	simm.s32 @!p2 $0x0  }
0x16: {  	s3 =	sld [smem:$0x3FDB];
	s0 =	simm.s32 @p2 $0x1  }
0x17: {  	s4 =	simm.s32 $0x1BF5;
	[smem:$0x3FB7] =	sst s0  }
0x18: {  	s0 =	sld [smem:$0x3F9A];
	_ =	swait.ge [sflag:s4], $0x0  }
0x19: {  	s7 =	sld [smem:$0x3F9B]  }
0x1a: {  	s8 =	sadd.s32 $0xFFFFE003, lr  }
0x1b: {  	s9 =	sadd.s32 $0xFFFFFEF7, lr;
	s5 =	simm.s32 $0xFFFFFFFF;
	p2 =	slt.u32 s8, $0xFFFFF086  }
0x1c: {  	p1 =	slt.u32 s9, $0xF7A;
	s5 =	simm.s32 @!p2 $0x0  }
0x1d: {  	s5 =	simm.s32 @p1 $0x1;
	p0 =	seq.s32 s7, s2  }
0x1e: {  	s7 =	smul.u32 @!p0 $0xF7A, s2;
	p2 =	seq.s32 @!p0 s5, $0x0  }
0x1f: {  	s9 =	smul.u32 $0xF7A, s1;
	s8 =	simm.s32 @!p0 $0x1BF5;
	p2 =	por !p2, p0  }
0x20: {  	[sflag:s8] =	ssyncset.s32 @!p0 $0xFFFFF086;
	s6 =	sadd.s32 @!p0 s3, s7;
	s7 =	simm.s32 @!p0 $0x108  }
0x21: {  	s3 =	sadd.s32 s3, s9;
	s6 =	sadd.s32 @!p0 $0x88, s6;
	s7 =	simm.s32 @p2 $0x1082  }
0x22: {  	[simem:s7], [sflag:s8] =	dma.local @!p0 [hbm:s6], $0xF7A  }
0x23: {  	s9 =	sor.u32 $0xD0000000, s2;
	s6 =	simm.s32 $0x108;
	_ =	swait.ge @!p0 [sflag:s8], $0x0  }
0x24: {  	s3 =	sadd.s32 $0x88, s3;
	s6 =	simm.s32 @!p1 $0x1082;
	[sflag:s4] =	ssyncset.s32 $0xFFFFF086  }
0x25: {  	[simem:s6], [sflag:s4] =	dma.local [hbm:s3], $0xF7A  }
0x26: {  	[smem:$0x3F9B] =	sst s1;
	(tag) =	ssettag s2;
	_ =	strace s9  }
0x27: {  	s1 =	sld [smem:$0x3FAB]  }
0x28: {  	s2 =	sld [smem:$0x3FAC]  }
0x29: {  	s4 =	sld [smem:$0x3FAE]  }
0x2a: {  	p0 =	seq.s32 s5, $0x0;
	s5 =	sld [smem:$0x3FAF]  }
0x2b: {  	s6 =	sld [smem:$0x3FB0]  }
0x2c: {  	s7 =	sld [smem:$0x3FB1]  }
0x2d: {  	s3 =	simm.s32 $0x108;
	s8 =	sld [smem:$0x3FB2]  }
0x2e: {  	s3 =	simm.s32 @!p0 $0x1082;
	s9 =	sld [smem:$0x3FB3]  }
0x2f: {  	lr =	sadd.s32 s0, s3;
	s0 =	sld [smem:$0x3FAA]  }
0x30: {  	s3 =	sld [smem:$0x3FAD]  }
0x31: {  	[smem:$0x3FB6] =	sst s10  }
0x32: {  	s10 =	sld [smem:$0x3FB4];
	_ =	sdelay $0x3  }
0x33: {  	p0 =	seq.s32 s10, $0x1;
	s10 =	sld [smem:$0x3FB6];
	_ =	sdelay $0x3  }
0x34: {  	[smem:$0x3FB6] =	sst s10  }
0x35: {  	s10 =	sld [smem:$0x3FB5];
	_ =	sdelay $0x3  }
0x36: {  	p1 =	seq.s32 s10, $0x1;
	s10 =	sld [smem:$0x3FB6];
	_ =	sdelay $0x3  }
0x37: {  	[smem:$0x3FB6] =	sst s10  }
0x38: {  	s10 =	sld [smem:$0x3FB7]  }
0x39: {  	_ = 	snop;
	(pc) =	sbr.ind lr, $3  }
0x3a: {  	_ = 	snop  }
0x3b: {  	_ = 	snop  }
0x3c: {  	p2 =	seq.s32 s10, $0x1;
	s10 =	sld [smem:$0x3FB6]  }
0x3d: {  	_ =	shalt  }
0x3e: {  	_ =	shalt  }
0x3f: {  	_ =	shalt  }
0x40: {  	_ =	shalt  }
0x41: {  	_ =	shalt  }
0x42: {  	_ =	shalt  }
0x43: {  	_ =	shalt  }
0x44: {  	_ =	shalt  }
0x45: {  	_ =	shalt  }
0x46: {  	_ =	shalt  }
0x47: {  	_ =	shalt  }
0x48: {  	_ =	shalt  }
0x49: {  	_ =	shalt  }
0x4a: {  	_ =	shalt  }
0x4b: {  	_ =	shalt  }
0x4c: {  	_ =	shalt  }
0x4d: {  	_ =	shalt  }
0x4e: {  	_ =	shalt  }
0x4f: {  	_ =	shalt  }
0x50: {  	_ =	shalt  }
0x51: {  	_ =	shalt  }
0x52: {  	_ =	shalt  }
0x53: {  	_ =	shalt  }
0x54: {  	_ =	shalt  }
0x55: {  	_ =	shalt  }
0x56: {  	_ =	shalt  }
0x57: {  	_ =	shalt  }
0x58: {  	_ =	shalt  }
0x59: {  	_ =	shalt  }
0x5a: {  	_ =	shalt  }
0x5b: {  	_ =	shalt  }
0x5c: {  	_ =	shalt  }
0x5d: {  	_ =	shalt  }
0x5e: {  	_ =	shalt  }
0x5f: {  	_ =	shalt  }
0x60: {  	_ =	shalt  }
0x61: {  	_ =	shalt  }
0x62: {  	_ =	shalt  }
0x63: {  	_ =	shalt  }
0x64: {  	_ =	shalt  }
0x65: {  	_ =	shalt  }
0x66: {  	_ =	shalt  }
0x67: {  	_ =	shalt  }
0x68: {  	_ =	shalt  }
0x69: {  	_ =	shalt  }
0x6a: {  	_ =	shalt  }
0x6b: {  	_ =	shalt  }
0x6c: {  	_ =	shalt  }
0x6d: {  	_ =	shalt  }
0x6e: {  	_ =	shalt  }
0x6f: {  	_ =	shalt  }
0x70: {  	_ =	shalt  }
0x71: {  	_ =	shalt  }
0x72: {  	_ =	shalt  }
0x73: {  	_ =	shalt  }
0x74: {  	_ =	shalt  }
0x75: {  	_ =	shalt  }
0x76: {  	_ =	shalt  }
0x77: {  	_ =	shalt  }
0x78: {  	_ =	shalt  }
0x79: {  	_ =	shalt  }
0x7a: {  	_ =	shalt  }
0x7b: {  	_ =	shalt  }
0x7c: {  	_ =	shalt  }
0x7d: {  	_ =	shalt  }
0x7e: {  	_ =	shalt  }
0x7f: {  	_ =	shalt  }
0x80: {  	_ =	shalt  }
0x81: {  	_ =	shalt  }
0x82: {  	_ =	shalt  }
0x83: {  	_ =	shalt  }
0x84: {  	_ =	shalt  }
0x85: {  	_ =	shalt  }
0x86: {  	_ =	shalt  }
0x87: {  	_ =	shalt  }
.Lfunc_end0:
.L_simem_size_0:
called_computation.2_lowered:
.L_overlay_start_0:
0x88: {  	s2 =	sld [smem:$0x3FD9]  }
0x89: {  	s3 =	sld [smem:$0x3FFE];
	_ =	sdelay $0x1  }
0x8a: {  	s1 =	srdreg.scid  }
0x8b: {  	s0 =	sand.u32 $0x1, s1  }
0x8c: {  	s17 =	sshll.u32 s0, $0xA;
	s2 =	sadd.s32 s3, s2  }
0x8d: {  	s2 =	sadd.s32 s2, s17  }
0x8e: {  	[smem:$0x3FC2] =	sst s2  }
0x8f: {  	_ = 	snop  }
0x90: {  	s2 =	sld [smem:$0x3FD0];
	(tm) =	ssettm $0x1  }
0x91: {  	s18 =	sld [smem:$0x3FFB];
	_ =	sdelay $0x3  }
0x92: {  	_ =	strace s18  }
0x93: {  	s3 =	sld [smem:$0x3FFC];
	_ =	sdelay $0x3  }
0x94: {  	_ =	strace s3  }
0x95: {  	s3 =	sld [smem:$0x3FFD];
	_ =	sdelay $0x3  }
0x96: {  	_ =	strace s3  }
0x97: {  	_ =	strace $0x8FFFFFFF  }
0x98: {  	s19 =	sld [smem:$0x3FDB];
	_ =	sdelay $0x1  }
0x99: {  	s4 =	simm.s32 $_scs_section_size  }
0x9a: {  	s5 =	simm.s32 $_size__tile_overlayer_lowered;
	s6 =	simm.s32 $_tile_overlayer_lowered  }
0x9b: {  	s22 =	simm.s32 $0x1BFF;
	s21 =	sshll.u32 s6, $0x1;
	s3 =	sadd.s32 s4, s19  }
0x9c: {  	s7 =	simm.s32 $0x0;
	s20 =	sshll.u32 s5, $0x1;
	s5 =	sadd.s32 s21, s3  }
0x9d: {  	[timem:s7], [sflag:s22] =	dma.local [hbm:s5], s20  }
0x9e: {  	_ =	swait.ge [sflag:s22], s20  }
0x9f: {  	s4 =	ssub.s32 $0x0, s20;
	[sflag:s22] =	ssyncset.done $0x0  }
0xa0: {  	[sflag:s22] =	ssyncadd.s32 s4;
	_ =	sdelay $0x1  }
0xa1: {  	s23 =	simm.s32 $0x1B8B  }
0xa2: {  	_ =	swait.ge [sflag:s23], $0x1  }
0xa3: {  	[sflag:s23] =	ssyncset.done $0x0  }
0xa4: {  	s25 =	simm.s32 $0x1B8E;
	s24 =	sld [smem:$0x3FFE];
	[sflag:s23] =	ssyncadd.s32 $0xFFFFFFFF  }
0xa5: {  	s26 =	simm.s32 $execute0_lowered;
	[smem:$0x3FD2] =	sst s25  }
0xa6: {  	s5 =	sshll.u32 s26, $0x1;
	_ =	strace $0x8000004C;
	[dreg:$0x1] =	wrdreg $0xFFFFFFFF  }
0xa7: {  	s28 =	simm.s32 $_size_execute0_lowered;
	s3 =	sadd.s32 s3, s5;
	[dreg:$0x0] =	wrdreg $0x0  }
0xa8: {  	s5 =	sshll.u32 s28, $0x1;
	[dreg:$0x2] =	wrdreg s3  }
0xa9: {  	[dreg:$0x3] =	wrdreg s5  }
0xaa: {  	[dreg:$0x4] =	wrdreg $0xC0  }
0xab: {  	_ =	task [dreg:s7], $0x5FFFF  }
0xac: {  	[dreg:$0x1] =	wrdreg $0xFFFFFFFF  }
0xad: {  	[dreg:$0x0] =	wrdreg $0x60  }
0xae: {  	[dreg:$0x2] =	wrdreg s2  }
0xaf: {  	[dreg:$0x3] =	wrdreg s24  }
0xb0: {  	[dreg:$0x4] =	wrdreg $0x0  }
0xb1: {  	[dreg:$0x5] =	wrdreg $0x9  }
0xb2: {  	_ =	task.clear_ibuf [dreg:s7], $0x6FFFF;
	_ =	strace $0x9000004C  }
0xb3: {  	s29 =	simm.s32 $0x9;
	_ =	strace $0x8000004E  }
0xb4: {  	_ =	swait.ge [sflag:s29], $0x1  }
0xb5: {  	[sflag:s29] =	ssyncadd.s32 $0xFFFFFFFF  }
0xb6: {  	_ =	strace $0x9000004E  }
0xb7: {  	_ =	sfence  }
0xb8: {  	s30 =	sld [smem:$0x0];
	_ =	sdelay $0x2  }
0xb9: {  	s31 =	sshll.u32 s1, $0xD;
	s1 =	sshrl.u32 s1, $0x2  }
0xba: {  	s3 =	sand.u32 $0x4000, s31;
	s1 =	sadd.s32 s1, s30  }
0xbb: {  	s0 =	sor.u32 s3, s0;
	s1 =	sshll.u32 s1, $0x11  }
0xbc: {  	s0 =	sor.u32 s1, s0  }
0xbd: {  	s0 =	sadd.s32 $0x8F2B, s0  }
0xbe: {  	[sflag:s0] =	ssyncadd.remote.s32 $0x1  }
0xbf: {  	_ =	sfence.sel $0xFFFF  }
0xc0: {  	[dreg:$0x0] =	wrdreg $0xFFFFFFFF;
	(pc) =	sbr.abs _section_cstart, $3  }
0xc1: {  	[dreg:$0x1] =	wrdreg $0xFFFFFFFF  }
0xc2: {  	_ =	task.clear_ibuf [dreg:s7], $0x2FFFF;
	_ =	strace $0x9FFFFFFF  }
0xc3: {  	(tm) =	ssettm $0x7FFFFFFF  }
tec
execute0_lowered:
.L_overlay_start_1:
0x0: {  	(tag) =	ssettag $0x1  }
0x1: {  	s0 =	rddreg [dreg:$0x0]  }
0x2: {  	s1 =	srdreg.scid;
	s5 =	rddreg [dreg:$0x1]  }
0x3: {  	s6 =	stileid.u32;
	s2 =	rddreg [dreg:$0x2];
	s28 =	simm.s32 $0x16180  }
0x4: {  	s29 =	simm.s32 $0x16080;
	s31 =	simm.s32 $0x19580;
	s9 =	smul.u32 $0x13800, s6  }
0x5: {  	s30 =	simm.s32 $0x1C980;
	s1 =	sand.u32 $0x1, s1;
	s14 =	smul.u32 $0x4E000, s6  }
0x6: {  	s15 =	sadd.s32 $0x3EE00, s5;
	s24 =	sshll.u32 s6, $0x6;
	s17 =	smul.u32 $0x2710, s6  }
0x7: {  	p0 =	sne.s32 s6, $0x0;
	s3 =	sshll.u32 s1, $0x4;
	s11 =	ssub.s32 $0x2, s1  }
0x8: {  	s26 =	sor.u32 $0x1C04, s24;
	s4 =	sor.u32 s6, s3;
	s3 =	simm.s32 $0x0  }
0x9: {  	s12 =	sshrl.u32 s9, $0x3;
	s13 =	sshrl.u32 s11, $0x1;
	s23 =	sshrl.u32 s14, $0x2  }
0xa: {  	s6 =	simm.s32 $0x8;
	s7 =	smul.u32 $0x2710, s4;
	[smem:$0x7FF] =	sst s3  }
0xb: {  	s4 =	sadd.s32 $0x4000, s5;
	s12 =	sadd.s32 s12, s5;
	s11 =	ssub.s32 s11, s13  }
0xc: {  	s13 =	smul.u32 $0x138800, s1;
	_ =	strace $0x8000004D;
	[dreg:$0x5] =	wrdreg s24  }
0xd: {  	s1 =	smul.u32 $0x27100, s1;
	s25 =	sadd.s32 $0x17C00, s12;
	[dreg:$0x8] =	wrdreg s26  }
0xe: {  	s12 =	sadd.s32 $0x138000, s2;
	s8 =	sshrl.u32 s7, $0x3;
	[dreg:$0x7] =	wrdreg s25  }
0xf: {  	[dreg:$0x9] =	wrdreg s12;
	s7 =	sadd.s32 $0x68, s7;
	s18 =	sadd.s32 s9, s13  }
0x10: {  	s19 =	sshrl.u32 s13, $0x3;
	s1 =	sadd.s32 s17, s1;
	s25 =	smax.u32 s11, $0x1  }
0x11: {  	s9 =	simm.s32 $0x6;
	s11 =	simm.s32 $0x9;
	s10 =	sadd.s32 s8, s5  }
0x12: {  	s5 =	sadd.s32 $0x3EC00, s5;
	s14 =	sshrl.u32 s7, $0x3;
	s16 =	sadd.s32 s4, s8  }
0x13: {  	s21 =	sadd.s32 s15, s19;
	s22 =	sadd.s32 $0x208, s1;
	[dreg:$0x11] =	wrdreg s25  }
0x14: {  	s24 =	sadd.s32 $0x1A0, s1;
	s1 =	sadd.s32 $0x138, s1;
	[dreg:$0xa] =	wrdreg s5  }
0x15: {  	s25 =	simm.s32 $0x16000;
	s10 =	sadd.s32 $0xDE00, s10;
	[dreg:$0xb] =	wrdreg s16  }
0x16: {  	s5 =	sadd.s32 s4, s14;
	s8 =	sadd.s32 $0x1A, s16;
	[dreg:$0x14] =	wrdreg s1  }
0x17: {  	s7 =	sadd.s32 $0x4E0, s16;
	s26 =	sshrl.u32 s24, $0x3;
	[dreg:$0x4] =	wrdreg s10  }
0x18: {  	s24 =	simm.s32 $0x4;
	s1 =	simm.s32 $0x16100;
	[dreg:$0xc] =	wrdreg s5  }
0x19: {  	s14 =	simm.s32 $0xA;
	s16 =	simm.s32 $0x0;
	[dreg:$0xd] =	wrdreg s8  }
0x1a: {  	s10 =	sadd.s32 s23, s2;
	[dreg:$0xe] =	wrdreg s7;
	s7 =	sshrl.u32 s18, $0x3  }
0x1b: {  	s5 =	sadd.s32 $0x27000, s21;
	s23 =	sshrl.u32 s22, $0x3;
	s8 =	simm.s32 $0x3  }
.Ltmp0:
0x1c: {  	[dreg:$0x6] =	wrdreg s10;
	s20 =	sadd.s32 s15, s7;
	(pc) =	sbr.rel .LBB2_1-.Ltmp0, $4  }
0x1d: {  	[dreg:$0x10] =	wrdreg s5;
	s5 =	sadd.s32 s23, s4;
	s23 =	simm.s32 $0x1  }
0x1e: {  	s7 =	simm.s32 $0x5;
	s10 =	simm.s32 $0x7;
	[dreg:$0xf] =	wrdreg s20  }
0x1f: {  	s15 =	simm.s32 $0x10;
	[dreg:$0x12] =	wrdreg s5;
	s5 =	sadd.s32 s26, s4  }
0x20: {  	s26 =	simm.s32 $0x68;
	[dreg:$0x13] =	wrdreg s5;
	s5 =	simm.s32 $0x2  }
.LBB2_4:
0x21: {  	_ =	swait.ge [sflag:s6], $0x3400  }
0x22: {  	[sflag:s6] =	ssyncset.done $0x0  }
0x23: {  	[sflag:s6] =	ssyncadd.s32 $0xFFFFCC00  }
0x24: {  	_ =	swait.ge [sflag:s11], $0x3400  }
0x25: {  	[sflag:s11] =	ssyncset.done $0x0  }
0x26: {  	s18 =	simm.s32 $0x1FD80;
	s13 =	rddreg [dreg:$0xe];
	[sflag:s11] =	ssyncadd.s32 $0xFFFFCC00  }
0x27: {  	[tilespmem:s18], [sflag:$0xA] =	stream.linear.gather [hbm4b:s13+s3], $0x10, $0x38;
	[tilespmem:$0x1FE00] =	vst v63  }
0x28: {  	_ =	swait.ge [sflag:s14], $0x10  }
0x29: {  	[sflag:s14] =	ssyncset.done $0x0  }
0x2a: {  	s19 =	simm.s32 $0x15F80;
	[sflag:s14] =	ssyncadd.s32 $0xFFFFFFF0  }
0x2b: {  	[tilespmem:s28], [sflag:$0x4] =	stream.indirect.gather [hbm4b:s0+s15], $0x80, s19, s15, $0xb8;
	[tilespmem:$0x1FE00] =	vst v63  }
0x2c: {  	_ =	swait.ge [sflag:s24], $0x800  }
0x2d: {  	[sflag:s24] =	ssyncset.done $0x0  }
0x2e: {  	[sflag:s24] =	ssyncadd.s32 $0xFFFFF800  }
0x2f: {  	[spmem:s2] =	stream.indirect.scatter.add.f32 [tilespmem:s28], [sflag:$0xA], $0x80, s18, s15, $0xb8;
	[tilespmem:$0x1FE00] =	vst v63  }
0x30: {  	_ =	swait.ge [sflag:s14], $0x800  }
0x31: {  	[sflag:s14] =	ssyncset.done $0x0  }
0x32: {  	[sflag:s14] =	ssyncadd.s32 $0xFFFFF800  }
0x33: {  	[bflag:$0x0] =	sbarrier.arrive $0xFFFF  }
0x34: {  	s20 =	rddreg [dreg:$0x5]  }
0x35: {  	s21 =	rddreg [dreg:$0xf];
	s13 =	sor.u32 $0x1C0A, s20  }
0x36: {  	[hbm:s21], [sflag:s13] =	dma.local [spmem:s17], $0x2700  }
0x37: {  	_ =	swait.ge [sflag:s14], $0x2700  }
0x38: {  	[sflag:s14] =	ssyncset.done $0x0  }
0x39: {  	s17 =	rddreg [dreg:$0x10];
	[sflag:s14] =	ssyncadd.s32 $0xFFFFD900  }
0x3a: {  	[hbm:s17], [sflag:s13] =	dma.local @!p0 [spmem:s12], $0x100  }
0x3b: {  	s12 =	simm.s32 @!p0 $0xA  }
0x3c: {  	_ =	swait.ge @!p0 [sflag:s12], $0x100  }
0x3d: {  	s16 =	sadd.s32 $0x1, s16;
	s22 =	rddreg [dreg:$0x11]  }
0x3e: {  	p1 =	sne.s32 s16, s22  }
.Ltmp1:
0x3f: {  	_ = 	snop;
	(pc) =	sbr.rel @!p1 .LBB2_5-.Ltmp1, $3  }
0x40: {  	_ =	sdelay $0x1  }
0x41: {  	[sflag:s12] =	ssyncset.done @!p0 $0x0  }
0x42: {  	[sflag:s12] =	ssyncadd.s32 @!p0 $0xFFFFFF00  }
.LBB2_1:
0x43: {  	s12 =	rddreg [dreg:$0x4]  }
0x44: {  	s20 =	rddreg [dreg:$0x6]  }
0x45: {  	s18 =	simm.s32 $0x13880;
	s21 =	rddreg [dreg:$0x7]  }
0x46: {  	[tilespmem:s18], [sflag:$0x1] =	stream.linear.gather [hbm4b:s12+s3], $0x2710, $0x38;
	[tilespmem:$0x1FE00] =	vst v63  }
0x47: {  	s13 =	rddreg [dreg:$0x8];
	s17 =	sshrl.u32 s20, $0x3  }
0x48: {  	[spmem:s17], [sflag:s13] =	dma.local [hbm:s21], $0x2700  }
0x49: {  	s12 =	rddreg [dreg:$0x9]  }
0x4a: {  	s19 =	simm.s32 @!p0 $0x1C05;
	s13 =	rddreg [dreg:$0xa];
	s12 =	sshrl.u32 @!p0 s12, $0x3  }
0x4b: {  	[spmem:s12], [sflag:s19] =	dma.local @!p0 [hbm:s13], $0x100  }
0x4c: {  	s19 =	simm.s32 @!p0 $0x5  }
0x4d: {  	_ =	swait.ge @!p0 [sflag:s19], $0x100  }
0x4e: {  	[sflag:s19] =	ssyncset.done @!p0 $0x0  }
0x4f: {  	[sflag:s19] =	ssyncadd.s32 @!p0 $0xFFFFFF00  }
0x50: {  	_ =	swait.ge [sflag:s23], $0x2710  }
0x51: {  	[sflag:s23] =	ssyncset.done $0x0  }
0x52: {  	[sflag:s23] =	ssyncadd.s32 $0xFFFFD8F0  }
0x53: {  	_ =	swait.ge [sflag:s24], $0x2700  }
0x54: {  	[sflag:s24] =	ssyncset.done $0x0  }
0x55: {  	[sflag:s24] =	ssyncadd.s32 $0xFFFFD900  }
0x56: {  	[bflag:$0x0] =	sbarrier.arrive $0xFFFF  }
0x57: {  	s22 =	rddreg [dreg:$0xb]  }
0x58: {  	[tilespmem:s25], [sflag:$0x1] =	stream.linear.gather [hbm4b:s22+s3], $0x68, $0x38;
	[tilespmem:$0x1FE00] =	vst v63  }
0x59: {  	_ = 	snop  }
0x5a: {  	[tilespmem:s28], [sflag:$0x4] =	stream.indirect.gather [hbm4b:s0+s26], $0x80, s18, s26, $0xb8;
	[tilespmem:$0x1FE00] =	vst v63  }
0x5b: {  	s19 =	rddreg [dreg:$0xc]  }
0x5c: {  	[tilespmem:s29], [sflag:$0x2] =	stream.linear.gather [hbm4b:s19+s3], $0x68, $0x38;
	[tilespmem:$0x1FE00] =	vst v63  }
0x5d: {  	s20 =	simm.s32 $0x138E8;
	s21 =	rddreg [dreg:$0xd]  }
0x5e: {  	[tilespmem:s31], [sflag:$0x5] =	stream.indirect.gather [hbm4b:s0+s26], $0x80, s20, s26, $0xb8;
	[tilespmem:$0x1FE00] =	vst v63  }
0x5f: {  	s19 =	rddreg [dreg:$0x12]  }
0x60: {  	[tilespmem:s1], [sflag:$0x3] =	stream.linear.gather [hbm4b:s21+s3], $0x68, $0x38;
	[tilespmem:$0x1FE00] =	vst v63  }
0x61: {  	s22 =	simm.s32 $0x13950;
	s20 =	rddreg [dreg:$0x13]  }
0x62: {  	[tilespmem:s30], [sflag:$0x6] =	stream.indirect.gather [hbm4b:s0+s26], $0x80, s22, s26, $0xb8;
	[tilespmem:$0x1FE00] =	vst v63  }
0x63: {  	s21 =	rddreg [dreg:$0x14];
	s22 =	simm.s32 $0x0  }
.LBB2_2:
0x64: {  	_ =	swait.ge [sflag:s23], $0x68  }
0x65: {  	[sflag:s23] =	ssyncset.done $0x0  }
0x66: {  	[sflag:s23] =	ssyncadd.s32 $0xFFFFFF98  }
0x67: {  	_ =	swait.ge [sflag:s24], $0x3400  }
0x68: {  	[sflag:s24] =	ssyncset.done $0x0  }
0x69: {  	[sflag:s24] =	ssyncadd.s32 $0xFFFFCC00  }
0x6a: {  	[spmem:s2] =	stream.indirect.scatter.add.f32 [tilespmem:s28], [sflag:$0x7], $0x80, s25, s26, $0xb8;
	[tilespmem:$0x1FE00] =	vst v63  }
0x6b: {  	_ =	swait.ge [sflag:s5], $0x68  }
0x6c: {  	[sflag:s5] =	ssyncset.done $0x0  }
0x6d: {  	[sflag:s5] =	ssyncadd.s32 $0xFFFFFF98  }
0x6e: {  	_ =	swait.ge [sflag:s7], $0x3400  }
0x6f: {  	[sflag:s7] =	ssyncset.done $0x0  }
0x70: {  	[sflag:s7] =	ssyncadd.s32 $0xFFFFCC00  }
0x71: {  	[spmem:s2] =	stream.indirect.scatter.add.f32 [tilespmem:s31], [sflag:$0x8], $0x80, s29, s26, $0xb8;
	[tilespmem:$0x1FE00] =	vst v63  }
0x72: {  	_ =	swait.ge [sflag:s8], $0x68  }
0x73: {  	[sflag:s8] =	ssyncset.done $0x0  }
0x74: {  	[sflag:s8] =	ssyncadd.s32 $0xFFFFFF98  }
0x75: {  	_ =	swait.ge [sflag:s9], $0x3400  }
0x76: {  	p1 =	seq.s32 s22, $0x9720;
	[sflag:s9] =	ssyncset.done $0x0  }
.Ltmp2:
0x77: {  	[sflag:s9] =	ssyncadd.s32 $0xFFFFCC00;
	(pc) =	sbr.rel @p1 .LBB2_4-.Ltmp2, $4  }
0x78: {  	[spmem:s2] =	stream.indirect.scatter.add.f32 [tilespmem:s30], [sflag:$0x9], $0x80, s1, s26, $0xb8;
	[tilespmem:$0x1FE00] =	vst v63  }
0x79: {  	_ =	swait.ge [sflag:s10], $0x3400  }
0x7a: {  	[sflag:s10] =	ssyncset.done $0x0  }
0x7b: {  	[sflag:s10] =	ssyncadd.s32 $0xFFFFCC00  }
0x7c: {  	s18 =	sshrl.u32 s21, $0x3  }
0x7d: {  	s18 =	sadd.s32 s4, s18  }
0x7e: {  	[tilespmem:s25], [sflag:$0x1] =	stream.linear.gather [hbm4b:s18+s3], $0x68, $0x38;
	[tilespmem:$0x1FE00] =	vst v63  }
0x7f: {  	s18 =	sshra.s32 s22, $0x2  }
0x80: {  	s13 =	sadd.s32 $0x139B8, s18  }
0x81: {  	[tilespmem:s28], [sflag:$0x4] =	stream.indirect.gather [hbm4b:s0+s26], $0x80, s13, s26, $0xb8;
	[tilespmem:$0x1FE00] =	vst v63  }
0x82: {  	_ =	swait.ge [sflag:s6], $0x3400  }
0x83: {  	[sflag:s6] =	ssyncset.done $0x0  }
0x84: {  	[sflag:s6] =	ssyncadd.s32 $0xFFFFCC00  }
0x85: {  	[tilespmem:s29], [sflag:$0x2] =	stream.linear.gather [hbm4b:s20+s3], $0x68, $0x38;
	[tilespmem:$0x1FE00] =	vst v63  }
0x86: {  	s13 =	sadd.s32 $0x13A20, s18  }
0x87: {  	[tilespmem:s31], [sflag:$0x5] =	stream.indirect.gather [hbm4b:s0+s26], $0x80, s13, s26, $0xb8;
	[tilespmem:$0x1FE00] =	vst v63  }
0x88: {  	_ =	swait.ge [sflag:s11], $0x3400  }
.Ltmp3:
0x89: {  	[sflag:s11] =	ssyncset.done $0x0;
	(pc) =	sbr.rel .LBB2_2-.Ltmp3, $4  }
0x8a: {  	s21 =	sadd.s32 $0x138, s21;
	s22 =	sadd.s32 $0x4E0, s22;
	[sflag:s11] =	ssyncadd.s32 $0xFFFFCC00  }
0x8b: {  	[tilespmem:s1], [sflag:$0x3] =	stream.linear.gather [hbm4b:s19+s3], $0x68, $0x38;
	[tilespmem:$0x1FE00] =	vst v63  }
0x8c: {  	s18 =	sadd.s32 $0x13A88, s18;
	s20 =	sadd.s32 $0x27, s20;
	s19 =	sadd.s32 $0x27, s19  }
0x8d: {  	[tilespmem:s30], [sflag:$0x6] =	stream.indirect.gather [hbm4b:s0+s26], $0x80, s18, s26, $0xb8;
	[tilespmem:$0x1FE00] =	vst v63  }
.LBB2_5:
0x8e: {  	_ =	sfence.sel $0x180000  }
0x8f: {  	[bflag:$0x0] =	sbarrier.arrive $0xFFFF  }
0x90: {  	_ =	strace $0x9000004D  }
0x91: {  	[bflag:$0x2] =	sbarrier.arrive $0xFFFF  }
0x92: {  	s0 =	rddreg [dreg:$0x3]  }
0x93: {  	s0 =	sadd.s32 @!p0 $0x100000, s0  }
0x94: {  	[sflag:s0] =	ssyncadd.tile.s32 @!p0 $0x1;
	_ =	shalt  }
.Lfunc_end2:
_tile_overlayer_lowered:
.L_overlay_start_2:
0x95: {  	(tag) =	ssettag $0x2  }
0x96: {  	s0 =	rddreg [dreg:$0x0];
	s2 =	stileid.u32  }
0x97: {  	s1 =	rddreg [dreg:$0x1];
	p0 =	sne.s32 s2, $0x0  }
0x98: {  	s3 =	rddreg [dreg:$0x2];
	[bflag:$0x3] =	sbarrier.arrive $0xFFFF;
	s2 =	simm.s32 @!p0 $0x1C0A  }
0x99: {  	[timem:s3], [sflag:s2] =	dma.local @!p0 [hbm:s0], s1  }
0x9a: {  	s0 =	simm.s32 @!p0 $0xA  }
0x9b: {  	_ =	swait.ge @!p0 [sflag:s0], s1  }
0x9c: {  	s1 =	ssub.s32 @!p0 $0x0, s1;
	[sflag:s0] =	ssyncset.done @!p0 $0x0  }
0x9d: {  	[sflag:s0] =	ssyncadd.s32 @!p0 s1  }
0x9e: {  	[bflag:$0x3] =	sbarrier.arrive $0xFFFF  }
0x9f: {  	_ =	shalt  }

// kernel: kernel.23.cloned.1.call-start
scs
__scs_entry_jumppad:
0x0: {  	(pc) =	sbr.rel $0x88, $3  }
0x1: {  	(tag) =	ssettag $0x0;
	lr =	simm.s32 $0x1  }
0x2: {  	[smem:$0x3F9B] =	sst lr;
	_ =	strace $0xD0000000  }
0x3: {  	_ = 	snop  }
0x4: {  	_ = 	snop  }
0x5: {  	_ = 	snop  }
0x6: {  	_ = 	snop  }
0x7: {  	_ = 	snop  }
__scs_overlays_trampoline_lowered:
0x8: {  	[smem:$0x3FAA] =	sst s0  }
0x9: {  	[smem:$0x3FAB] =	sst s1  }
0xa: {  	[smem:$0x3FAC] =	sst s2  }
0xb: {  	[smem:$0x3FAD] =	sst s3  }
0xc: {  	[smem:$0x3FAE] =	sst s4  }
0xd: {  	[smem:$0x3FAF] =	sst s5  }
0xe: {  	[smem:$0x3FB0] =	sst s6  }
0xf: {  	[smem:$0x3FB1] =	sst s7  }
0x10: {  	[smem:$0x3FB2] =	sst s8  }
0x11: {  	[smem:$0x3FB3] =	sst s9;
	s0 =	simm.s32 @!p0 $0x0  }
0x12: {  	s1 =	sld [smem:$0x3F99];
	s0 =	simm.s32 @p0 $0x1  }
0x13: {  	[smem:$0x3FB4] =	sst s0;
	s0 =	simm.s32 @!p1 $0x0  }
0x14: {  	s2 =	sld [smem:$0x3F98];
	s0 =	simm.s32 @p1 $0x1  }
0x15: {  	[smem:$0x3FB5] =	sst s0;
	s0 =	simm.s32 @!p2 $0x0  }
0x16: {  	s3 =	sld [smem:$0x3FDB];
	s0 =	simm.s32 @p2 $0x1  }
0x17: {  	s4 =	simm.s32 $0x1BF5;
	[smem:$0x3FB7] =	sst s0  }
0x18: {  	s0 =	sld [smem:$0x3F9A];
	_ =	swait.ge [sflag:s4], $0x0  }
0x19: {  	s7 =	sld [smem:$0x3F9B]  }
0x1a: {  	s8 =	sadd.s32 $0xFFFFE003, lr  }
0x1b: {  	s9 =	sadd.s32 $0xFFFFFEF7, lr;
	s5 =	simm.s32 $0xFFFFFFFF;
	p2 =	slt.u32 s8, $0xFFFFF086  }
0x1c: {  	p1 =	slt.u32 s9, $0xF7A;
	s5 =	simm.s32 @!p2 $0x0  }
0x1d: {  	s5 =	simm.s32 @p1 $0x1;
	p0 =	seq.s32 s7, s2  }
0x1e: {  	s7 =	smul.u32 @!p0 $0xF7A, s2;
	p2 =	seq.s32 @!p0 s5, $0x0  }
0x1f: {  	s9 =	smul.u32 $0xF7A, s1;
	s8 =	simm.s32 @!p0 $0x1BF5;
	p2 =	por !p2, p0  }
0x20: {  	[sflag:s8] =	ssyncset.s32 @!p0 $0xFFFFF086;
	s6 =	sadd.s32 @!p0 s3, s7;
	s7 =	simm.s32 @!p0 $0x108  }
0x21: {  	s3 =	sadd.s32 s3, s9;
	s6 =	sadd.s32 @!p0 $0x88, s6;
	s7 =	simm.s32 @p2 $0x1082  }
0x22: {  	[simem:s7], [sflag:s8] =	dma.local @!p0 [hbm:s6], $0xF7A  }
0x23: {  	s9 =	sor.u32 $0xD0000000, s2;
	s6 =	simm.s32 $0x108;
	_ =	swait.ge @!p0 [sflag:s8], $0x0  }
0x24: {  	s3 =	sadd.s32 $0x88, s3;
	s6 =	simm.s32 @!p1 $0x1082;
	[sflag:s4] =	ssyncset.s32 $0xFFFFF086  }
0x25: {  	[simem:s6], [sflag:s4] =	dma.local [hbm:s3], $0xF7A  }
0x26: {  	[smem:$0x3F9B] =	sst s1;
	(tag) =	ssettag s2;
	_ =	strace s9  }
0x27: {  	s1 =	sld [smem:$0x3FAB]  }
0x28: {  	s2 =	sld [smem:$0x3FAC]  }
0x29: {  	s4 =	sld [smem:$0x3FAE]  }
0x2a: {  	p0 =	seq.s32 s5, $0x0;
	s5 =	sld [smem:$0x3FAF]  }
0x2b: {  	s6 =	sld [smem:$0x3FB0]  }
0x2c: {  	s7 =	sld [smem:$0x3FB1]  }
0x2d: {  	s3 =	simm.s32 $0x108;
	s8 =	sld [smem:$0x3FB2]  }
0x2e: {  	s3 =	simm.s32 @!p0 $0x1082;
	s9 =	sld [smem:$0x3FB3]  }
0x2f: {  	lr =	sadd.s32 s0, s3;
	s0 =	sld [smem:$0x3FAA]  }
0x30: {  	s3 =	sld [smem:$0x3FAD]  }
0x31: {  	[smem:$0x3FB6] =	sst s10  }
0x32: {  	s10 =	sld [smem:$0x3FB4];
	_ =	sdelay $0x3  }
0x33: {  	p0 =	seq.s32 s10, $0x1;
	s10 =	sld [smem:$0x3FB6];
	_ =	sdelay $0x3  }
0x34: {  	[smem:$0x3FB6] =	sst s10  }
0x35: {  	s10 =	sld [smem:$0x3FB5];
	_ =	sdelay $0x3  }
0x36: {  	p1 =	seq.s32 s10, $0x1;
	s10 =	sld [smem:$0x3FB6];
	_ =	sdelay $0x3  }
0x37: {  	[smem:$0x3FB6] =	sst s10  }
0x38: {  	s10 =	sld [smem:$0x3FB7]  }
0x39: {  	_ = 	snop;
	(pc) =	sbr.ind lr, $3  }
0x3a: {  	_ = 	snop  }
0x3b: {  	_ = 	snop  }
0x3c: {  	p2 =	seq.s32 s10, $0x1;
	s10 =	sld [smem:$0x3FB6]  }
0x3d: {  	_ =	shalt  }
0x3e: {  	_ =	shalt  }
0x3f: {  	_ =	shalt  }
0x40: {  	_ =	shalt  }
0x41: {  	_ =	shalt  }
0x42: {  	_ =	shalt  }
0x43: {  	_ =	shalt  }
0x44: {  	_ =	shalt  }
0x45: {  	_ =	shalt  }
0x46: {  	_ =	shalt  }
0x47: {  	_ =	shalt  }
0x48: {  	_ =	shalt  }
0x49: {  	_ =	shalt  }
0x4a: {  	_ =	shalt  }
0x4b: {  	_ =	shalt  }
0x4c: {  	_ =	shalt  }
0x4d: {  	_ =	shalt  }
0x4e: {  	_ =	shalt  }
0x4f: {  	_ =	shalt  }
0x50: {  	_ =	shalt  }
0x51: {  	_ =	shalt  }
0x52: {  	_ =	shalt  }
0x53: {  	_ =	shalt  }
0x54: {  	_ =	shalt  }
0x55: {  	_ =	shalt  }
0x56: {  	_ =	shalt  }
0x57: {  	_ =	shalt  }
0x58: {  	_ =	shalt  }
0x59: {  	_ =	shalt  }
0x5a: {  	_ =	shalt  }
0x5b: {  	_ =	shalt  }
0x5c: {  	_ =	shalt  }
0x5d: {  	_ =	shalt  }
0x5e: {  	_ =	shalt  }
0x5f: {  	_ =	shalt  }
0x60: {  	_ =	shalt  }
0x61: {  	_ =	shalt  }
0x62: {  	_ =	shalt  }
0x63: {  	_ =	shalt  }
0x64: {  	_ =	shalt  }
0x65: {  	_ =	shalt  }
0x66: {  	_ =	shalt  }
0x67: {  	_ =	shalt  }
0x68: {  	_ =	shalt  }
0x69: {  	_ =	shalt  }
0x6a: {  	_ =	shalt  }
0x6b: {  	_ =	shalt  }
0x6c: {  	_ =	shalt  }
0x6d: {  	_ =	shalt  }
0x6e: {  	_ =	shalt  }
0x6f: {  	_ =	shalt  }
0x70: {  	_ =	shalt  }
0x71: {  	_ =	shalt  }
0x72: {  	_ =	shalt  }
0x73: {  	_ =	shalt  }
0x74: {  	_ =	shalt  }
0x75: {  	_ =	shalt  }
0x76: {  	_ =	shalt  }
0x77: {  	_ =	shalt  }
0x78: {  	_ =	shalt  }
0x79: {  	_ =	shalt  }
0x7a: {  	_ =	shalt  }
0x7b: {  	_ =	shalt  }
0x7c: {  	_ =	shalt  }
0x7d: {  	_ =	shalt  }
0x7e: {  	_ =	shalt  }
0x7f: {  	_ =	shalt  }
0x80: {  	_ =	shalt  }
0x81: {  	_ =	shalt  }
0x82: {  	_ =	shalt  }
0x83: {  	_ =	shalt  }
0x84: {  	_ =	shalt  }
0x85: {  	_ =	shalt  }
0x86: {  	_ =	shalt  }
0x87: {  	_ =	shalt  }
.Lfunc_end0:
.L_simem_size_0:
called_computation.3_lowered:
.L_overlay_start_0:
0x88: {  	s2 =	sld [smem:$0x3FD9]  }
0x89: {  	s3 =	sld [smem:$0x3FFE];
	_ =	sdelay $0x1  }
0x8a: {  	s1 =	srdreg.scid  }
0x8b: {  	s0 =	sand.u32 $0x1, s1  }
0x8c: {  	s17 =	sshll.u32 s0, $0xA;
	s2 =	sadd.s32 s3, s2  }
0x8d: {  	s2 =	sadd.s32 s2, s17  }
0x8e: {  	[smem:$0x3FC2] =	sst s2  }
0x8f: {  	_ = 	snop  }
0x90: {  	s2 =	sld [smem:$0x3FD0];
	(tm) =	ssettm $0x1  }
0x91: {  	s18 =	sld [smem:$0x3FFB];
	_ =	sdelay $0x3  }
0x92: {  	_ =	strace s18  }
0x93: {  	s3 =	sld [smem:$0x3FFC];
	_ =	sdelay $0x3  }
0x94: {  	_ =	strace s3  }
0x95: {  	s3 =	sld [smem:$0x3FFD];
	_ =	sdelay $0x3  }
0x96: {  	_ =	strace s3  }
0x97: {  	_ =	strace $0x8FFFFFFF  }
0x98: {  	s19 =	sld [smem:$0x3FDB];
	_ =	sdelay $0x1  }
0x99: {  	s4 =	simm.s32 $_scs_section_size  }
0x9a: {  	s5 =	simm.s32 $_size__tile_overlayer_lowered;
	s6 =	simm.s32 $_tile_overlayer_lowered  }
0x9b: {  	s22 =	simm.s32 $0x1BFF;
	s21 =	sshll.u32 s6, $0x1;
	s3 =	sadd.s32 s4, s19  }
0x9c: {  	s7 =	simm.s32 $0x0;
	s20 =	sshll.u32 s5, $0x1;
	s5 =	sadd.s32 s21, s3  }
0x9d: {  	[timem:s7], [sflag:s22] =	dma.local [hbm:s5], s20  }
0x9e: {  	_ =	swait.ge [sflag:s22], s20  }
0x9f: {  	s4 =	ssub.s32 $0x0, s20;
	[sflag:s22] =	ssyncset.done $0x0  }
0xa0: {  	[sflag:s22] =	ssyncadd.s32 s4;
	_ =	sdelay $0x1  }
0xa1: {  	s23 =	simm.s32 $0x1B8B  }
0xa2: {  	_ =	swait.ge [sflag:s23], $0x1  }
0xa3: {  	[sflag:s23] =	ssyncset.done $0x0  }
0xa4: {  	s25 =	simm.s32 $0x1B8E;
	s24 =	sld [smem:$0x3FFE];
	[sflag:s23] =	ssyncadd.s32 $0xFFFFFFFF  }
0xa5: {  	s26 =	simm.s32 $execute0_lowered;
	[smem:$0x3FD2] =	sst s25  }
0xa6: {  	s5 =	sshll.u32 s26, $0x1;
	_ =	strace $0x8000004F;
	[dreg:$0x1] =	wrdreg $0xFFFFFFFF  }
0xa7: {  	s28 =	simm.s32 $_size_execute0_lowered;
	s3 =	sadd.s32 s3, s5;
	[dreg:$0x0] =	wrdreg $0x0  }
0xa8: {  	s5 =	sshll.u32 s28, $0x1;
	[dreg:$0x2] =	wrdreg s3  }
0xa9: {  	[dreg:$0x3] =	wrdreg s5  }
0xaa: {  	[dreg:$0x4] =	wrdreg $0xC0  }
0xab: {  	_ =	task [dreg:s7], $0x5FFFF  }
0xac: {  	[dreg:$0x1] =	wrdreg $0xFFFFFFFF  }
0xad: {  	[dreg:$0x0] =	wrdreg $0x60  }
0xae: {  	[dreg:$0x2] =	wrdreg s2  }
0xaf: {  	[dreg:$0x3] =	wrdreg s24  }
0xb0: {  	[dreg:$0x4] =	wrdreg $0x0  }
0xb1: {  	[dreg:$0x5] =	wrdreg $0x9  }
0xb2: {  	_ =	task.clear_ibuf [dreg:s7], $0x6FFFF;
	_ =	strace $0x9000004F  }
0xb3: {  	s29 =	simm.s32 $0x9;
	_ =	strace $0x80000051  }
0xb4: {  	_ =	swait.ge [sflag:s29], $0x1  }
0xb5: {  	[sflag:s29] =	ssyncadd.s32 $0xFFFFFFFF  }
0xb6: {  	_ =	strace $0x90000051  }
0xb7: {  	_ =	sfence  }
0xb8: {  	s30 =	sld [smem:$0x0];
	_ =	sdelay $0x2  }
0xb9: {  	s31 =	sshll.u32 s1, $0xD;
	s1 =	sshrl.u32 s1, $0x2  }
0xba: {  	s3 =	sand.u32 $0x4000, s31;
	s1 =	sadd.s32 s1, s30  }
0xbb: {  	s0 =	sor.u32 s3, s0;
	s1 =	sshll.u32 s1, $0x11  }
0xbc: {  	s0 =	sor.u32 s1, s0  }
0xbd: {  	s0 =	sadd.s32 $0x8F2B, s0  }
0xbe: {  	[sflag:s0] =	ssyncadd.remote.s32 $0x1  }
0xbf: {  	_ =	sfence.sel $0xFFFF  }
0xc0: {  	[dreg:$0x0] =	wrdreg $0xFFFFFFFF;
	(pc) =	sbr.abs _section_cstart, $3  }
0xc1: {  	[dreg:$0x1] =	wrdreg $0xFFFFFFFF  }
0xc2: {  	_ =	task.clear_ibuf [dreg:s7], $0x2FFFF;
	_ =	strace $0x9FFFFFFF  }
0xc3: {  	(tm) =	ssettm $0x7FFFFFFF  }
tec
execute0_lowered:
.L_overlay_start_1:
0x0: {  	(tag) =	ssettag $0x1  }
0x1: {  	s0 =	rddreg [dreg:$0x0]  }
0x2: {  	s1 =	srdreg.scid;
	s5 =	rddreg [dreg:$0x1]  }
0x3: {  	s6 =	stileid.u32;
	s2 =	rddreg [dreg:$0x2];
	s28 =	simm.s32 $0x16180  }
0x4: {  	s29 =	simm.s32 $0x16080;
	s31 =	simm.s32 $0x19580;
	s9 =	smul.u32 $0x13800, s6  }
0x5: {  	s30 =	simm.s32 $0x1C980;
	s1 =	sand.u32 $0x1, s1;
	s14 =	smul.u32 $0x4E000, s6  }
0x6: {  	s15 =	sadd.s32 $0x3EE00, s5;
	s24 =	sshll.u32 s6, $0x6;
	s17 =	smul.u32 $0x2710, s6  }
0x7: {  	p0 =	sne.s32 s6, $0x0;
	s3 =	sshll.u32 s1, $0x4;
	s11 =	ssub.s32 $0x2, s1  }
0x8: {  	s26 =	sor.u32 $0x1C04, s24;
	s4 =	sor.u32 s6, s3;
	s3 =	simm.s32 $0x0  }
0x9: {  	s12 =	sshrl.u32 s9, $0x3;
	s13 =	sshrl.u32 s11, $0x1;
	s23 =	sshrl.u32 s14, $0x2  }
0xa: {  	s6 =	simm.s32 $0x8;
	s7 =	smul.u32 $0x2710, s4;
	[smem:$0x7FF] =	sst s3  }
0xb: {  	s4 =	sadd.s32 $0xDE00, s5;
	s12 =	sadd.s32 s12, s5;
	s11 =	ssub.s32 s11, s13  }
0xc: {  	s13 =	smul.u32 $0x138800, s1;
	_ =	strace $0x80000050;
	[dreg:$0x5] =	wrdreg s24  }
0xd: {  	s1 =	smul.u32 $0x27100, s1;
	s25 =	sadd.s32 $0x17C00, s12;
	[dreg:$0x8] =	wrdreg s26  }
0xe: {  	s12 =	sadd.s32 $0x138000, s2;
	s8 =	sshrl.u32 s7, $0x3;
	[dreg:$0x7] =	wrdreg s25  }
0xf: {  	[dreg:$0x9] =	wrdreg s12;
	s7 =	sadd.s32 $0x68, s7;
	s18 =	sadd.s32 s9, s13  }
0x10: {  	s19 =	sshrl.u32 s13, $0x3;
	s1 =	sadd.s32 s17, s1;
	s25 =	smax.u32 s11, $0x1  }
0x11: {  	s9 =	simm.s32 $0x6;
	s11 =	simm.s32 $0x9;
	s10 =	sadd.s32 s8, s5  }
0x12: {  	s5 =	sadd.s32 $0x3EC00, s5;
	s14 =	sshrl.u32 s7, $0x3;
	s16 =	sadd.s32 s4, s8  }
0x13: {  	s21 =	sadd.s32 s15, s19;
	s22 =	sadd.s32 $0x208, s1;
	[dreg:$0x11] =	wrdreg s25  }
0x14: {  	s24 =	sadd.s32 $0x1A0, s1;
	s1 =	sadd.s32 $0x138, s1;
	[dreg:$0xa] =	wrdreg s5  }
0x15: {  	s25 =	simm.s32 $0x16000;
	s10 =	sadd.s32 $0x4000, s10;
	[dreg:$0xb] =	wrdreg s16  }
0x16: {  	s5 =	sadd.s32 s4, s14;
	s8 =	sadd.s32 $0x1A, s16;
	[dreg:$0x14] =	wrdreg s1  }
0x17: {  	s7 =	sadd.s32 $0x4E0, s16;
	s26 =	sshrl.u32 s24, $0x3;
	[dreg:$0x4] =	wrdreg s10  }
0x18: {  	s24 =	simm.s32 $0x4;
	s1 =	simm.s32 $0x16100;
	[dreg:$0xc] =	wrdreg s5  }
0x19: {  	s14 =	simm.s32 $0xA;
	s16 =	simm.s32 $0x0;
	[dreg:$0xd] =	wrdreg s8  }
0x1a: {  	s10 =	sadd.s32 s23, s2;
	[dreg:$0xe] =	wrdreg s7;
	s7 =	sshrl.u32 s18, $0x3  }
0x1b: {  	s5 =	sadd.s32 $0x27000, s21;
	s23 =	sshrl.u32 s22, $0x3;
	s8 =	simm.s32 $0x3  }
.Ltmp0:
0x1c: {  	[dreg:$0x6] =	wrdreg s10;
	s20 =	sadd.s32 s15, s7;
	(pc) =	sbr.rel .LBB2_1-.Ltmp0, $4  }
0x1d: {  	[dreg:$0x10] =	wrdreg s5;
	s5 =	sadd.s32 s23, s4;
	s23 =	simm.s32 $0x1  }
0x1e: {  	s7 =	simm.s32 $0x5;
	s10 =	simm.s32 $0x7;
	[dreg:$0xf] =	wrdreg s20  }
0x1f: {  	s15 =	simm.s32 $0x10;
	[dreg:$0x12] =	wrdreg s5;
	s5 =	sadd.s32 s26, s4  }
0x20: {  	s26 =	simm.s32 $0x68;
	[dreg:$0x13] =	wrdreg s5;
	s5 =	simm.s32 $0x2  }
.LBB2_4:
0x21: {  	_ =	swait.ge [sflag:s6], $0x3400  }
0x22: {  	[sflag:s6] =	ssyncset.done $0x0  }
0x23: {  	[sflag:s6] =	ssyncadd.s32 $0xFFFFCC00  }
0x24: {  	_ =	swait.ge [sflag:s11], $0x3400  }
0x25: {  	[sflag:s11] =	ssyncset.done $0x0  }
0x26: {  	s18 =	simm.s32 $0x1FD80;
	s13 =	rddreg [dreg:$0xe];
	[sflag:s11] =	ssyncadd.s32 $0xFFFFCC00  }
0x27: {  	[tilespmem:s18], [sflag:$0xA] =	stream.linear.gather [hbm4b:s13+s3], $0x10, $0x38;
	[tilespmem:$0x1FE00] =	vst v63  }
0x28: {  	_ =	swait.ge [sflag:s14], $0x10  }
0x29: {  	[sflag:s14] =	ssyncset.done $0x0  }
0x2a: {  	s19 =	simm.s32 $0x15F80;
	[sflag:s14] =	ssyncadd.s32 $0xFFFFFFF0  }
0x2b: {  	[tilespmem:s28], [sflag:$0x4] =	stream.indirect.gather [hbm4b:s0+s15], $0x80, s19, s15, $0xb8;
	[tilespmem:$0x1FE00] =	vst v63  }
0x2c: {  	_ =	swait.ge [sflag:s24], $0x800  }
0x2d: {  	[sflag:s24] =	ssyncset.done $0x0  }
0x2e: {  	[sflag:s24] =	ssyncadd.s32 $0xFFFFF800  }
0x2f: {  	[spmem:s2] =	stream.indirect.scatter.add.f32 [tilespmem:s28], [sflag:$0xA], $0x80, s18, s15, $0xb8;
	[tilespmem:$0x1FE00] =	vst v63  }
0x30: {  	_ =	swait.ge [sflag:s14], $0x800  }
0x31: {  	[sflag:s14] =	ssyncset.done $0x0  }
0x32: {  	[sflag:s14] =	ssyncadd.s32 $0xFFFFF800  }
0x33: {  	[bflag:$0x0] =	sbarrier.arrive $0xFFFF  }
0x34: {  	s20 =	rddreg [dreg:$0x5]  }
0x35: {  	s21 =	rddreg [dreg:$0xf];
	s13 =	sor.u32 $0x1C0A, s20  }
0x36: {  	[hbm:s21], [sflag:s13] =	dma.local [spmem:s17], $0x2700  }
0x37: {  	_ =	swait.ge [sflag:s14], $0x2700  }
0x38: {  	[sflag:s14] =	ssyncset.done $0x0  }
0x39: {  	s17 =	rddreg [dreg:$0x10];
	[sflag:s14] =	ssyncadd.s32 $0xFFFFD900  }
0x3a: {  	[hbm:s17], [sflag:s13] =	dma.local @!p0 [spmem:s12], $0x100  }
0x3b: {  	s12 =	simm.s32 @!p0 $0xA  }
0x3c: {  	_ =	swait.ge @!p0 [sflag:s12], $0x100  }
0x3d: {  	s16 =	sadd.s32 $0x1, s16;
	s22 =	rddreg [dreg:$0x11]  }
0x3e: {  	p1 =	sne.s32 s16, s22  }
.Ltmp1:
0x3f: {  	_ = 	snop;
	(pc) =	sbr.rel @!p1 .LBB2_5-.Ltmp1, $3  }
0x40: {  	_ =	sdelay $0x1  }
0x41: {  	[sflag:s12] =	ssyncset.done @!p0 $0x0  }
0x42: {  	[sflag:s12] =	ssyncadd.s32 @!p0 $0xFFFFFF00  }
.LBB2_1:
0x43: {  	s12 =	rddreg [dreg:$0x4]  }
0x44: {  	s20 =	rddreg [dreg:$0x6]  }
0x45: {  	s18 =	simm.s32 $0x13880;
	s21 =	rddreg [dreg:$0x7]  }
0x46: {  	[tilespmem:s18], [sflag:$0x1] =	stream.linear.gather [hbm4b:s12+s3], $0x2710, $0x38;
	[tilespmem:$0x1FE00] =	vst v63  }
0x47: {  	s13 =	rddreg [dreg:$0x8];
	s17 =	sshrl.u32 s20, $0x3  }
0x48: {  	[spmem:s17], [sflag:s13] =	dma.local [hbm:s21], $0x2700  }
0x49: {  	s12 =	rddreg [dreg:$0x9]  }
0x4a: {  	s19 =	simm.s32 @!p0 $0x1C05;
	s13 =	rddreg [dreg:$0xa];
	s12 =	sshrl.u32 @!p0 s12, $0x3  }
0x4b: {  	[spmem:s12], [sflag:s19] =	dma.local @!p0 [hbm:s13], $0x100  }
0x4c: {  	s19 =	simm.s32 @!p0 $0x5  }
0x4d: {  	_ =	swait.ge @!p0 [sflag:s19], $0x100  }
0x4e: {  	[sflag:s19] =	ssyncset.done @!p0 $0x0  }
0x4f: {  	[sflag:s19] =	ssyncadd.s32 @!p0 $0xFFFFFF00  }
0x50: {  	_ =	swait.ge [sflag:s23], $0x2710  }
0x51: {  	[sflag:s23] =	ssyncset.done $0x0  }
0x52: {  	[sflag:s23] =	ssyncadd.s32 $0xFFFFD8F0  }
0x53: {  	_ =	swait.ge [sflag:s24], $0x2700  }
0x54: {  	[sflag:s24] =	ssyncset.done $0x0  }
0x55: {  	[sflag:s24] =	ssyncadd.s32 $0xFFFFD900  }
0x56: {  	[bflag:$0x0] =	sbarrier.arrive $0xFFFF  }
0x57: {  	s22 =	rddreg [dreg:$0xb]  }
0x58: {  	[tilespmem:s25], [sflag:$0x1] =	stream.linear.gather [hbm4b:s22+s3], $0x68, $0x38;
	[tilespmem:$0x1FE00] =	vst v63  }
0x59: {  	_ = 	snop  }
0x5a: {  	[tilespmem:s28], [sflag:$0x4] =	stream.indirect.gather [hbm4b:s0+s26], $0x80, s18, s26, $0xb8;
	[tilespmem:$0x1FE00] =	vst v63  }
0x5b: {  	s19 =	rddreg [dreg:$0xc]  }
0x5c: {  	[tilespmem:s29], [sflag:$0x2] =	stream.linear.gather [hbm4b:s19+s3], $0x68, $0x38;
	[tilespmem:$0x1FE00] =	vst v63  }
0x5d: {  	s20 =	simm.s32 $0x138E8;
	s21 =	rddreg [dreg:$0xd]  }
0x5e: {  	[tilespmem:s31], [sflag:$0x5] =	stream.indirect.gather [hbm4b:s0+s26], $0x80, s20, s26, $0xb8;
	[tilespmem:$0x1FE00] =	vst v63  }
0x5f: {  	s19 =	rddreg [dreg:$0x12]  }
0x60: {  	[tilespmem:s1], [sflag:$0x3] =	stream.linear.gather [hbm4b:s21+s3], $0x68, $0x38;
	[tilespmem:$0x1FE00] =	vst v63  }
0x61: {  	s22 =	simm.s32 $0x13950;
	s20 =	rddreg [dreg:$0x13]  }
0x62: {  	[tilespmem:s30], [sflag:$0x6] =	stream.indirect.gather [hbm4b:s0+s26], $0x80, s22, s26, $0xb8;
	[tilespmem:$0x1FE00] =	vst v63  }
0x63: {  	s21 =	rddreg [dreg:$0x14];
	s22 =	simm.s32 $0x0  }
.LBB2_2:
0x64: {  	_ =	swait.ge [sflag:s23], $0x68  }
0x65: {  	[sflag:s23] =	ssyncset.done $0x0  }
0x66: {  	[sflag:s23] =	ssyncadd.s32 $0xFFFFFF98  }
0x67: {  	_ =	swait.ge [sflag:s24], $0x3400  }
0x68: {  	[sflag:s24] =	ssyncset.done $0x0  }
0x69: {  	[sflag:s24] =	ssyncadd.s32 $0xFFFFCC00  }
0x6a: {  	[spmem:s2] =	stream.indirect.scatter.add.f32 [tilespmem:s28], [sflag:$0x7], $0x80, s25, s26, $0xb8;
	[tilespmem:$0x1FE00] =	vst v63  }
0x6b: {  	_ =	swait.ge [sflag:s5], $0x68  }
0x6c: {  	[sflag:s5] =	ssyncset.done $0x0  }
0x6d: {  	[sflag:s5] =	ssyncadd.s32 $0xFFFFFF98  }
0x6e: {  	_ =	swait.ge [sflag:s7], $0x3400  }
0x6f: {  	[sflag:s7] =	ssyncset.done $0x0  }
0x70: {  	[sflag:s7] =	ssyncadd.s32 $0xFFFFCC00  }
0x71: {  	[spmem:s2] =	stream.indirect.scatter.add.f32 [tilespmem:s31], [sflag:$0x8], $0x80, s29, s26, $0xb8;
	[tilespmem:$0x1FE00] =	vst v63  }
0x72: {  	_ =	swait.ge [sflag:s8], $0x68  }
0x73: {  	[sflag:s8] =	ssyncset.done $0x0  }
0x74: {  	[sflag:s8] =	ssyncadd.s32 $0xFFFFFF98  }
0x75: {  	_ =	swait.ge [sflag:s9], $0x3400  }
0x76: {  	p1 =	seq.s32 s22, $0x9720;
	[sflag:s9] =	ssyncset.done $0x0  }
.Ltmp2:
0x77: {  	[sflag:s9] =	ssyncadd.s32 $0xFFFFCC00;
	(pc) =	sbr.rel @p1 .LBB2_4-.Ltmp2, $4  }
0x78: {  	[spmem:s2] =	stream.indirect.scatter.add.f32 [tilespmem:s30], [sflag:$0x9], $0x80, s1, s26, $0xb8;
	[tilespmem:$0x1FE00] =	vst v63  }
0x79: {  	_ =	swait.ge [sflag:s10], $0x3400  }
0x7a: {  	[sflag:s10] =	ssyncset.done $0x0  }
0x7b: {  	[sflag:s10] =	ssyncadd.s32 $0xFFFFCC00  }
0x7c: {  	s18 =	sshrl.u32 s21, $0x3  }
0x7d: {  	s18 =	sadd.s32 s4, s18  }
0x7e: {  	[tilespmem:s25], [sflag:$0x1] =	stream.linear.gather [hbm4b:s18+s3], $0x68, $0x38;
	[tilespmem:$0x1FE00] =	vst v63  }
0x7f: {  	s18 =	sshra.s32 s22, $0x2  }
0x80: {  	s13 =	sadd.s32 $0x139B8, s18  }
0x81: {  	[tilespmem:s28], [sflag:$0x4] =	stream.indirect.gather [hbm4b:s0+s26], $0x80, s13, s26, $0xb8;
	[tilespmem:$0x1FE00] =	vst v63  }
0x82: {  	_ =	swait.ge [sflag:s6], $0x3400  }
0x83: {  	[sflag:s6] =	ssyncset.done $0x0  }
0x84: {  	[sflag:s6] =	ssyncadd.s32 $0xFFFFCC00  }
0x85: {  	[tilespmem:s29], [sflag:$0x2] =	stream.linear.gather [hbm4b:s20+s3], $0x68, $0x38;
	[tilespmem:$0x1FE00] =	vst v63  }
0x86: {  	s13 =	sadd.s32 $0x13A20, s18  }
0x87: {  	[tilespmem:s31], [sflag:$0x5] =	stream.indirect.gather [hbm4b:s0+s26], $0x80, s13, s26, $0xb8;
	[tilespmem:$0x1FE00] =	vst v63  }
0x88: {  	_ =	swait.ge [sflag:s11], $0x3400  }
.Ltmp3:
0x89: {  	[sflag:s11] =	ssyncset.done $0x0;
	(pc) =	sbr.rel .LBB2_2-.Ltmp3, $4  }
0x8a: {  	s21 =	sadd.s32 $0x138, s21;
	s22 =	sadd.s32 $0x4E0, s22;
	[sflag:s11] =	ssyncadd.s32 $0xFFFFCC00  }
0x8b: {  	[tilespmem:s1], [sflag:$0x3] =	stream.linear.gather [hbm4b:s19+s3], $0x68, $0x38;
	[tilespmem:$0x1FE00] =	vst v63  }
0x8c: {  	s18 =	sadd.s32 $0x13A88, s18;
	s20 =	sadd.s32 $0x27, s20;
	s19 =	sadd.s32 $0x27, s19  }
0x8d: {  	[tilespmem:s30], [sflag:$0x6] =	stream.indirect.gather [hbm4b:s0+s26], $0x80, s18, s26, $0xb8;
	[tilespmem:$0x1FE00] =	vst v63  }
.LBB2_5:
0x8e: {  	_ =	sfence.sel $0x180000  }
0x8f: {  	[bflag:$0x0] =	sbarrier.arrive $0xFFFF  }
0x90: {  	_ =	strace $0x90000050  }
0x91: {  	[bflag:$0x2] =	sbarrier.arrive $0xFFFF  }
0x92: {  	s0 =	rddreg [dreg:$0x3]  }
0x93: {  	s0 =	sadd.s32 @!p0 $0x100000, s0  }
0x94: {  	[sflag:s0] =	ssyncadd.tile.s32 @!p0 $0x1;
	_ =	shalt  }
.Lfunc_end2:
_tile_overlayer_lowered:
.L_overlay_start_2:
0x95: {  	(tag) =	ssettag $0x2  }
0x96: {  	s0 =	rddreg [dreg:$0x0];
	s2 =	stileid.u32  }
0x97: {  	s1 =	rddreg [dreg:$0x1];
	p0 =	sne.s32 s2, $0x0  }
0x98: {  	s3 =	rddreg [dreg:$0x2];
	[bflag:$0x3] =	sbarrier.arrive $0xFFFF;
	s2 =	simm.s32 @!p0 $0x1C0A  }
0x99: {  	[timem:s3], [sflag:s2] =	dma.local @!p0 [hbm:s0], s1  }
0x9a: {  	s0 =	simm.s32 @!p0 $0xA  }
0x9b: {  	_ =	swait.ge @!p0 [sflag:s0], s1  }
0x9c: {  	s1 =	ssub.s32 @!p0 $0x0, s1;
	[sflag:s0] =	ssyncset.done @!p0 $0x0  }
0x9d: {  	[sflag:s0] =	ssyncadd.s32 @!p0 s1  }
0x9e: {  	[bflag:$0x3] =	sbarrier.arrive $0xFFFF  }
0x9f: {  	_ =	shalt  }

// kernel: kernel.26.cloned.1.call-start
scs
__scs_entry_jumppad:
0x0: {  	(pc) =	sbr.rel $0x88, $3  }
0x1: {  	(tag) =	ssettag $0x0;
	lr =	simm.s32 $0x1  }
0x2: {  	[smem:$0x3F9B] =	sst lr;
	_ =	strace $0xD0000000  }
0x3: {  	_ = 	snop  }
0x4: {  	_ = 	snop  }
0x5: {  	_ = 	snop  }
0x6: {  	_ = 	snop  }
0x7: {  	_ = 	snop  }
__scs_overlays_trampoline_lowered:
0x8: {  	[smem:$0x3FAA] =	sst s0  }
0x9: {  	[smem:$0x3FAB] =	sst s1  }
0xa: {  	[smem:$0x3FAC] =	sst s2  }
0xb: {  	[smem:$0x3FAD] =	sst s3  }
0xc: {  	[smem:$0x3FAE] =	sst s4  }
0xd: {  	[smem:$0x3FAF] =	sst s5  }
0xe: {  	[smem:$0x3FB0] =	sst s6  }
0xf: {  	[smem:$0x3FB1] =	sst s7  }
0x10: {  	[smem:$0x3FB2] =	sst s8  }
0x11: {  	[smem:$0x3FB3] =	sst s9;
	s0 =	simm.s32 @!p0 $0x0  }
0x12: {  	s1 =	sld [smem:$0x3F99];
	s0 =	simm.s32 @p0 $0x1  }
0x13: {  	[smem:$0x3FB4] =	sst s0;
	s0 =	simm.s32 @!p1 $0x0  }
0x14: {  	s2 =	sld [smem:$0x3F98];
	s0 =	simm.s32 @p1 $0x1  }
0x15: {  	[smem:$0x3FB5] =	sst s0;
	s0 =	simm.s32 @!p2 $0x0  }
0x16: {  	s3 =	sld [smem:$0x3FDB];
	s0 =	simm.s32 @p2 $0x1  }
0x17: {  	s4 =	simm.s32 $0x1BF5;
	[smem:$0x3FB7] =	sst s0  }
0x18: {  	s0 =	sld [smem:$0x3F9A];
	_ =	swait.ge [sflag:s4], $0x0  }
0x19: {  	s7 =	sld [smem:$0x3F9B]  }
0x1a: {  	s8 =	sadd.s32 $0xFFFFE003, lr  }
0x1b: {  	s9 =	sadd.s32 $0xFFFFFEF7, lr;
	s5 =	simm.s32 $0xFFFFFFFF;
	p2 =	slt.u32 s8, $0xFFFFF086  }
0x1c: {  	p1 =	slt.u32 s9, $0xF7A;
	s5 =	simm.s32 @!p2 $0x0  }
0x1d: {  	s5 =	simm.s32 @p1 $0x1;
	p0 =	seq.s32 s7, s2  }
0x1e: {  	s7 =	smul.u32 @!p0 $0xF7A, s2;
	p2 =	seq.s32 @!p0 s5, $0x0  }
0x1f: {  	s9 =	smul.u32 $0xF7A, s1;
	s8 =	simm.s32 @!p0 $0x1BF5;
	p2 =	por !p2, p0  }
0x20: {  	[sflag:s8] =	ssyncset.s32 @!p0 $0xFFFFF086;
	s6 =	sadd.s32 @!p0 s3, s7;
	s7 =	simm.s32 @!p0 $0x108  }
0x21: {  	s3 =	sadd.s32 s3, s9;
	s6 =	sadd.s32 @!p0 $0x88, s6;
	s7 =	simm.s32 @p2 $0x1082  }
0x22: {  	[simem:s7], [sflag:s8] =	dma.local @!p0 [hbm:s6], $0xF7A  }
0x23: {  	s9 =	sor.u32 $0xD0000000, s2;
	s6 =	simm.s32 $0x108;
	_ =	swait.ge @!p0 [sflag:s8], $0x0  }
0x24: {  	s3 =	sadd.s32 $0x88, s3;
	s6 =	simm.s32 @!p1 $0x1082;
	[sflag:s4] =	ssyncset.s32 $0xFFFFF086  }
0x25: {  	[simem:s6], [sflag:s4] =	dma.local [hbm:s3], $0xF7A  }
0x26: {  	[smem:$0x3F9B] =	sst s1;
	(tag) =	ssettag s2;
	_ =	strace s9  }
0x27: {  	s1 =	sld [smem:$0x3FAB]  }
0x28: {  	s2 =	sld [smem:$0x3FAC]  }
0x29: {  	s4 =	sld [smem:$0x3FAE]  }
0x2a: {  	p0 =	seq.s32 s5, $0x0;
	s5 =	sld [smem:$0x3FAF]  }
0x2b: {  	s6 =	sld [smem:$0x3FB0]  }
0x2c: {  	s7 =	sld [smem:$0x3FB1]  }
0x2d: {  	s3 =	simm.s32 $0x108;
	s8 =	sld [smem:$0x3FB2]  }
0x2e: {  	s3 =	simm.s32 @!p0 $0x1082;
	s9 =	sld [smem:$0x3FB3]  }
0x2f: {  	lr =	sadd.s32 s0, s3;
	s0 =	sld [smem:$0x3FAA]  }
0x30: {  	s3 =	sld [smem:$0x3FAD]  }
0x31: {  	[smem:$0x3FB6] =	sst s10  }
0x32: {  	s10 =	sld [smem:$0x3FB4];
	_ =	sdelay $0x3  }
0x33: {  	p0 =	seq.s32 s10, $0x1;
	s10 =	sld [smem:$0x3FB6];
	_ =	sdelay $0x3  }
0x34: {  	[smem:$0x3FB6] =	sst s10  }
0x35: {  	s10 =	sld [smem:$0x3FB5];
	_ =	sdelay $0x3  }
0x36: {  	p1 =	seq.s32 s10, $0x1;
	s10 =	sld [smem:$0x3FB6];
	_ =	sdelay $0x3  }
0x37: {  	[smem:$0x3FB6] =	sst s10  }
0x38: {  	s10 =	sld [smem:$0x3FB7]  }
0x39: {  	_ = 	snop;
	(pc) =	sbr.ind lr, $3  }
0x3a: {  	_ = 	snop  }
0x3b: {  	_ = 	snop  }
0x3c: {  	p2 =	seq.s32 s10, $0x1;
	s10 =	sld [smem:$0x3FB6]  }
0x3d: {  	_ =	shalt  }
0x3e: {  	_ =	shalt  }
0x3f: {  	_ =	shalt  }
0x40: {  	_ =	shalt  }
0x41: {  	_ =	shalt  }
0x42: {  	_ =	shalt  }
0x43: {  	_ =	shalt  }
0x44: {  	_ =	shalt  }
0x45: {  	_ =	shalt  }
0x46: {  	_ =	shalt  }
0x47: {  	_ =	shalt  }
0x48: {  	_ =	shalt  }
0x49: {  	_ =	shalt  }
0x4a: {  	_ =	shalt  }
0x4b: {  	_ =	shalt  }
0x4c: {  	_ =	shalt  }
0x4d: {  	_ =	shalt  }
0x4e: {  	_ =	shalt  }
0x4f: {  	_ =	shalt  }
0x50: {  	_ =	shalt  }
0x51: {  	_ =	shalt  }
0x52: {  	_ =	shalt  }
0x53: {  	_ =	shalt  }
0x54: {  	_ =	shalt  }
0x55: {  	_ =	shalt  }
0x56: {  	_ =	shalt  }
0x57: {  	_ =	shalt  }
0x58: {  	_ =	shalt  }
0x59: {  	_ =	shalt  }
0x5a: {  	_ =	shalt  }
0x5b: {  	_ =	shalt  }
0x5c: {  	_ =	shalt  }
0x5d: {  	_ =	shalt  }
0x5e: {  	_ =	shalt  }
0x5f: {  	_ =	shalt  }
0x60: {  	_ =	shalt  }
0x61: {  	_ =	shalt  }
0x62: {  	_ =	shalt  }
0x63: {  	_ =	shalt  }
0x64: {  	_ =	shalt  }
0x65: {  	_ =	shalt  }
0x66: {  	_ =	shalt  }
0x67: {  	_ =	shalt  }
0x68: {  	_ =	shalt  }
0x69: {  	_ =	shalt  }
0x6a: {  	_ =	shalt  }
0x6b: {  	_ =	shalt  }
0x6c: {  	_ =	shalt  }
0x6d: {  	_ =	shalt  }
0x6e: {  	_ =	shalt  }
0x6f: {  	_ =	shalt  }
0x70: {  	_ =	shalt  }
0x71: {  	_ =	shalt  }
0x72: {  	_ =	shalt  }
0x73: {  	_ =	shalt  }
0x74: {  	_ =	shalt  }
0x75: {  	_ =	shalt  }
0x76: {  	_ =	shalt  }
0x77: {  	_ =	shalt  }
0x78: {  	_ =	shalt  }
0x79: {  	_ =	shalt  }
0x7a: {  	_ =	shalt  }
0x7b: {  	_ =	shalt  }
0x7c: {  	_ =	shalt  }
0x7d: {  	_ =	shalt  }
0x7e: {  	_ =	shalt  }
0x7f: {  	_ =	shalt  }
0x80: {  	_ =	shalt  }
0x81: {  	_ =	shalt  }
0x82: {  	_ =	shalt  }
0x83: {  	_ =	shalt  }
0x84: {  	_ =	shalt  }
0x85: {  	_ =	shalt  }
0x86: {  	_ =	shalt  }
0x87: {  	_ =	shalt  }
.Lfunc_end0:
.L_simem_size_0:
called_computation.4_lowered:
.L_overlay_start_0:
0x88: {  	s2 =	sld [smem:$0x3FD9]  }
0x89: {  	s3 =	sld [smem:$0x3FFE];
	_ =	sdelay $0x1  }
0x8a: {  	s1 =	srdreg.scid  }
0x8b: {  	s0 =	sand.u32 $0x1, s1  }
0x8c: {  	s17 =	sshll.u32 s0, $0xA;
	s2 =	sadd.s32 s3, s2  }
0x8d: {  	s2 =	sadd.s32 s2, s17  }
0x8e: {  	[smem:$0x3FC2] =	sst s2  }
0x8f: {  	_ = 	snop  }
0x90: {  	s2 =	sld [smem:$0x3FD0];
	(tm) =	ssettm $0x1  }
0x91: {  	s18 =	sld [smem:$0x3FFB];
	_ =	sdelay $0x3  }
0x92: {  	_ =	strace s18  }
0x93: {  	s3 =	sld [smem:$0x3FFC];
	_ =	sdelay $0x3  }
0x94: {  	_ =	strace s3  }
0x95: {  	s3 =	sld [smem:$0x3FFD];
	_ =	sdelay $0x3  }
0x96: {  	_ =	strace s3  }
0x97: {  	_ =	strace $0x8FFFFFFF  }
0x98: {  	s19 =	sld [smem:$0x3FDB];
	_ =	sdelay $0x1  }
0x99: {  	s4 =	simm.s32 $_scs_section_size  }
0x9a: {  	s5 =	simm.s32 $_size__tile_overlayer_lowered;
	s6 =	simm.s32 $_tile_overlayer_lowered  }
0x9b: {  	s22 =	simm.s32 $0x1BFF;
	s21 =	sshll.u32 s6, $0x1;
	s3 =	sadd.s32 s4, s19  }
0x9c: {  	s7 =	simm.s32 $0x0;
	s20 =	sshll.u32 s5, $0x1;
	s5 =	sadd.s32 s21, s3  }
0x9d: {  	[timem:s7], [sflag:s22] =	dma.local [hbm:s5], s20  }
0x9e: {  	_ =	swait.ge [sflag:s22], s20  }
0x9f: {  	s4 =	ssub.s32 $0x0, s20;
	[sflag:s22] =	ssyncset.done $0x0  }
0xa0: {  	[sflag:s22] =	ssyncadd.s32 s4;
	_ =	sdelay $0x1  }
0xa1: {  	s23 =	simm.s32 $0x1B8B  }
0xa2: {  	_ =	swait.ge [sflag:s23], $0x1  }
0xa3: {  	[sflag:s23] =	ssyncset.done $0x0  }
0xa4: {  	s25 =	simm.s32 $0x1B8E;
	s24 =	sld [smem:$0x3FFE];
	[sflag:s23] =	ssyncadd.s32 $0xFFFFFFFF  }
0xa5: {  	s26 =	simm.s32 $execute0_lowered;
	[smem:$0x3FD2] =	sst s25  }
0xa6: {  	s5 =	sshll.u32 s26, $0x1;
	_ =	strace $0x80000052;
	[dreg:$0x1] =	wrdreg $0xFFFFFFFF  }
0xa7: {  	s28 =	simm.s32 $_size_execute0_lowered;
	s3 =	sadd.s32 s3, s5;
	[dreg:$0x0] =	wrdreg $0x0  }
0xa8: {  	s5 =	sshll.u32 s28, $0x1;
	[dreg:$0x2] =	wrdreg s3  }
0xa9: {  	[dreg:$0x3] =	wrdreg s5  }
0xaa: {  	[dreg:$0x4] =	wrdreg $0xC0  }
0xab: {  	_ =	task [dreg:s7], $0x5FFFF  }
0xac: {  	[dreg:$0x1] =	wrdreg $0xFFFFFFFF  }
0xad: {  	[dreg:$0x0] =	wrdreg $0x60  }
0xae: {  	[dreg:$0x2] =	wrdreg s2  }
0xaf: {  	[dreg:$0x3] =	wrdreg s24  }
0xb0: {  	[dreg:$0x4] =	wrdreg $0x0  }
0xb1: {  	[dreg:$0x5] =	wrdreg $0x9  }
0xb2: {  	_ =	task.clear_ibuf [dreg:s7], $0x6FFFF;
	_ =	strace $0x90000052  }
0xb3: {  	s29 =	simm.s32 $0x9;
	_ =	strace $0x80000054  }
0xb4: {  	_ =	swait.ge [sflag:s29], $0x1  }
0xb5: {  	[sflag:s29] =	ssyncadd.s32 $0xFFFFFFFF  }
0xb6: {  	_ =	strace $0x90000054  }
0xb7: {  	_ =	sfence  }
0xb8: {  	s30 =	sld [smem:$0x0];
	_ =	sdelay $0x2  }
0xb9: {  	s31 =	sshll.u32 s1, $0xD;
	s1 =	sshrl.u32 s1, $0x2  }
0xba: {  	s3 =	sand.u32 $0x4000, s31;
	s1 =	sadd.s32 s1, s30  }
0xbb: {  	s0 =	sor.u32 s3, s0;
	s1 =	sshll.u32 s1, $0x11  }
0xbc: {  	s0 =	sor.u32 s1, s0  }
0xbd: {  	s0 =	sadd.s32 $0x8F2B, s0  }
0xbe: {  	[sflag:s0] =	ssyncadd.remote.s32 $0x1  }
0xbf: {  	_ =	sfence.sel $0xFFFF  }
0xc0: {  	[dreg:$0x0] =	wrdreg $0xFFFFFFFF;
	(pc) =	sbr.abs _section_cstart, $3  }
0xc1: {  	[dreg:$0x1] =	wrdreg $0xFFFFFFFF  }
0xc2: {  	_ =	task.clear_ibuf [dreg:s7], $0x2FFFF;
	_ =	strace $0x9FFFFFFF  }
0xc3: {  	(tm) =	ssettm $0x7FFFFFFF  }
tec
execute0_lowered:
.L_overlay_start_1:
0x0: {  	(tag) =	ssettag $0x1  }
0x1: {  	s0 =	rddreg [dreg:$0x0]  }
0x2: {  	s1 =	srdreg.scid;
	s5 =	rddreg [dreg:$0x1]  }
0x3: {  	s6 =	stileid.u32;
	s2 =	rddreg [dreg:$0x2];
	s28 =	simm.s32 $0x16180  }
0x4: {  	s29 =	simm.s32 $0x16080;
	s31 =	simm.s32 $0x19580;
	s9 =	smul.u32 $0x13800, s6  }
0x5: {  	s30 =	simm.s32 $0x1C980;
	s1 =	sand.u32 $0x1, s1;
	s14 =	smul.u32 $0x4E000, s6  }
0x6: {  	s15 =	sadd.s32 $0x3EE00, s5;
	s24 =	sshll.u32 s6, $0x6;
	s17 =	smul.u32 $0x2710, s6  }
0x7: {  	p0 =	sne.s32 s6, $0x0;
	s3 =	sshll.u32 s1, $0x4;
	s11 =	ssub.s32 $0x2, s1  }
0x8: {  	s26 =	sor.u32 $0x1C04, s24;
	s4 =	sor.u32 s6, s3;
	s3 =	simm.s32 $0x0  }
0x9: {  	s12 =	sshrl.u32 s9, $0x3;
	s13 =	sshrl.u32 s11, $0x1;
	s23 =	sshrl.u32 s14, $0x2  }
0xa: {  	s6 =	simm.s32 $0x8;
	s7 =	smul.u32 $0x2710, s4;
	[smem:$0x7FF] =	sst s3  }
0xb: {  	s4 =	sadd.s32 $0x4000, s5;
	s12 =	sadd.s32 s12, s5;
	s11 =	ssub.s32 s11, s13  }
0xc: {  	s13 =	smul.u32 $0x138800, s1;
	_ =	strace $0x80000053;
	[dreg:$0x5] =	wrdreg s24  }
0xd: {  	s1 =	smul.u32 $0x27100, s1;
	s25 =	sadd.s32 $0x17C00, s12;
	[dreg:$0x8] =	wrdreg s26  }
0xe: {  	s12 =	sadd.s32 $0x138000, s2;
	s8 =	sshrl.u32 s7, $0x3;
	[dreg:$0x7] =	wrdreg s25  }
0xf: {  	[dreg:$0x9] =	wrdreg s12;
	s7 =	sadd.s32 $0x68, s7;
	s18 =	sadd.s32 s9, s13  }
0x10: {  	s19 =	sshrl.u32 s13, $0x3;
	s1 =	sadd.s32 s17, s1;
	s25 =	smax.u32 s11, $0x1  }
0x11: {  	s9 =	simm.s32 $0x6;
	s11 =	simm.s32 $0x9;
	s10 =	sadd.s32 s8, s5  }
0x12: {  	s5 =	sadd.s32 $0x3EC00, s5;
	s14 =	sshrl.u32 s7, $0x3;
	s16 =	sadd.s32 s4, s8  }
0x13: {  	s21 =	sadd.s32 s15, s19;
	s22 =	sadd.s32 $0x208, s1;
	[dreg:$0x11] =	wrdreg s25  }
0x14: {  	s24 =	sadd.s32 $0x1A0, s1;
	s1 =	sadd.s32 $0x138, s1;
	[dreg:$0xa] =	wrdreg s5  }
0x15: {  	s25 =	simm.s32 $0x16000;
	s10 =	sadd.s32 $0xDE00, s10;
	[dreg:$0xb] =	wrdreg s16  }
0x16: {  	s5 =	sadd.s32 s4, s14;
	s8 =	sadd.s32 $0x1A, s16;
	[dreg:$0x14] =	wrdreg s1  }
0x17: {  	s7 =	sadd.s32 $0x4E0, s16;
	s26 =	sshrl.u32 s24, $0x3;
	[dreg:$0x4] =	wrdreg s10  }
0x18: {  	s24 =	simm.s32 $0x4;
	s1 =	simm.s32 $0x16100;
	[dreg:$0xc] =	wrdreg s5  }
0x19: {  	s14 =	simm.s32 $0xA;
	s16 =	simm.s32 $0x0;
	[dreg:$0xd] =	wrdreg s8  }
0x1a: {  	s10 =	sadd.s32 s23, s2;
	[dreg:$0xe] =	wrdreg s7;
	s7 =	sshrl.u32 s18, $0x3  }
0x1b: {  	s5 =	sadd.s32 $0x27000, s21;
	s23 =	sshrl.u32 s22, $0x3;
	s8 =	simm.s32 $0x3  }
.Ltmp0:
0x1c: {  	[dreg:$0x6] =	wrdreg s10;
	s20 =	sadd.s32 s15, s7;
	(pc) =	sbr.rel .LBB2_1-.Ltmp0, $4  }
0x1d: {  	[dreg:$0x10] =	wrdreg s5;
	s5 =	sadd.s32 s23, s4;
	s23 =	simm.s32 $0x1  }
0x1e: {  	s7 =	simm.s32 $0x5;
	s10 =	simm.s32 $0x7;
	[dreg:$0xf] =	wrdreg s20  }
0x1f: {  	s15 =	simm.s32 $0x10;
	[dreg:$0x12] =	wrdreg s5;
	s5 =	sadd.s32 s26, s4  }
0x20: {  	s26 =	simm.s32 $0x68;
	[dreg:$0x13] =	wrdreg s5;
	s5 =	simm.s32 $0x2  }
.LBB2_4:
0x21: {  	_ =	swait.ge [sflag:s6], $0x3400  }
0x22: {  	[sflag:s6] =	ssyncset.done $0x0  }
0x23: {  	[sflag:s6] =	ssyncadd.s32 $0xFFFFCC00  }
0x24: {  	_ =	swait.ge [sflag:s11], $0x3400  }
0x25: {  	[sflag:s11] =	ssyncset.done $0x0  }
0x26: {  	s18 =	simm.s32 $0x1FD80;
	s13 =	rddreg [dreg:$0xe];
	[sflag:s11] =	ssyncadd.s32 $0xFFFFCC00  }
0x27: {  	[tilespmem:s18], [sflag:$0xA] =	stream.linear.gather [hbm4b:s13+s3], $0x10, $0x38;
	[tilespmem:$0x1FE00] =	vst v63  }
0x28: {  	_ =	swait.ge [sflag:s14], $0x10  }
0x29: {  	[sflag:s14] =	ssyncset.done $0x0  }
0x2a: {  	s19 =	simm.s32 $0x15F80;
	[sflag:s14] =	ssyncadd.s32 $0xFFFFFFF0  }
0x2b: {  	[tilespmem:s28], [sflag:$0x4] =	stream.indirect.gather [hbm4b:s0+s15], $0x80, s19, s15, $0xb8;
	[tilespmem:$0x1FE00] =	vst v63  }
0x2c: {  	_ =	swait.ge [sflag:s24], $0x800  }
0x2d: {  	[sflag:s24] =	ssyncset.done $0x0  }
0x2e: {  	[sflag:s24] =	ssyncadd.s32 $0xFFFFF800  }
0x2f: {  	[spmem:s2] =	stream.indirect.scatter.add.f32 [tilespmem:s28], [sflag:$0xA], $0x80, s18, s15, $0xb8;
	[tilespmem:$0x1FE00] =	vst v63  }
0x30: {  	_ =	swait.ge [sflag:s14], $0x800  }
0x31: {  	[sflag:s14] =	ssyncset.done $0x0  }
0x32: {  	[sflag:s14] =	ssyncadd.s32 $0xFFFFF800  }
0x33: {  	[bflag:$0x0] =	sbarrier.arrive $0xFFFF  }
0x34: {  	s20 =	rddreg [dreg:$0x5]  }
0x35: {  	s21 =	rddreg [dreg:$0xf];
	s13 =	sor.u32 $0x1C0A, s20  }
0x36: {  	[hbm:s21], [sflag:s13] =	dma.local [spmem:s17], $0x2700  }
0x37: {  	_ =	swait.ge [sflag:s14], $0x2700  }
0x38: {  	[sflag:s14] =	ssyncset.done $0x0  }
0x39: {  	s17 =	rddreg [dreg:$0x10];
	[sflag:s14] =	ssyncadd.s32 $0xFFFFD900  }
0x3a: {  	[hbm:s17], [sflag:s13] =	dma.local @!p0 [spmem:s12], $0x100  }
0x3b: {  	s12 =	simm.s32 @!p0 $0xA  }
0x3c: {  	_ =	swait.ge @!p0 [sflag:s12], $0x100  }
0x3d: {  	s16 =	sadd.s32 $0x1, s16;
	s22 =	rddreg [dreg:$0x11]  }
0x3e: {  	p1 =	sne.s32 s16, s22  }
.Ltmp1:
0x3f: {  	_ = 	snop;
	(pc) =	sbr.rel @!p1 .LBB2_5-.Ltmp1, $3  }
0x40: {  	_ =	sdelay $0x1  }
0x41: {  	[sflag:s12] =	ssyncset.done @!p0 $0x0  }
0x42: {  	[sflag:s12] =	ssyncadd.s32 @!p0 $0xFFFFFF00  }
.LBB2_1:
0x43: {  	s12 =	rddreg [dreg:$0x4]  }
0x44: {  	s20 =	rddreg [dreg:$0x6]  }
0x45: {  	s18 =	simm.s32 $0x13880;
	s21 =	rddreg [dreg:$0x7]  }
0x46: {  	[tilespmem:s18], [sflag:$0x1] =	stream.linear.gather [hbm4b:s12+s3], $0x2710, $0x38;
	[tilespmem:$0x1FE00] =	vst v63  }
0x47: {  	s13 =	rddreg [dreg:$0x8];
	s17 =	sshrl.u32 s20, $0x3  }
0x48: {  	[spmem:s17], [sflag:s13] =	dma.local [hbm:s21], $0x2700  }
0x49: {  	s12 =	rddreg [dreg:$0x9]  }
0x4a: {  	s19 =	simm.s32 @!p0 $0x1C05;
	s13 =	rddreg [dreg:$0xa];
	s12 =	sshrl.u32 @!p0 s12, $0x3  }
0x4b: {  	[spmem:s12], [sflag:s19] =	dma.local @!p0 [hbm:s13], $0x100  }
0x4c: {  	s19 =	simm.s32 @!p0 $0x5  }
0x4d: {  	_ =	swait.ge @!p0 [sflag:s19], $0x100  }
0x4e: {  	[sflag:s19] =	ssyncset.done @!p0 $0x0  }
0x4f: {  	[sflag:s19] =	ssyncadd.s32 @!p0 $0xFFFFFF00  }
0x50: {  	_ =	swait.ge [sflag:s23], $0x2710  }
0x51: {  	[sflag:s23] =	ssyncset.done $0x0  }
0x52: {  	[sflag:s23] =	ssyncadd.s32 $0xFFFFD8F0  }
0x53: {  	_ =	swait.ge [sflag:s24], $0x2700  }
0x54: {  	[sflag:s24] =	ssyncset.done $0x0  }
0x55: {  	[sflag:s24] =	ssyncadd.s32 $0xFFFFD900  }
0x56: {  	[bflag:$0x0] =	sbarrier.arrive $0xFFFF  }
0x57: {  	s22 =	rddreg [dreg:$0xb]  }
0x58: {  	[tilespmem:s25], [sflag:$0x1] =	stream.linear.gather [hbm4b:s22+s3], $0x68, $0x38;
	[tilespmem:$0x1FE00] =	vst v63  }
0x59: {  	_ = 	snop  }
0x5a: {  	[tilespmem:s28], [sflag:$0x4] =	stream.indirect.gather [hbm4b:s0+s26], $0x80, s18, s26, $0xb8;
	[tilespmem:$0x1FE00] =	vst v63  }
0x5b: {  	s19 =	rddreg [dreg:$0xc]  }
0x5c: {  	[tilespmem:s29], [sflag:$0x2] =	stream.linear.gather [hbm4b:s19+s3], $0x68, $0x38;
	[tilespmem:$0x1FE00] =	vst v63  }
0x5d: {  	s20 =	simm.s32 $0x138E8;
	s21 =	rddreg [dreg:$0xd]  }
0x5e: {  	[tilespmem:s31], [sflag:$0x5] =	stream.indirect.gather [hbm4b:s0+s26], $0x80, s20, s26, $0xb8;
	[tilespmem:$0x1FE00] =	vst v63  }
0x5f: {  	s19 =	rddreg [dreg:$0x12]  }
0x60: {  	[tilespmem:s1], [sflag:$0x3] =	stream.linear.gather [hbm4b:s21+s3], $0x68, $0x38;
	[tilespmem:$0x1FE00] =	vst v63  }
0x61: {  	s22 =	simm.s32 $0x13950;
	s20 =	rddreg [dreg:$0x13]  }
0x62: {  	[tilespmem:s30], [sflag:$0x6] =	stream.indirect.gather [hbm4b:s0+s26], $0x80, s22, s26, $0xb8;
	[tilespmem:$0x1FE00] =	vst v63  }
0x63: {  	s21 =	rddreg [dreg:$0x14];
	s22 =	simm.s32 $0x0  }
.LBB2_2:
0x64: {  	_ =	swait.ge [sflag:s23], $0x68  }
0x65: {  	[sflag:s23] =	ssyncset.done $0x0  }
0x66: {  	[sflag:s23] =	ssyncadd.s32 $0xFFFFFF98  }
0x67: {  	_ =	swait.ge [sflag:s24], $0x3400  }
0x68: {  	[sflag:s24] =	ssyncset.done $0x0  }
0x69: {  	[sflag:s24] =	ssyncadd.s32 $0xFFFFCC00  }
0x6a: {  	[spmem:s2] =	stream.indirect.scatter.add.f32 [tilespmem:s28], [sflag:$0x7], $0x80, s25, s26, $0xb8;
	[tilespmem:$0x1FE00] =	vst v63  }
0x6b: {  	_ =	swait.ge [sflag:s5], $0x68  }
0x6c: {  	[sflag:s5] =	ssyncset.done $0x0  }
0x6d: {  	[sflag:s5] =	ssyncadd.s32 $0xFFFFFF98  }
0x6e: {  	_ =	swait.ge [sflag:s7], $0x3400  }
0x6f: {  	[sflag:s7] =	ssyncset.done $0x0  }
0x70: {  	[sflag:s7] =	ssyncadd.s32 $0xFFFFCC00  }
0x71: {  	[spmem:s2] =	stream.indirect.scatter.add.f32 [tilespmem:s31], [sflag:$0x8], $0x80, s29, s26, $0xb8;
	[tilespmem:$0x1FE00] =	vst v63  }
0x72: {  	_ =	swait.ge [sflag:s8], $0x68  }
0x73: {  	[sflag:s8] =	ssyncset.done $0x0  }
0x74: {  	[sflag:s8] =	ssyncadd.s32 $0xFFFFFF98  }
0x75: {  	_ =	swait.ge [sflag:s9], $0x3400  }
0x76: {  	p1 =	seq.s32 s22, $0x9720;
	[sflag:s9] =	ssyncset.done $0x0  }
.Ltmp2:
0x77: {  	[sflag:s9] =	ssyncadd.s32 $0xFFFFCC00;
	(pc) =	sbr.rel @p1 .LBB2_4-.Ltmp2, $4  }
0x78: {  	[spmem:s2] =	stream.indirect.scatter.add.f32 [tilespmem:s30], [sflag:$0x9], $0x80, s1, s26, $0xb8;
	[tilespmem:$0x1FE00] =	vst v63  }
0x79: {  	_ =	swait.ge [sflag:s10], $0x3400  }
0x7a: {  	[sflag:s10] =	ssyncset.done $0x0  }
0x7b: {  	[sflag:s10] =	ssyncadd.s32 $0xFFFFCC00  }
0x7c: {  	s18 =	sshrl.u32 s21, $0x3  }
0x7d: {  	s18 =	sadd.s32 s4, s18  }
0x7e: {  	[tilespmem:s25], [sflag:$0x1] =	stream.linear.gather [hbm4b:s18+s3], $0x68, $0x38;
	[tilespmem:$0x1FE00] =	vst v63  }
0x7f: {  	s18 =	sshra.s32 s22, $0x2  }
0x80: {  	s13 =	sadd.s32 $0x139B8, s18  }
0x81: {  	[tilespmem:s28], [sflag:$0x4] =	stream.indirect.gather [hbm4b:s0+s26], $0x80, s13, s26, $0xb8;
	[tilespmem:$0x1FE00] =	vst v63  }
0x82: {  	_ =	swait.ge [sflag:s6], $0x3400  }
0x83: {  	[sflag:s6] =	ssyncset.done $0x0  }
0x84: {  	[sflag:s6] =	ssyncadd.s32 $0xFFFFCC00  }
0x85: {  	[tilespmem:s29], [sflag:$0x2] =	stream.linear.gather [hbm4b:s20+s3], $0x68, $0x38;
	[tilespmem:$0x1FE00] =	vst v63  }
0x86: {  	s13 =	sadd.s32 $0x13A20, s18  }
0x87: {  	[tilespmem:s31], [sflag:$0x5] =	stream.indirect.gather [hbm4b:s0+s26], $0x80, s13, s26, $0xb8;
	[tilespmem:$0x1FE00] =	vst v63  }
0x88: {  	_ =	swait.ge [sflag:s11], $0x3400  }
.Ltmp3:
0x89: {  	[sflag:s11] =	ssyncset.done $0x0;
	(pc) =	sbr.rel .LBB2_2-.Ltmp3, $4  }
0x8a: {  	s21 =	sadd.s32 $0x138, s21;
	s22 =	sadd.s32 $0x4E0, s22;
	[sflag:s11] =	ssyncadd.s32 $0xFFFFCC00  }
0x8b: {  	[tilespmem:s1], [sflag:$0x3] =	stream.linear.gather [hbm4b:s19+s3], $0x68, $0x38;
	[tilespmem:$0x1FE00] =	vst v63  }
0x8c: {  	s18 =	sadd.s32 $0x13A88, s18;
	s20 =	sadd.s32 $0x27, s20;
	s19 =	sadd.s32 $0x27, s19  }
0x8d: {  	[tilespmem:s30], [sflag:$0x6] =	stream.indirect.gather [hbm4b:s0+s26], $0x80, s18, s26, $0xb8;
	[tilespmem:$0x1FE00] =	vst v63  }
.LBB2_5:
0x8e: {  	_ =	sfence.sel $0x180000  }
0x8f: {  	[bflag:$0x0] =	sbarrier.arrive $0xFFFF  }
0x90: {  	_ =	strace $0x90000053  }
0x91: {  	[bflag:$0x2] =	sbarrier.arrive $0xFFFF  }
0x92: {  	s0 =	rddreg [dreg:$0x3]  }
0x93: {  	s0 =	sadd.s32 @!p0 $0x100000, s0  }
0x94: {  	[sflag:s0] =	ssyncadd.tile.s32 @!p0 $0x1;
	_ =	shalt  }
.Lfunc_end2:
_tile_overlayer_lowered:
.L_overlay_start_2:
0x95: {  	(tag) =	ssettag $0x2  }
0x96: {  	s0 =	rddreg [dreg:$0x0];
	s2 =	stileid.u32  }
0x97: {  	s1 =	rddreg [dreg:$0x1];
	p0 =	sne.s32 s2, $0x0  }
0x98: {  	s3 =	rddreg [dreg:$0x2];
	[bflag:$0x3] =	sbarrier.arrive $0xFFFF;
	s2 =	simm.s32 @!p0 $0x1C0A  }
0x99: {  	[timem:s3], [sflag:s2] =	dma.local @!p0 [hbm:s0], s1  }
0x9a: {  	s0 =	simm.s32 @!p0 $0xA  }
0x9b: {  	_ =	swait.ge @!p0 [sflag:s0], s1  }
0x9c: {  	s1 =	ssub.s32 @!p0 $0x0, s1;
	[sflag:s0] =	ssyncset.done @!p0 $0x0  }
0x9d: {  	[sflag:s0] =	ssyncadd.s32 @!p0 s1  }
0x9e: {  	[bflag:$0x3] =	sbarrier.arrive $0xFFFF  }
0x9f: {  	_ =	shalt  }

</sc_bundles>
